<compile_context>
chip_gen: v7x
topology: tpu7x:2x2x1
jax: 0.10.2.dev20260603
libtpu: 0.0.44.dev20260713+nightly
codegen_flags: <defaults>
</compile_context>

<pallas_src>
import functools

import jax
import jax.numpy as jnp
from jax import lax
from jax.experimental import pallas as pl
from jax.experimental.pallas import tpu as pltpu
from jax.experimental.pallas import tpu_sc as plsc

N = 10000
DF = 128
H = 16
NCLS = 10
E = 320000
NC, NS, L = 2, 16, 16
NW = NC * NS
EPT = E // NW
CHUNK = 128
FCPT = EPT // CHUNK
TAIL = EPT - FCPT * CHUNK
TAIL_OFF = FCPT * CHUNK
NPAD = 10240
R128 = NPAD // 128
STRIPE = NPAD // NS
SROWS = STRIPE * H // 128

_mesh = plsc.VectorSubcoreMesh(
    core_axis_name="c", subcore_axis_name="s", num_cores=NC, num_subcores=NS)
_sc_params = pltpu.CompilerParams(
    needs_layout_passes=False, use_tc_tiling_on_sc=False)


@functools.partial(
    pl.kernel,
    out_type=jax.ShapeDtypeStruct((NC, R128, 128), jnp.float32),
    mesh=_mesh,
    compiler_params=_sc_params,
    scratch_types=[
        pltpu.VMEM((EPT,), jnp.int32),
        pltpu.VMEM((R128, 128), jnp.float32),
        pltpu.VMEM((R128 // NS, 128), jnp.float32),
        pltpu.VMEM((R128,), jnp.int32),
        pltpu.VMEM_SHARED((R128, 128), jnp.float32),
    ],
)
def _deg_kernel(ei_hbm, deg_out, dstv, degv, z5, iota80, deg_sp):
    cid = lax.axis_index("c")
    sid = lax.axis_index("s")
    wid = sid * NC + cid
    pltpu.sync_copy(ei_hbm.at[1, pl.ds(wid * EPT, EPT)], dstv)

    zero = jnp.full((L,), 0.0, jnp.float32)
    one = jnp.full((L,), 1.0, jnp.float32)

    def _zero(i, _):
        degv[i // 8, pl.ds((i % 8) * L, L)] = zero
        return 0

    lax.fori_loop(0, NPAD // L, _zero, 0)
    for g in range((R128 // NS) * 8):
        z5[g // 8, pl.ds((g % 8) * L, L)] = zero
    for k in range(R128 // L):
        iota80[pl.ds(k * L, L)] = lax.iota(jnp.int32, L) + k * L
    pltpu.sync_copy(z5, deg_sp.at[pl.ds(sid * (R128 // NS), R128 // NS)])

    @plsc.parallel_loop(0, EPT // L, unroll=4)
    def _acc(i):
        idx = dstv[pl.ds(i * L, L)]
        plsc.addupdate_scatter(degv, [idx >> 7, idx & 127], one)

    plsc.subcore_barrier()
    pltpu.sync_copy(degv, deg_sp.at[iota80], add=True)
    plsc.subcore_barrier()

    @pl.when(sid == 0)
    def _():
        pltpu.sync_copy(deg_sp, deg_out.at[cid])


def _mm_body(x_ref, w1_ref, xw_ref):
    xw = jnp.dot(x_ref[...], w1_ref[...],
                 preferred_element_type=jnp.float32)
    xw_ref[...] = jnp.concatenate(
        [xw, jnp.zeros((NPAD - N, H), jnp.float32)], axis=0)


def _mm_kernel(x, w1):
    return pl.pallas_call(
        _mm_body,
        out_shape=jax.ShapeDtypeStruct((NPAD, H), jnp.float32),
    )(x, w1)


@functools.partial(
    pl.kernel,
    out_type=(
        jax.ShapeDtypeStruct((NC, NS * SROWS, 128), jnp.float32),
        jax.ShapeDtypeStruct((NC, NS * SROWS, 128), jnp.float32),
    ),
    mesh=_mesh,
    compiler_params=_sc_params,
    scratch_types=[
        pltpu.VMEM((EPT,), jnp.int32),
        pltpu.VMEM((EPT,), jnp.int32),
        pltpu.VMEM((4, CHUNK), jnp.int32),
        pltpu.VMEM((TAIL,), jnp.int32),
        pltpu.VMEM((R128, 128), jnp.float32),
        pltpu.VMEM((R128, 128), jnp.float32),
        pltpu.VMEM((NC, R128 // NS, 128), jnp.float32),
        pltpu.VMEM((STRIPE, H), jnp.float32),
        pltpu.VMEM((STRIPE, H), jnp.float32),
        pltpu.VMEM((R128 // NS, 128), jnp.float32),
        pltpu.VMEM((4, CHUNK, H), jnp.float32),
        pltpu.VMEM((TAIL, H), jnp.float32),
        pltpu.VMEM((SROWS, 128), jnp.float32),
        pltpu.VMEM((SROWS, 128), jnp.float32),
        pltpu.VMEM((R128,), jnp.int32),
        pltpu.VMEM_SHARED((NPAD, H), jnp.float32),
        pltpu.VMEM_SHARED((NPAD, H), jnp.float32),
        pltpu.VMEM_SHARED((R128, 128), jnp.float32),
        pltpu.VMEM_SHARED((R128, 128), jnp.float32),
        pltpu.SemaphoreType.DMA,
        pltpu.SemaphoreType.DMA,
        pltpu.SemaphoreType.DMA,
        pltpu.SemaphoreType.DMA,
        pltpu.SemaphoreType.DMA,
        pltpu.SemaphoreType.DMA,
        pltpu.SemaphoreType.DMA,
        pltpu.SemaphoreType.DMA,
        pltpu.SemaphoreType.DMA,
        pltpu.SemaphoreType.DMA,
        pltpu.SemaphoreType.DMA,
        pltpu.SemaphoreType.DMA,
    ],
)
def _edge_kernel(ei_hbm, deg_hbm, xw_hbm,
                 h1p_out, cexp_out,
                 srcf, dstf, didx, tidx, disv, caccv, degstg, ybuf, h1stg,
                 s128buf, rows, tailrows, hout, cout, iota80, h1sh, y_sp,
                 dis_sp, cacc_sp,
                 gs0, gs1, gs2, gs3, ss0, ss1, ss2, ss3,
                 ds0, ds1, ds2, ds3):
    gs = (gs0, gs1, gs2, gs3)
    ss = (ss0, ss1, ss2, ss3)
    dsm = (ds0, ds1, ds2, ds3)
    cid = lax.axis_index("c")
    sid = lax.axis_index("s")
    wid = sid * NC + cid
    ebase = wid * EPT
    nbase = sid * STRIPE

    pltpu.sync_copy(ei_hbm.at[0, pl.ds(ebase, EPT)], srcf)
    pltpu.sync_copy(ei_hbm.at[1, pl.ds(ebase, EPT)], dstf)

    degcps = [
        pltpu.async_copy(
            deg_hbm.at[k, pl.ds(sid * (R128 // NS), R128 // NS)],
            degstg.at[k], gs0)
        for k in range(NC)
    ]
    zero = jnp.full((L,), 0.0, jnp.float32)

    def _zero_cacc(i, _):
        caccv[i // 8, pl.ds((i % 8) * L, L)] = zero
        return 0

    lax.fori_loop(0, NPAD // L, _zero_cacc, 0)

    def _zero_rows(i, _):
        rows[0, i, :] = zero
        return 0

    lax.fori_loop(0, CHUNK, _zero_rows, 0)
    for k in range(STRIPE // CHUNK):
        pltpu.sync_copy(rows.at[0], h1sh.at[pl.ds(nbase + k * CHUNK, CHUNK)])
    for d in degcps:
        d.wait()

    def _dis_stripe(i, _):
        q, o = i // 8, (i % 8) * L
        deg = (degstg[0, q, pl.ds(o, L)] + degstg[1, q, pl.ds(o, L)] + 1.0)
        yh = plsc.bitcast(
            jnp.full((L,), 0x5F3759DF, jnp.int32)
            - (plsc.bitcast(deg, jnp.int32) >> 1),
            jnp.float32)
        half = deg * -0.5
        for _ in range(3):
            yh = yh * (half * yh * yh + 1.5)
        s128buf[i // 8, pl.ds((i % 8) * L, L)] = yh
        return 0

    lax.fori_loop(0, STRIPE // L, _dis_stripe, 0)
    pltpu.sync_copy(s128buf, dis_sp.at[pl.ds(sid * (R128 // NS), R128 // NS)])
    plsc.subcore_barrier()

    pltpu.sync_copy(dis_sp, disv)
    pltpu.sync_copy(xw_hbm.at[pl.ds(nbase, STRIPE)], ybuf)

    def _ymul(g, _):
        nloc = nbase + g * L
        dv = disv[nloc // 128, pl.ds(nloc % 128, L)]
        for t in range(L):
            ybuf[g * L + t, :] = ybuf[g * L + t, :] * dv[t]
        return 0

    lax.fori_loop(0, STRIPE // L, _ymul, 0)
    pltpu.sync_copy(ybuf, y_sp.at[pl.ds(nbase, STRIPE)])
    plsc.subcore_barrier()

    NBUF, LA = 4, 2

    def _start_gather(c, b):
        return pltpu.async_copy(
            y_sp.at[srcf.at[pl.ds(c * CHUNK, CHUNK)]], rows.at[b], gs[b])

    def _start_didx(c, b):
        return pltpu.async_copy(
            ei_hbm.at[1, pl.ds(ebase + c * CHUNK, CHUNK)], didx.at[b], dsm[b])

    def _start_scatter(c, b):
        return pltpu.async_copy(
            rows.at[b], h1sh.at[didx.at[b]], ss[b], add=True)

    def _wait_gather(b):
        pltpu.make_async_copy(
            y_sp.at[srcf.at[pl.ds(0, CHUNK)]], rows.at[b], gs[b]).wait()

    def _wait_didx(b):
        pltpu.make_async_copy(
            ei_hbm.at[1, pl.ds(0, CHUNK)], didx.at[b], dsm[b]).wait()

    def _wait_scatter(b):
        pltpu.make_async_copy(rows.at[b], h1sh.at[didx.at[b]], ss[b]).wait()

    def _cacc_chunk(c):
        @plsc.parallel_loop(0, CHUNK // L, unroll=4)
        def _cacc(g):
            e0 = c * CHUNK + g * L
            di = dstf[pl.ds(e0, L)]
            si = srcf[pl.ds(e0, L)]
            vals = plsc.load_gather(disv, [di >> 7, di & 127])
            plsc.addupdate_scatter(caccv, [si >> 7, si & 127], vals)

    MAIN = (FCPT - LA) // NBUF * NBUF
    for j in range(LA):
        _start_didx(j, j)
        _start_gather(j, j)

    def _main(i, _):
        c0 = i * NBUF
        for j in range(NBUF):
            c = c0 + j
            _wait_gather(j)
            _wait_didx(j)
            _cacc_chunk(c)
            _start_scatter(c, j)
            nb = (j + LA) % NBUF

            @pl.when(c >= LA)
            def _():
                _wait_scatter(nb)

            _start_didx(c + LA, nb)
            _start_gather(c + LA, nb)
        return 0

    lax.fori_loop(0, MAIN // NBUF, _main, 0)

    for c in range(MAIN, FCPT):
        b = c % NBUF
        _wait_gather(b)
        _wait_didx(b)
        _cacc_chunk(c)
        _start_scatter(c, b)
        nc = c + LA
        if nc < FCPT:
            nb = nc % NBUF
            _wait_scatter(nb)
            _start_didx(nc, nb)
            _start_gather(nc, nb)
    pltpu.sync_copy(ei_hbm.at[1, pl.ds(ebase + TAIL_OFF, TAIL)], tidx)
    pltpu.async_copy(
        y_sp.at[srcf.at[pl.ds(TAIL_OFF, TAIL)]], tailrows, gs0).wait()
    pltpu.async_copy(tailrows, h1sh.at[tidx], ss0, add=True).wait()

    @plsc.parallel_loop(0, TAIL // L, unroll=1)
    def _cacc_tail(g):
        e0 = TAIL_OFF + g * L
        di = dstf[pl.ds(e0, L)]
        si = srcf[pl.ds(e0, L)]
        vals = plsc.load_gather(disv, [di >> 7, di & 127])
        plsc.addupdate_scatter(caccv, [si >> 7, si & 127], vals)

    for b in range(NBUF):
        _wait_scatter(b)
    plsc.subcore_barrier()

    @pl.when(wid == 0)
    def _():
        def _sladd(i, _):
            q, o = i // 8, (i % 8) * L
            caccv[q, pl.ds(o, L)] = (caccv[q, pl.ds(o, L)]
                                     + disv[q, pl.ds(o, L)])
            return 0

        lax.fori_loop(0, N // L, _sladd, 0)

    def _cmul(i, _):
        q, o = i // 8, (i % 8) * L
        caccv[q, pl.ds(o, L)] = caccv[q, pl.ds(o, L)] * disv[q, pl.ds(o, L)]
        return 0

    lax.fori_loop(0, NPAD // L, _cmul, 0)
    for k in range(R128 // L):
        iota80[pl.ds(k * L, L)] = lax.iota(jnp.int32, L) + k * L

    @pl.when(sid == 0)
    def _():
        def _zc(i, _):
            s128buf[i // 8, pl.ds((i % 8) * L, L)] = zero
            return 0

        lax.fori_loop(0, STRIPE // L, _zc, 0)
        for k in range(NS):
            pltpu.sync_copy(s128buf,
                            cacc_sp.at[pl.ds(k * (R128 // NS), R128 // NS)])

    plsc.subcore_barrier()
    pltpu.sync_copy(caccv, cacc_sp.at[iota80], add=True)
    plsc.subcore_barrier()

    pltpu.sync_copy(h1sh.at[pl.ds(nbase, STRIPE)], h1stg)
    pltpu.sync_copy(cacc_sp.at[pl.ds(sid * (R128 // NS), R128 // NS)], s128buf)
    yfac = jnp.where(cid == 0, 1.0, 0.0).astype(jnp.float32)

    def _emit(g, _):
        j0 = g * L
        nloc = nbase + j0
        dv = disv[nloc // 128, pl.ds(nloc % 128, L)]
        cv = s128buf[j0 // 128, pl.ds(j0 % 128, L)]
        for t in range(L):
            j = j0 + t
            q = 2 * g + t // 8
            i = t % 8
            h1row = (h1stg[j, :] + ybuf[j, :] * yfac) * dv[t]
            hout[q, pl.ds(i * L, L)] = h1row
            cout[q, pl.ds(i * L, L)] = jnp.zeros((L,), jnp.float32) + cv[t]
        return 0

    lax.fori_loop(0, STRIPE // L, _emit, 0)
    pltpu.sync_copy(hout, h1p_out.at[cid, pl.ds(sid * SROWS, SROWS)])
    pltpu.sync_copy(cout, cexp_out.at[cid, pl.ds(sid * SROWS, SROWS)])


def _fin_body(h1p_ref, cexp_ref, b1_ref, w2_ref, b2_ref, out_ref):
    b1t = jnp.concatenate([b1_ref[...]] * (128 // H), axis=1)
    h1 = jnp.maximum(h1p_ref[0] + h1p_ref[1] + b1t, 0.0)
    ce = cexp_ref[0] + cexp_ref[1]
    s128 = jnp.sum(ce * h1, axis=0, keepdims=True)
    row = lax.broadcasted_iota(jnp.int32, (128, H), 0)
    col = lax.broadcasted_iota(jnp.int32, (128, H), 1)
    p128 = jnp.where(row % H == col, 1.0, 0.0).astype(jnp.float32)
    s16 = jnp.dot(s128, p128,
                  preferred_element_type=jnp.float32)
    logits = jnp.dot(s16 * (1.0 / N), w2_ref[...],
                     preferred_element_type=jnp.float32) + b2_ref[...]
    m = jnp.max(logits)
    ex = jnp.exp(logits - m)
    out_ref[...] = ex / jnp.sum(ex)


def _fin_kernel(h1p, cexp, b1, w2, b2):
    return pl.pallas_call(
        _fin_body,
        out_shape=jax.ShapeDtypeStruct((1, NCLS), jnp.float32),
    )(h1p, cexp, b1, w2, b2)


def kernel(x, edge_index, W1, b1, W2, b2):
    ei = edge_index.astype(jnp.int32)
    deg = _deg_kernel(ei)
    xw = _mm_kernel(x, W1)
    h1p, cexp = _edge_kernel(ei, deg, xw)
    out = _fin_kernel(h1p, cexp, b1.reshape(1, H), W2, b2.reshape(1, NCLS))
    return out.reshape(NCLS)

# --- scband reference (transcript-rebuilt; emitter-appended) ---
"""Pipeline reference for scband-gcn-59279138619891 (READ-ONLY COPY).

The authoritative reference and input builder live on the scoring server;
editing this copy changes nothing except your own understanding.
"""

import jax, jax.numpy as jnp
import numpy as np

NUM_NODES = 10000
D_FEAT = 128
HIDDEN = 16
NUM_CLASSES = 10
NUM_EDGES = 320000


def gcn_conv(x, edge_index, W, b, num_nodes):
    # Faithful PyG GCNConv: add self-loops, symmetric normalization, sum aggregation, bias.
    src = edge_index[0]
    dst = edge_index[1]
    sl = jnp.arange(num_nodes, dtype=edge_index.dtype)
    src = jnp.concatenate([src, sl])
    dst = jnp.concatenate([dst, sl])
    deg = jnp.zeros((num_nodes,), dtype=x.dtype).at[dst].add(1.0)
    deg_inv_sqrt = jnp.where(deg > 0, deg ** -0.5, 0.0)
    norm = deg_inv_sqrt[src] * deg_inv_sqrt[dst]
    h = x @ W
    msgs = h[src] * norm[:, None]
    out = jnp.zeros((num_nodes, h.shape[1]), dtype=x.dtype).at[dst].add(msgs)
    return out + b


def setup_inputs(seed: int = 0) -> dict:
    key = jax.random.key(seed)
    k1, k2, k3, k4, k5, k6 = jax.random.split(key, 6)
    x = jax.random.normal(k1, (NUM_NODES, D_FEAT), dtype=jnp.float32)
    edge_index = jax.random.randint(k2, (2, NUM_EDGES), 0, NUM_NODES, dtype=jnp.int64)
    # Glorot-style init for GCNConv weights
    W1 = jax.random.normal(k3, (D_FEAT, HIDDEN), dtype=jnp.float32) * (1.0 / np.sqrt(D_FEAT))
    b1 = jnp.zeros((HIDDEN,), dtype=jnp.float32)
    W2 = jax.random.normal(k4, (HIDDEN, NUM_CLASSES), dtype=jnp.float32) * (1.0 / np.sqrt(HIDDEN))
    b2 = jnp.zeros((NUM_CLASSES,), dtype=jnp.float32)
    return {"x": x, "edge_index": edge_index, "W1": W1, "b1": b1, "W2": W2, "b2": b2}


def reference(x, edge_index, W1, b1, W2, b2):
    num_nodes = x.shape[0]
    h = gcn_conv(x, edge_index, W1, b1, num_nodes)
    h = jax.nn.relu(h)
    # F.dropout(training=self.training) is identity in eval mode; deterministic reference skips it.
    h = gcn_conv(h, edge_index, W2, b2, num_nodes)
    h = h.mean(axis=0)
    return jax.nn.softmax(h)

if __name__ == "__main__":
    import jax
    _d = setup_inputs()
    print(jax.jit(kernel)(*tuple(_d.values())))

</pallas_src>

<mosaic_0001>
#map = affine_map<(d0, d1) -> (0, 0)>
#map1 = affine_map<(d0, d1) -> (0, 0, 0)>
module attributes {stable_mosaic.version = 14 : i64} {
  func.func @_edge_kernel(%arg0: i32, %arg1: i32, %arg2: memref<2x320000xi32, #tpu.memory_space<hbm>>, %arg3: memref<2x80x128xf32, #tpu.memory_space<hbm>>, %arg4: memref<10240x16xf32, #tpu.memory_space<hbm>>, %arg5: memref<2x1280x128xf32, #tpu.memory_space<hbm>>, %arg6: memref<2x1280x128xf32, #tpu.memory_space<hbm>>, %arg7: memref<10000xi32, #tpu.memory_space<vmem>>, %arg8: memref<10000xi32, #tpu.memory_space<vmem>>, %arg9: memref<4x128xi32, #tpu.memory_space<vmem>>, %arg10: memref<16xi32, #tpu.memory_space<vmem>>, %arg11: memref<80x128xf32, #tpu.memory_space<vmem>>, %arg12: memref<80x128xf32, #tpu.memory_space<vmem>>, %arg13: memref<2x5x128xf32, #tpu.memory_space<vmem>>, %arg14: memref<640x16xf32, #tpu.memory_space<vmem>>, %arg15: memref<640x16xf32, #tpu.memory_space<vmem>>, %arg16: memref<5x128xf32, #tpu.memory_space<vmem>>, %arg17: memref<4x128x16xf32, #tpu.memory_space<vmem>>, %arg18: memref<16x16xf32, #tpu.memory_space<vmem>>, %arg19: memref<80x128xf32, #tpu.memory_space<vmem>>, %arg20: memref<80x128xf32, #tpu.memory_space<vmem>>, %arg21: memref<80xi32, #tpu.memory_space<vmem>>, %arg22: memref<10240x16xf32, #tpu.memory_space<vmem_shared>>, %arg23: memref<10240x16xf32, #tpu.memory_space<vmem_shared>>, %arg24: memref<80x128xf32, #tpu.memory_space<vmem_shared>>, %arg25: memref<80x128xf32, #tpu.memory_space<vmem_shared>>, %arg26: memref<!tpu.dma_semaphore, #tpu.memory_space<semaphore_mem>>, %arg27: memref<!tpu.dma_semaphore, #tpu.memory_space<semaphore_mem>>, %arg28: memref<!tpu.dma_semaphore, #tpu.memory_space<semaphore_mem>>, %arg29: memref<!tpu.dma_semaphore, #tpu.memory_space<semaphore_mem>>, %arg30: memref<!tpu.dma_semaphore, #tpu.memory_space<semaphore_mem>>, %arg31: memref<!tpu.dma_semaphore, #tpu.memory_space<semaphore_mem>>, %arg32: memref<!tpu.dma_semaphore, #tpu.memory_space<semaphore_mem>>, %arg33: memref<!tpu.dma_semaphore, #tpu.memory_space<semaphore_mem>>, %arg34: memref<!tpu.dma_semaphore, #tpu.memory_space<semaphore_mem>>, %arg35: memref<!tpu.dma_semaphore, #tpu.memory_space<semaphore_mem>>, %arg36: memref<!tpu.dma_semaphore, #tpu.memory_space<semaphore_mem>>, %arg37: memref<!tpu.dma_semaphore, #tpu.memory_space<semaphore_mem>>) attributes {dimension_semantics = [#tpu.dimension_semantics<core_parallel>, #tpu.dimension_semantics<subcore_parallel>], iteration_bounds = array<i64: 2, 16>, scalar_prefetch = 0 : i64, scratch_operands = 31 : i64, tpu.core_type = #tpu.core_type<sc_vector_subcore>, window_params = [{transform_indices = #map}, {transform_indices = #map1}, {transform_indices = #map}, {transform_indices = #map1}, {transform_indices = #map1}]} {
    %mul3A = arith.constant 2 : i32
    %mul3A_0 = arith.muli %arg1, %mul3A : i32
    %add3A = arith.addi %mul3A_0, %arg0 : i32
    %mul3A_1 = arith.constant 10000 : i32
    %mul3A_2 = arith.muli %add3A, %mul3A_1 : i32
    %mul3A_3 = arith.constant 640 : i32
    %mul3A_4 = arith.muli %arg1, %mul3A_3 : i32
    %run_scoped3A = arith.constant 0 : i32
    "tpu.region"() ({
      %run_scoped3A_381 = tpu.sem_alloc : memref<!tpu.dma_semaphore, #tpu.memory_space<semaphore_mem>>
      %dma_start3A_382 = tpu.memref_slice %arg2[%run_scoped3A, %mul3A_2] : memref<2x320000xi32, #tpu.memory_space<hbm>> -> memref<1x10000xi32, #tpu.memory_space<hbm>>
      %dma_start3A_383 = tpu.memref_squeeze %dma_start3A_382 : memref<1x10000xi32, #tpu.memory_space<hbm>> -> memref<10000xi32, #tpu.memory_space<hbm>>
      %dma_start3A_384 = tpu.memref_slice %arg2[%run_scoped3A, %mul3A_2] : memref<2x320000xi32, #tpu.memory_space<hbm>> -> memref<1x10000xi32, #tpu.memory_space<hbm>>
      %dma_start3A_385 = tpu.memref_squeeze %dma_start3A_384 : memref<1x10000xi32, #tpu.memory_space<hbm>> -> memref<10000xi32, #tpu.memory_space<hbm>>
      tpu.enqueue_dma source(%dma_start3A_385 : memref<10000xi32, #tpu.memory_space<hbm>>) target(%arg7 : memref<10000xi32, #tpu.memory_space<vmem>>) target_semaphore(%run_scoped3A_381 : memref<!tpu.dma_semaphore, #tpu.memory_space<semaphore_mem>>)
      %dma_wait3A_386 = tpu.memref_slice %arg2[%run_scoped3A, %mul3A_2] : memref<2x320000xi32, #tpu.memory_space<hbm>> -> memref<1x10000xi32, #tpu.memory_space<hbm>>
      %dma_wait3A_387 = tpu.memref_squeeze %dma_wait3A_386 : memref<1x10000xi32, #tpu.memory_space<hbm>> -> memref<10000xi32, #tpu.memory_space<hbm>>
      %dma_wait3A_388 = tpu.memref_slice %arg2[%run_scoped3A, %mul3A_2] : memref<2x320000xi32, #tpu.memory_space<hbm>> -> memref<1x10000xi32, #tpu.memory_space<hbm>>
      %dma_wait3A_389 = tpu.memref_squeeze %dma_wait3A_388 : memref<1x10000xi32, #tpu.memory_space<hbm>> -> memref<10000xi32, #tpu.memory_space<hbm>>
      tpu.wait_dma2 semaphore(%run_scoped3A_381 : memref<!tpu.dma_semaphore, #tpu.memory_space<semaphore_mem>>) src(%dma_wait3A_389 : memref<10000xi32, #tpu.memory_space<hbm>>) dst(%arg7 : memref<10000xi32, #tpu.memory_space<vmem>>)
      tpu.yield
    }) : () -> ()
    %run_scoped3A_5 = arith.constant 1 : i32
    "tpu.region"() ({
      %run_scoped3A_381 = tpu.sem_alloc : memref<!tpu.dma_semaphore, #tpu.memory_space<semaphore_mem>>
      %dma_start3A_382 = tpu.memref_slice %arg2[%run_scoped3A_5, %mul3A_2] : memref<2x320000xi32, #tpu.memory_space<hbm>> -> memref<1x10000xi32, #tpu.memory_space<hbm>>
      %dma_start3A_383 = tpu.memref_squeeze %dma_start3A_382 : memref<1x10000xi32, #tpu.memory_space<hbm>> -> memref<10000xi32, #tpu.memory_space<hbm>>
      %dma_start3A_384 = tpu.memref_slice %arg2[%run_scoped3A_5, %mul3A_2] : memref<2x320000xi32, #tpu.memory_space<hbm>> -> memref<1x10000xi32, #tpu.memory_space<hbm>>
      %dma_start3A_385 = tpu.memref_squeeze %dma_start3A_384 : memref<1x10000xi32, #tpu.memory_space<hbm>> -> memref<10000xi32, #tpu.memory_space<hbm>>
      tpu.enqueue_dma source(%dma_start3A_385 : memref<10000xi32, #tpu.memory_space<hbm>>) target(%arg8 : memref<10000xi32, #tpu.memory_space<vmem>>) target_semaphore(%run_scoped3A_381 : memref<!tpu.dma_semaphore, #tpu.memory_space<semaphore_mem>>)
      %dma_wait3A_386 = tpu.memref_slice %arg2[%run_scoped3A_5, %mul3A_2] : memref<2x320000xi32, #tpu.memory_space<hbm>> -> memref<1x10000xi32, #tpu.memory_space<hbm>>
      %dma_wait3A_387 = tpu.memref_squeeze %dma_wait3A_386 : memref<1x10000xi32, #tpu.memory_space<hbm>> -> memref<10000xi32, #tpu.memory_space<hbm>>
      %dma_wait3A_388 = tpu.memref_slice %arg2[%run_scoped3A_5, %mul3A_2] : memref<2x320000xi32, #tpu.memory_space<hbm>> -> memref<1x10000xi32, #tpu.memory_space<hbm>>
      %dma_wait3A_389 = tpu.memref_squeeze %dma_wait3A_388 : memref<1x10000xi32, #tpu.memory_space<hbm>> -> memref<10000xi32, #tpu.memory_space<hbm>>
      tpu.wait_dma2 semaphore(%run_scoped3A_381 : memref<!tpu.dma_semaphore, #tpu.memory_space<semaphore_mem>>) src(%dma_wait3A_389 : memref<10000xi32, #tpu.memory_space<hbm>>) dst(%arg8 : memref<10000xi32, #tpu.memory_space<vmem>>)
      tpu.yield
    }) : () -> ()
    %mul3A_6 = arith.constant 5 : i32
    %mul3A_7 = arith.muli %arg1, %mul3A_6 : i32
    %dma_start3A = arith.constant 0 : i32
    %dma_start3A_8 = arith.constant 0 : i32
    %dma_start3A_9 = arith.constant 0 : i32
    %dma_start3A_10 = arith.constant 0 : i32
    %dma_start3A_11 = tpu.memref_slice %arg13[%dma_start3A_8, %dma_start3A_9, %dma_start3A_10] : memref<2x5x128xf32, #tpu.memory_space<vmem>> -> memref<1x5x128xf32, #tpu.memory_space<vmem>>
    %dma_start3A_12 = tpu.memref_squeeze %dma_start3A_11 : memref<1x5x128xf32, #tpu.memory_space<vmem>> -> memref<5x128xf32, #tpu.memory_space<vmem>>
    %dma_start3A_13 = arith.constant 0 : i32
    %dma_start3A_14 = tpu.memref_slice %arg3[%dma_start3A, %mul3A_7, %dma_start3A_13] : memref<2x80x128xf32, #tpu.memory_space<hbm>> -> memref<1x5x128xf32, #tpu.memory_space<hbm>>
    %dma_start3A_15 = tpu.memref_squeeze %dma_start3A_14 : memref<1x5x128xf32, #tpu.memory_space<hbm>> -> memref<5x128xf32, #tpu.memory_space<hbm>>
    %dma_start3A_16 = arith.constant 0 : i32
    %dma_start3A_17 = arith.constant 0 : i32
    %dma_start3A_18 = tpu.memref_slice %arg13[%dma_start3A_8, %dma_start3A_16, %dma_start3A_17] : memref<2x5x128xf32, #tpu.memory_space<vmem>> -> memref<1x5x128xf32, #tpu.memory_space<vmem>>
    %dma_start3A_19 = tpu.memref_squeeze %dma_start3A_18 : memref<1x5x128xf32, #tpu.memory_space<vmem>> -> memref<5x128xf32, #tpu.memory_space<vmem>>
    %dma_start3A_20 = arith.constant 0 : i32
    %dma_start3A_21 = tpu.memref_slice %arg3[%dma_start3A, %mul3A_7, %dma_start3A_20] : memref<2x80x128xf32, #tpu.memory_space<hbm>> -> memref<1x5x128xf32, #tpu.memory_space<hbm>>
    %dma_start3A_22 = tpu.memref_squeeze %dma_start3A_21 : memref<1x5x128xf32, #tpu.memory_space<hbm>> -> memref<5x128xf32, #tpu.memory_space<hbm>>
    tpu.enqueue_dma source(%dma_start3A_22 : memref<5x128xf32, #tpu.memory_space<hbm>>) target(%dma_start3A_19 : memref<5x128xf32, #tpu.memory_space<vmem>>) target_semaphore(%arg26 : memref<!tpu.dma_semaphore, #tpu.memory_space<semaphore_mem>>)
    %mul3A_23 = arith.constant 5 : i32
    %mul3A_24 = arith.muli %arg1, %mul3A_23 : i32
    %dma_start3A_25 = arith.constant 1 : i32
    %dma_start3A_26 = arith.constant 1 : i32
    %dma_start3A_27 = arith.constant 0 : i32
    %dma_start3A_28 = arith.constant 0 : i32
    %dma_start3A_29 = tpu.memref_slice %arg13[%dma_start3A_26, %dma_start3A_27, %dma_start3A_28] : memref<2x5x128xf32, #tpu.memory_space<vmem>> -> memref<1x5x128xf32, #tpu.memory_space<vmem>>
    %dma_start3A_30 = tpu.memref_squeeze %dma_start3A_29 : memref<1x5x128xf32, #tpu.memory_space<vmem>> -> memref<5x128xf32, #tpu.memory_space<vmem>>
    %dma_start3A_31 = arith.constant 0 : i32
    %dma_start3A_32 = tpu.memref_slice %arg3[%dma_start3A_25, %mul3A_24, %dma_start3A_31] : memref<2x80x128xf32, #tpu.memory_space<hbm>> -> memref<1x5x128xf32, #tpu.memory_space<hbm>>
    %dma_start3A_33 = tpu.memref_squeeze %dma_start3A_32 : memref<1x5x128xf32, #tpu.memory_space<hbm>> -> memref<5x128xf32, #tpu.memory_space<hbm>>
    %dma_start3A_34 = arith.constant 0 : i32
    %dma_start3A_35 = arith.constant 0 : i32
    %dma_start3A_36 = tpu.memref_slice %arg13[%dma_start3A_26, %dma_start3A_34, %dma_start3A_35] : memref<2x5x128xf32, #tpu.memory_space<vmem>> -> memref<1x5x128xf32, #tpu.memory_space<vmem>>
    %dma_start3A_37 = tpu.memref_squeeze %dma_start3A_36 : memref<1x5x128xf32, #tpu.memory_space<vmem>> -> memref<5x128xf32, #tpu.memory_space<vmem>>
    %dma_start3A_38 = arith.constant 0 : i32
    %dma_start3A_39 = tpu.memref_slice %arg3[%dma_start3A_25, %mul3A_24, %dma_start3A_38] : memref<2x80x128xf32, #tpu.memory_space<hbm>> -> memref<1x5x128xf32, #tpu.memory_space<hbm>>
    %dma_start3A_40 = tpu.memref_squeeze %dma_start3A_39 : memref<1x5x128xf32, #tpu.memory_space<hbm>> -> memref<5x128xf32, #tpu.memory_space<hbm>>
    tpu.enqueue_dma source(%dma_start3A_40 : memref<5x128xf32, #tpu.memory_space<hbm>>) target(%dma_start3A_37 : memref<5x128xf32, #tpu.memory_space<vmem>>) target_semaphore(%arg26 : memref<!tpu.dma_semaphore, #tpu.memory_space<semaphore_mem>>)
    %broadcast_in_dim3A = arith.constant 0.000000e+00 : f32
    %broadcast_in_dim3A_41 = vector.broadcast %broadcast_in_dim3A : f32 to vector<16xf32>
    %scan3A = arith.constant 0 : i32
    %scan3A_42 = arith.constant 0 : i32
    %scan3A_43 = arith.constant 640 : i32
    %scan3A_44 = arith.addi %scan3A_42, %scan3A_43 : i32
    %scan3A_45 = arith.constant 1 : i32
    %scan3A_46 = scf.for %scan3A_381 = %scan3A_42 to %scan3A_44 step %scan3A_45 iter_args(%scan3A_382 = %scan3A) -> (i32)  : i32 {
      %jit3A_383 = arith.constant 8 : i32
      %div3A = arith.divsi %scan3A_381, %jit3A_383 : i32
      %sign3A = arith.constant 0 : i32
      %sign3A_384 = arith.cmpi sgt, %scan3A_381, %sign3A : i32
      %sign3A_385 = arith.extui %sign3A_384 : i1 to i32
      %sign3A_386 = arith.constant 0 : i32
      %sign3A_387 = arith.cmpi slt, %scan3A_381, %sign3A_386 : i32
      %sign3A_388 = arith.extui %sign3A_387 : i1 to i32
      %sign3A_389 = arith.subi %sign3A_385, %sign3A_388 : i32
      %sign3A_390 = arith.constant 0 : i32
      %sign3A_391 = arith.cmpi sgt, %jit3A_383, %sign3A_390 : i32
      %sign3A_392 = arith.extui %sign3A_391 : i1 to i32
      %sign3A_393 = arith.constant 0 : i32
      %sign3A_394 = arith.cmpi slt, %jit3A_383, %sign3A_393 : i32
      %sign3A_395 = arith.extui %sign3A_394 : i1 to i32
      %sign3A_396 = arith.subi %sign3A_392, %sign3A_395 : i32
      %ne3A = arith.cmpi ne, %sign3A_389, %sign3A_396 : i32
      %rem3A = arith.remsi %scan3A_381, %jit3A_383 : i32
      %ne3A_397 = arith.constant 0 : i32
      %ne3A_398 = arith.cmpi ne, %rem3A, %ne3A_397 : i32
      %and3A = arith.andi %ne3A, %ne3A_398 : i1
      %sub3A = arith.constant 1 : i32
      %sub3A_399 = arith.subi %div3A, %sub3A : i32
      %select_n3A_400 = arith.select %and3A, %sub3A_399, %div3A : i32
      %jit3A_401 = arith.constant 8 : i32
      %eq3A_402 = arith.constant 0 : i32
      %eq3A_403 = arith.cmpi eq, %jit3A_401, %eq3A_402 : i32
      %jit3A_404 = arith.constant 1 : i32
      %select_n3A_405 = arith.select %eq3A_403, %jit3A_404, %jit3A_401 : i32
      %rem3A_406 = arith.remsi %scan3A_381, %select_n3A_405 : i32
      %ne3A_407 = arith.constant 0 : i32
      %ne3A_408 = arith.cmpi ne, %rem3A_406, %ne3A_407 : i32
      %lt3A = arith.constant 0 : i32
      %lt3A_409 = arith.cmpi slt, %rem3A_406, %lt3A : i32
      %lt3A_410 = arith.constant 0 : i32
      %lt3A_411 = arith.cmpi slt, %select_n3A_405, %lt3A_410 : i32
      %ne3A_412 = arith.xori %lt3A_409, %lt3A_411 : i1
      %and3A_413 = arith.andi %ne3A_412, %ne3A_408 : i1
      %add3A_414 = arith.addi %rem3A_406, %select_n3A_405 : i32
      %select_n3A_415 = arith.select %and3A_413, %add3A_414, %rem3A_406 : i32
      %mul3A_416 = arith.constant 16 : i32
      %mul3A_417 = arith.muli %select_n3A_415, %mul3A_416 : i32
      %swap3A_418 = arith.index_cast %select_n3A_400 : i32 to index
      %swap3A_419 = arith.index_cast %mul3A_417 : i32 to index
      %swap3A_420 = tpu.vector_load %arg12[%swap3A_418, %swap3A_419] {strides = array<i32>} : memref<80x128xf32, #tpu.memory_space<vmem>>, vector<16xf32>,
      tpu.vector_store %arg12[%swap3A_418, %swap3A_419], %broadcast_in_dim3A_41 {strides = array<i32>} : memref<80x128xf32, #tpu.memory_space<vmem>>, vector<16xf32>,
      %scan3A_421 = arith.constant 0 : i32
      scf.yield %scan3A_421 : i32
    }
    %scan3A_47 = arith.constant 640 : i32
    %scan3A_48 = arith.constant 0 : i32
    %scan3A_49 = arith.constant 0 : i32
    %scan3A_50 = arith.constant 128 : i32
    %scan3A_51 = arith.addi %scan3A_49, %scan3A_50 : i32
    %scan3A_52 = arith.constant 1 : i32
    %scan3A_53 = scf.for %scan3A_381 = %scan3A_49 to %scan3A_51 step %scan3A_52 iter_args(%scan3A_382 = %scan3A_48) -> (i32)  : i32 {
      %swap3A_383 = arith.constant 0 : i32
      %swap3A_384 = arith.index_cast %swap3A_383 : i32 to index
      %swap3A_385 = arith.index_cast %scan3A_381 : i32 to index
      %swap3A_386 = arith.constant 0 : index
      %swap3A_387 = tpu.vector_load %arg17[%swap3A_384, %swap3A_385, %swap3A_386] {strides = array<i32>} : memref<4x128x16xf32, #tpu.memory_space<vmem>>, vector<16xf32>,
      tpu.vector_store %arg17[%swap3A_384, %swap3A_385, %swap3A_386], %broadcast_in_dim3A_41 {strides = array<i32>} : memref<4x128x16xf32, #tpu.memory_space<vmem>>, vector<16xf32>,
      %scan3A_388 = arith.constant 0 : i32
      scf.yield %scan3A_388 : i32
    }
    %scan3A_54 = arith.constant 128 : i32
    %add3A_55 = arith.constant 0 : i32
    %add3A_56 = arith.addi %mul3A_4, %add3A_55 : i32
    %run_scoped3A_57 = arith.constant 0 : i32
    "tpu.region"() ({
      %run_scoped3A_381 = tpu.sem_alloc : memref<!tpu.dma_semaphore, #tpu.memory_space<semaphore_mem>>
      %dma_start3A_382 = arith.constant 0 : i32
      %dma_start3A_383 = arith.constant 0 : i32
      %dma_start3A_384 = tpu.memref_slice %arg17[%run_scoped3A_57, %dma_start3A_382, %dma_start3A_383] : memref<4x128x16xf32, #tpu.memory_space<vmem>> -> memref<1x128x16xf32, #tpu.memory_space<vmem>>
      %dma_start3A_385 = tpu.memref_squeeze %dma_start3A_384 : memref<1x128x16xf32, #tpu.memory_space<vmem>> -> memref<128x16xf32, #tpu.memory_space<vmem>>
      %dma_start3A_386 = arith.constant 0 : i32
      %dma_start3A_387 = tpu.memref_slice %arg22[%add3A_56, %dma_start3A_386] : memref<10240x16xf32, #tpu.memory_space<vmem_shared>> -> memref<128x16xf32, #tpu.memory_space<vmem_shared>>
      %dma_start3A_388 = arith.constant 0 : i32
      %dma_start3A_389 = tpu.memref_slice %arg22[%add3A_56, %dma_start3A_388] : memref<10240x16xf32, #tpu.memory_space<vmem_shared>> -> memref<128x16xf32, #tpu.memory_space<vmem_shared>>
      %dma_start3A_390 = arith.constant 0 : i32
      %dma_start3A_391 = arith.constant 0 : i32
      %dma_start3A_392 = tpu.memref_slice %arg17[%run_scoped3A_57, %dma_start3A_390, %dma_start3A_391] : memref<4x128x16xf32, #tpu.memory_space<vmem>> -> memref<1x128x16xf32, #tpu.memory_space<vmem>>
      %dma_start3A_393 = tpu.memref_squeeze %dma_start3A_392 : memref<1x128x16xf32, #tpu.memory_space<vmem>> -> memref<128x16xf32, #tpu.memory_space<vmem>>
      tpu.enqueue_dma source(%dma_start3A_393 : memref<128x16xf32, #tpu.memory_space<vmem>>) target(%dma_start3A_389 : memref<128x16xf32, #tpu.memory_space<vmem_shared>>) target_semaphore(%run_scoped3A_381 : memref<!tpu.dma_semaphore, #tpu.memory_space<semaphore_mem>>)
      %dma_wait3A_394 = arith.constant 0 : i32
      %dma_wait3A_395 = arith.constant 0 : i32
      %dma_wait3A_396 = tpu.memref_slice %arg17[%run_scoped3A_57, %dma_wait3A_394, %dma_wait3A_395] : memref<4x128x16xf32, #tpu.memory_space<vmem>> -> memref<1x128x16xf32, #tpu.memory_space<vmem>>
      %dma_wait3A_397 = tpu.memref_squeeze %dma_wait3A_396 : memref<1x128x16xf32, #tpu.memory_space<vmem>> -> memref<128x16xf32, #tpu.memory_space<vmem>>
      %dma_wait3A_398 = arith.constant 0 : i32
      %dma_wait3A_399 = tpu.memref_slice %arg22[%add3A_56, %dma_wait3A_398] : memref<10240x16xf32, #tpu.memory_space<vmem_shared>> -> memref<128x16xf32, #tpu.memory_space<vmem_shared>>
      %dma_wait3A_400 = arith.constant 0 : i32
      %dma_wait3A_401 = tpu.memref_slice %arg22[%add3A_56, %dma_wait3A_400] : memref<10240x16xf32, #tpu.memory_space<vmem_shared>> -> memref<128x16xf32, #tpu.memory_space<vmem_shared>>
      %dma_wait3A_402 = arith.constant 0 : i32
      %dma_wait3A_403 = arith.constant 0 : i32
      %dma_wait3A_404 = tpu.memref_slice %arg17[%run_scoped3A_57, %dma_wait3A_402, %dma_wait3A_403] : memref<4x128x16xf32, #tpu.memory_space<vmem>> -> memref<1x128x16xf32, #tpu.memory_space<vmem>>
      %dma_wait3A_405 = tpu.memref_squeeze %dma_wait3A_404 : memref<1x128x16xf32, #tpu.memory_space<vmem>> -> memref<128x16xf32, #tpu.memory_space<vmem>>
      tpu.wait_dma2 semaphore(%run_scoped3A_381 : memref<!tpu.dma_semaphore, #tpu.memory_space<semaphore_mem>>) src(%dma_wait3A_405 : memref<128x16xf32, #tpu.memory_space<vmem>>) dst(%dma_wait3A_401 : memref<128x16xf32, #tpu.memory_space<vmem_shared>>)
      tpu.yield
    }) : () -> ()
    %add3A_58 = arith.constant 128 : i32
    %add3A_59 = arith.addi %mul3A_4, %add3A_58 : i32
    %run_scoped3A_60 = arith.constant 0 : i32
    "tpu.region"() ({
      %run_scoped3A_381 = tpu.sem_alloc : memref<!tpu.dma_semaphore, #tpu.memory_space<semaphore_mem>>
      %dma_start3A_382 = arith.constant 0 : i32
      %dma_start3A_383 = arith.constant 0 : i32
      %dma_start3A_384 = tpu.memref_slice %arg17[%run_scoped3A_60, %dma_start3A_382, %dma_start3A_383] : memref<4x128x16xf32, #tpu.memory_space<vmem>> -> memref<1x128x16xf32, #tpu.memory_space<vmem>>
      %dma_start3A_385 = tpu.memref_squeeze %dma_start3A_384 : memref<1x128x16xf32, #tpu.memory_space<vmem>> -> memref<128x16xf32, #tpu.memory_space<vmem>>
      %dma_start3A_386 = arith.constant 0 : i32
      %dma_start3A_387 = tpu.memref_slice %arg22[%add3A_59, %dma_start3A_386] : memref<10240x16xf32, #tpu.memory_space<vmem_shared>> -> memref<128x16xf32, #tpu.memory_space<vmem_shared>>
      %dma_start3A_388 = arith.constant 0 : i32
      %dma_start3A_389 = tpu.memref_slice %arg22[%add3A_59, %dma_start3A_388] : memref<10240x16xf32, #tpu.memory_space<vmem_shared>> -> memref<128x16xf32, #tpu.memory_space<vmem_shared>>
      %dma_start3A_390 = arith.constant 0 : i32
      %dma_start3A_391 = arith.constant 0 : i32
      %dma_start3A_392 = tpu.memref_slice %arg17[%run_scoped3A_60, %dma_start3A_390, %dma_start3A_391] : memref<4x128x16xf32, #tpu.memory_space<vmem>> -> memref<1x128x16xf32, #tpu.memory_space<vmem>>
      %dma_start3A_393 = tpu.memref_squeeze %dma_start3A_392 : memref<1x128x16xf32, #tpu.memory_space<vmem>> -> memref<128x16xf32, #tpu.memory_space<vmem>>
      tpu.enqueue_dma source(%dma_start3A_393 : memref<128x16xf32, #tpu.memory_space<vmem>>) target(%dma_start3A_389 : memref<128x16xf32, #tpu.memory_space<vmem_shared>>) target_semaphore(%run_scoped3A_381 : memref<!tpu.dma_semaphore, #tpu.memory_space<semaphore_mem>>)
      %dma_wait3A_394 = arith.constant 0 : i32
      %dma_wait3A_395 = arith.constant 0 : i32
      %dma_wait3A_396 = tpu.memref_slice %arg17[%run_scoped3A_60, %dma_wait3A_394, %dma_wait3A_395] : memref<4x128x16xf32, #tpu.memory_space<vmem>> -> memref<1x128x16xf32, #tpu.memory_space<vmem>>
      %dma_wait3A_397 = tpu.memref_squeeze %dma_wait3A_396 : memref<1x128x16xf32, #tpu.memory_space<vmem>> -> memref<128x16xf32, #tpu.memory_space<vmem>>
      %dma_wait3A_398 = arith.constant 0 : i32
      %dma_wait3A_399 = tpu.memref_slice %arg22[%add3A_59, %dma_wait3A_398] : memref<10240x16xf32, #tpu.memory_space<vmem_shared>> -> memref<128x16xf32, #tpu.memory_space<vmem_shared>>
      %dma_wait3A_400 = arith.constant 0 : i32
      %dma_wait3A_401 = tpu.memref_slice %arg22[%add3A_59, %dma_wait3A_400] : memref<10240x16xf32, #tpu.memory_space<vmem_shared>> -> memref<128x16xf32, #tpu.memory_space<vmem_shared>>
      %dma_wait3A_402 = arith.constant 0 : i32
      %dma_wait3A_403 = arith.constant 0 : i32
      %dma_wait3A_404 = tpu.memref_slice %arg17[%run_scoped3A_60, %dma_wait3A_402, %dma_wait3A_403] : memref<4x128x16xf32, #tpu.memory_space<vmem>> -> memref<1x128x16xf32, #tpu.memory_space<vmem>>
      %dma_wait3A_405 = tpu.memref_squeeze %dma_wait3A_404 : memref<1x128x16xf32, #tpu.memory_space<vmem>> -> memref<128x16xf32, #tpu.memory_space<vmem>>
      tpu.wait_dma2 semaphore(%run_scoped3A_381 : memref<!tpu.dma_semaphore, #tpu.memory_space<semaphore_mem>>) src(%dma_wait3A_405 : memref<128x16xf32, #tpu.memory_space<vmem>>) dst(%dma_wait3A_401 : memref<128x16xf32, #tpu.memory_space<vmem_shared>>)
      tpu.yield
    }) : () -> ()
    %add3A_61 = arith.constant 256 : i32
    %add3A_62 = arith.addi %mul3A_4, %add3A_61 : i32
    %run_scoped3A_63 = arith.constant 0 : i32
    "tpu.region"() ({
      %run_scoped3A_381 = tpu.sem_alloc : memref<!tpu.dma_semaphore, #tpu.memory_space<semaphore_mem>>
      %dma_start3A_382 = arith.constant 0 : i32
      %dma_start3A_383 = arith.constant 0 : i32
      %dma_start3A_384 = tpu.memref_slice %arg17[%run_scoped3A_63, %dma_start3A_382, %dma_start3A_383] : memref<4x128x16xf32, #tpu.memory_space<vmem>> -> memref<1x128x16xf32, #tpu.memory_space<vmem>>
      %dma_start3A_385 = tpu.memref_squeeze %dma_start3A_384 : memref<1x128x16xf32, #tpu.memory_space<vmem>> -> memref<128x16xf32, #tpu.memory_space<vmem>>
      %dma_start3A_386 = arith.constant 0 : i32
      %dma_start3A_387 = tpu.memref_slice %arg22[%add3A_62, %dma_start3A_386] : memref<10240x16xf32, #tpu.memory_space<vmem_shared>> -> memref<128x16xf32, #tpu.memory_space<vmem_shared>>
      %dma_start3A_388 = arith.constant 0 : i32
      %dma_start3A_389 = tpu.memref_slice %arg22[%add3A_62, %dma_start3A_388] : memref<10240x16xf32, #tpu.memory_space<vmem_shared>> -> memref<128x16xf32, #tpu.memory_space<vmem_shared>>
      %dma_start3A_390 = arith.constant 0 : i32
      %dma_start3A_391 = arith.constant 0 : i32
      %dma_start3A_392 = tpu.memref_slice %arg17[%run_scoped3A_63, %dma_start3A_390, %dma_start3A_391] : memref<4x128x16xf32, #tpu.memory_space<vmem>> -> memref<1x128x16xf32, #tpu.memory_space<vmem>>
      %dma_start3A_393 = tpu.memref_squeeze %dma_start3A_392 : memref<1x128x16xf32, #tpu.memory_space<vmem>> -> memref<128x16xf32, #tpu.memory_space<vmem>>
      tpu.enqueue_dma source(%dma_start3A_393 : memref<128x16xf32, #tpu.memory_space<vmem>>) target(%dma_start3A_389 : memref<128x16xf32, #tpu.memory_space<vmem_shared>>) target_semaphore(%run_scoped3A_381 : memref<!tpu.dma_semaphore, #tpu.memory_space<semaphore_mem>>)
      %dma_wait3A_394 = arith.constant 0 : i32
      %dma_wait3A_395 = arith.constant 0 : i32
      %dma_wait3A_396 = tpu.memref_slice %arg17[%run_scoped3A_63, %dma_wait3A_394, %dma_wait3A_395] : memref<4x128x16xf32, #tpu.memory_space<vmem>> -> memref<1x128x16xf32, #tpu.memory_space<vmem>>
      %dma_wait3A_397 = tpu.memref_squeeze %dma_wait3A_396 : memref<1x128x16xf32, #tpu.memory_space<vmem>> -> memref<128x16xf32, #tpu.memory_space<vmem>>
      %dma_wait3A_398 = arith.constant 0 : i32
      %dma_wait3A_399 = tpu.memref_slice %arg22[%add3A_62, %dma_wait3A_398] : memref<10240x16xf32, #tpu.memory_space<vmem_shared>> -> memref<128x16xf32, #tpu.memory_space<vmem_shared>>
      %dma_wait3A_400 = arith.constant 0 : i32
      %dma_wait3A_401 = tpu.memref_slice %arg22[%add3A_62, %dma_wait3A_400] : memref<10240x16xf32, #tpu.memory_space<vmem_shared>> -> memref<128x16xf32, #tpu.memory_space<vmem_shared>>
      %dma_wait3A_402 = arith.constant 0 : i32
      %dma_wait3A_403 = arith.constant 0 : i32
      %dma_wait3A_404 = tpu.memref_slice %arg17[%run_scoped3A_63, %dma_wait3A_402, %dma_wait3A_403] : memref<4x128x16xf32, #tpu.memory_space<vmem>> -> memref<1x128x16xf32, #tpu.memory_space<vmem>>
      %dma_wait3A_405 = tpu.memref_squeeze %dma_wait3A_404 : memref<1x128x16xf32, #tpu.memory_space<vmem>> -> memref<128x16xf32, #tpu.memory_space<vmem>>
      tpu.wait_dma2 semaphore(%run_scoped3A_381 : memref<!tpu.dma_semaphore, #tpu.memory_space<semaphore_mem>>) src(%dma_wait3A_405 : memref<128x16xf32, #tpu.memory_space<vmem>>) dst(%dma_wait3A_401 : memref<128x16xf32, #tpu.memory_space<vmem_shared>>)
      tpu.yield
    }) : () -> ()
    %add3A_64 = arith.constant 384 : i32
    %add3A_65 = arith.addi %mul3A_4, %add3A_64 : i32
    %run_scoped3A_66 = arith.constant 0 : i32
    "tpu.region"() ({
      %run_scoped3A_381 = tpu.sem_alloc : memref<!tpu.dma_semaphore, #tpu.memory_space<semaphore_mem>>
      %dma_start3A_382 = arith.constant 0 : i32
      %dma_start3A_383 = arith.constant 0 : i32
      %dma_start3A_384 = tpu.memref_slice %arg17[%run_scoped3A_66, %dma_start3A_382, %dma_start3A_383] : memref<4x128x16xf32, #tpu.memory_space<vmem>> -> memref<1x128x16xf32, #tpu.memory_space<vmem>>
      %dma_start3A_385 = tpu.memref_squeeze %dma_start3A_384 : memref<1x128x16xf32, #tpu.memory_space<vmem>> -> memref<128x16xf32, #tpu.memory_space<vmem>>
      %dma_start3A_386 = arith.constant 0 : i32
      %dma_start3A_387 = tpu.memref_slice %arg22[%add3A_65, %dma_start3A_386] : memref<10240x16xf32, #tpu.memory_space<vmem_shared>> -> memref<128x16xf32, #tpu.memory_space<vmem_shared>>
      %dma_start3A_388 = arith.constant 0 : i32
      %dma_start3A_389 = tpu.memref_slice %arg22[%add3A_65, %dma_start3A_388] : memref<10240x16xf32, #tpu.memory_space<vmem_shared>> -> memref<128x16xf32, #tpu.memory_space<vmem_shared>>
      %dma_start3A_390 = arith.constant 0 : i32
      %dma_start3A_391 = arith.constant 0 : i32
      %dma_start3A_392 = tpu.memref_slice %arg17[%run_scoped3A_66, %dma_start3A_390, %dma_start3A_391] : memref<4x128x16xf32, #tpu.memory_space<vmem>> -> memref<1x128x16xf32, #tpu.memory_space<vmem>>
      %dma_start3A_393 = tpu.memref_squeeze %dma_start3A_392 : memref<1x128x16xf32, #tpu.memory_space<vmem>> -> memref<128x16xf32, #tpu.memory_space<vmem>>
      tpu.enqueue_dma source(%dma_start3A_393 : memref<128x16xf32, #tpu.memory_space<vmem>>) target(%dma_start3A_389 : memref<128x16xf32, #tpu.memory_space<vmem_shared>>) target_semaphore(%run_scoped3A_381 : memref<!tpu.dma_semaphore, #tpu.memory_space<semaphore_mem>>)
      %dma_wait3A_394 = arith.constant 0 : i32
      %dma_wait3A_395 = arith.constant 0 : i32
      %dma_wait3A_396 = tpu.memref_slice %arg17[%run_scoped3A_66, %dma_wait3A_394, %dma_wait3A_395] : memref<4x128x16xf32, #tpu.memory_space<vmem>> -> memref<1x128x16xf32, #tpu.memory_space<vmem>>
      %dma_wait3A_397 = tpu.memref_squeeze %dma_wait3A_396 : memref<1x128x16xf32, #tpu.memory_space<vmem>> -> memref<128x16xf32, #tpu.memory_space<vmem>>
      %dma_wait3A_398 = arith.constant 0 : i32
      %dma_wait3A_399 = tpu.memref_slice %arg22[%add3A_65, %dma_wait3A_398] : memref<10240x16xf32, #tpu.memory_space<vmem_shared>> -> memref<128x16xf32, #tpu.memory_space<vmem_shared>>
      %dma_wait3A_400 = arith.constant 0 : i32
      %dma_wait3A_401 = tpu.memref_slice %arg22[%add3A_65, %dma_wait3A_400] : memref<10240x16xf32, #tpu.memory_space<vmem_shared>> -> memref<128x16xf32, #tpu.memory_space<vmem_shared>>
      %dma_wait3A_402 = arith.constant 0 : i32
      %dma_wait3A_403 = arith.constant 0 : i32
      %dma_wait3A_404 = tpu.memref_slice %arg17[%run_scoped3A_66, %dma_wait3A_402, %dma_wait3A_403] : memref<4x128x16xf32, #tpu.memory_space<vmem>> -> memref<1x128x16xf32, #tpu.memory_space<vmem>>
      %dma_wait3A_405 = tpu.memref_squeeze %dma_wait3A_404 : memref<1x128x16xf32, #tpu.memory_space<vmem>> -> memref<128x16xf32, #tpu.memory_space<vmem>>
      tpu.wait_dma2 semaphore(%run_scoped3A_381 : memref<!tpu.dma_semaphore, #tpu.memory_space<semaphore_mem>>) src(%dma_wait3A_405 : memref<128x16xf32, #tpu.memory_space<vmem>>) dst(%dma_wait3A_401 : memref<128x16xf32, #tpu.memory_space<vmem_shared>>)
      tpu.yield
    }) : () -> ()
    %add3A_67 = arith.constant 512 : i32
    %add3A_68 = arith.addi %mul3A_4, %add3A_67 : i32
    %run_scoped3A_69 = arith.constant 0 : i32
    "tpu.region"() ({
      %run_scoped3A_381 = tpu.sem_alloc : memref<!tpu.dma_semaphore, #tpu.memory_space<semaphore_mem>>
      %dma_start3A_382 = arith.constant 0 : i32
      %dma_start3A_383 = arith.constant 0 : i32
      %dma_start3A_384 = tpu.memref_slice %arg17[%run_scoped3A_69, %dma_start3A_382, %dma_start3A_383] : memref<4x128x16xf32, #tpu.memory_space<vmem>> -> memref<1x128x16xf32, #tpu.memory_space<vmem>>
      %dma_start3A_385 = tpu.memref_squeeze %dma_start3A_384 : memref<1x128x16xf32, #tpu.memory_space<vmem>> -> memref<128x16xf32, #tpu.memory_space<vmem>>
      %dma_start3A_386 = arith.constant 0 : i32
      %dma_start3A_387 = tpu.memref_slice %arg22[%add3A_68, %dma_start3A_386] : memref<10240x16xf32, #tpu.memory_space<vmem_shared>> -> memref<128x16xf32, #tpu.memory_space<vmem_shared>>
      %dma_start3A_388 = arith.constant 0 : i32
      %dma_start3A_389 = tpu.memref_slice %arg22[%add3A_68, %dma_start3A_388] : memref<10240x16xf32, #tpu.memory_space<vmem_shared>> -> memref<128x16xf32, #tpu.memory_space<vmem_shared>>
      %dma_start3A_390 = arith.constant 0 : i32
      %dma_start3A_391 = arith.constant 0 : i32
      %dma_start3A_392 = tpu.memref_slice %arg17[%run_scoped3A_69, %dma_start3A_390, %dma_start3A_391] : memref<4x128x16xf32, #tpu.memory_space<vmem>> -> memref<1x128x16xf32, #tpu.memory_space<vmem>>
      %dma_start3A_393 = tpu.memref_squeeze %dma_start3A_392 : memref<1x128x16xf32, #tpu.memory_space<vmem>> -> memref<128x16xf32, #tpu.memory_space<vmem>>
      tpu.enqueue_dma source(%dma_start3A_393 : memref<128x16xf32, #tpu.memory_space<vmem>>) target(%dma_start3A_389 : memref<128x16xf32, #tpu.memory_space<vmem_shared>>) target_semaphore(%run_scoped3A_381 : memref<!tpu.dma_semaphore, #tpu.memory_space<semaphore_mem>>)
      %dma_wait3A_394 = arith.constant 0 : i32
      %dma_wait3A_395 = arith.constant 0 : i32
      %dma_wait3A_396 = tpu.memref_slice %arg17[%run_scoped3A_69, %dma_wait3A_394, %dma_wait3A_395] : memref<4x128x16xf32, #tpu.memory_space<vmem>> -> memref<1x128x16xf32, #tpu.memory_space<vmem>>
      %dma_wait3A_397 = tpu.memref_squeeze %dma_wait3A_396 : memref<1x128x16xf32, #tpu.memory_space<vmem>> -> memref<128x16xf32, #tpu.memory_space<vmem>>
      %dma_wait3A_398 = arith.constant 0 : i32
      %dma_wait3A_399 = tpu.memref_slice %arg22[%add3A_68, %dma_wait3A_398] : memref<10240x16xf32, #tpu.memory_space<vmem_shared>> -> memref<128x16xf32, #tpu.memory_space<vmem_shared>>
      %dma_wait3A_400 = arith.constant 0 : i32
      %dma_wait3A_401 = tpu.memref_slice %arg22[%add3A_68, %dma_wait3A_400] : memref<10240x16xf32, #tpu.memory_space<vmem_shared>> -> memref<128x16xf32, #tpu.memory_space<vmem_shared>>
      %dma_wait3A_402 = arith.constant 0 : i32
      %dma_wait3A_403 = arith.constant 0 : i32
      %dma_wait3A_404 = tpu.memref_slice %arg17[%run_scoped3A_69, %dma_wait3A_402, %dma_wait3A_403] : memref<4x128x16xf32, #tpu.memory_space<vmem>> -> memref<1x128x16xf32, #tpu.memory_space<vmem>>
      %dma_wait3A_405 = tpu.memref_squeeze %dma_wait3A_404 : memref<1x128x16xf32, #tpu.memory_space<vmem>> -> memref<128x16xf32, #tpu.memory_space<vmem>>
      tpu.wait_dma2 semaphore(%run_scoped3A_381 : memref<!tpu.dma_semaphore, #tpu.memory_space<semaphore_mem>>) src(%dma_wait3A_405 : memref<128x16xf32, #tpu.memory_space<vmem>>) dst(%dma_wait3A_401 : memref<128x16xf32, #tpu.memory_space<vmem_shared>>)
      tpu.yield
    }) : () -> ()
    %dma_wait3A = arith.constant 0 : i32
    %dma_wait3A_70 = arith.constant 0 : i32
    %dma_wait3A_71 = arith.constant 0 : i32
    %dma_wait3A_72 = arith.constant 0 : i32
    %dma_wait3A_73 = tpu.memref_slice %arg13[%dma_wait3A_70, %dma_wait3A_71, %dma_wait3A_72] : memref<2x5x128xf32, #tpu.memory_space<vmem>> -> memref<1x5x128xf32, #tpu.memory_space<vmem>>
    %dma_wait3A_74 = tpu.memref_squeeze %dma_wait3A_73 : memref<1x5x128xf32, #tpu.memory_space<vmem>> -> memref<5x128xf32, #tpu.memory_space<vmem>>
    %dma_wait3A_75 = arith.constant 0 : i32
    %dma_wait3A_76 = tpu.memref_slice %arg3[%dma_wait3A, %mul3A_7, %dma_wait3A_75] : memref<2x80x128xf32, #tpu.memory_space<hbm>> -> memref<1x5x128xf32, #tpu.memory_space<hbm>>
    %dma_wait3A_77 = tpu.memref_squeeze %dma_wait3A_76 : memref<1x5x128xf32, #tpu.memory_space<hbm>> -> memref<5x128xf32, #tpu.memory_space<hbm>>
    %dma_wait3A_78 = arith.constant 0 : i32
    %dma_wait3A_79 = arith.constant 0 : i32
    %dma_wait3A_80 = tpu.memref_slice %arg13[%dma_wait3A_70, %dma_wait3A_78, %dma_wait3A_79] : memref<2x5x128xf32, #tpu.memory_space<vmem>> -> memref<1x5x128xf32, #tpu.memory_space<vmem>>
    %dma_wait3A_81 = tpu.memref_squeeze %dma_wait3A_80 : memref<1x5x128xf32, #tpu.memory_space<vmem>> -> memref<5x128xf32, #tpu.memory_space<vmem>>
    %dma_wait3A_82 = arith.constant 0 : i32
    %dma_wait3A_83 = tpu.memref_slice %arg3[%dma_wait3A, %mul3A_7, %dma_wait3A_82] : memref<2x80x128xf32, #tpu.memory_space<hbm>> -> memref<1x5x128xf32, #tpu.memory_space<hbm>>
    %dma_wait3A_84 = tpu.memref_squeeze %dma_wait3A_83 : memref<1x5x128xf32, #tpu.memory_space<hbm>> -> memref<5x128xf32, #tpu.memory_space<hbm>>
    tpu.wait_dma2 semaphore(%arg26 : memref<!tpu.dma_semaphore, #tpu.memory_space<semaphore_mem>>) src(%dma_wait3A_84 : memref<5x128xf32, #tpu.memory_space<hbm>>) dst(%dma_wait3A_81 : memref<5x128xf32, #tpu.memory_space<vmem>>)
    %dma_wait3A_85 = arith.constant 1 : i32
    %dma_wait3A_86 = arith.constant 1 : i32
    %dma_wait3A_87 = arith.constant 0 : i32
    %dma_wait3A_88 = arith.constant 0 : i32
    %dma_wait3A_89 = tpu.memref_slice %arg13[%dma_wait3A_86, %dma_wait3A_87, %dma_wait3A_88] : memref<2x5x128xf32, #tpu.memory_space<vmem>> -> memref<1x5x128xf32, #tpu.memory_space<vmem>>
    %dma_wait3A_90 = tpu.memref_squeeze %dma_wait3A_89 : memref<1x5x128xf32, #tpu.memory_space<vmem>> -> memref<5x128xf32, #tpu.memory_space<vmem>>
    %dma_wait3A_91 = arith.constant 0 : i32
    %dma_wait3A_92 = tpu.memref_slice %arg3[%dma_wait3A_85, %mul3A_24, %dma_wait3A_91] : memref<2x80x128xf32, #tpu.memory_space<hbm>> -> memref<1x5x128xf32, #tpu.memory_space<hbm>>
    %dma_wait3A_93 = tpu.memref_squeeze %dma_wait3A_92 : memref<1x5x128xf32, #tpu.memory_space<hbm>> -> memref<5x128xf32, #tpu.memory_space<hbm>>
    %dma_wait3A_94 = arith.constant 0 : i32
    %dma_wait3A_95 = arith.constant 0 : i32
    %dma_wait3A_96 = tpu.memref_slice %arg13[%dma_wait3A_86, %dma_wait3A_94, %dma_wait3A_95] : memref<2x5x128xf32, #tpu.memory_space<vmem>> -> memref<1x5x128xf32, #tpu.memory_space<vmem>>
    %dma_wait3A_97 = tpu.memref_squeeze %dma_wait3A_96 : memref<1x5x128xf32, #tpu.memory_space<vmem>> -> memref<5x128xf32, #tpu.memory_space<vmem>>
    %dma_wait3A_98 = arith.constant 0 : i32
    %dma_wait3A_99 = tpu.memref_slice %arg3[%dma_wait3A_85, %mul3A_24, %dma_wait3A_98] : memref<2x80x128xf32, #tpu.memory_space<hbm>> -> memref<1x5x128xf32, #tpu.memory_space<hbm>>
    %dma_wait3A_100 = tpu.memref_squeeze %dma_wait3A_99 : memref<1x5x128xf32, #tpu.memory_space<hbm>> -> memref<5x128xf32, #tpu.memory_space<hbm>>
    tpu.wait_dma2 semaphore(%arg26 : memref<!tpu.dma_semaphore, #tpu.memory_space<semaphore_mem>>) src(%dma_wait3A_100 : memref<5x128xf32, #tpu.memory_space<hbm>>) dst(%dma_wait3A_97 : memref<5x128xf32, #tpu.memory_space<vmem>>)
    %scan3A_101 = arith.constant 0 : i32
    %scan3A_102 = arith.constant 0 : i32
    %scan3A_103 = arith.constant 40 : i32
    %scan3A_104 = arith.addi %scan3A_102, %scan3A_103 : i32
    %scan3A_105 = arith.constant 1 : i32
    %scan3A_106 = scf.for %scan3A_381 = %scan3A_102 to %scan3A_104 step %scan3A_105 iter_args(%scan3A_382 = %scan3A_101) -> (i32)  : i32 {
      %jit3A_383 = arith.constant 8 : i32
      %div3A = arith.divsi %scan3A_381, %jit3A_383 : i32
      %sign3A = arith.constant 0 : i32
      %sign3A_384 = arith.cmpi sgt, %scan3A_381, %sign3A : i32
      %sign3A_385 = arith.extui %sign3A_384 : i1 to i32
      %sign3A_386 = arith.constant 0 : i32
      %sign3A_387 = arith.cmpi slt, %scan3A_381, %sign3A_386 : i32
      %sign3A_388 = arith.extui %sign3A_387 : i1 to i32
      %sign3A_389 = arith.subi %sign3A_385, %sign3A_388 : i32
      %sign3A_390 = arith.constant 0 : i32
      %sign3A_391 = arith.cmpi sgt, %jit3A_383, %sign3A_390 : i32
      %sign3A_392 = arith.extui %sign3A_391 : i1 to i32
      %sign3A_393 = arith.constant 0 : i32
      %sign3A_394 = arith.cmpi slt, %jit3A_383, %sign3A_393 : i32
      %sign3A_395 = arith.extui %sign3A_394 : i1 to i32
      %sign3A_396 = arith.subi %sign3A_392, %sign3A_395 : i32
      %ne3A = arith.cmpi ne, %sign3A_389, %sign3A_396 : i32
      %rem3A = arith.remsi %scan3A_381, %jit3A_383 : i32
      %ne3A_397 = arith.constant 0 : i32
      %ne3A_398 = arith.cmpi ne, %rem3A, %ne3A_397 : i32
      %and3A = arith.andi %ne3A, %ne3A_398 : i1
      %sub3A = arith.constant 1 : i32
      %sub3A_399 = arith.subi %div3A, %sub3A : i32
      %select_n3A_400 = arith.select %and3A, %sub3A_399, %div3A : i32
      %jit3A_401 = arith.constant 8 : i32
      %eq3A_402 = arith.constant 0 : i32
      %eq3A_403 = arith.cmpi eq, %jit3A_401, %eq3A_402 : i32
      %jit3A_404 = arith.constant 1 : i32
      %select_n3A_405 = arith.select %eq3A_403, %jit3A_404, %jit3A_401 : i32
      %rem3A_406 = arith.remsi %scan3A_381, %select_n3A_405 : i32
      %ne3A_407 = arith.constant 0 : i32
      %ne3A_408 = arith.cmpi ne, %rem3A_406, %ne3A_407 : i32
      %lt3A = arith.constant 0 : i32
      %lt3A_409 = arith.cmpi slt, %rem3A_406, %lt3A : i32
      %lt3A_410 = arith.constant 0 : i32
      %lt3A_411 = arith.cmpi slt, %select_n3A_405, %lt3A_410 : i32
      %ne3A_412 = arith.xori %lt3A_409, %lt3A_411 : i1
      %and3A_413 = arith.andi %ne3A_412, %ne3A_408 : i1
      %add3A_414 = arith.addi %rem3A_406, %select_n3A_405 : i32
      %select_n3A_415 = arith.select %and3A_413, %add3A_414, %rem3A_406 : i32
      %mul3A_416 = arith.constant 16 : i32
      %mul3A_417 = arith.muli %select_n3A_415, %mul3A_416 : i32
      %get3A = arith.constant 0 : i32
      %get3A_418 = arith.index_cast %get3A : i32 to index
      %get3A_419 = arith.index_cast %select_n3A_400 : i32 to index
      %get3A_420 = arith.index_cast %mul3A_417 : i32 to index
      %get3A_421 = tpu.vector_load %arg13[%get3A_418, %get3A_419, %get3A_420] {strides = array<i32>} : memref<2x5x128xf32, #tpu.memory_space<vmem>>, vector<16xf32>,
      %get3A_422 = arith.constant 1 : i32
      %get3A_423 = arith.index_cast %get3A_422 : i32 to index
      %get3A_424 = arith.index_cast %select_n3A_400 : i32 to index
      %get3A_425 = arith.index_cast %mul3A_417 : i32 to index
      %get3A_426 = tpu.vector_load %arg13[%get3A_423, %get3A_424, %get3A_425] {strides = array<i32>} : memref<2x5x128xf32, #tpu.memory_space<vmem>>, vector<16xf32>,
      %add3A_427 = arith.addf %get3A_421, %get3A_426 : vector<16xf32>
      %add3A_428 = arith.constant 1.000000e+00 : f32
      %add3A_429 = vector.broadcast %add3A_428 : f32 to vector<16xf32>
      %add3A_430 = arith.addf %add3A_427, %add3A_429 : vector<16xf32>
      %broadcast_in_dim3A_431 = arith.constant 1597463007 : i32
      %broadcast_in_dim3A_432 = vector.broadcast %broadcast_in_dim3A_431 : i32 to vector<16xi32>
      %bitcast3A = vector.bitcast %add3A_430 : vector<16xf32> to vector<16xi32>
      %shift_right_arithmetic3A = arith.constant 1 : i32
      %shift_right_arithmetic3A_433 = vector.broadcast %shift_right_arithmetic3A : i32 to vector<16xi32>
      %shift_right_arithmetic3A_434 = arith.shrsi %bitcast3A, %shift_right_arithmetic3A_433 : vector<16xi32>
      %sub3A_435 = arith.subi %broadcast_in_dim3A_432, %shift_right_arithmetic3A_434 : vector<16xi32>
      %bitcast3A_436 = vector.bitcast %sub3A_435 : vector<16xi32> to vector<16xf32>
      %mul3A_437 = arith.constant -5.000000e-01 : f32
      %mul3A_438 = vector.broadcast %mul3A_437 : f32 to vector<16xf32>
      %mul3A_439 = arith.mulf %add3A_430, %mul3A_438 : vector<16xf32>
      %mul3A_440 = arith.mulf %mul3A_439, %bitcast3A_436 : vector<16xf32>
      %mul3A_441 = arith.mulf %mul3A_440, %bitcast3A_436 : vector<16xf32>
      %add3A_442 = arith.constant 1.500000e+00 : f32
      %add3A_443 = vector.broadcast %add3A_442 : f32 to vector<16xf32>
      %add3A_444 = arith.addf %mul3A_441, %add3A_443 : vector<16xf32>
      %mul3A_445 = arith.mulf %bitcast3A_436, %add3A_444 : vector<16xf32>
      %mul3A_446 = arith.mulf %mul3A_439, %mul3A_445 : vector<16xf32>
      %mul3A_447 = arith.mulf %mul3A_446, %mul3A_445 : vector<16xf32>
      %add3A_448 = arith.constant 1.500000e+00 : f32
      %add3A_449 = vector.broadcast %add3A_448 : f32 to vector<16xf32>
      %add3A_450 = arith.addf %mul3A_447, %add3A_449 : vector<16xf32>
      %mul3A_451 = arith.mulf %mul3A_445, %add3A_450 : vector<16xf32>
      %mul3A_452 = arith.mulf %mul3A_439, %mul3A_451 : vector<16xf32>
      %mul3A_453 = arith.mulf %mul3A_452, %mul3A_451 : vector<16xf32>
      %add3A_454 = arith.constant 1.500000e+00 : f32
      %add3A_455 = vector.broadcast %add3A_454 : f32 to vector<16xf32>
      %add3A_456 = arith.addf %mul3A_453, %add3A_455 : vector<16xf32>
      %mul3A_457 = arith.mulf %mul3A_451, %add3A_456 : vector<16xf32>
      %jit3A_458 = arith.constant 8 : i32
      %div3A_459 = arith.divsi %scan3A_381, %jit3A_458 : i32
      %sign3A_460 = arith.constant 0 : i32
      %sign3A_461 = arith.cmpi sgt, %scan3A_381, %sign3A_460 : i32
      %sign3A_462 = arith.extui %sign3A_461 : i1 to i32
      %sign3A_463 = arith.constant 0 : i32
      %sign3A_464 = arith.cmpi slt, %scan3A_381, %sign3A_463 : i32
      %sign3A_465 = arith.extui %sign3A_464 : i1 to i32
      %sign3A_466 = arith.subi %sign3A_462, %sign3A_465 : i32
      %sign3A_467 = arith.constant 0 : i32
      %sign3A_468 = arith.cmpi sgt, %jit3A_458, %sign3A_467 : i32
      %sign3A_469 = arith.extui %sign3A_468 : i1 to i32
      %sign3A_470 = arith.constant 0 : i32
      %sign3A_471 = arith.cmpi slt, %jit3A_458, %sign3A_470 : i32
      %sign3A_472 = arith.extui %sign3A_471 : i1 to i32
      %sign3A_473 = arith.subi %sign3A_469, %sign3A_472 : i32
      %ne3A_474 = arith.cmpi ne, %sign3A_466, %sign3A_473 : i32
      %rem3A_475 = arith.remsi %scan3A_381, %jit3A_458 : i32
      %ne3A_476 = arith.constant 0 : i32
      %ne3A_477 = arith.cmpi ne, %rem3A_475, %ne3A_476 : i32
      %and3A_478 = arith.andi %ne3A_474, %ne3A_477 : i1
      %sub3A_479 = arith.constant 1 : i32
      %sub3A_480 = arith.subi %div3A_459, %sub3A_479 : i32
      %select_n3A_481 = arith.select %and3A_478, %sub3A_480, %div3A_459 : i32
      %jit3A_482 = arith.constant 8 : i32
      %eq3A_483 = arith.constant 0 : i32
      %eq3A_484 = arith.cmpi eq, %jit3A_482, %eq3A_483 : i32
      %jit3A_485 = arith.constant 1 : i32
      %select_n3A_486 = arith.select %eq3A_484, %jit3A_485, %jit3A_482 : i32
      %rem3A_487 = arith.remsi %scan3A_381, %select_n3A_486 : i32
      %ne3A_488 = arith.constant 0 : i32
      %ne3A_489 = arith.cmpi ne, %rem3A_487, %ne3A_488 : i32
      %lt3A_490 = arith.constant 0 : i32
      %lt3A_491 = arith.cmpi slt, %rem3A_487, %lt3A_490 : i32
      %lt3A_492 = arith.constant 0 : i32
      %lt3A_493 = arith.cmpi slt, %select_n3A_486, %lt3A_492 : i32
      %ne3A_494 = arith.xori %lt3A_491, %lt3A_493 : i1
      %and3A_495 = arith.andi %ne3A_494, %ne3A_489 : i1
      %add3A_496 = arith.addi %rem3A_487, %select_n3A_486 : i32
      %select_n3A_497 = arith.select %and3A_495, %add3A_496, %rem3A_487 : i32
      %mul3A_498 = arith.constant 16 : i32
      %mul3A_499 = arith.muli %select_n3A_497, %mul3A_498 : i32
      %swap3A_500 = arith.index_cast %select_n3A_481 : i32 to index
      %swap3A_501 = arith.index_cast %mul3A_499 : i32 to index
      %swap3A_502 = tpu.vector_load %arg16[%swap3A_500, %swap3A_501] {strides = array<i32>} : memref<5x128xf32, #tpu.memory_space<vmem>>, vector<16xf32>,
      tpu.vector_store %arg16[%swap3A_500, %swap3A_501], %mul3A_457 {strides = array<i32>} : memref<5x128xf32, #tpu.memory_space<vmem>>, vector<16xf32>,
      %scan3A_503 = arith.constant 0 : i32
      scf.yield %scan3A_503 : i32
    }
    %scan3A_107 = arith.constant 40 : i32
    %mul3A_108 = arith.constant 5 : i32
    %mul3A_109 = arith.muli %arg1, %mul3A_108 : i32
    "tpu.region"() ({
      %run_scoped3A_381 = tpu.sem_alloc : memref<!tpu.dma_semaphore, #tpu.memory_space<semaphore_mem>>
      %dma_start3A_382 = arith.constant 0 : i32
      %dma_start3A_383 = tpu.memref_slice %arg24[%mul3A_109, %dma_start3A_382] : memref<80x128xf32, #tpu.memory_space<vmem_shared>> -> memref<5x128xf32, #tpu.memory_space<vmem_shared>>
      %dma_start3A_384 = arith.constant 0 : i32
      %dma_start3A_385 = tpu.memref_slice %arg24[%mul3A_109, %dma_start3A_384] : memref<80x128xf32, #tpu.memory_space<vmem_shared>> -> memref<5x128xf32, #tpu.memory_space<vmem_shared>>
      tpu.enqueue_dma source(%arg16 : memref<5x128xf32, #tpu.memory_space<vmem>>) target(%dma_start3A_385 : memref<5x128xf32, #tpu.memory_space<vmem_shared>>) target_semaphore(%run_scoped3A_381 : memref<!tpu.dma_semaphore, #tpu.memory_space<semaphore_mem>>)
      %dma_wait3A_386 = arith.constant 0 : i32
      %dma_wait3A_387 = tpu.memref_slice %arg24[%mul3A_109, %dma_wait3A_386] : memref<80x128xf32, #tpu.memory_space<vmem_shared>> -> memref<5x128xf32, #tpu.memory_space<vmem_shared>>
      %dma_wait3A_388 = arith.constant 0 : i32
      %dma_wait3A_389 = tpu.memref_slice %arg24[%mul3A_109, %dma_wait3A_388] : memref<80x128xf32, #tpu.memory_space<vmem_shared>> -> memref<5x128xf32, #tpu.memory_space<vmem_shared>>
      tpu.wait_dma2 semaphore(%run_scoped3A_381 : memref<!tpu.dma_semaphore, #tpu.memory_space<semaphore_mem>>) src(%arg16 : memref<5x128xf32, #tpu.memory_space<vmem>>) dst(%dma_wait3A_389 : memref<5x128xf32, #tpu.memory_space<vmem_shared>>)
      tpu.yield
    }) : () -> ()
    %barrier3A = arith.constant 0 : index
    tpu.barrier barrier_id(%barrier3A)
    "tpu.region"() ({
      %run_scoped3A_381 = tpu.sem_alloc : memref<!tpu.dma_semaphore, #tpu.memory_space<semaphore_mem>>
      tpu.enqueue_dma source(%arg24 : memref<80x128xf32, #tpu.memory_space<vmem_shared>>) target(%arg11 : memref<80x128xf32, #tpu.memory_space<vmem>>) target_semaphore(%run_scoped3A_381 : memref<!tpu.dma_semaphore, #tpu.memory_space<semaphore_mem>>)
      tpu.wait_dma2 semaphore(%run_scoped3A_381 : memref<!tpu.dma_semaphore, #tpu.memory_space<semaphore_mem>>) src(%arg24 : memref<80x128xf32, #tpu.memory_space<vmem_shared>>) dst(%arg11 : memref<80x128xf32, #tpu.memory_space<vmem>>)
      tpu.yield
    }) : () -> ()
    "tpu.region"() ({
      %run_scoped3A_381 = tpu.sem_alloc : memref<!tpu.dma_semaphore, #tpu.memory_space<semaphore_mem>>
      %dma_start3A_382 = arith.constant 0 : i32
      %dma_start3A_383 = tpu.memref_slice %arg4[%mul3A_4, %dma_start3A_382] : memref<10240x16xf32, #tpu.memory_space<hbm>> -> memref<640x16xf32, #tpu.memory_space<hbm>>
      %dma_start3A_384 = arith.constant 0 : i32
      %dma_start3A_385 = tpu.memref_slice %arg4[%mul3A_4, %dma_start3A_384] : memref<10240x16xf32, #tpu.memory_space<hbm>> -> memref<640x16xf32, #tpu.memory_space<hbm>>
      tpu.enqueue_dma source(%dma_start3A_385 : memref<640x16xf32, #tpu.memory_space<hbm>>) target(%arg14 : memref<640x16xf32, #tpu.memory_space<vmem>>) target_semaphore(%run_scoped3A_381 : memref<!tpu.dma_semaphore, #tpu.memory_space<semaphore_mem>>)
      %dma_wait3A_386 = arith.constant 0 : i32
      %dma_wait3A_387 = tpu.memref_slice %arg4[%mul3A_4, %dma_wait3A_386] : memref<10240x16xf32, #tpu.memory_space<hbm>> -> memref<640x16xf32, #tpu.memory_space<hbm>>
      %dma_wait3A_388 = arith.constant 0 : i32
      %dma_wait3A_389 = tpu.memref_slice %arg4[%mul3A_4, %dma_wait3A_388] : memref<10240x16xf32, #tpu.memory_space<hbm>> -> memref<640x16xf32, #tpu.memory_space<hbm>>
      tpu.wait_dma2 semaphore(%run_scoped3A_381 : memref<!tpu.dma_semaphore, #tpu.memory_space<semaphore_mem>>) src(%dma_wait3A_389 : memref<640x16xf32, #tpu.memory_space<hbm>>) dst(%arg14 : memref<640x16xf32, #tpu.memory_space<vmem>>)
      tpu.yield
    }) : () -> ()
    %scan3A_110 = arith.constant 0 : i32
    %scan3A_111 = arith.constant 0 : i32
    %scan3A_112 = arith.constant 40 : i32
    %scan3A_113 = arith.addi %scan3A_111, %scan3A_112 : i32
    %scan3A_114 = arith.constant 1 : i32
    %scan3A_115 = scf.for %scan3A_381 = %scan3A_111 to %scan3A_113 step %scan3A_114 iter_args(%scan3A_382 = %scan3A_110) -> (i32)  : i32 {
      %mul3A_383 = arith.constant 16 : i32
      %mul3A_384 = arith.muli %scan3A_381, %mul3A_383 : i32
      %add3A_385 = arith.addi %mul3A_4, %mul3A_384 : i32
      %jit3A_386 = arith.constant 128 : i32
      %div3A = arith.divsi %add3A_385, %jit3A_386 : i32
      %sign3A = arith.constant 0 : i32
      %sign3A_387 = arith.cmpi sgt, %add3A_385, %sign3A : i32
      %sign3A_388 = arith.extui %sign3A_387 : i1 to i32
      %sign3A_389 = arith.constant 0 : i32
      %sign3A_390 = arith.cmpi slt, %add3A_385, %sign3A_389 : i32
      %sign3A_391 = arith.extui %sign3A_390 : i1 to i32
      %sign3A_392 = arith.subi %sign3A_388, %sign3A_391 : i32
      %sign3A_393 = arith.constant 0 : i32
      %sign3A_394 = arith.cmpi sgt, %jit3A_386, %sign3A_393 : i32
      %sign3A_395 = arith.extui %sign3A_394 : i1 to i32
      %sign3A_396 = arith.constant 0 : i32
      %sign3A_397 = arith.cmpi slt, %jit3A_386, %sign3A_396 : i32
      %sign3A_398 = arith.extui %sign3A_397 : i1 to i32
      %sign3A_399 = arith.subi %sign3A_395, %sign3A_398 : i32
      %ne3A = arith.cmpi ne, %sign3A_392, %sign3A_399 : i32
      %rem3A = arith.remsi %add3A_385, %jit3A_386 : i32
      %ne3A_400 = arith.constant 0 : i32
      %ne3A_401 = arith.cmpi ne, %rem3A, %ne3A_400 : i32
      %and3A = arith.andi %ne3A, %ne3A_401 : i1
      %sub3A = arith.constant 1 : i32
      %sub3A_402 = arith.subi %div3A, %sub3A : i32
      %select_n3A_403 = arith.select %and3A, %sub3A_402, %div3A : i32
      %jit3A_404 = arith.constant 128 : i32
      %eq3A_405 = arith.constant 0 : i32
      %eq3A_406 = arith.cmpi eq, %jit3A_404, %eq3A_405 : i32
      %jit3A_407 = arith.constant 1 : i32
      %select_n3A_408 = arith.select %eq3A_406, %jit3A_407, %jit3A_404 : i32
      %rem3A_409 = arith.remsi %add3A_385, %select_n3A_408 : i32
      %ne3A_410 = arith.constant 0 : i32
      %ne3A_411 = arith.cmpi ne, %rem3A_409, %ne3A_410 : i32
      %lt3A = arith.constant 0 : i32
      %lt3A_412 = arith.cmpi slt, %rem3A_409, %lt3A : i32
      %lt3A_413 = arith.constant 0 : i32
      %lt3A_414 = arith.cmpi slt, %select_n3A_408, %lt3A_413 : i32
      %ne3A_415 = arith.xori %lt3A_412, %lt3A_414 : i1
      %and3A_416 = arith.andi %ne3A_415, %ne3A_411 : i1
      %add3A_417 = arith.addi %rem3A_409, %select_n3A_408 : i32
      %select_n3A_418 = arith.select %and3A_416, %add3A_417, %rem3A_409 : i32
      %get3A = arith.index_cast %select_n3A_403 : i32 to index
      %get3A_419 = arith.index_cast %select_n3A_418 : i32 to index
      %get3A_420 = tpu.vector_load %arg11[%get3A, %get3A_419] {strides = array<i32>} : memref<80x128xf32, #tpu.memory_space<vmem>>, vector<16xf32>,
      %mul3A_421 = arith.constant 16 : i32
      %mul3A_422 = arith.muli %scan3A_381, %mul3A_421 : i32
      %add3A_423 = arith.constant 0 : i32
      %add3A_424 = arith.addi %mul3A_422, %add3A_423 : i32
      %get3A_425 = arith.index_cast %add3A_424 : i32 to index
      %get3A_426 = arith.constant 0 : index
      %get3A_427 = tpu.vector_load %arg14[%get3A_425, %get3A_426] {strides = array<i32>} : memref<640x16xf32, #tpu.memory_space<vmem>>, vector<16xf32>,
      %slice3A = vector.extract_strided_slice %get3A_420 {offsets = [0], sizes = [1], strides = [1]} : vector<16xf32> to vector<1xf32>
      %squeeze3A = vector.extract %slice3A[0] : f32 from vector<1xf32>
      %mul3A_428 = vector.broadcast %squeeze3A : f32 to vector<16xf32>
      %mul3A_429 = arith.mulf %get3A_427, %mul3A_428 : vector<16xf32>
      %mul3A_430 = arith.constant 16 : i32
      %mul3A_431 = arith.muli %scan3A_381, %mul3A_430 : i32
      %add3A_432 = arith.constant 0 : i32
      %add3A_433 = arith.addi %mul3A_431, %add3A_432 : i32
      %swap3A_434 = arith.index_cast %add3A_433 : i32 to index
      %swap3A_435 = arith.constant 0 : index
      %swap3A_436 = tpu.vector_load %arg14[%swap3A_434, %swap3A_435] {strides = array<i32>} : memref<640x16xf32, #tpu.memory_space<vmem>>, vector<16xf32>,
      tpu.vector_store %arg14[%swap3A_434, %swap3A_435], %mul3A_429 {strides = array<i32>} : memref<640x16xf32, #tpu.memory_space<vmem>>, vector<16xf32>,
      %mul3A_437 = arith.constant 16 : i32
      %mul3A_438 = arith.muli %scan3A_381, %mul3A_437 : i32
      %add3A_439 = arith.constant 1 : i32
      %add3A_440 = arith.addi %mul3A_438, %add3A_439 : i32
      %get3A_441 = arith.index_cast %add3A_440 : i32 to index
      %get3A_442 = arith.constant 0 : index
      %get3A_443 = tpu.vector_load %arg14[%get3A_441, %get3A_442] {strides = array<i32>} : memref<640x16xf32, #tpu.memory_space<vmem>>, vector<16xf32>,
      %slice3A_444 = vector.extract_strided_slice %get3A_420 {offsets = [1], sizes = [1], strides = [1]} : vector<16xf32> to vector<1xf32>
      %squeeze3A_445 = vector.extract %slice3A_444[0] : f32 from vector<1xf32>
      %mul3A_446 = vector.broadcast %squeeze3A_445 : f32 to vector<16xf32>
      %mul3A_447 = arith.mulf %get3A_443, %mul3A_446 : vector<16xf32>
      %mul3A_448 = arith.constant 16 : i32
      %mul3A_449 = arith.muli %scan3A_381, %mul3A_448 : i32
      %add3A_450 = arith.constant 1 : i32
      %add3A_451 = arith.addi %mul3A_449, %add3A_450 : i32
      %swap3A_452 = arith.index_cast %add3A_451 : i32 to index
      %swap3A_453 = arith.constant 0 : index
      %swap3A_454 = tpu.vector_load %arg14[%swap3A_452, %swap3A_453] {strides = array<i32>} : memref<640x16xf32, #tpu.memory_space<vmem>>, vector<16xf32>,
      tpu.vector_store %arg14[%swap3A_452, %swap3A_453], %mul3A_447 {strides = array<i32>} : memref<640x16xf32, #tpu.memory_space<vmem>>, vector<16xf32>,
      %mul3A_455 = arith.constant 16 : i32
      %mul3A_456 = arith.muli %scan3A_381, %mul3A_455 : i32
      %add3A_457 = arith.constant 2 : i32
      %add3A_458 = arith.addi %mul3A_456, %add3A_457 : i32
      %get3A_459 = arith.index_cast %add3A_458 : i32 to index
      %get3A_460 = arith.constant 0 : index
      %get3A_461 = tpu.vector_load %arg14[%get3A_459, %get3A_460] {strides = array<i32>} : memref<640x16xf32, #tpu.memory_space<vmem>>, vector<16xf32>,
      %slice3A_462 = vector.extract_strided_slice %get3A_420 {offsets = [2], sizes = [1], strides = [1]} : vector<16xf32> to vector<1xf32>
      %squeeze3A_463 = vector.extract %slice3A_462[0] : f32 from vector<1xf32>
      %mul3A_464 = vector.broadcast %squeeze3A_463 : f32 to vector<16xf32>
      %mul3A_465 = arith.mulf %get3A_461, %mul3A_464 : vector<16xf32>
      %mul3A_466 = arith.constant 16 : i32
      %mul3A_467 = arith.muli %scan3A_381, %mul3A_466 : i32
      %add3A_468 = arith.constant 2 : i32
      %add3A_469 = arith.addi %mul3A_467, %add3A_468 : i32
      %swap3A_470 = arith.index_cast %add3A_469 : i32 to index
      %swap3A_471 = arith.constant 0 : index
      %swap3A_472 = tpu.vector_load %arg14[%swap3A_470, %swap3A_471] {strides = array<i32>} : memref<640x16xf32, #tpu.memory_space<vmem>>, vector<16xf32>,
      tpu.vector_store %arg14[%swap3A_470, %swap3A_471], %mul3A_465 {strides = array<i32>} : memref<640x16xf32, #tpu.memory_space<vmem>>, vector<16xf32>,
      %mul3A_473 = arith.constant 16 : i32
      %mul3A_474 = arith.muli %scan3A_381, %mul3A_473 : i32
      %add3A_475 = arith.constant 3 : i32
      %add3A_476 = arith.addi %mul3A_474, %add3A_475 : i32
      %get3A_477 = arith.index_cast %add3A_476 : i32 to index
      %get3A_478 = arith.constant 0 : index
      %get3A_479 = tpu.vector_load %arg14[%get3A_477, %get3A_478] {strides = array<i32>} : memref<640x16xf32, #tpu.memory_space<vmem>>, vector<16xf32>,
      %slice3A_480 = vector.extract_strided_slice %get3A_420 {offsets = [3], sizes = [1], strides = [1]} : vector<16xf32> to vector<1xf32>
      %squeeze3A_481 = vector.extract %slice3A_480[0] : f32 from vector<1xf32>
      %mul3A_482 = vector.broadcast %squeeze3A_481 : f32 to vector<16xf32>
      %mul3A_483 = arith.mulf %get3A_479, %mul3A_482 : vector<16xf32>
      %mul3A_484 = arith.constant 16 : i32
      %mul3A_485 = arith.muli %scan3A_381, %mul3A_484 : i32
      %add3A_486 = arith.constant 3 : i32
      %add3A_487 = arith.addi %mul3A_485, %add3A_486 : i32
      %swap3A_488 = arith.index_cast %add3A_487 : i32 to index
      %swap3A_489 = arith.constant 0 : index
      %swap3A_490 = tpu.vector_load %arg14[%swap3A_488, %swap3A_489] {strides = array<i32>} : memref<640x16xf32, #tpu.memory_space<vmem>>, vector<16xf32>,
      tpu.vector_store %arg14[%swap3A_488, %swap3A_489], %mul3A_483 {strides = array<i32>} : memref<640x16xf32, #tpu.memory_space<vmem>>, vector<16xf32>,
      %mul3A_491 = arith.constant 16 : i32
      %mul3A_492 = arith.muli %scan3A_381, %mul3A_491 : i32
      %add3A_493 = arith.constant 4 : i32
      %add3A_494 = arith.addi %mul3A_492, %add3A_493 : i32
      %get3A_495 = arith.index_cast %add3A_494 : i32 to index
      %get3A_496 = arith.constant 0 : index
      %get3A_497 = tpu.vector_load %arg14[%get3A_495, %get3A_496] {strides = array<i32>} : memref<640x16xf32, #tpu.memory_space<vmem>>, vector<16xf32>,
      %slice3A_498 = vector.extract_strided_slice %get3A_420 {offsets = [4], sizes = [1], strides = [1]} : vector<16xf32> to vector<1xf32>
      %squeeze3A_499 = vector.extract %slice3A_498[0] : f32 from vector<1xf32>
      %mul3A_500 = vector.broadcast %squeeze3A_499 : f32 to vector<16xf32>
      %mul3A_501 = arith.mulf %get3A_497, %mul3A_500 : vector<16xf32>
      %mul3A_502 = arith.constant 16 : i32
      %mul3A_503 = arith.muli %scan3A_381, %mul3A_502 : i32
      %add3A_504 = arith.constant 4 : i32
      %add3A_505 = arith.addi %mul3A_503, %add3A_504 : i32
      %swap3A_506 = arith.index_cast %add3A_505 : i32 to index
      %swap3A_507 = arith.constant 0 : index
      %swap3A_508 = tpu.vector_load %arg14[%swap3A_506, %swap3A_507] {strides = array<i32>} : memref<640x16xf32, #tpu.memory_space<vmem>>, vector<16xf32>,
      tpu.vector_store %arg14[%swap3A_506, %swap3A_507], %mul3A_501 {strides = array<i32>} : memref<640x16xf32, #tpu.memory_space<vmem>>, vector<16xf32>,
      %mul3A_509 = arith.constant 16 : i32
      %mul3A_510 = arith.muli %scan3A_381, %mul3A_509 : i32
      %add3A_511 = arith.constant 5 : i32
      %add3A_512 = arith.addi %mul3A_510, %add3A_511 : i32
      %get3A_513 = arith.index_cast %add3A_512 : i32 to index
      %get3A_514 = arith.constant 0 : index
      %get3A_515 = tpu.vector_load %arg14[%get3A_513, %get3A_514] {strides = array<i32>} : memref<640x16xf32, #tpu.memory_space<vmem>>, vector<16xf32>,
      %slice3A_516 = vector.extract_strided_slice %get3A_420 {offsets = [5], sizes = [1], strides = [1]} : vector<16xf32> to vector<1xf32>
      %squeeze3A_517 = vector.extract %slice3A_516[0] : f32 from vector<1xf32>
      %mul3A_518 = vector.broadcast %squeeze3A_517 : f32 to vector<16xf32>
      %mul3A_519 = arith.mulf %get3A_515, %mul3A_518 : vector<16xf32>
      %mul3A_520 = arith.constant 16 : i32
      %mul3A_521 = arith.muli %scan3A_381, %mul3A_520 : i32
      %add3A_522 = arith.constant 5 : i32
      %add3A_523 = arith.addi %mul3A_521, %add3A_522 : i32
      %swap3A_524 = arith.index_cast %add3A_523 : i32 to index
      %swap3A_525 = arith.constant 0 : index
      %swap3A_526 = tpu.vector_load %arg14[%swap3A_524, %swap3A_525] {strides = array<i32>} : memref<640x16xf32, #tpu.memory_space<vmem>>, vector<16xf32>,
      tpu.vector_store %arg14[%swap3A_524, %swap3A_525], %mul3A_519 {strides = array<i32>} : memref<640x16xf32, #tpu.memory_space<vmem>>, vector<16xf32>,
      %mul3A_527 = arith.constant 16 : i32
      %mul3A_528 = arith.muli %scan3A_381, %mul3A_527 : i32
      %add3A_529 = arith.constant 6 : i32
      %add3A_530 = arith.addi %mul3A_528, %add3A_529 : i32
      %get3A_531 = arith.index_cast %add3A_530 : i32 to index
      %get3A_532 = arith.constant 0 : index
      %get3A_533 = tpu.vector_load %arg14[%get3A_531, %get3A_532] {strides = array<i32>} : memref<640x16xf32, #tpu.memory_space<vmem>>, vector<16xf32>,
      %slice3A_534 = vector.extract_strided_slice %get3A_420 {offsets = [6], sizes = [1], strides = [1]} : vector<16xf32> to vector<1xf32>
      %squeeze3A_535 = vector.extract %slice3A_534[0] : f32 from vector<1xf32>
      %mul3A_536 = vector.broadcast %squeeze3A_535 : f32 to vector<16xf32>
      %mul3A_537 = arith.mulf %get3A_533, %mul3A_536 : vector<16xf32>
      %mul3A_538 = arith.constant 16 : i32
      %mul3A_539 = arith.muli %scan3A_381, %mul3A_538 : i32
      %add3A_540 = arith.constant 6 : i32
      %add3A_541 = arith.addi %mul3A_539, %add3A_540 : i32
      %swap3A_542 = arith.index_cast %add3A_541 : i32 to index
      %swap3A_543 = arith.constant 0 : index
      %swap3A_544 = tpu.vector_load %arg14[%swap3A_542, %swap3A_543] {strides = array<i32>} : memref<640x16xf32, #tpu.memory_space<vmem>>, vector<16xf32>,
      tpu.vector_store %arg14[%swap3A_542, %swap3A_543], %mul3A_537 {strides = array<i32>} : memref<640x16xf32, #tpu.memory_space<vmem>>, vector<16xf32>,
      %mul3A_545 = arith.constant 16 : i32
      %mul3A_546 = arith.muli %scan3A_381, %mul3A_545 : i32
      %add3A_547 = arith.constant 7 : i32
      %add3A_548 = arith.addi %mul3A_546, %add3A_547 : i32
      %get3A_549 = arith.index_cast %add3A_548 : i32 to index
      %get3A_550 = arith.constant 0 : index
      %get3A_551 = tpu.vector_load %arg14[%get3A_549, %get3A_550] {strides = array<i32>} : memref<640x16xf32, #tpu.memory_space<vmem>>, vector<16xf32>,
      %slice3A_552 = vector.extract_strided_slice %get3A_420 {offsets = [7], sizes = [1], strides = [1]} : vector<16xf32> to vector<1xf32>
      %squeeze3A_553 = vector.extract %slice3A_552[0] : f32 from vector<1xf32>
      %mul3A_554 = vector.broadcast %squeeze3A_553 : f32 to vector<16xf32>
      %mul3A_555 = arith.mulf %get3A_551, %mul3A_554 : vector<16xf32>
      %mul3A_556 = arith.constant 16 : i32
      %mul3A_557 = arith.muli %scan3A_381, %mul3A_556 : i32
      %add3A_558 = arith.constant 7 : i32
      %add3A_559 = arith.addi %mul3A_557, %add3A_558 : i32
      %swap3A_560 = arith.index_cast %add3A_559 : i32 to index
      %swap3A_561 = arith.constant 0 : index
      %swap3A_562 = tpu.vector_load %arg14[%swap3A_560, %swap3A_561] {strides = array<i32>} : memref<640x16xf32, #tpu.memory_space<vmem>>, vector<16xf32>,
      tpu.vector_store %arg14[%swap3A_560, %swap3A_561], %mul3A_555 {strides = array<i32>} : memref<640x16xf32, #tpu.memory_space<vmem>>, vector<16xf32>,
      %mul3A_563 = arith.constant 16 : i32
      %mul3A_564 = arith.muli %scan3A_381, %mul3A_563 : i32
      %add3A_565 = arith.constant 8 : i32
      %add3A_566 = arith.addi %mul3A_564, %add3A_565 : i32
      %get3A_567 = arith.index_cast %add3A_566 : i32 to index
      %get3A_568 = arith.constant 0 : index
      %get3A_569 = tpu.vector_load %arg14[%get3A_567, %get3A_568] {strides = array<i32>} : memref<640x16xf32, #tpu.memory_space<vmem>>, vector<16xf32>,
      %slice3A_570 = vector.extract_strided_slice %get3A_420 {offsets = [8], sizes = [1], strides = [1]} : vector<16xf32> to vector<1xf32>
      %squeeze3A_571 = vector.extract %slice3A_570[0] : f32 from vector<1xf32>
      %mul3A_572 = vector.broadcast %squeeze3A_571 : f32 to vector<16xf32>
      %mul3A_573 = arith.mulf %get3A_569, %mul3A_572 : vector<16xf32>
      %mul3A_574 = arith.constant 16 : i32
      %mul3A_575 = arith.muli %scan3A_381, %mul3A_574 : i32
      %add3A_576 = arith.constant 8 : i32
      %add3A_577 = arith.addi %mul3A_575, %add3A_576 : i32
      %swap3A_578 = arith.index_cast %add3A_577 : i32 to index
      %swap3A_579 = arith.constant 0 : index
      %swap3A_580 = tpu.vector_load %arg14[%swap3A_578, %swap3A_579] {strides = array<i32>} : memref<640x16xf32, #tpu.memory_space<vmem>>, vector<16xf32>,
      tpu.vector_store %arg14[%swap3A_578, %swap3A_579], %mul3A_573 {strides = array<i32>} : memref<640x16xf32, #tpu.memory_space<vmem>>, vector<16xf32>,
      %mul3A_581 = arith.constant 16 : i32
      %mul3A_582 = arith.muli %scan3A_381, %mul3A_581 : i32
      %add3A_583 = arith.constant 9 : i32
      %add3A_584 = arith.addi %mul3A_582, %add3A_583 : i32
      %get3A_585 = arith.index_cast %add3A_584 : i32 to index
      %get3A_586 = arith.constant 0 : index
      %get3A_587 = tpu.vector_load %arg14[%get3A_585, %get3A_586] {strides = array<i32>} : memref<640x16xf32, #tpu.memory_space<vmem>>, vector<16xf32>,
      %slice3A_588 = vector.extract_strided_slice %get3A_420 {offsets = [9], sizes = [1], strides = [1]} : vector<16xf32> to vector<1xf32>
      %squeeze3A_589 = vector.extract %slice3A_588[0] : f32 from vector<1xf32>
      %mul3A_590 = vector.broadcast %squeeze3A_589 : f32 to vector<16xf32>
      %mul3A_591 = arith.mulf %get3A_587, %mul3A_590 : vector<16xf32>
      %mul3A_592 = arith.constant 16 : i32
      %mul3A_593 = arith.muli %scan3A_381, %mul3A_592 : i32
      %add3A_594 = arith.constant 9 : i32
      %add3A_595 = arith.addi %mul3A_593, %add3A_594 : i32
      %swap3A_596 = arith.index_cast %add3A_595 : i32 to index
      %swap3A_597 = arith.constant 0 : index
      %swap3A_598 = tpu.vector_load %arg14[%swap3A_596, %swap3A_597] {strides = array<i32>} : memref<640x16xf32, #tpu.memory_space<vmem>>, vector<16xf32>,
      tpu.vector_store %arg14[%swap3A_596, %swap3A_597], %mul3A_591 {strides = array<i32>} : memref<640x16xf32, #tpu.memory_space<vmem>>, vector<16xf32>,
      %mul3A_599 = arith.constant 16 : i32
      %mul3A_600 = arith.muli %scan3A_381, %mul3A_599 : i32
      %add3A_601 = arith.constant 10 : i32
      %add3A_602 = arith.addi %mul3A_600, %add3A_601 : i32
      %get3A_603 = arith.index_cast %add3A_602 : i32 to index
      %get3A_604 = arith.constant 0 : index
      %get3A_605 = tpu.vector_load %arg14[%get3A_603, %get3A_604] {strides = array<i32>} : memref<640x16xf32, #tpu.memory_space<vmem>>, vector<16xf32>,
      %slice3A_606 = vector.extract_strided_slice %get3A_420 {offsets = [10], sizes = [1], strides = [1]} : vector<16xf32> to vector<1xf32>
      %squeeze3A_607 = vector.extract %slice3A_606[0] : f32 from vector<1xf32>
      %mul3A_608 = vector.broadcast %squeeze3A_607 : f32 to vector<16xf32>
      %mul3A_609 = arith.mulf %get3A_605, %mul3A_608 : vector<16xf32>
      %mul3A_610 = arith.constant 16 : i32
      %mul3A_611 = arith.muli %scan3A_381, %mul3A_610 : i32
      %add3A_612 = arith.constant 10 : i32
      %add3A_613 = arith.addi %mul3A_611, %add3A_612 : i32
      %swap3A_614 = arith.index_cast %add3A_613 : i32 to index
      %swap3A_615 = arith.constant 0 : index
      %swap3A_616 = tpu.vector_load %arg14[%swap3A_614, %swap3A_615] {strides = array<i32>} : memref<640x16xf32, #tpu.memory_space<vmem>>, vector<16xf32>,
      tpu.vector_store %arg14[%swap3A_614, %swap3A_615], %mul3A_609 {strides = array<i32>} : memref<640x16xf32, #tpu.memory_space<vmem>>, vector<16xf32>,
      %mul3A_617 = arith.constant 16 : i32
      %mul3A_618 = arith.muli %scan3A_381, %mul3A_617 : i32
      %add3A_619 = arith.constant 11 : i32
      %add3A_620 = arith.addi %mul3A_618, %add3A_619 : i32
      %get3A_621 = arith.index_cast %add3A_620 : i32 to index
      %get3A_622 = arith.constant 0 : index
      %get3A_623 = tpu.vector_load %arg14[%get3A_621, %get3A_622] {strides = array<i32>} : memref<640x16xf32, #tpu.memory_space<vmem>>, vector<16xf32>,
      %slice3A_624 = vector.extract_strided_slice %get3A_420 {offsets = [11], sizes = [1], strides = [1]} : vector<16xf32> to vector<1xf32>
      %squeeze3A_625 = vector.extract %slice3A_624[0] : f32 from vector<1xf32>
      %mul3A_626 = vector.broadcast %squeeze3A_625 : f32 to vector<16xf32>
      %mul3A_627 = arith.mulf %get3A_623, %mul3A_626 : vector<16xf32>
      %mul3A_628 = arith.constant 16 : i32
      %mul3A_629 = arith.muli %scan3A_381, %mul3A_628 : i32
      %add3A_630 = arith.constant 11 : i32
      %add3A_631 = arith.addi %mul3A_629, %add3A_630 : i32
      %swap3A_632 = arith.index_cast %add3A_631 : i32 to index
      %swap3A_633 = arith.constant 0 : index
      %swap3A_634 = tpu.vector_load %arg14[%swap3A_632, %swap3A_633] {strides = array<i32>} : memref<640x16xf32, #tpu.memory_space<vmem>>, vector<16xf32>,
      tpu.vector_store %arg14[%swap3A_632, %swap3A_633], %mul3A_627 {strides = array<i32>} : memref<640x16xf32, #tpu.memory_space<vmem>>, vector<16xf32>,
      %mul3A_635 = arith.constant 16 : i32
      %mul3A_636 = arith.muli %scan3A_381, %mul3A_635 : i32
      %add3A_637 = arith.constant 12 : i32
      %add3A_638 = arith.addi %mul3A_636, %add3A_637 : i32
      %get3A_639 = arith.index_cast %add3A_638 : i32 to index
      %get3A_640 = arith.constant 0 : index
      %get3A_641 = tpu.vector_load %arg14[%get3A_639, %get3A_640] {strides = array<i32>} : memref<640x16xf32, #tpu.memory_space<vmem>>, vector<16xf32>,
      %slice3A_642 = vector.extract_strided_slice %get3A_420 {offsets = [12], sizes = [1], strides = [1]} : vector<16xf32> to vector<1xf32>
      %squeeze3A_643 = vector.extract %slice3A_642[0] : f32 from vector<1xf32>
      %mul3A_644 = vector.broadcast %squeeze3A_643 : f32 to vector<16xf32>
      %mul3A_645 = arith.mulf %get3A_641, %mul3A_644 : vector<16xf32>
      %mul3A_646 = arith.constant 16 : i32
      %mul3A_647 = arith.muli %scan3A_381, %mul3A_646 : i32
      %add3A_648 = arith.constant 12 : i32
      %add3A_649 = arith.addi %mul3A_647, %add3A_648 : i32
      %swap3A_650 = arith.index_cast %add3A_649 : i32 to index
      %swap3A_651 = arith.constant 0 : index
      %swap3A_652 = tpu.vector_load %arg14[%swap3A_650, %swap3A_651] {strides = array<i32>} : memref<640x16xf32, #tpu.memory_space<vmem>>, vector<16xf32>,
      tpu.vector_store %arg14[%swap3A_650, %swap3A_651], %mul3A_645 {strides = array<i32>} : memref<640x16xf32, #tpu.memory_space<vmem>>, vector<16xf32>,
      %mul3A_653 = arith.constant 16 : i32
      %mul3A_654 = arith.muli %scan3A_381, %mul3A_653 : i32
      %add3A_655 = arith.constant 13 : i32
      %add3A_656 = arith.addi %mul3A_654, %add3A_655 : i32
      %get3A_657 = arith.index_cast %add3A_656 : i32 to index
      %get3A_658 = arith.constant 0 : index
      %get3A_659 = tpu.vector_load %arg14[%get3A_657, %get3A_658] {strides = array<i32>} : memref<640x16xf32, #tpu.memory_space<vmem>>, vector<16xf32>,
      %slice3A_660 = vector.extract_strided_slice %get3A_420 {offsets = [13], sizes = [1], strides = [1]} : vector<16xf32> to vector<1xf32>
      %squeeze3A_661 = vector.extract %slice3A_660[0] : f32 from vector<1xf32>
      %mul3A_662 = vector.broadcast %squeeze3A_661 : f32 to vector<16xf32>
      %mul3A_663 = arith.mulf %get3A_659, %mul3A_662 : vector<16xf32>
      %mul3A_664 = arith.constant 16 : i32
      %mul3A_665 = arith.muli %scan3A_381, %mul3A_664 : i32
      %add3A_666 = arith.constant 13 : i32
      %add3A_667 = arith.addi %mul3A_665, %add3A_666 : i32
      %swap3A_668 = arith.index_cast %add3A_667 : i32 to index
      %swap3A_669 = arith.constant 0 : index
      %swap3A_670 = tpu.vector_load %arg14[%swap3A_668, %swap3A_669] {strides = array<i32>} : memref<640x16xf32, #tpu.memory_space<vmem>>, vector<16xf32>,
      tpu.vector_store %arg14[%swap3A_668, %swap3A_669], %mul3A_663 {strides = array<i32>} : memref<640x16xf32, #tpu.memory_space<vmem>>, vector<16xf32>,
      %mul3A_671 = arith.constant 16 : i32
      %mul3A_672 = arith.muli %scan3A_381, %mul3A_671 : i32
      %add3A_673 = arith.constant 14 : i32
      %add3A_674 = arith.addi %mul3A_672, %add3A_673 : i32
      %get3A_675 = arith.index_cast %add3A_674 : i32 to index
      %get3A_676 = arith.constant 0 : index
      %get3A_677 = tpu.vector_load %arg14[%get3A_675, %get3A_676] {strides = array<i32>} : memref<640x16xf32, #tpu.memory_space<vmem>>, vector<16xf32>,
      %slice3A_678 = vector.extract_strided_slice %get3A_420 {offsets = [14], sizes = [1], strides = [1]} : vector<16xf32> to vector<1xf32>
      %squeeze3A_679 = vector.extract %slice3A_678[0] : f32 from vector<1xf32>
      %mul3A_680 = vector.broadcast %squeeze3A_679 : f32 to vector<16xf32>
      %mul3A_681 = arith.mulf %get3A_677, %mul3A_680 : vector<16xf32>
      %mul3A_682 = arith.constant 16 : i32
      %mul3A_683 = arith.muli %scan3A_381, %mul3A_682 : i32
      %add3A_684 = arith.constant 14 : i32
      %add3A_685 = arith.addi %mul3A_683, %add3A_684 : i32
      %swap3A_686 = arith.index_cast %add3A_685 : i32 to index
      %swap3A_687 = arith.constant 0 : index
      %swap3A_688 = tpu.vector_load %arg14[%swap3A_686, %swap3A_687] {strides = array<i32>} : memref<640x16xf32, #tpu.memory_space<vmem>>, vector<16xf32>,
      tpu.vector_store %arg14[%swap3A_686, %swap3A_687], %mul3A_681 {strides = array<i32>} : memref<640x16xf32, #tpu.memory_space<vmem>>, vector<16xf32>,
      %mul3A_689 = arith.constant 16 : i32
      %mul3A_690 = arith.muli %scan3A_381, %mul3A_689 : i32
      %add3A_691 = arith.constant 15 : i32
      %add3A_692 = arith.addi %mul3A_690, %add3A_691 : i32
      %get3A_693 = arith.index_cast %add3A_692 : i32 to index
      %get3A_694 = arith.constant 0 : index
      %get3A_695 = tpu.vector_load %arg14[%get3A_693, %get3A_694] {strides = array<i32>} : memref<640x16xf32, #tpu.memory_space<vmem>>, vector<16xf32>,
      %slice3A_696 = vector.extract_strided_slice %get3A_420 {offsets = [15], sizes = [1], strides = [1]} : vector<16xf32> to vector<1xf32>
      %squeeze3A_697 = vector.extract %slice3A_696[0] : f32 from vector<1xf32>
      %mul3A_698 = vector.broadcast %squeeze3A_697 : f32 to vector<16xf32>
      %mul3A_699 = arith.mulf %get3A_695, %mul3A_698 : vector<16xf32>
      %mul3A_700 = arith.constant 16 : i32
      %mul3A_701 = arith.muli %scan3A_381, %mul3A_700 : i32
      %add3A_702 = arith.constant 15 : i32
      %add3A_703 = arith.addi %mul3A_701, %add3A_702 : i32
      %swap3A_704 = arith.index_cast %add3A_703 : i32 to index
      %swap3A_705 = arith.constant 0 : index
      %swap3A_706 = tpu.vector_load %arg14[%swap3A_704, %swap3A_705] {strides = array<i32>} : memref<640x16xf32, #tpu.memory_space<vmem>>, vector<16xf32>,
      tpu.vector_store %arg14[%swap3A_704, %swap3A_705], %mul3A_699 {strides = array<i32>} : memref<640x16xf32, #tpu.memory_space<vmem>>, vector<16xf32>,
      %scan3A_707 = arith.constant 0 : i32
      scf.yield %scan3A_707 : i32
    }
    %scan3A_116 = arith.constant 40 : i32
    "tpu.region"() ({
      %run_scoped3A_381 = tpu.sem_alloc : memref<!tpu.dma_semaphore, #tpu.memory_space<semaphore_mem>>
      %dma_start3A_382 = arith.constant 0 : i32
      %dma_start3A_383 = tpu.memref_slice %arg23[%mul3A_4, %dma_start3A_382] : memref<10240x16xf32, #tpu.memory_space<vmem_shared>> -> memref<640x16xf32, #tpu.memory_space<vmem_shared>>
      %dma_start3A_384 = arith.constant 0 : i32
      %dma_start3A_385 = tpu.memref_slice %arg23[%mul3A_4, %dma_start3A_384] : memref<10240x16xf32, #tpu.memory_space<vmem_shared>> -> memref<640x16xf32, #tpu.memory_space<vmem_shared>>
      tpu.enqueue_dma source(%arg14 : memref<640x16xf32, #tpu.memory_space<vmem>>) target(%dma_start3A_385 : memref<640x16xf32, #tpu.memory_space<vmem_shared>>) target_semaphore(%run_scoped3A_381 : memref<!tpu.dma_semaphore, #tpu.memory_space<semaphore_mem>>)
      %dma_wait3A_386 = arith.constant 0 : i32
      %dma_wait3A_387 = tpu.memref_slice %arg23[%mul3A_4, %dma_wait3A_386] : memref<10240x16xf32, #tpu.memory_space<vmem_shared>> -> memref<640x16xf32, #tpu.memory_space<vmem_shared>>
      %dma_wait3A_388 = arith.constant 0 : i32
      %dma_wait3A_389 = tpu.memref_slice %arg23[%mul3A_4, %dma_wait3A_388] : memref<10240x16xf32, #tpu.memory_space<vmem_shared>> -> memref<640x16xf32, #tpu.memory_space<vmem_shared>>
      tpu.wait_dma2 semaphore(%run_scoped3A_381 : memref<!tpu.dma_semaphore, #tpu.memory_space<semaphore_mem>>) src(%arg14 : memref<640x16xf32, #tpu.memory_space<vmem>>) dst(%dma_wait3A_389 : memref<640x16xf32, #tpu.memory_space<vmem_shared>>)
      tpu.yield
    }) : () -> ()
    %barrier3A_117 = arith.constant 0 : index
    tpu.barrier barrier_id(%barrier3A_117)
    %add3A_118 = arith.constant 0 : i32
    %add3A_119 = arith.addi %mul3A_2, %add3A_118 : i32
    %dma_start3A_120 = arith.constant 1 : i32
    %dma_start3A_121 = arith.constant 0 : i32
    %dma_start3A_122 = arith.constant 0 : i32
    %dma_start3A_123 = tpu.memref_slice %arg9[%dma_start3A_121, %dma_start3A_122] : memref<4x128xi32, #tpu.memory_space<vmem>> -> memref<1x128xi32, #tpu.memory_space<vmem>>
    %dma_start3A_124 = tpu.memref_squeeze %dma_start3A_123 : memref<1x128xi32, #tpu.memory_space<vmem>> -> memref<128xi32, #tpu.memory_space<vmem>>
    %dma_start3A_125 = tpu.memref_slice %arg2[%dma_start3A_120, %add3A_119] : memref<2x320000xi32, #tpu.memory_space<hbm>> -> memref<1x128xi32, #tpu.memory_space<hbm>>
    %dma_start3A_126 = tpu.memref_squeeze %dma_start3A_125 : memref<1x128xi32, #tpu.memory_space<hbm>> -> memref<128xi32, #tpu.memory_space<hbm>>
    %dma_start3A_127 = arith.constant 0 : i32
    %dma_start3A_128 = tpu.memref_slice %arg9[%dma_start3A_121, %dma_start3A_127] : memref<4x128xi32, #tpu.memory_space<vmem>> -> memref<1x128xi32, #tpu.memory_space<vmem>>
    %dma_start3A_129 = tpu.memref_squeeze %dma_start3A_128 : memref<1x128xi32, #tpu.memory_space<vmem>> -> memref<128xi32, #tpu.memory_space<vmem>>
    %dma_start3A_130 = tpu.memref_slice %arg2[%dma_start3A_120, %add3A_119] : memref<2x320000xi32, #tpu.memory_space<hbm>> -> memref<1x128xi32, #tpu.memory_space<hbm>>
    %dma_start3A_131 = tpu.memref_squeeze %dma_start3A_130 : memref<1x128xi32, #tpu.memory_space<hbm>> -> memref<128xi32, #tpu.memory_space<hbm>>
    tpu.enqueue_dma source(%dma_start3A_131 : memref<128xi32, #tpu.memory_space<hbm>>) target(%dma_start3A_129 : memref<128xi32, #tpu.memory_space<vmem>>) target_semaphore(%arg34 : memref<!tpu.dma_semaphore, #tpu.memory_space<semaphore_mem>>)
    %dma_start3A_132 = arith.constant 0 : i32
    %dma_start3A_133 = arith.constant 0 : i32
    %dma_start3A_134 = arith.constant 0 : i32
    %dma_start3A_135 = tpu.memref_slice %arg17[%dma_start3A_132, %dma_start3A_133, %dma_start3A_134] : memref<4x128x16xf32, #tpu.memory_space<vmem>> -> memref<1x128x16xf32, #tpu.memory_space<vmem>>
    %dma_start3A_136 = tpu.memref_squeeze %dma_start3A_135 : memref<1x128x16xf32, #tpu.memory_space<vmem>> -> memref<128x16xf32, #tpu.memory_space<vmem>>
    %dma_start3A_137 = arith.constant 0 : i32
    %dma_start3A_138 = tpu.memref_slice %arg7[%dma_start3A_137] : memref<10000xi32, #tpu.memory_space<vmem>> -> memref<128xi32, #tpu.memory_space<vmem>>
    %dma_start3A_139 = arith.constant 0 : i32
    %dma_start3A_140 = arith.constant 0 : i32
    %dma_start3A_141 = tpu.memref_slice %arg23[%dma_start3A_139, %dma_start3A_140] : memref<10240x16xf32, #tpu.memory_space<vmem_shared>> -> memref<10240x16xf32, #tpu.memory_space<vmem_shared>>
    tpu.enqueue_indirect_dma source(%dma_start3A_141 : memref<10240x16xf32, #tpu.memory_space<vmem_shared>>) target(%dma_start3A_136 : memref<128x16xf32, #tpu.memory_space<vmem>>) offsets(%dma_start3A_138 : memref<128xi32, #tpu.memory_space<vmem>>) semaphore(%arg26 : memref<!tpu.dma_semaphore, #tpu.memory_space<semaphore_mem>>)
    %add3A_142 = arith.constant 128 : i32
    %add3A_143 = arith.addi %mul3A_2, %add3A_142 : i32
    %dma_start3A_144 = arith.constant 1 : i32
    %dma_start3A_145 = arith.constant 1 : i32
    %dma_start3A_146 = arith.constant 0 : i32
    %dma_start3A_147 = tpu.memref_slice %arg9[%dma_start3A_145, %dma_start3A_146] : memref<4x128xi32, #tpu.memory_space<vmem>> -> memref<1x128xi32, #tpu.memory_space<vmem>>
    %dma_start3A_148 = tpu.memref_squeeze %dma_start3A_147 : memref<1x128xi32, #tpu.memory_space<vmem>> -> memref<128xi32, #tpu.memory_space<vmem>>
    %dma_start3A_149 = tpu.memref_slice %arg2[%dma_start3A_144, %add3A_143] : memref<2x320000xi32, #tpu.memory_space<hbm>> -> memref<1x128xi32, #tpu.memory_space<hbm>>
    %dma_start3A_150 = tpu.memref_squeeze %dma_start3A_149 : memref<1x128xi32, #tpu.memory_space<hbm>> -> memref<128xi32, #tpu.memory_space<hbm>>
    %dma_start3A_151 = arith.constant 0 : i32
    %dma_start3A_152 = tpu.memref_slice %arg9[%dma_start3A_145, %dma_start3A_151] : memref<4x128xi32, #tpu.memory_space<vmem>> -> memref<1x128xi32, #tpu.memory_space<vmem>>
    %dma_start3A_153 = tpu.memref_squeeze %dma_start3A_152 : memref<1x128xi32, #tpu.memory_space<vmem>> -> memref<128xi32, #tpu.memory_space<vmem>>
    %dma_start3A_154 = tpu.memref_slice %arg2[%dma_start3A_144, %add3A_143] : memref<2x320000xi32, #tpu.memory_space<hbm>> -> memref<1x128xi32, #tpu.memory_space<hbm>>
    %dma_start3A_155 = tpu.memref_squeeze %dma_start3A_154 : memref<1x128xi32, #tpu.memory_space<hbm>> -> memref<128xi32, #tpu.memory_space<hbm>>
    tpu.enqueue_dma source(%dma_start3A_155 : memref<128xi32, #tpu.memory_space<hbm>>) target(%dma_start3A_153 : memref<128xi32, #tpu.memory_space<vmem>>) target_semaphore(%arg35 : memref<!tpu.dma_semaphore, #tpu.memory_space<semaphore_mem>>)
    %dma_start3A_156 = arith.constant 1 : i32
    %dma_start3A_157 = arith.constant 0 : i32
    %dma_start3A_158 = arith.constant 0 : i32
    %dma_start3A_159 = tpu.memref_slice %arg17[%dma_start3A_156, %dma_start3A_157, %dma_start3A_158] : memref<4x128x16xf32, #tpu.memory_space<vmem>> -> memref<1x128x16xf32, #tpu.memory_space<vmem>>
    %dma_start3A_160 = tpu.memref_squeeze %dma_start3A_159 : memref<1x128x16xf32, #tpu.memory_space<vmem>> -> memref<128x16xf32, #tpu.memory_space<vmem>>
    %dma_start3A_161 = arith.constant 128 : i32
    %dma_start3A_162 = tpu.memref_slice %arg7[%dma_start3A_161] : memref<10000xi32, #tpu.memory_space<vmem>> -> memref<128xi32, #tpu.memory_space<vmem>>
    %dma_start3A_163 = arith.constant 0 : i32
    %dma_start3A_164 = arith.constant 0 : i32
    %dma_start3A_165 = tpu.memref_slice %arg23[%dma_start3A_163, %dma_start3A_164] : memref<10240x16xf32, #tpu.memory_space<vmem_shared>> -> memref<10240x16xf32, #tpu.memory_space<vmem_shared>>
    tpu.enqueue_indirect_dma source(%dma_start3A_165 : memref<10240x16xf32, #tpu.memory_space<vmem_shared>>) target(%dma_start3A_160 : memref<128x16xf32, #tpu.memory_space<vmem>>) offsets(%dma_start3A_162 : memref<128xi32, #tpu.memory_space<vmem>>) semaphore(%arg27 : memref<!tpu.dma_semaphore, #tpu.memory_space<semaphore_mem>>)
    %scan3A_166 = arith.constant 0 : i32
    %scan3A_167 = arith.constant 0 : i32
    %scan3A_168 = arith.constant 19 : i32
    %scan3A_169 = arith.addi %scan3A_167, %scan3A_168 : i32
    %scan3A_170 = arith.constant 1 : i32
    %scan3A_171 = scf.for %scan3A_381 = %scan3A_167 to %scan3A_169 step %scan3A_170 iter_args(%scan3A_382 = %scan3A_166) -> (i32)  : i32 {
      %mul3A_383 = arith.constant 4 : i32
      %mul3A_384 = arith.muli %scan3A_381, %mul3A_383 : i32
      %add3A_385 = arith.constant 0 : i32
      %add3A_386 = arith.addi %mul3A_384, %add3A_385 : i32
      %dma_wait3A_387 = arith.constant 0 : i32
      %dma_wait3A_388 = arith.constant 0 : i32
      %dma_wait3A_389 = arith.constant 0 : i32
      %dma_wait3A_390 = tpu.memref_slice %arg17[%dma_wait3A_387, %dma_wait3A_388, %dma_wait3A_389] : memref<4x128x16xf32, #tpu.memory_space<vmem>> -> memref<1x128x16xf32, #tpu.memory_space<vmem>>
      %dma_wait3A_391 = tpu.memref_squeeze %dma_wait3A_390 : memref<1x128x16xf32, #tpu.memory_space<vmem>> -> memref<128x16xf32, #tpu.memory_space<vmem>>
      %dma_wait3A_392 = arith.constant 0 : i32
      %dma_wait3A_393 = tpu.memref_slice %arg7[%dma_wait3A_392] : memref<10000xi32, #tpu.memory_space<vmem>> -> memref<128xi32, #tpu.memory_space<vmem>>
      %dma_wait3A_394 = arith.constant 0 : i32
      %dma_wait3A_395 = arith.constant 0 : i32
      %dma_wait3A_396 = tpu.memref_slice %arg23[%dma_wait3A_394, %dma_wait3A_395] : memref<10240x16xf32, #tpu.memory_space<vmem_shared>> -> memref<10240x16xf32, #tpu.memory_space<vmem_shared>>
      tpu.wait_indirect_dma semaphore(%arg26 : memref<!tpu.dma_semaphore, #tpu.memory_space<semaphore_mem>>) src(%dma_wait3A_396 : memref<10240x16xf32, #tpu.memory_space<vmem_shared>>) dst(%dma_wait3A_391 : memref<128x16xf32, #tpu.memory_space<vmem>>)
      %dma_wait3A_397 = arith.constant 1 : i32
      %dma_wait3A_398 = arith.constant 0 : i32
      %dma_wait3A_399 = arith.constant 0 : i32
      %dma_wait3A_400 = tpu.memref_slice %arg9[%dma_wait3A_398, %dma_wait3A_399] : memref<4x128xi32, #tpu.memory_space<vmem>> -> memref<1x128xi32, #tpu.memory_space<vmem>>
      %dma_wait3A_401 = tpu.memref_squeeze %dma_wait3A_400 : memref<1x128xi32, #tpu.memory_space<vmem>> -> memref<128xi32, #tpu.memory_space<vmem>>
      %dma_wait3A_402 = arith.constant 0 : i32
      %dma_wait3A_403 = tpu.memref_slice %arg2[%dma_wait3A_397, %dma_wait3A_402] : memref<2x320000xi32, #tpu.memory_space<hbm>> -> memref<1x128xi32, #tpu.memory_space<hbm>>
      %dma_wait3A_404 = tpu.memref_squeeze %dma_wait3A_403 : memref<1x128xi32, #tpu.memory_space<hbm>> -> memref<128xi32, #tpu.memory_space<hbm>>
      %dma_wait3A_405 = arith.constant 0 : i32
      %dma_wait3A_406 = tpu.memref_slice %arg9[%dma_wait3A_398, %dma_wait3A_405] : memref<4x128xi32, #tpu.memory_space<vmem>> -> memref<1x128xi32, #tpu.memory_space<vmem>>
      %dma_wait3A_407 = tpu.memref_squeeze %dma_wait3A_406 : memref<1x128xi32, #tpu.memory_space<vmem>> -> memref<128xi32, #tpu.memory_space<vmem>>
      %dma_wait3A_408 = arith.constant 0 : i32
      %dma_wait3A_409 = tpu.memref_slice %arg2[%dma_wait3A_397, %dma_wait3A_408] : memref<2x320000xi32, #tpu.memory_space<hbm>> -> memref<1x128xi32, #tpu.memory_space<hbm>>
      %dma_wait3A_410 = tpu.memref_squeeze %dma_wait3A_409 : memref<1x128xi32, #tpu.memory_space<hbm>> -> memref<128xi32, #tpu.memory_space<hbm>>
      tpu.wait_dma2 semaphore(%arg34 : memref<!tpu.dma_semaphore, #tpu.memory_space<semaphore_mem>>) src(%dma_wait3A_410 : memref<128xi32, #tpu.memory_space<hbm>>) dst(%dma_wait3A_407 : memref<128xi32, #tpu.memory_space<vmem>>)
      %parallel_loop3A_411 = arith.constant 0 : i32
      %parallel_loop3A_412 = arith.constant 8 : i32
      %parallel_loop3A_413 = arith.constant 1 : i32
      scf.for %parallel_loop3A_689 = %parallel_loop3A_411 to %parallel_loop3A_412 step %parallel_loop3A_413  : i32 {
        %parallel_loop3A_690 = arith.constant 128 : i32
        %parallel_loop3A_691 = arith.muli %add3A_386, %parallel_loop3A_690 : i32
        %parallel_loop3A_692 = arith.constant 16 : i32
        %parallel_loop3A_693 = arith.muli %parallel_loop3A_689, %parallel_loop3A_692 : i32
        %parallel_loop3A_694 = arith.addi %parallel_loop3A_691, %parallel_loop3A_693 : i32
        %parallel_loop3A_695 = arith.index_cast %parallel_loop3A_694 : i32 to index
        %parallel_loop3A_696 = tpu.vector_load %arg8[%parallel_loop3A_695] {strides = array<i32>} : memref<10000xi32, #tpu.memory_space<vmem>>, vector<16xi32>,
        %parallel_loop3A_697 = arith.index_cast %parallel_loop3A_694 : i32 to index
        %parallel_loop3A_698 = tpu.vector_load %arg7[%parallel_loop3A_697] {strides = array<i32>} : memref<10000xi32, #tpu.memory_space<vmem>>, vector<16xi32>,
        %parallel_loop3A_699 = arith.constant 7 : i32
        %parallel_loop3A_700 = vector.broadcast %parallel_loop3A_699 : i32 to vector<16xi32>
        %parallel_loop3A_701 = arith.shrsi %parallel_loop3A_696, %parallel_loop3A_700 : vector<16xi32>
        %parallel_loop3A_702 = arith.constant 127 : i32
        %parallel_loop3A_703 = vector.broadcast %parallel_loop3A_702 : i32 to vector<16xi32>
        %parallel_loop3A_704 = arith.andi %parallel_loop3A_696, %parallel_loop3A_703 : vector<16xi32>
        %parallel_loop3A_705 = tpu.vector_load_idx %arg11[%parallel_loop3A_701, %parallel_loop3A_704] : memref<80x128xf32, #tpu.memory_space<vmem>>[vector<16xi32>, vector<16xi32>], vector<16xf32>,
        %parallel_loop3A_706 = arith.constant 7 : i32
        %parallel_loop3A_707 = vector.broadcast %parallel_loop3A_706 : i32 to vector<16xi32>
        %parallel_loop3A_708 = arith.shrsi %parallel_loop3A_698, %parallel_loop3A_707 : vector<16xi32>
        %parallel_loop3A_709 = arith.constant 127 : i32
        %parallel_loop3A_710 = vector.broadcast %parallel_loop3A_709 : i32 to vector<16xi32>
        %parallel_loop3A_711 = arith.andi %parallel_loop3A_698, %parallel_loop3A_710 : vector<16xi32>
        tpu.vector_store_idx %arg12[%parallel_loop3A_708, %parallel_loop3A_711], %parallel_loop3A_705 {add = true} : memref<80x128xf32, #tpu.memory_space<vmem>>[vector<16xi32>, vector<16xi32>], vector<16xf32>,
      } {sc.loop_unroll_factor = 4 : i64, sc.parallel_access}
      %dma_start3A_414 = arith.constant 0 : i32
      %dma_start3A_415 = arith.constant 0 : i32
      %dma_start3A_416 = arith.constant 0 : i32
      %dma_start3A_417 = arith.constant 0 : i32
      %dma_start3A_418 = tpu.memref_slice %arg17[%dma_start3A_414, %dma_start3A_416, %dma_start3A_417] : memref<4x128x16xf32, #tpu.memory_space<vmem>> -> memref<1x128x16xf32, #tpu.memory_space<vmem>>
      %dma_start3A_419 = tpu.memref_squeeze %dma_start3A_418 : memref<1x128x16xf32, #tpu.memory_space<vmem>> -> memref<128x16xf32, #tpu.memory_space<vmem>>
      %dma_start3A_420 = arith.constant 0 : i32
      %dma_start3A_421 = tpu.memref_slice %arg9[%dma_start3A_415, %dma_start3A_420] : memref<4x128xi32, #tpu.memory_space<vmem>> -> memref<1x128xi32, #tpu.memory_space<vmem>>
      %dma_start3A_422 = tpu.memref_squeeze %dma_start3A_421 : memref<1x128xi32, #tpu.memory_space<vmem>> -> memref<128xi32, #tpu.memory_space<vmem>>
      %dma_start3A_423 = arith.constant 0 : i32
      %dma_start3A_424 = arith.constant 0 : i32
      %dma_start3A_425 = tpu.memref_slice %arg22[%dma_start3A_423, %dma_start3A_424] : memref<10240x16xf32, #tpu.memory_space<vmem_shared>> -> memref<10240x16xf32, #tpu.memory_space<vmem_shared>>
      tpu.enqueue_indirect_dma source(%dma_start3A_419 : memref<128x16xf32, #tpu.memory_space<vmem>>) target(%dma_start3A_425 : memref<10240x16xf32, #tpu.memory_space<vmem_shared>>) offsets(%dma_start3A_422 : memref<128xi32, #tpu.memory_space<vmem>>) semaphore(%arg30 : memref<!tpu.dma_semaphore, #tpu.memory_space<semaphore_mem>>) {add = true}
      %ge3A = arith.constant 2 : i32
      %ge3A_426 = arith.cmpi sge, %add3A_386, %ge3A : i32
      %convert_element_type3A_427 = arith.extui %ge3A_426 : i1 to i32
      %cond3A_428 = arith.constant 0 : i32
      %cond3A_429 = arith.cmpi ne, %convert_element_type3A_427, %cond3A_428 : i32
      scf.if %cond3A_429 {
        %dma_wait3A_689 = arith.constant 2 : i32
        %dma_wait3A_690 = arith.constant 2 : i32
        %dma_wait3A_691 = arith.constant 0 : i32
        %dma_wait3A_692 = arith.constant 0 : i32
        %dma_wait3A_693 = tpu.memref_slice %arg17[%dma_wait3A_689, %dma_wait3A_691, %dma_wait3A_692] : memref<4x128x16xf32, #tpu.memory_space<vmem>> -> memref<1x128x16xf32, #tpu.memory_space<vmem>>
        %dma_wait3A_694 = tpu.memref_squeeze %dma_wait3A_693 : memref<1x128x16xf32, #tpu.memory_space<vmem>> -> memref<128x16xf32, #tpu.memory_space<vmem>>
        %dma_wait3A_695 = arith.constant 0 : i32
        %dma_wait3A_696 = tpu.memref_slice %arg9[%dma_wait3A_690, %dma_wait3A_695] : memref<4x128xi32, #tpu.memory_space<vmem>> -> memref<1x128xi32, #tpu.memory_space<vmem>>
        %dma_wait3A_697 = tpu.memref_squeeze %dma_wait3A_696 : memref<1x128xi32, #tpu.memory_space<vmem>> -> memref<128xi32, #tpu.memory_space<vmem>>
        %dma_wait3A_698 = arith.constant 0 : i32
        %dma_wait3A_699 = arith.constant 0 : i32
        %dma_wait3A_700 = tpu.memref_slice %arg22[%dma_wait3A_698, %dma_wait3A_699] : memref<10240x16xf32, #tpu.memory_space<vmem_shared>> -> memref<10240x16xf32, #tpu.memory_space<vmem_shared>>
        tpu.wait_indirect_dma semaphore(%arg32 : memref<!tpu.dma_semaphore, #tpu.memory_space<semaphore_mem>>) src(%dma_wait3A_694 : memref<128x16xf32, #tpu.memory_space<vmem>>) dst(%dma_wait3A_700 : memref<10240x16xf32, #tpu.memory_space<vmem_shared>>)
      } else {
      }
      %add3A_430 = arith.constant 2 : i32
      %add3A_431 = arith.addi %add3A_386, %add3A_430 : i32
      %mul3A_432 = arith.constant 128 : i32
      %mul3A_433 = arith.muli %add3A_431, %mul3A_432 : i32
      %add3A_434 = arith.addi %mul3A_2, %mul3A_433 : i32
      %dma_start3A_435 = arith.constant 1 : i32
      %dma_start3A_436 = arith.constant 2 : i32
      %dma_start3A_437 = arith.constant 0 : i32
      %dma_start3A_438 = tpu.memref_slice %arg9[%dma_start3A_436, %dma_start3A_437] : memref<4x128xi32, #tpu.memory_space<vmem>> -> memref<1x128xi32, #tpu.memory_space<vmem>>
      %dma_start3A_439 = tpu.memref_squeeze %dma_start3A_438 : memref<1x128xi32, #tpu.memory_space<vmem>> -> memref<128xi32, #tpu.memory_space<vmem>>
      %dma_start3A_440 = tpu.memref_slice %arg2[%dma_start3A_435, %add3A_434] : memref<2x320000xi32, #tpu.memory_space<hbm>> -> memref<1x128xi32, #tpu.memory_space<hbm>>
      %dma_start3A_441 = tpu.memref_squeeze %dma_start3A_440 : memref<1x128xi32, #tpu.memory_space<hbm>> -> memref<128xi32, #tpu.memory_space<hbm>>
      %dma_start3A_442 = arith.constant 0 : i32
      %dma_start3A_443 = tpu.memref_slice %arg9[%dma_start3A_436, %dma_start3A_442] : memref<4x128xi32, #tpu.memory_space<vmem>> -> memref<1x128xi32, #tpu.memory_space<vmem>>
      %dma_start3A_444 = tpu.memref_squeeze %dma_start3A_443 : memref<1x128xi32, #tpu.memory_space<vmem>> -> memref<128xi32, #tpu.memory_space<vmem>>
      %dma_start3A_445 = tpu.memref_slice %arg2[%dma_start3A_435, %add3A_434] : memref<2x320000xi32, #tpu.memory_space<hbm>> -> memref<1x128xi32, #tpu.memory_space<hbm>>
      %dma_start3A_446 = tpu.memref_squeeze %dma_start3A_445 : memref<1x128xi32, #tpu.memory_space<hbm>> -> memref<128xi32, #tpu.memory_space<hbm>>
      tpu.enqueue_dma source(%dma_start3A_446 : memref<128xi32, #tpu.memory_space<hbm>>) target(%dma_start3A_444 : memref<128xi32, #tpu.memory_space<vmem>>) target_semaphore(%arg36 : memref<!tpu.dma_semaphore, #tpu.memory_space<semaphore_mem>>)
      %add3A_447 = arith.constant 2 : i32
      %add3A_448 = arith.addi %add3A_386, %add3A_447 : i32
      %mul3A_449 = arith.constant 128 : i32
      %mul3A_450 = arith.muli %add3A_448, %mul3A_449 : i32
      %dma_start3A_451 = arith.constant 2 : i32
      %dma_start3A_452 = arith.constant 0 : i32
      %dma_start3A_453 = arith.constant 0 : i32
      %dma_start3A_454 = tpu.memref_slice %arg17[%dma_start3A_451, %dma_start3A_452, %dma_start3A_453] : memref<4x128x16xf32, #tpu.memory_space<vmem>> -> memref<1x128x16xf32, #tpu.memory_space<vmem>>
      %dma_start3A_455 = tpu.memref_squeeze %dma_start3A_454 : memref<1x128x16xf32, #tpu.memory_space<vmem>> -> memref<128x16xf32, #tpu.memory_space<vmem>>
      %dma_start3A_456 = tpu.memref_slice %arg7[%mul3A_450] : memref<10000xi32, #tpu.memory_space<vmem>> -> memref<128xi32, #tpu.memory_space<vmem>>
      %dma_start3A_457 = arith.constant 0 : i32
      %dma_start3A_458 = arith.constant 0 : i32
      %dma_start3A_459 = tpu.memref_slice %arg23[%dma_start3A_457, %dma_start3A_458] : memref<10240x16xf32, #tpu.memory_space<vmem_shared>> -> memref<10240x16xf32, #tpu.memory_space<vmem_shared>>
      tpu.enqueue_indirect_dma source(%dma_start3A_459 : memref<10240x16xf32, #tpu.memory_space<vmem_shared>>) target(%dma_start3A_455 : memref<128x16xf32, #tpu.memory_space<vmem>>) offsets(%dma_start3A_456 : memref<128xi32, #tpu.memory_space<vmem>>) semaphore(%arg28 : memref<!tpu.dma_semaphore, #tpu.memory_space<semaphore_mem>>)
      %add3A_460 = arith.constant 1 : i32
      %add3A_461 = arith.addi %mul3A_384, %add3A_460 : i32
      %dma_wait3A_462 = arith.constant 1 : i32
      %dma_wait3A_463 = arith.constant 0 : i32
      %dma_wait3A_464 = arith.constant 0 : i32
      %dma_wait3A_465 = tpu.memref_slice %arg17[%dma_wait3A_462, %dma_wait3A_463, %dma_wait3A_464] : memref<4x128x16xf32, #tpu.memory_space<vmem>> -> memref<1x128x16xf32, #tpu.memory_space<vmem>>
      %dma_wait3A_466 = tpu.memref_squeeze %dma_wait3A_465 : memref<1x128x16xf32, #tpu.memory_space<vmem>> -> memref<128x16xf32, #tpu.memory_space<vmem>>
      %dma_wait3A_467 = arith.constant 0 : i32
      %dma_wait3A_468 = tpu.memref_slice %arg7[%dma_wait3A_467] : memref<10000xi32, #tpu.memory_space<vmem>> -> memref<128xi32, #tpu.memory_space<vmem>>
      %dma_wait3A_469 = arith.constant 0 : i32
      %dma_wait3A_470 = arith.constant 0 : i32
      %dma_wait3A_471 = tpu.memref_slice %arg23[%dma_wait3A_469, %dma_wait3A_470] : memref<10240x16xf32, #tpu.memory_space<vmem_shared>> -> memref<10240x16xf32, #tpu.memory_space<vmem_shared>>
      tpu.wait_indirect_dma semaphore(%arg27 : memref<!tpu.dma_semaphore, #tpu.memory_space<semaphore_mem>>) src(%dma_wait3A_471 : memref<10240x16xf32, #tpu.memory_space<vmem_shared>>) dst(%dma_wait3A_466 : memref<128x16xf32, #tpu.memory_space<vmem>>)
      %dma_wait3A_472 = arith.constant 1 : i32
      %dma_wait3A_473 = arith.constant 1 : i32
      %dma_wait3A_474 = arith.constant 0 : i32
      %dma_wait3A_475 = tpu.memref_slice %arg9[%dma_wait3A_473, %dma_wait3A_474] : memref<4x128xi32, #tpu.memory_space<vmem>> -> memref<1x128xi32, #tpu.memory_space<vmem>>
      %dma_wait3A_476 = tpu.memref_squeeze %dma_wait3A_475 : memref<1x128xi32, #tpu.memory_space<vmem>> -> memref<128xi32, #tpu.memory_space<vmem>>
      %dma_wait3A_477 = arith.constant 0 : i32
      %dma_wait3A_478 = tpu.memref_slice %arg2[%dma_wait3A_472, %dma_wait3A_477] : memref<2x320000xi32, #tpu.memory_space<hbm>> -> memref<1x128xi32, #tpu.memory_space<hbm>>
      %dma_wait3A_479 = tpu.memref_squeeze %dma_wait3A_478 : memref<1x128xi32, #tpu.memory_space<hbm>> -> memref<128xi32, #tpu.memory_space<hbm>>
      %dma_wait3A_480 = arith.constant 0 : i32
      %dma_wait3A_481 = tpu.memref_slice %arg9[%dma_wait3A_473, %dma_wait3A_480] : memref<4x128xi32, #tpu.memory_space<vmem>> -> memref<1x128xi32, #tpu.memory_space<vmem>>
      %dma_wait3A_482 = tpu.memref_squeeze %dma_wait3A_481 : memref<1x128xi32, #tpu.memory_space<vmem>> -> memref<128xi32, #tpu.memory_space<vmem>>
      %dma_wait3A_483 = arith.constant 0 : i32
      %dma_wait3A_484 = tpu.memref_slice %arg2[%dma_wait3A_472, %dma_wait3A_483] : memref<2x320000xi32, #tpu.memory_space<hbm>> -> memref<1x128xi32, #tpu.memory_space<hbm>>
      %dma_wait3A_485 = tpu.memref_squeeze %dma_wait3A_484 : memref<1x128xi32, #tpu.memory_space<hbm>> -> memref<128xi32, #tpu.memory_space<hbm>>
      tpu.wait_dma2 semaphore(%arg35 : memref<!tpu.dma_semaphore, #tpu.memory_space<semaphore_mem>>) src(%dma_wait3A_485 : memref<128xi32, #tpu.memory_space<hbm>>) dst(%dma_wait3A_482 : memref<128xi32, #tpu.memory_space<vmem>>)
      %parallel_loop3A_486 = arith.constant 0 : i32
      %parallel_loop3A_487 = arith.constant 8 : i32
      %parallel_loop3A_488 = arith.constant 1 : i32
      scf.for %parallel_loop3A_689 = %parallel_loop3A_486 to %parallel_loop3A_487 step %parallel_loop3A_488  : i32 {
        %parallel_loop3A_690 = arith.constant 128 : i32
        %parallel_loop3A_691 = arith.muli %add3A_461, %parallel_loop3A_690 : i32
        %parallel_loop3A_692 = arith.constant 16 : i32
        %parallel_loop3A_693 = arith.muli %parallel_loop3A_689, %parallel_loop3A_692 : i32
        %parallel_loop3A_694 = arith.addi %parallel_loop3A_691, %parallel_loop3A_693 : i32
        %parallel_loop3A_695 = arith.index_cast %parallel_loop3A_694 : i32 to index
        %parallel_loop3A_696 = tpu.vector_load %arg8[%parallel_loop3A_695] {strides = array<i32>} : memref<10000xi32, #tpu.memory_space<vmem>>, vector<16xi32>,
        %parallel_loop3A_697 = arith.index_cast %parallel_loop3A_694 : i32 to index
        %parallel_loop3A_698 = tpu.vector_load %arg7[%parallel_loop3A_697] {strides = array<i32>} : memref<10000xi32, #tpu.memory_space<vmem>>, vector<16xi32>,
        %parallel_loop3A_699 = arith.constant 7 : i32
        %parallel_loop3A_700 = vector.broadcast %parallel_loop3A_699 : i32 to vector<16xi32>
        %parallel_loop3A_701 = arith.shrsi %parallel_loop3A_696, %parallel_loop3A_700 : vector<16xi32>
        %parallel_loop3A_702 = arith.constant 127 : i32
        %parallel_loop3A_703 = vector.broadcast %parallel_loop3A_702 : i32 to vector<16xi32>
        %parallel_loop3A_704 = arith.andi %parallel_loop3A_696, %parallel_loop3A_703 : vector<16xi32>
        %parallel_loop3A_705 = tpu.vector_load_idx %arg11[%parallel_loop3A_701, %parallel_loop3A_704] : memref<80x128xf32, #tpu.memory_space<vmem>>[vector<16xi32>, vector<16xi32>], vector<16xf32>,
        %parallel_loop3A_706 = arith.constant 7 : i32
        %parallel_loop3A_707 = vector.broadcast %parallel_loop3A_706 : i32 to vector<16xi32>
        %parallel_loop3A_708 = arith.shrsi %parallel_loop3A_698, %parallel_loop3A_707 : vector<16xi32>
        %parallel_loop3A_709 = arith.constant 127 : i32
        %parallel_loop3A_710 = vector.broadcast %parallel_loop3A_709 : i32 to vector<16xi32>
        %parallel_loop3A_711 = arith.andi %parallel_loop3A_698, %parallel_loop3A_710 : vector<16xi32>
        tpu.vector_store_idx %arg12[%parallel_loop3A_708, %parallel_loop3A_711], %parallel_loop3A_705 {add = true} : memref<80x128xf32, #tpu.memory_space<vmem>>[vector<16xi32>, vector<16xi32>], vector<16xf32>,
      } {sc.loop_unroll_factor = 4 : i64, sc.parallel_access}
      %dma_start3A_489 = arith.constant 1 : i32
      %dma_start3A_490 = arith.constant 1 : i32
      %dma_start3A_491 = arith.constant 0 : i32
      %dma_start3A_492 = arith.constant 0 : i32
      %dma_start3A_493 = tpu.memref_slice %arg17[%dma_start3A_489, %dma_start3A_491, %dma_start3A_492] : memref<4x128x16xf32, #tpu.memory_space<vmem>> -> memref<1x128x16xf32, #tpu.memory_space<vmem>>
      %dma_start3A_494 = tpu.memref_squeeze %dma_start3A_493 : memref<1x128x16xf32, #tpu.memory_space<vmem>> -> memref<128x16xf32, #tpu.memory_space<vmem>>
      %dma_start3A_495 = arith.constant 0 : i32
      %dma_start3A_496 = tpu.memref_slice %arg9[%dma_start3A_490, %dma_start3A_495] : memref<4x128xi32, #tpu.memory_space<vmem>> -> memref<1x128xi32, #tpu.memory_space<vmem>>
      %dma_start3A_497 = tpu.memref_squeeze %dma_start3A_496 : memref<1x128xi32, #tpu.memory_space<vmem>> -> memref<128xi32, #tpu.memory_space<vmem>>
      %dma_start3A_498 = arith.constant 0 : i32
      %dma_start3A_499 = arith.constant 0 : i32
      %dma_start3A_500 = tpu.memref_slice %arg22[%dma_start3A_498, %dma_start3A_499] : memref<10240x16xf32, #tpu.memory_space<vmem_shared>> -> memref<10240x16xf32, #tpu.memory_space<vmem_shared>>
      tpu.enqueue_indirect_dma source(%dma_start3A_494 : memref<128x16xf32, #tpu.memory_space<vmem>>) target(%dma_start3A_500 : memref<10240x16xf32, #tpu.memory_space<vmem_shared>>) offsets(%dma_start3A_497 : memref<128xi32, #tpu.memory_space<vmem>>) semaphore(%arg31 : memref<!tpu.dma_semaphore, #tpu.memory_space<semaphore_mem>>) {add = true}
      %ge3A_501 = arith.constant 2 : i32
      %ge3A_502 = arith.cmpi sge, %add3A_461, %ge3A_501 : i32
      %convert_element_type3A_503 = arith.extui %ge3A_502 : i1 to i32
      %cond3A_504 = arith.constant 0 : i32
      %cond3A_505 = arith.cmpi ne, %convert_element_type3A_503, %cond3A_504 : i32
      scf.if %cond3A_505 {
        %dma_wait3A_689 = arith.constant 3 : i32
        %dma_wait3A_690 = arith.constant 3 : i32
        %dma_wait3A_691 = arith.constant 0 : i32
        %dma_wait3A_692 = arith.constant 0 : i32
        %dma_wait3A_693 = tpu.memref_slice %arg17[%dma_wait3A_689, %dma_wait3A_691, %dma_wait3A_692] : memref<4x128x16xf32, #tpu.memory_space<vmem>> -> memref<1x128x16xf32, #tpu.memory_space<vmem>>
        %dma_wait3A_694 = tpu.memref_squeeze %dma_wait3A_693 : memref<1x128x16xf32, #tpu.memory_space<vmem>> -> memref<128x16xf32, #tpu.memory_space<vmem>>
        %dma_wait3A_695 = arith.constant 0 : i32
        %dma_wait3A_696 = tpu.memref_slice %arg9[%dma_wait3A_690, %dma_wait3A_695] : memref<4x128xi32, #tpu.memory_space<vmem>> -> memref<1x128xi32, #tpu.memory_space<vmem>>
        %dma_wait3A_697 = tpu.memref_squeeze %dma_wait3A_696 : memref<1x128xi32, #tpu.memory_space<vmem>> -> memref<128xi32, #tpu.memory_space<vmem>>
        %dma_wait3A_698 = arith.constant 0 : i32
        %dma_wait3A_699 = arith.constant 0 : i32
        %dma_wait3A_700 = tpu.memref_slice %arg22[%dma_wait3A_698, %dma_wait3A_699] : memref<10240x16xf32, #tpu.memory_space<vmem_shared>> -> memref<10240x16xf32, #tpu.memory_space<vmem_shared>>
        tpu.wait_indirect_dma semaphore(%arg33 : memref<!tpu.dma_semaphore, #tpu.memory_space<semaphore_mem>>) src(%dma_wait3A_694 : memref<128x16xf32, #tpu.memory_space<vmem>>) dst(%dma_wait3A_700 : memref<10240x16xf32, #tpu.memory_space<vmem_shared>>)
      } else {
      }
      %add3A_506 = arith.constant 2 : i32
      %add3A_507 = arith.addi %add3A_461, %add3A_506 : i32
      %mul3A_508 = arith.constant 128 : i32
      %mul3A_509 = arith.muli %add3A_507, %mul3A_508 : i32
      %add3A_510 = arith.addi %mul3A_2, %mul3A_509 : i32
      %dma_start3A_511 = arith.constant 1 : i32
      %dma_start3A_512 = arith.constant 3 : i32
      %dma_start3A_513 = arith.constant 0 : i32
      %dma_start3A_514 = tpu.memref_slice %arg9[%dma_start3A_512, %dma_start3A_513] : memref<4x128xi32, #tpu.memory_space<vmem>> -> memref<1x128xi32, #tpu.memory_space<vmem>>
      %dma_start3A_515 = tpu.memref_squeeze %dma_start3A_514 : memref<1x128xi32, #tpu.memory_space<vmem>> -> memref<128xi32, #tpu.memory_space<vmem>>
      %dma_start3A_516 = tpu.memref_slice %arg2[%dma_start3A_511, %add3A_510] : memref<2x320000xi32, #tpu.memory_space<hbm>> -> memref<1x128xi32, #tpu.memory_space<hbm>>
      %dma_start3A_517 = tpu.memref_squeeze %dma_start3A_516 : memref<1x128xi32, #tpu.memory_space<hbm>> -> memref<128xi32, #tpu.memory_space<hbm>>
      %dma_start3A_518 = arith.constant 0 : i32
      %dma_start3A_519 = tpu.memref_slice %arg9[%dma_start3A_512, %dma_start3A_518] : memref<4x128xi32, #tpu.memory_space<vmem>> -> memref<1x128xi32, #tpu.memory_space<vmem>>
      %dma_start3A_520 = tpu.memref_squeeze %dma_start3A_519 : memref<1x128xi32, #tpu.memory_space<vmem>> -> memref<128xi32, #tpu.memory_space<vmem>>
      %dma_start3A_521 = tpu.memref_slice %arg2[%dma_start3A_511, %add3A_510] : memref<2x320000xi32, #tpu.memory_space<hbm>> -> memref<1x128xi32, #tpu.memory_space<hbm>>
      %dma_start3A_522 = tpu.memref_squeeze %dma_start3A_521 : memref<1x128xi32, #tpu.memory_space<hbm>> -> memref<128xi32, #tpu.memory_space<hbm>>
      tpu.enqueue_dma source(%dma_start3A_522 : memref<128xi32, #tpu.memory_space<hbm>>) target(%dma_start3A_520 : memref<128xi32, #tpu.memory_space<vmem>>) target_semaphore(%arg37 : memref<!tpu.dma_semaphore, #tpu.memory_space<semaphore_mem>>)
      %add3A_523 = arith.constant 2 : i32
      %add3A_524 = arith.addi %add3A_461, %add3A_523 : i32
      %mul3A_525 = arith.constant 128 : i32
      %mul3A_526 = arith.muli %add3A_524, %mul3A_525 : i32
      %dma_start3A_527 = arith.constant 3 : i32
      %dma_start3A_528 = arith.constant 0 : i32
      %dma_start3A_529 = arith.constant 0 : i32
      %dma_start3A_530 = tpu.memref_slice %arg17[%dma_start3A_527, %dma_start3A_528, %dma_start3A_529] : memref<4x128x16xf32, #tpu.memory_space<vmem>> -> memref<1x128x16xf32, #tpu.memory_space<vmem>>
      %dma_start3A_531 = tpu.memref_squeeze %dma_start3A_530 : memref<1x128x16xf32, #tpu.memory_space<vmem>> -> memref<128x16xf32, #tpu.memory_space<vmem>>
      %dma_start3A_532 = tpu.memref_slice %arg7[%mul3A_526] : memref<10000xi32, #tpu.memory_space<vmem>> -> memref<128xi32, #tpu.memory_space<vmem>>
      %dma_start3A_533 = arith.constant 0 : i32
      %dma_start3A_534 = arith.constant 0 : i32
      %dma_start3A_535 = tpu.memref_slice %arg23[%dma_start3A_533, %dma_start3A_534] : memref<10240x16xf32, #tpu.memory_space<vmem_shared>> -> memref<10240x16xf32, #tpu.memory_space<vmem_shared>>
      tpu.enqueue_indirect_dma source(%dma_start3A_535 : memref<10240x16xf32, #tpu.memory_space<vmem_shared>>) target(%dma_start3A_531 : memref<128x16xf32, #tpu.memory_space<vmem>>) offsets(%dma_start3A_532 : memref<128xi32, #tpu.memory_space<vmem>>) semaphore(%arg29 : memref<!tpu.dma_semaphore, #tpu.memory_space<semaphore_mem>>)
      %add3A_536 = arith.constant 2 : i32
      %add3A_537 = arith.addi %mul3A_384, %add3A_536 : i32
      %dma_wait3A_538 = arith.constant 2 : i32
      %dma_wait3A_539 = arith.constant 0 : i32
      %dma_wait3A_540 = arith.constant 0 : i32
      %dma_wait3A_541 = tpu.memref_slice %arg17[%dma_wait3A_538, %dma_wait3A_539, %dma_wait3A_540] : memref<4x128x16xf32, #tpu.memory_space<vmem>> -> memref<1x128x16xf32, #tpu.memory_space<vmem>>
      %dma_wait3A_542 = tpu.memref_squeeze %dma_wait3A_541 : memref<1x128x16xf32, #tpu.memory_space<vmem>> -> memref<128x16xf32, #tpu.memory_space<vmem>>
      %dma_wait3A_543 = arith.constant 0 : i32
      %dma_wait3A_544 = tpu.memref_slice %arg7[%dma_wait3A_543] : memref<10000xi32, #tpu.memory_space<vmem>> -> memref<128xi32, #tpu.memory_space<vmem>>
      %dma_wait3A_545 = arith.constant 0 : i32
      %dma_wait3A_546 = arith.constant 0 : i32
      %dma_wait3A_547 = tpu.memref_slice %arg23[%dma_wait3A_545, %dma_wait3A_546] : memref<10240x16xf32, #tpu.memory_space<vmem_shared>> -> memref<10240x16xf32, #tpu.memory_space<vmem_shared>>
      tpu.wait_indirect_dma semaphore(%arg28 : memref<!tpu.dma_semaphore, #tpu.memory_space<semaphore_mem>>) src(%dma_wait3A_547 : memref<10240x16xf32, #tpu.memory_space<vmem_shared>>) dst(%dma_wait3A_542 : memref<128x16xf32, #tpu.memory_space<vmem>>)
      %dma_wait3A_548 = arith.constant 1 : i32
      %dma_wait3A_549 = arith.constant 2 : i32
      %dma_wait3A_550 = arith.constant 0 : i32
      %dma_wait3A_551 = tpu.memref_slice %arg9[%dma_wait3A_549, %dma_wait3A_550] : memref<4x128xi32, #tpu.memory_space<vmem>> -> memref<1x128xi32, #tpu.memory_space<vmem>>
      %dma_wait3A_552 = tpu.memref_squeeze %dma_wait3A_551 : memref<1x128xi32, #tpu.memory_space<vmem>> -> memref<128xi32, #tpu.memory_space<vmem>>
      %dma_wait3A_553 = arith.constant 0 : i32
      %dma_wait3A_554 = tpu.memref_slice %arg2[%dma_wait3A_548, %dma_wait3A_553] : memref<2x320000xi32, #tpu.memory_space<hbm>> -> memref<1x128xi32, #tpu.memory_space<hbm>>
      %dma_wait3A_555 = tpu.memref_squeeze %dma_wait3A_554 : memref<1x128xi32, #tpu.memory_space<hbm>> -> memref<128xi32, #tpu.memory_space<hbm>>
      %dma_wait3A_556 = arith.constant 0 : i32
      %dma_wait3A_557 = tpu.memref_slice %arg9[%dma_wait3A_549, %dma_wait3A_556] : memref<4x128xi32, #tpu.memory_space<vmem>> -> memref<1x128xi32, #tpu.memory_space<vmem>>
      %dma_wait3A_558 = tpu.memref_squeeze %dma_wait3A_557 : memref<1x128xi32, #tpu.memory_space<vmem>> -> memref<128xi32, #tpu.memory_space<vmem>>
      %dma_wait3A_559 = arith.constant 0 : i32
      %dma_wait3A_560 = tpu.memref_slice %arg2[%dma_wait3A_548, %dma_wait3A_559] : memref<2x320000xi32, #tpu.memory_space<hbm>> -> memref<1x128xi32, #tpu.memory_space<hbm>>
      %dma_wait3A_561 = tpu.memref_squeeze %dma_wait3A_560 : memref<1x128xi32, #tpu.memory_space<hbm>> -> memref<128xi32, #tpu.memory_space<hbm>>
      tpu.wait_dma2 semaphore(%arg36 : memref<!tpu.dma_semaphore, #tpu.memory_space<semaphore_mem>>) src(%dma_wait3A_561 : memref<128xi32, #tpu.memory_space<hbm>>) dst(%dma_wait3A_558 : memref<128xi32, #tpu.memory_space<vmem>>)
      %parallel_loop3A_562 = arith.constant 0 : i32
      %parallel_loop3A_563 = arith.constant 8 : i32
      %parallel_loop3A_564 = arith.constant 1 : i32
      scf.for %parallel_loop3A_689 = %parallel_loop3A_562 to %parallel_loop3A_563 step %parallel_loop3A_564  : i32 {
        %parallel_loop3A_690 = arith.constant 128 : i32
        %parallel_loop3A_691 = arith.muli %add3A_537, %parallel_loop3A_690 : i32
        %parallel_loop3A_692 = arith.constant 16 : i32
        %parallel_loop3A_693 = arith.muli %parallel_loop3A_689, %parallel_loop3A_692 : i32
        %parallel_loop3A_694 = arith.addi %parallel_loop3A_691, %parallel_loop3A_693 : i32
        %parallel_loop3A_695 = arith.index_cast %parallel_loop3A_694 : i32 to index
        %parallel_loop3A_696 = tpu.vector_load %arg8[%parallel_loop3A_695] {strides = array<i32>} : memref<10000xi32, #tpu.memory_space<vmem>>, vector<16xi32>,
        %parallel_loop3A_697 = arith.index_cast %parallel_loop3A_694 : i32 to index
        %parallel_loop3A_698 = tpu.vector_load %arg7[%parallel_loop3A_697] {strides = array<i32>} : memref<10000xi32, #tpu.memory_space<vmem>>, vector<16xi32>,
        %parallel_loop3A_699 = arith.constant 7 : i32
        %parallel_loop3A_700 = vector.broadcast %parallel_loop3A_699 : i32 to vector<16xi32>
        %parallel_loop3A_701 = arith.shrsi %parallel_loop3A_696, %parallel_loop3A_700 : vector<16xi32>
        %parallel_loop3A_702 = arith.constant 127 : i32
        %parallel_loop3A_703 = vector.broadcast %parallel_loop3A_702 : i32 to vector<16xi32>
        %parallel_loop3A_704 = arith.andi %parallel_loop3A_696, %parallel_loop3A_703 : vector<16xi32>
        %parallel_loop3A_705 = tpu.vector_load_idx %arg11[%parallel_loop3A_701, %parallel_loop3A_704] : memref<80x128xf32, #tpu.memory_space<vmem>>[vector<16xi32>, vector<16xi32>], vector<16xf32>,
        %parallel_loop3A_706 = arith.constant 7 : i32
        %parallel_loop3A_707 = vector.broadcast %parallel_loop3A_706 : i32 to vector<16xi32>
        %parallel_loop3A_708 = arith.shrsi %parallel_loop3A_698, %parallel_loop3A_707 : vector<16xi32>
        %parallel_loop3A_709 = arith.constant 127 : i32
        %parallel_loop3A_710 = vector.broadcast %parallel_loop3A_709 : i32 to vector<16xi32>
        %parallel_loop3A_711 = arith.andi %parallel_loop3A_698, %parallel_loop3A_710 : vector<16xi32>
        tpu.vector_store_idx %arg12[%parallel_loop3A_708, %parallel_loop3A_711], %parallel_loop3A_705 {add = true} : memref<80x128xf32, #tpu.memory_space<vmem>>[vector<16xi32>, vector<16xi32>], vector<16xf32>,
      } {sc.loop_unroll_factor = 4 : i64, sc.parallel_access}
      %dma_start3A_565 = arith.constant 2 : i32
      %dma_start3A_566 = arith.constant 2 : i32
      %dma_start3A_567 = arith.constant 0 : i32
      %dma_start3A_568 = arith.constant 0 : i32
      %dma_start3A_569 = tpu.memref_slice %arg17[%dma_start3A_565, %dma_start3A_567, %dma_start3A_568] : memref<4x128x16xf32, #tpu.memory_space<vmem>> -> memref<1x128x16xf32, #tpu.memory_space<vmem>>
      %dma_start3A_570 = tpu.memref_squeeze %dma_start3A_569 : memref<1x128x16xf32, #tpu.memory_space<vmem>> -> memref<128x16xf32, #tpu.memory_space<vmem>>
      %dma_start3A_571 = arith.constant 0 : i32
      %dma_start3A_572 = tpu.memref_slice %arg9[%dma_start3A_566, %dma_start3A_571] : memref<4x128xi32, #tpu.memory_space<vmem>> -> memref<1x128xi32, #tpu.memory_space<vmem>>
      %dma_start3A_573 = tpu.memref_squeeze %dma_start3A_572 : memref<1x128xi32, #tpu.memory_space<vmem>> -> memref<128xi32, #tpu.memory_space<vmem>>
      %dma_start3A_574 = arith.constant 0 : i32
      %dma_start3A_575 = arith.constant 0 : i32
      %dma_start3A_576 = tpu.memref_slice %arg22[%dma_start3A_574, %dma_start3A_575] : memref<10240x16xf32, #tpu.memory_space<vmem_shared>> -> memref<10240x16xf32, #tpu.memory_space<vmem_shared>>
      tpu.enqueue_indirect_dma source(%dma_start3A_570 : memref<128x16xf32, #tpu.memory_space<vmem>>) target(%dma_start3A_576 : memref<10240x16xf32, #tpu.memory_space<vmem_shared>>) offsets(%dma_start3A_573 : memref<128xi32, #tpu.memory_space<vmem>>) semaphore(%arg32 : memref<!tpu.dma_semaphore, #tpu.memory_space<semaphore_mem>>) {add = true}
      %ge3A_577 = arith.constant 2 : i32
      %ge3A_578 = arith.cmpi sge, %add3A_537, %ge3A_577 : i32
      %convert_element_type3A_579 = arith.extui %ge3A_578 : i1 to i32
      %cond3A_580 = arith.constant 0 : i32
      %cond3A_581 = arith.cmpi ne, %convert_element_type3A_579, %cond3A_580 : i32
      scf.if %cond3A_581 {
        %dma_wait3A_689 = arith.constant 0 : i32
        %dma_wait3A_690 = arith.constant 0 : i32
        %dma_wait3A_691 = arith.constant 0 : i32
        %dma_wait3A_692 = arith.constant 0 : i32
        %dma_wait3A_693 = tpu.memref_slice %arg17[%dma_wait3A_689, %dma_wait3A_691, %dma_wait3A_692] : memref<4x128x16xf32, #tpu.memory_space<vmem>> -> memref<1x128x16xf32, #tpu.memory_space<vmem>>
        %dma_wait3A_694 = tpu.memref_squeeze %dma_wait3A_693 : memref<1x128x16xf32, #tpu.memory_space<vmem>> -> memref<128x16xf32, #tpu.memory_space<vmem>>
        %dma_wait3A_695 = arith.constant 0 : i32
        %dma_wait3A_696 = tpu.memref_slice %arg9[%dma_wait3A_690, %dma_wait3A_695] : memref<4x128xi32, #tpu.memory_space<vmem>> -> memref<1x128xi32, #tpu.memory_space<vmem>>
        %dma_wait3A_697 = tpu.memref_squeeze %dma_wait3A_696 : memref<1x128xi32, #tpu.memory_space<vmem>> -> memref<128xi32, #tpu.memory_space<vmem>>
        %dma_wait3A_698 = arith.constant 0 : i32
        %dma_wait3A_699 = arith.constant 0 : i32
        %dma_wait3A_700 = tpu.memref_slice %arg22[%dma_wait3A_698, %dma_wait3A_699] : memref<10240x16xf32, #tpu.memory_space<vmem_shared>> -> memref<10240x16xf32, #tpu.memory_space<vmem_shared>>
        tpu.wait_indirect_dma semaphore(%arg30 : memref<!tpu.dma_semaphore, #tpu.memory_space<semaphore_mem>>) src(%dma_wait3A_694 : memref<128x16xf32, #tpu.memory_space<vmem>>) dst(%dma_wait3A_700 : memref<10240x16xf32, #tpu.memory_space<vmem_shared>>)
      } else {
      }
      %add3A_582 = arith.constant 2 : i32
      %add3A_583 = arith.addi %add3A_537, %add3A_582 : i32
      %mul3A_584 = arith.constant 128 : i32
      %mul3A_585 = arith.muli %add3A_583, %mul3A_584 : i32
      %add3A_586 = arith.addi %mul3A_2, %mul3A_585 : i32
      %dma_start3A_587 = arith.constant 1 : i32
      %dma_start3A_588 = arith.constant 0 : i32
      %dma_start3A_589 = arith.constant 0 : i32
      %dma_start3A_590 = tpu.memref_slice %arg9[%dma_start3A_588, %dma_start3A_589] : memref<4x128xi32, #tpu.memory_space<vmem>> -> memref<1x128xi32, #tpu.memory_space<vmem>>
      %dma_start3A_591 = tpu.memref_squeeze %dma_start3A_590 : memref<1x128xi32, #tpu.memory_space<vmem>> -> memref<128xi32, #tpu.memory_space<vmem>>
      %dma_start3A_592 = tpu.memref_slice %arg2[%dma_start3A_587, %add3A_586] : memref<2x320000xi32, #tpu.memory_space<hbm>> -> memref<1x128xi32, #tpu.memory_space<hbm>>
      %dma_start3A_593 = tpu.memref_squeeze %dma_start3A_592 : memref<1x128xi32, #tpu.memory_space<hbm>> -> memref<128xi32, #tpu.memory_space<hbm>>
      %dma_start3A_594 = arith.constant 0 : i32
      %dma_start3A_595 = tpu.memref_slice %arg9[%dma_start3A_588, %dma_start3A_594] : memref<4x128xi32, #tpu.memory_space<vmem>> -> memref<1x128xi32, #tpu.memory_space<vmem>>
      %dma_start3A_596 = tpu.memref_squeeze %dma_start3A_595 : memref<1x128xi32, #tpu.memory_space<vmem>> -> memref<128xi32, #tpu.memory_space<vmem>>
      %dma_start3A_597 = tpu.memref_slice %arg2[%dma_start3A_587, %add3A_586] : memref<2x320000xi32, #tpu.memory_space<hbm>> -> memref<1x128xi32, #tpu.memory_space<hbm>>
      %dma_start3A_598 = tpu.memref_squeeze %dma_start3A_597 : memref<1x128xi32, #tpu.memory_space<hbm>> -> memref<128xi32, #tpu.memory_space<hbm>>
      tpu.enqueue_dma source(%dma_start3A_598 : memref<128xi32, #tpu.memory_space<hbm>>) target(%dma_start3A_596 : memref<128xi32, #tpu.memory_space<vmem>>) target_semaphore(%arg34 : memref<!tpu.dma_semaphore, #tpu.memory_space<semaphore_mem>>)
      %add3A_599 = arith.constant 2 : i32
      %add3A_600 = arith.addi %add3A_537, %add3A_599 : i32
      %mul3A_601 = arith.constant 128 : i32
      %mul3A_602 = arith.muli %add3A_600, %mul3A_601 : i32
      %dma_start3A_603 = arith.constant 0 : i32
      %dma_start3A_604 = arith.constant 0 : i32
      %dma_start3A_605 = arith.constant 0 : i32
      %dma_start3A_606 = tpu.memref_slice %arg17[%dma_start3A_603, %dma_start3A_604, %dma_start3A_605] : memref<4x128x16xf32, #tpu.memory_space<vmem>> -> memref<1x128x16xf32, #tpu.memory_space<vmem>>
      %dma_start3A_607 = tpu.memref_squeeze %dma_start3A_606 : memref<1x128x16xf32, #tpu.memory_space<vmem>> -> memref<128x16xf32, #tpu.memory_space<vmem>>
      %dma_start3A_608 = tpu.memref_slice %arg7[%mul3A_602] : memref<10000xi32, #tpu.memory_space<vmem>> -> memref<128xi32, #tpu.memory_space<vmem>>
      %dma_start3A_609 = arith.constant 0 : i32
      %dma_start3A_610 = arith.constant 0 : i32
      %dma_start3A_611 = tpu.memref_slice %arg23[%dma_start3A_609, %dma_start3A_610] : memref<10240x16xf32, #tpu.memory_space<vmem_shared>> -> memref<10240x16xf32, #tpu.memory_space<vmem_shared>>
      tpu.enqueue_indirect_dma source(%dma_start3A_611 : memref<10240x16xf32, #tpu.memory_space<vmem_shared>>) target(%dma_start3A_607 : memref<128x16xf32, #tpu.memory_space<vmem>>) offsets(%dma_start3A_608 : memref<128xi32, #tpu.memory_space<vmem>>) semaphore(%arg26 : memref<!tpu.dma_semaphore, #tpu.memory_space<semaphore_mem>>)
      %add3A_612 = arith.constant 3 : i32
      %add3A_613 = arith.addi %mul3A_384, %add3A_612 : i32
      %dma_wait3A_614 = arith.constant 3 : i32
      %dma_wait3A_615 = arith.constant 0 : i32
      %dma_wait3A_616 = arith.constant 0 : i32
      %dma_wait3A_617 = tpu.memref_slice %arg17[%dma_wait3A_614, %dma_wait3A_615, %dma_wait3A_616] : memref<4x128x16xf32, #tpu.memory_space<vmem>> -> memref<1x128x16xf32, #tpu.memory_space<vmem>>
      %dma_wait3A_618 = tpu.memref_squeeze %dma_wait3A_617 : memref<1x128x16xf32, #tpu.memory_space<vmem>> -> memref<128x16xf32, #tpu.memory_space<vmem>>
      %dma_wait3A_619 = arith.constant 0 : i32
      %dma_wait3A_620 = tpu.memref_slice %arg7[%dma_wait3A_619] : memref<10000xi32, #tpu.memory_space<vmem>> -> memref<128xi32, #tpu.memory_space<vmem>>
      %dma_wait3A_621 = arith.constant 0 : i32
      %dma_wait3A_622 = arith.constant 0 : i32
      %dma_wait3A_623 = tpu.memref_slice %arg23[%dma_wait3A_621, %dma_wait3A_622] : memref<10240x16xf32, #tpu.memory_space<vmem_shared>> -> memref<10240x16xf32, #tpu.memory_space<vmem_shared>>
      tpu.wait_indirect_dma semaphore(%arg29 : memref<!tpu.dma_semaphore, #tpu.memory_space<semaphore_mem>>) src(%dma_wait3A_623 : memref<10240x16xf32, #tpu.memory_space<vmem_shared>>) dst(%dma_wait3A_618 : memref<128x16xf32, #tpu.memory_space<vmem>>)
      %dma_wait3A_624 = arith.constant 1 : i32
      %dma_wait3A_625 = arith.constant 3 : i32
      %dma_wait3A_626 = arith.constant 0 : i32
      %dma_wait3A_627 = tpu.memref_slice %arg9[%dma_wait3A_625, %dma_wait3A_626] : memref<4x128xi32, #tpu.memory_space<vmem>> -> memref<1x128xi32, #tpu.memory_space<vmem>>
      %dma_wait3A_628 = tpu.memref_squeeze %dma_wait3A_627 : memref<1x128xi32, #tpu.memory_space<vmem>> -> memref<128xi32, #tpu.memory_space<vmem>>
      %dma_wait3A_629 = arith.constant 0 : i32
      %dma_wait3A_630 = tpu.memref_slice %arg2[%dma_wait3A_624, %dma_wait3A_629] : memref<2x320000xi32, #tpu.memory_space<hbm>> -> memref<1x128xi32, #tpu.memory_space<hbm>>
      %dma_wait3A_631 = tpu.memref_squeeze %dma_wait3A_630 : memref<1x128xi32, #tpu.memory_space<hbm>> -> memref<128xi32, #tpu.memory_space<hbm>>
      %dma_wait3A_632 = arith.constant 0 : i32
      %dma_wait3A_633 = tpu.memref_slice %arg9[%dma_wait3A_625, %dma_wait3A_632] : memref<4x128xi32, #tpu.memory_space<vmem>> -> memref<1x128xi32, #tpu.memory_space<vmem>>
      %dma_wait3A_634 = tpu.memref_squeeze %dma_wait3A_633 : memref<1x128xi32, #tpu.memory_space<vmem>> -> memref<128xi32, #tpu.memory_space<vmem>>
      %dma_wait3A_635 = arith.constant 0 : i32
      %dma_wait3A_636 = tpu.memref_slice %arg2[%dma_wait3A_624, %dma_wait3A_635] : memref<2x320000xi32, #tpu.memory_space<hbm>> -> memref<1x128xi32, #tpu.memory_space<hbm>>
      %dma_wait3A_637 = tpu.memref_squeeze %dma_wait3A_636 : memref<1x128xi32, #tpu.memory_space<hbm>> -> memref<128xi32, #tpu.memory_space<hbm>>
      tpu.wait_dma2 semaphore(%arg37 : memref<!tpu.dma_semaphore, #tpu.memory_space<semaphore_mem>>) src(%dma_wait3A_637 : memref<128xi32, #tpu.memory_space<hbm>>) dst(%dma_wait3A_634 : memref<128xi32, #tpu.memory_space<vmem>>)
      %parallel_loop3A_638 = arith.constant 0 : i32
      %parallel_loop3A_639 = arith.constant 8 : i32
      %parallel_loop3A_640 = arith.constant 1 : i32
      scf.for %parallel_loop3A_689 = %parallel_loop3A_638 to %parallel_loop3A_639 step %parallel_loop3A_640  : i32 {
        %parallel_loop3A_690 = arith.constant 128 : i32
        %parallel_loop3A_691 = arith.muli %add3A_613, %parallel_loop3A_690 : i32
        %parallel_loop3A_692 = arith.constant 16 : i32
        %parallel_loop3A_693 = arith.muli %parallel_loop3A_689, %parallel_loop3A_692 : i32
        %parallel_loop3A_694 = arith.addi %parallel_loop3A_691, %parallel_loop3A_693 : i32
        %parallel_loop3A_695 = arith.index_cast %parallel_loop3A_694 : i32 to index
        %parallel_loop3A_696 = tpu.vector_load %arg8[%parallel_loop3A_695] {strides = array<i32>} : memref<10000xi32, #tpu.memory_space<vmem>>, vector<16xi32>,
        %parallel_loop3A_697 = arith.index_cast %parallel_loop3A_694 : i32 to index
        %parallel_loop3A_698 = tpu.vector_load %arg7[%parallel_loop3A_697] {strides = array<i32>} : memref<10000xi32, #tpu.memory_space<vmem>>, vector<16xi32>,
        %parallel_loop3A_699 = arith.constant 7 : i32
        %parallel_loop3A_700 = vector.broadcast %parallel_loop3A_699 : i32 to vector<16xi32>
        %parallel_loop3A_701 = arith.shrsi %parallel_loop3A_696, %parallel_loop3A_700 : vector<16xi32>
        %parallel_loop3A_702 = arith.constant 127 : i32
        %parallel_loop3A_703 = vector.broadcast %parallel_loop3A_702 : i32 to vector<16xi32>
        %parallel_loop3A_704 = arith.andi %parallel_loop3A_696, %parallel_loop3A_703 : vector<16xi32>
        %parallel_loop3A_705 = tpu.vector_load_idx %arg11[%parallel_loop3A_701, %parallel_loop3A_704] : memref<80x128xf32, #tpu.memory_space<vmem>>[vector<16xi32>, vector<16xi32>], vector<16xf32>,
        %parallel_loop3A_706 = arith.constant 7 : i32
        %parallel_loop3A_707 = vector.broadcast %parallel_loop3A_706 : i32 to vector<16xi32>
        %parallel_loop3A_708 = arith.shrsi %parallel_loop3A_698, %parallel_loop3A_707 : vector<16xi32>
        %parallel_loop3A_709 = arith.constant 127 : i32
        %parallel_loop3A_710 = vector.broadcast %parallel_loop3A_709 : i32 to vector<16xi32>
        %parallel_loop3A_711 = arith.andi %parallel_loop3A_698, %parallel_loop3A_710 : vector<16xi32>
        tpu.vector_store_idx %arg12[%parallel_loop3A_708, %parallel_loop3A_711], %parallel_loop3A_705 {add = true} : memref<80x128xf32, #tpu.memory_space<vmem>>[vector<16xi32>, vector<16xi32>], vector<16xf32>,
      } {sc.loop_unroll_factor = 4 : i64, sc.parallel_access}
      %dma_start3A_641 = arith.constant 3 : i32
      %dma_start3A_642 = arith.constant 3 : i32
      %dma_start3A_643 = arith.constant 0 : i32
      %dma_start3A_644 = arith.constant 0 : i32
      %dma_start3A_645 = tpu.memref_slice %arg17[%dma_start3A_641, %dma_start3A_643, %dma_start3A_644] : memref<4x128x16xf32, #tpu.memory_space<vmem>> -> memref<1x128x16xf32, #tpu.memory_space<vmem>>
      %dma_start3A_646 = tpu.memref_squeeze %dma_start3A_645 : memref<1x128x16xf32, #tpu.memory_space<vmem>> -> memref<128x16xf32, #tpu.memory_space<vmem>>
      %dma_start3A_647 = arith.constant 0 : i32
      %dma_start3A_648 = tpu.memref_slice %arg9[%dma_start3A_642, %dma_start3A_647] : memref<4x128xi32, #tpu.memory_space<vmem>> -> memref<1x128xi32, #tpu.memory_space<vmem>>
      %dma_start3A_649 = tpu.memref_squeeze %dma_start3A_648 : memref<1x128xi32, #tpu.memory_space<vmem>> -> memref<128xi32, #tpu.memory_space<vmem>>
      %dma_start3A_650 = arith.constant 0 : i32
      %dma_start3A_651 = arith.constant 0 : i32
      %dma_start3A_652 = tpu.memref_slice %arg22[%dma_start3A_650, %dma_start3A_651] : memref<10240x16xf32, #tpu.memory_space<vmem_shared>> -> memref<10240x16xf32, #tpu.memory_space<vmem_shared>>
      tpu.enqueue_indirect_dma source(%dma_start3A_646 : memref<128x16xf32, #tpu.memory_space<vmem>>) target(%dma_start3A_652 : memref<10240x16xf32, #tpu.memory_space<vmem_shared>>) offsets(%dma_start3A_649 : memref<128xi32, #tpu.memory_space<vmem>>) semaphore(%arg33 : memref<!tpu.dma_semaphore, #tpu.memory_space<semaphore_mem>>) {add = true}
      %ge3A_653 = arith.constant 2 : i32
      %ge3A_654 = arith.cmpi sge, %add3A_613, %ge3A_653 : i32
      %convert_element_type3A_655 = arith.extui %ge3A_654 : i1 to i32
      %cond3A_656 = arith.constant 0 : i32
      %cond3A_657 = arith.cmpi ne, %convert_element_type3A_655, %cond3A_656 : i32
      scf.if %cond3A_657 {
        %dma_wait3A_689 = arith.constant 1 : i32
        %dma_wait3A_690 = arith.constant 1 : i32
        %dma_wait3A_691 = arith.constant 0 : i32
        %dma_wait3A_692 = arith.constant 0 : i32
        %dma_wait3A_693 = tpu.memref_slice %arg17[%dma_wait3A_689, %dma_wait3A_691, %dma_wait3A_692] : memref<4x128x16xf32, #tpu.memory_space<vmem>> -> memref<1x128x16xf32, #tpu.memory_space<vmem>>
        %dma_wait3A_694 = tpu.memref_squeeze %dma_wait3A_693 : memref<1x128x16xf32, #tpu.memory_space<vmem>> -> memref<128x16xf32, #tpu.memory_space<vmem>>
        %dma_wait3A_695 = arith.constant 0 : i32
        %dma_wait3A_696 = tpu.memref_slice %arg9[%dma_wait3A_690, %dma_wait3A_695] : memref<4x128xi32, #tpu.memory_space<vmem>> -> memref<1x128xi32, #tpu.memory_space<vmem>>
        %dma_wait3A_697 = tpu.memref_squeeze %dma_wait3A_696 : memref<1x128xi32, #tpu.memory_space<vmem>> -> memref<128xi32, #tpu.memory_space<vmem>>
        %dma_wait3A_698 = arith.constant 0 : i32
        %dma_wait3A_699 = arith.constant 0 : i32
        %dma_wait3A_700 = tpu.memref_slice %arg22[%dma_wait3A_698, %dma_wait3A_699] : memref<10240x16xf32, #tpu.memory_space<vmem_shared>> -> memref<10240x16xf32, #tpu.memory_space<vmem_shared>>
        tpu.wait_indirect_dma semaphore(%arg31 : memref<!tpu.dma_semaphore, #tpu.memory_space<semaphore_mem>>) src(%dma_wait3A_694 : memref<128x16xf32, #tpu.memory_space<vmem>>) dst(%dma_wait3A_700 : memref<10240x16xf32, #tpu.memory_space<vmem_shared>>)
      } else {
      }
      %add3A_658 = arith.constant 2 : i32
      %add3A_659 = arith.addi %add3A_613, %add3A_658 : i32
      %mul3A_660 = arith.constant 128 : i32
      %mul3A_661 = arith.muli %add3A_659, %mul3A_660 : i32
      %add3A_662 = arith.addi %mul3A_2, %mul3A_661 : i32
      %dma_start3A_663 = arith.constant 1 : i32
      %dma_start3A_664 = arith.constant 1 : i32
      %dma_start3A_665 = arith.constant 0 : i32
      %dma_start3A_666 = tpu.memref_slice %arg9[%dma_start3A_664, %dma_start3A_665] : memref<4x128xi32, #tpu.memory_space<vmem>> -> memref<1x128xi32, #tpu.memory_space<vmem>>
      %dma_start3A_667 = tpu.memref_squeeze %dma_start3A_666 : memref<1x128xi32, #tpu.memory_space<vmem>> -> memref<128xi32, #tpu.memory_space<vmem>>
      %dma_start3A_668 = tpu.memref_slice %arg2[%dma_start3A_663, %add3A_662] : memref<2x320000xi32, #tpu.memory_space<hbm>> -> memref<1x128xi32, #tpu.memory_space<hbm>>
      %dma_start3A_669 = tpu.memref_squeeze %dma_start3A_668 : memref<1x128xi32, #tpu.memory_space<hbm>> -> memref<128xi32, #tpu.memory_space<hbm>>
      %dma_start3A_670 = arith.constant 0 : i32
      %dma_start3A_671 = tpu.memref_slice %arg9[%dma_start3A_664, %dma_start3A_670] : memref<4x128xi32, #tpu.memory_space<vmem>> -> memref<1x128xi32, #tpu.memory_space<vmem>>
      %dma_start3A_672 = tpu.memref_squeeze %dma_start3A_671 : memref<1x128xi32, #tpu.memory_space<vmem>> -> memref<128xi32, #tpu.memory_space<vmem>>
      %dma_start3A_673 = tpu.memref_slice %arg2[%dma_start3A_663, %add3A_662] : memref<2x320000xi32, #tpu.memory_space<hbm>> -> memref<1x128xi32, #tpu.memory_space<hbm>>
      %dma_start3A_674 = tpu.memref_squeeze %dma_start3A_673 : memref<1x128xi32, #tpu.memory_space<hbm>> -> memref<128xi32, #tpu.memory_space<hbm>>
      tpu.enqueue_dma source(%dma_start3A_674 : memref<128xi32, #tpu.memory_space<hbm>>) target(%dma_start3A_672 : memref<128xi32, #tpu.memory_space<vmem>>) target_semaphore(%arg35 : memref<!tpu.dma_semaphore, #tpu.memory_space<semaphore_mem>>)
      %add3A_675 = arith.constant 2 : i32
      %add3A_676 = arith.addi %add3A_613, %add3A_675 : i32
      %mul3A_677 = arith.constant 128 : i32
      %mul3A_678 = arith.muli %add3A_676, %mul3A_677 : i32
      %dma_start3A_679 = arith.constant 1 : i32
      %dma_start3A_680 = arith.constant 0 : i32
      %dma_start3A_681 = arith.constant 0 : i32
      %dma_start3A_682 = tpu.memref_slice %arg17[%dma_start3A_679, %dma_start3A_680, %dma_start3A_681] : memref<4x128x16xf32, #tpu.memory_space<vmem>> -> memref<1x128x16xf32, #tpu.memory_space<vmem>>
      %dma_start3A_683 = tpu.memref_squeeze %dma_start3A_682 : memref<1x128x16xf32, #tpu.memory_space<vmem>> -> memref<128x16xf32, #tpu.memory_space<vmem>>
      %dma_start3A_684 = tpu.memref_slice %arg7[%mul3A_678] : memref<10000xi32, #tpu.memory_space<vmem>> -> memref<128xi32, #tpu.memory_space<vmem>>
      %dma_start3A_685 = arith.constant 0 : i32
      %dma_start3A_686 = arith.constant 0 : i32
      %dma_start3A_687 = tpu.memref_slice %arg23[%dma_start3A_685, %dma_start3A_686] : memref<10240x16xf32, #tpu.memory_space<vmem_shared>> -> memref<10240x16xf32, #tpu.memory_space<vmem_shared>>
      tpu.enqueue_indirect_dma source(%dma_start3A_687 : memref<10240x16xf32, #tpu.memory_space<vmem_shared>>) target(%dma_start3A_683 : memref<128x16xf32, #tpu.memory_space<vmem>>) offsets(%dma_start3A_684 : memref<128xi32, #tpu.memory_space<vmem>>) semaphore(%arg27 : memref<!tpu.dma_semaphore, #tpu.memory_space<semaphore_mem>>)
      %scan3A_688 = arith.constant 0 : i32
      scf.yield %scan3A_688 : i32
    }
    %scan3A_172 = arith.constant 19 : i32
    %dma_wait3A_173 = arith.constant 0 : i32
    %dma_wait3A_174 = arith.constant 0 : i32
    %dma_wait3A_175 = arith.constant 0 : i32
    %dma_wait3A_176 = tpu.memref_slice %arg17[%dma_wait3A_173, %dma_wait3A_174, %dma_wait3A_175] : memref<4x128x16xf32, #tpu.memory_space<vmem>> -> memref<1x128x16xf32, #tpu.memory_space<vmem>>
    %dma_wait3A_177 = tpu.memref_squeeze %dma_wait3A_176 : memref<1x128x16xf32, #tpu.memory_space<vmem>> -> memref<128x16xf32, #tpu.memory_space<vmem>>
    %dma_wait3A_178 = arith.constant 0 : i32
    %dma_wait3A_179 = tpu.memref_slice %arg7[%dma_wait3A_178] : memref<10000xi32, #tpu.memory_space<vmem>> -> memref<128xi32, #tpu.memory_space<vmem>>
    %dma_wait3A_180 = arith.constant 0 : i32
    %dma_wait3A_181 = arith.constant 0 : i32
    %dma_wait3A_182 = tpu.memref_slice %arg23[%dma_wait3A_180, %dma_wait3A_181] : memref<10240x16xf32, #tpu.memory_space<vmem_shared>> -> memref<10240x16xf32, #tpu.memory_space<vmem_shared>>
    tpu.wait_indirect_dma semaphore(%arg26 : memref<!tpu.dma_semaphore, #tpu.memory_space<semaphore_mem>>) src(%dma_wait3A_182 : memref<10240x16xf32, #tpu.memory_space<vmem_shared>>) dst(%dma_wait3A_177 : memref<128x16xf32, #tpu.memory_space<vmem>>)
    %dma_wait3A_183 = arith.constant 1 : i32
    %dma_wait3A_184 = arith.constant 0 : i32
    %dma_wait3A_185 = arith.constant 0 : i32
    %dma_wait3A_186 = tpu.memref_slice %arg9[%dma_wait3A_184, %dma_wait3A_185] : memref<4x128xi32, #tpu.memory_space<vmem>> -> memref<1x128xi32, #tpu.memory_space<vmem>>
    %dma_wait3A_187 = tpu.memref_squeeze %dma_wait3A_186 : memref<1x128xi32, #tpu.memory_space<vmem>> -> memref<128xi32, #tpu.memory_space<vmem>>
    %dma_wait3A_188 = arith.constant 0 : i32
    %dma_wait3A_189 = tpu.memref_slice %arg2[%dma_wait3A_183, %dma_wait3A_188] : memref<2x320000xi32, #tpu.memory_space<hbm>> -> memref<1x128xi32, #tpu.memory_space<hbm>>
    %dma_wait3A_190 = tpu.memref_squeeze %dma_wait3A_189 : memref<1x128xi32, #tpu.memory_space<hbm>> -> memref<128xi32, #tpu.memory_space<hbm>>
    %dma_wait3A_191 = arith.constant 0 : i32
    %dma_wait3A_192 = tpu.memref_slice %arg9[%dma_wait3A_184, %dma_wait3A_191] : memref<4x128xi32, #tpu.memory_space<vmem>> -> memref<1x128xi32, #tpu.memory_space<vmem>>
    %dma_wait3A_193 = tpu.memref_squeeze %dma_wait3A_192 : memref<1x128xi32, #tpu.memory_space<vmem>> -> memref<128xi32, #tpu.memory_space<vmem>>
    %dma_wait3A_194 = arith.constant 0 : i32
    %dma_wait3A_195 = tpu.memref_slice %arg2[%dma_wait3A_183, %dma_wait3A_194] : memref<2x320000xi32, #tpu.memory_space<hbm>> -> memref<1x128xi32, #tpu.memory_space<hbm>>
    %dma_wait3A_196 = tpu.memref_squeeze %dma_wait3A_195 : memref<1x128xi32, #tpu.memory_space<hbm>> -> memref<128xi32, #tpu.memory_space<hbm>>
    tpu.wait_dma2 semaphore(%arg34 : memref<!tpu.dma_semaphore, #tpu.memory_space<semaphore_mem>>) src(%dma_wait3A_196 : memref<128xi32, #tpu.memory_space<hbm>>) dst(%dma_wait3A_193 : memref<128xi32, #tpu.memory_space<vmem>>)
    %parallel_loop3A = arith.constant 0 : i32
    %parallel_loop3A_197 = arith.constant 8 : i32
    %parallel_loop3A_198 = arith.constant 1 : i32
    scf.for %parallel_loop3A_381 = %parallel_loop3A to %parallel_loop3A_197 step %parallel_loop3A_198  : i32 {
      %parallel_loop3A_382 = arith.constant 16 : i32
      %parallel_loop3A_383 = arith.muli %parallel_loop3A_381, %parallel_loop3A_382 : i32
      %parallel_loop3A_384 = arith.constant 9728 : i32
      %parallel_loop3A_385 = arith.addi %parallel_loop3A_384, %parallel_loop3A_383 : i32
      %parallel_loop3A_386 = arith.index_cast %parallel_loop3A_385 : i32 to index
      %parallel_loop3A_387 = tpu.vector_load %arg8[%parallel_loop3A_386] {strides = array<i32>} : memref<10000xi32, #tpu.memory_space<vmem>>, vector<16xi32>,
      %parallel_loop3A_388 = arith.index_cast %parallel_loop3A_385 : i32 to index
      %parallel_loop3A_389 = tpu.vector_load %arg7[%parallel_loop3A_388] {strides = array<i32>} : memref<10000xi32, #tpu.memory_space<vmem>>, vector<16xi32>,
      %parallel_loop3A_390 = arith.constant 7 : i32
      %parallel_loop3A_391 = vector.broadcast %parallel_loop3A_390 : i32 to vector<16xi32>
      %parallel_loop3A_392 = arith.shrsi %parallel_loop3A_387, %parallel_loop3A_391 : vector<16xi32>
      %parallel_loop3A_393 = arith.constant 127 : i32
      %parallel_loop3A_394 = vector.broadcast %parallel_loop3A_393 : i32 to vector<16xi32>
      %parallel_loop3A_395 = arith.andi %parallel_loop3A_387, %parallel_loop3A_394 : vector<16xi32>
      %parallel_loop3A_396 = tpu.vector_load_idx %arg11[%parallel_loop3A_392, %parallel_loop3A_395] : memref<80x128xf32, #tpu.memory_space<vmem>>[vector<16xi32>, vector<16xi32>], vector<16xf32>,
      %parallel_loop3A_397 = arith.constant 7 : i32
      %parallel_loop3A_398 = vector.broadcast %parallel_loop3A_397 : i32 to vector<16xi32>
      %parallel_loop3A_399 = arith.shrsi %parallel_loop3A_389, %parallel_loop3A_398 : vector<16xi32>
      %parallel_loop3A_400 = arith.constant 127 : i32
      %parallel_loop3A_401 = vector.broadcast %parallel_loop3A_400 : i32 to vector<16xi32>
      %parallel_loop3A_402 = arith.andi %parallel_loop3A_389, %parallel_loop3A_401 : vector<16xi32>
      tpu.vector_store_idx %arg12[%parallel_loop3A_399, %parallel_loop3A_402], %parallel_loop3A_396 {add = true} : memref<80x128xf32, #tpu.memory_space<vmem>>[vector<16xi32>, vector<16xi32>], vector<16xf32>,
    } {sc.loop_unroll_factor = 4 : i64, sc.parallel_access}
    %dma_start3A_199 = arith.constant 0 : i32
    %dma_start3A_200 = arith.constant 0 : i32
    %dma_start3A_201 = arith.constant 0 : i32
    %dma_start3A_202 = arith.constant 0 : i32
    %dma_start3A_203 = tpu.memref_slice %arg17[%dma_start3A_199, %dma_start3A_201, %dma_start3A_202] : memref<4x128x16xf32, #tpu.memory_space<vmem>> -> memref<1x128x16xf32, #tpu.memory_space<vmem>>
    %dma_start3A_204 = tpu.memref_squeeze %dma_start3A_203 : memref<1x128x16xf32, #tpu.memory_space<vmem>> -> memref<128x16xf32, #tpu.memory_space<vmem>>
    %dma_start3A_205 = arith.constant 0 : i32
    %dma_start3A_206 = tpu.memref_slice %arg9[%dma_start3A_200, %dma_start3A_205] : memref<4x128xi32, #tpu.memory_space<vmem>> -> memref<1x128xi32, #tpu.memory_space<vmem>>
    %dma_start3A_207 = tpu.memref_squeeze %dma_start3A_206 : memref<1x128xi32, #tpu.memory_space<vmem>> -> memref<128xi32, #tpu.memory_space<vmem>>
    %dma_start3A_208 = arith.constant 0 : i32
    %dma_start3A_209 = arith.constant 0 : i32
    %dma_start3A_210 = tpu.memref_slice %arg22[%dma_start3A_208, %dma_start3A_209] : memref<10240x16xf32, #tpu.memory_space<vmem_shared>> -> memref<10240x16xf32, #tpu.memory_space<vmem_shared>>
    tpu.enqueue_indirect_dma source(%dma_start3A_204 : memref<128x16xf32, #tpu.memory_space<vmem>>) target(%dma_start3A_210 : memref<10240x16xf32, #tpu.memory_space<vmem_shared>>) offsets(%dma_start3A_207 : memref<128xi32, #tpu.memory_space<vmem>>) semaphore(%arg30 : memref<!tpu.dma_semaphore, #tpu.memory_space<semaphore_mem>>) {add = true}
    %dma_wait3A_211 = arith.constant 1 : i32
    %dma_wait3A_212 = arith.constant 0 : i32
    %dma_wait3A_213 = arith.constant 0 : i32
    %dma_wait3A_214 = tpu.memref_slice %arg17[%dma_wait3A_211, %dma_wait3A_212, %dma_wait3A_213] : memref<4x128x16xf32, #tpu.memory_space<vmem>> -> memref<1x128x16xf32, #tpu.memory_space<vmem>>
    %dma_wait3A_215 = tpu.memref_squeeze %dma_wait3A_214 : memref<1x128x16xf32, #tpu.memory_space<vmem>> -> memref<128x16xf32, #tpu.memory_space<vmem>>
    %dma_wait3A_216 = arith.constant 0 : i32
    %dma_wait3A_217 = tpu.memref_slice %arg7[%dma_wait3A_216] : memref<10000xi32, #tpu.memory_space<vmem>> -> memref<128xi32, #tpu.memory_space<vmem>>
    %dma_wait3A_218 = arith.constant 0 : i32
    %dma_wait3A_219 = arith.constant 0 : i32
    %dma_wait3A_220 = tpu.memref_slice %arg23[%dma_wait3A_218, %dma_wait3A_219] : memref<10240x16xf32, #tpu.memory_space<vmem_shared>> -> memref<10240x16xf32, #tpu.memory_space<vmem_shared>>
    tpu.wait_indirect_dma semaphore(%arg27 : memref<!tpu.dma_semaphore, #tpu.memory_space<semaphore_mem>>) src(%dma_wait3A_220 : memref<10240x16xf32, #tpu.memory_space<vmem_shared>>) dst(%dma_wait3A_215 : memref<128x16xf32, #tpu.memory_space<vmem>>)
    %dma_wait3A_221 = arith.constant 1 : i32
    %dma_wait3A_222 = arith.constant 1 : i32
    %dma_wait3A_223 = arith.constant 0 : i32
    %dma_wait3A_224 = tpu.memref_slice %arg9[%dma_wait3A_222, %dma_wait3A_223] : memref<4x128xi32, #tpu.memory_space<vmem>> -> memref<1x128xi32, #tpu.memory_space<vmem>>
    %dma_wait3A_225 = tpu.memref_squeeze %dma_wait3A_224 : memref<1x128xi32, #tpu.memory_space<vmem>> -> memref<128xi32, #tpu.memory_space<vmem>>
    %dma_wait3A_226 = arith.constant 0 : i32
    %dma_wait3A_227 = tpu.memref_slice %arg2[%dma_wait3A_221, %dma_wait3A_226] : memref<2x320000xi32, #tpu.memory_space<hbm>> -> memref<1x128xi32, #tpu.memory_space<hbm>>
    %dma_wait3A_228 = tpu.memref_squeeze %dma_wait3A_227 : memref<1x128xi32, #tpu.memory_space<hbm>> -> memref<128xi32, #tpu.memory_space<hbm>>
    %dma_wait3A_229 = arith.constant 0 : i32
    %dma_wait3A_230 = tpu.memref_slice %arg9[%dma_wait3A_222, %dma_wait3A_229] : memref<4x128xi32, #tpu.memory_space<vmem>> -> memref<1x128xi32, #tpu.memory_space<vmem>>
    %dma_wait3A_231 = tpu.memref_squeeze %dma_wait3A_230 : memref<1x128xi32, #tpu.memory_space<vmem>> -> memref<128xi32, #tpu.memory_space<vmem>>
    %dma_wait3A_232 = arith.constant 0 : i32
    %dma_wait3A_233 = tpu.memref_slice %arg2[%dma_wait3A_221, %dma_wait3A_232] : memref<2x320000xi32, #tpu.memory_space<hbm>> -> memref<1x128xi32, #tpu.memory_space<hbm>>
    %dma_wait3A_234 = tpu.memref_squeeze %dma_wait3A_233 : memref<1x128xi32, #tpu.memory_space<hbm>> -> memref<128xi32, #tpu.memory_space<hbm>>
    tpu.wait_dma2 semaphore(%arg35 : memref<!tpu.dma_semaphore, #tpu.memory_space<semaphore_mem>>) src(%dma_wait3A_234 : memref<128xi32, #tpu.memory_space<hbm>>) dst(%dma_wait3A_231 : memref<128xi32, #tpu.memory_space<vmem>>)
    %parallel_loop3A_235 = arith.constant 0 : i32
    %parallel_loop3A_236 = arith.constant 8 : i32
    %parallel_loop3A_237 = arith.constant 1 : i32
    scf.for %parallel_loop3A_381 = %parallel_loop3A_235 to %parallel_loop3A_236 step %parallel_loop3A_237  : i32 {
      %parallel_loop3A_382 = arith.constant 16 : i32
      %parallel_loop3A_383 = arith.muli %parallel_loop3A_381, %parallel_loop3A_382 : i32
      %parallel_loop3A_384 = arith.constant 9856 : i32
      %parallel_loop3A_385 = arith.addi %parallel_loop3A_384, %parallel_loop3A_383 : i32
      %parallel_loop3A_386 = arith.index_cast %parallel_loop3A_385 : i32 to index
      %parallel_loop3A_387 = tpu.vector_load %arg8[%parallel_loop3A_386] {strides = array<i32>} : memref<10000xi32, #tpu.memory_space<vmem>>, vector<16xi32>,
      %parallel_loop3A_388 = arith.index_cast %parallel_loop3A_385 : i32 to index
      %parallel_loop3A_389 = tpu.vector_load %arg7[%parallel_loop3A_388] {strides = array<i32>} : memref<10000xi32, #tpu.memory_space<vmem>>, vector<16xi32>,
      %parallel_loop3A_390 = arith.constant 7 : i32
      %parallel_loop3A_391 = vector.broadcast %parallel_loop3A_390 : i32 to vector<16xi32>
      %parallel_loop3A_392 = arith.shrsi %parallel_loop3A_387, %parallel_loop3A_391 : vector<16xi32>
      %parallel_loop3A_393 = arith.constant 127 : i32
      %parallel_loop3A_394 = vector.broadcast %parallel_loop3A_393 : i32 to vector<16xi32>
      %parallel_loop3A_395 = arith.andi %parallel_loop3A_387, %parallel_loop3A_394 : vector<16xi32>
      %parallel_loop3A_396 = tpu.vector_load_idx %arg11[%parallel_loop3A_392, %parallel_loop3A_395] : memref<80x128xf32, #tpu.memory_space<vmem>>[vector<16xi32>, vector<16xi32>], vector<16xf32>,
      %parallel_loop3A_397 = arith.constant 7 : i32
      %parallel_loop3A_398 = vector.broadcast %parallel_loop3A_397 : i32 to vector<16xi32>
      %parallel_loop3A_399 = arith.shrsi %parallel_loop3A_389, %parallel_loop3A_398 : vector<16xi32>
      %parallel_loop3A_400 = arith.constant 127 : i32
      %parallel_loop3A_401 = vector.broadcast %parallel_loop3A_400 : i32 to vector<16xi32>
      %parallel_loop3A_402 = arith.andi %parallel_loop3A_389, %parallel_loop3A_401 : vector<16xi32>
      tpu.vector_store_idx %arg12[%parallel_loop3A_399, %parallel_loop3A_402], %parallel_loop3A_396 {add = true} : memref<80x128xf32, #tpu.memory_space<vmem>>[vector<16xi32>, vector<16xi32>], vector<16xf32>,
    } {sc.loop_unroll_factor = 4 : i64, sc.parallel_access}
    %dma_start3A_238 = arith.constant 1 : i32
    %dma_start3A_239 = arith.constant 1 : i32
    %dma_start3A_240 = arith.constant 0 : i32
    %dma_start3A_241 = arith.constant 0 : i32
    %dma_start3A_242 = tpu.memref_slice %arg17[%dma_start3A_238, %dma_start3A_240, %dma_start3A_241] : memref<4x128x16xf32, #tpu.memory_space<vmem>> -> memref<1x128x16xf32, #tpu.memory_space<vmem>>
    %dma_start3A_243 = tpu.memref_squeeze %dma_start3A_242 : memref<1x128x16xf32, #tpu.memory_space<vmem>> -> memref<128x16xf32, #tpu.memory_space<vmem>>
    %dma_start3A_244 = arith.constant 0 : i32
    %dma_start3A_245 = tpu.memref_slice %arg9[%dma_start3A_239, %dma_start3A_244] : memref<4x128xi32, #tpu.memory_space<vmem>> -> memref<1x128xi32, #tpu.memory_space<vmem>>
    %dma_start3A_246 = tpu.memref_squeeze %dma_start3A_245 : memref<1x128xi32, #tpu.memory_space<vmem>> -> memref<128xi32, #tpu.memory_space<vmem>>
    %dma_start3A_247 = arith.constant 0 : i32
    %dma_start3A_248 = arith.constant 0 : i32
    %dma_start3A_249 = tpu.memref_slice %arg22[%dma_start3A_247, %dma_start3A_248] : memref<10240x16xf32, #tpu.memory_space<vmem_shared>> -> memref<10240x16xf32, #tpu.memory_space<vmem_shared>>
    tpu.enqueue_indirect_dma source(%dma_start3A_243 : memref<128x16xf32, #tpu.memory_space<vmem>>) target(%dma_start3A_249 : memref<10240x16xf32, #tpu.memory_space<vmem_shared>>) offsets(%dma_start3A_246 : memref<128xi32, #tpu.memory_space<vmem>>) semaphore(%arg31 : memref<!tpu.dma_semaphore, #tpu.memory_space<semaphore_mem>>) {add = true}
    %add3A_250 = arith.constant 9984 : i32
    %add3A_251 = arith.addi %mul3A_2, %add3A_250 : i32
    %run_scoped3A_252 = arith.constant 1 : i32
    "tpu.region"() ({
      %run_scoped3A_381 = tpu.sem_alloc : memref<!tpu.dma_semaphore, #tpu.memory_space<semaphore_mem>>
      %dma_start3A_382 = tpu.memref_slice %arg2[%run_scoped3A_252, %add3A_251] : memref<2x320000xi32, #tpu.memory_space<hbm>> -> memref<1x16xi32, #tpu.memory_space<hbm>>
      %dma_start3A_383 = tpu.memref_squeeze %dma_start3A_382 : memref<1x16xi32, #tpu.memory_space<hbm>> -> memref<16xi32, #tpu.memory_space<hbm>>
      %dma_start3A_384 = tpu.memref_slice %arg2[%run_scoped3A_252, %add3A_251] : memref<2x320000xi32, #tpu.memory_space<hbm>> -> memref<1x16xi32, #tpu.memory_space<hbm>>
      %dma_start3A_385 = tpu.memref_squeeze %dma_start3A_384 : memref<1x16xi32, #tpu.memory_space<hbm>> -> memref<16xi32, #tpu.memory_space<hbm>>
      tpu.enqueue_dma source(%dma_start3A_385 : memref<16xi32, #tpu.memory_space<hbm>>) target(%arg10 : memref<16xi32, #tpu.memory_space<vmem>>) target_semaphore(%run_scoped3A_381 : memref<!tpu.dma_semaphore, #tpu.memory_space<semaphore_mem>>)
      %dma_wait3A_386 = tpu.memref_slice %arg2[%run_scoped3A_252, %add3A_251] : memref<2x320000xi32, #tpu.memory_space<hbm>> -> memref<1x16xi32, #tpu.memory_space<hbm>>
      %dma_wait3A_387 = tpu.memref_squeeze %dma_wait3A_386 : memref<1x16xi32, #tpu.memory_space<hbm>> -> memref<16xi32, #tpu.memory_space<hbm>>
      %dma_wait3A_388 = tpu.memref_slice %arg2[%run_scoped3A_252, %add3A_251] : memref<2x320000xi32, #tpu.memory_space<hbm>> -> memref<1x16xi32, #tpu.memory_space<hbm>>
      %dma_wait3A_389 = tpu.memref_squeeze %dma_wait3A_388 : memref<1x16xi32, #tpu.memory_space<hbm>> -> memref<16xi32, #tpu.memory_space<hbm>>
      tpu.wait_dma2 semaphore(%run_scoped3A_381 : memref<!tpu.dma_semaphore, #tpu.memory_space<semaphore_mem>>) src(%dma_wait3A_389 : memref<16xi32, #tpu.memory_space<hbm>>) dst(%arg10 : memref<16xi32, #tpu.memory_space<vmem>>)
      tpu.yield
    }) : () -> ()
    %dma_start3A_253 = arith.constant 9984 : i32
    %dma_start3A_254 = tpu.memref_slice %arg7[%dma_start3A_253] : memref<10000xi32, #tpu.memory_space<vmem>> -> memref<16xi32, #tpu.memory_space<vmem>>
    %dma_start3A_255 = arith.constant 0 : i32
    %dma_start3A_256 = arith.constant 0 : i32
    %dma_start3A_257 = tpu.memref_slice %arg23[%dma_start3A_255, %dma_start3A_256] : memref<10240x16xf32, #tpu.memory_space<vmem_shared>> -> memref<10240x16xf32, #tpu.memory_space<vmem_shared>>
    tpu.enqueue_indirect_dma source(%dma_start3A_257 : memref<10240x16xf32, #tpu.memory_space<vmem_shared>>) target(%arg18 : memref<16x16xf32, #tpu.memory_space<vmem>>) offsets(%dma_start3A_254 : memref<16xi32, #tpu.memory_space<vmem>>) semaphore(%arg26 : memref<!tpu.dma_semaphore, #tpu.memory_space<semaphore_mem>>)
    %dma_wait3A_258 = arith.constant 9984 : i32
    %dma_wait3A_259 = tpu.memref_slice %arg7[%dma_wait3A_258] : memref<10000xi32, #tpu.memory_space<vmem>> -> memref<16xi32, #tpu.memory_space<vmem>>
    %dma_wait3A_260 = arith.constant 0 : i32
    %dma_wait3A_261 = arith.constant 0 : i32
    %dma_wait3A_262 = tpu.memref_slice %arg23[%dma_wait3A_260, %dma_wait3A_261] : memref<10240x16xf32, #tpu.memory_space<vmem_shared>> -> memref<10240x16xf32, #tpu.memory_space<vmem_shared>>
    tpu.wait_indirect_dma semaphore(%arg26 : memref<!tpu.dma_semaphore, #tpu.memory_space<semaphore_mem>>) src(%dma_wait3A_262 : memref<10240x16xf32, #tpu.memory_space<vmem_shared>>) dst(%arg18 : memref<16x16xf32, #tpu.memory_space<vmem>>)
    %dma_start3A_263 = arith.constant 0 : i32
    %dma_start3A_264 = arith.constant 0 : i32
    %dma_start3A_265 = tpu.memref_slice %arg22[%dma_start3A_263, %dma_start3A_264] : memref<10240x16xf32, #tpu.memory_space<vmem_shared>> -> memref<10240x16xf32, #tpu.memory_space<vmem_shared>>
    tpu.enqueue_indirect_dma source(%arg18 : memref<16x16xf32, #tpu.memory_space<vmem>>) target(%dma_start3A_265 : memref<10240x16xf32, #tpu.memory_space<vmem_shared>>) offsets(%arg10 : memref<16xi32, #tpu.memory_space<vmem>>) semaphore(%arg30 : memref<!tpu.dma_semaphore, #tpu.memory_space<semaphore_mem>>) {add = true}
    %dma_wait3A_266 = arith.constant 0 : i32
    %dma_wait3A_267 = arith.constant 0 : i32
    %dma_wait3A_268 = tpu.memref_slice %arg22[%dma_wait3A_266, %dma_wait3A_267] : memref<10240x16xf32, #tpu.memory_space<vmem_shared>> -> memref<10240x16xf32, #tpu.memory_space<vmem_shared>>
    tpu.wait_indirect_dma semaphore(%arg30 : memref<!tpu.dma_semaphore, #tpu.memory_space<semaphore_mem>>) src(%arg18 : memref<16x16xf32, #tpu.memory_space<vmem>>) dst(%dma_wait3A_268 : memref<10240x16xf32, #tpu.memory_space<vmem_shared>>)
    %parallel_loop3A_269 = arith.constant 0 : i32
    %parallel_loop3A_270 = arith.constant 1 : i32
    %parallel_loop3A_271 = arith.constant 1 : i32
    scf.for %parallel_loop3A_381 = %parallel_loop3A_269 to %parallel_loop3A_270 step %parallel_loop3A_271  : i32 {
      %parallel_loop3A_382 = arith.constant 16 : i32
      %parallel_loop3A_383 = arith.muli %parallel_loop3A_381, %parallel_loop3A_382 : i32
      %parallel_loop3A_384 = arith.constant 9984 : i32
      %parallel_loop3A_385 = arith.addi %parallel_loop3A_384, %parallel_loop3A_383 : i32
      %parallel_loop3A_386 = arith.index_cast %parallel_loop3A_385 : i32 to index
      %parallel_loop3A_387 = tpu.vector_load %arg8[%parallel_loop3A_386] {strides = array<i32>} : memref<10000xi32, #tpu.memory_space<vmem>>, vector<16xi32>,
      %parallel_loop3A_388 = arith.index_cast %parallel_loop3A_385 : i32 to index
      %parallel_loop3A_389 = tpu.vector_load %arg7[%parallel_loop3A_388] {strides = array<i32>} : memref<10000xi32, #tpu.memory_space<vmem>>, vector<16xi32>,
      %parallel_loop3A_390 = arith.constant 7 : i32
      %parallel_loop3A_391 = vector.broadcast %parallel_loop3A_390 : i32 to vector<16xi32>
      %parallel_loop3A_392 = arith.shrsi %parallel_loop3A_387, %parallel_loop3A_391 : vector<16xi32>
      %parallel_loop3A_393 = arith.constant 127 : i32
      %parallel_loop3A_394 = vector.broadcast %parallel_loop3A_393 : i32 to vector<16xi32>
      %parallel_loop3A_395 = arith.andi %parallel_loop3A_387, %parallel_loop3A_394 : vector<16xi32>
      %parallel_loop3A_396 = tpu.vector_load_idx %arg11[%parallel_loop3A_392, %parallel_loop3A_395] : memref<80x128xf32, #tpu.memory_space<vmem>>[vector<16xi32>, vector<16xi32>], vector<16xf32>,
      %parallel_loop3A_397 = arith.constant 7 : i32
      %parallel_loop3A_398 = vector.broadcast %parallel_loop3A_397 : i32 to vector<16xi32>
      %parallel_loop3A_399 = arith.shrsi %parallel_loop3A_389, %parallel_loop3A_398 : vector<16xi32>
      %parallel_loop3A_400 = arith.constant 127 : i32
      %parallel_loop3A_401 = vector.broadcast %parallel_loop3A_400 : i32 to vector<16xi32>
      %parallel_loop3A_402 = arith.andi %parallel_loop3A_389, %parallel_loop3A_401 : vector<16xi32>
      tpu.vector_store_idx %arg12[%parallel_loop3A_399, %parallel_loop3A_402], %parallel_loop3A_396 {add = true} : memref<80x128xf32, #tpu.memory_space<vmem>>[vector<16xi32>, vector<16xi32>], vector<16xf32>,
    } {sc.loop_unroll_factor = 1 : i64, sc.parallel_access}
    %dma_wait3A_272 = arith.constant 0 : i32
    %dma_wait3A_273 = arith.constant 0 : i32
    %dma_wait3A_274 = arith.constant 0 : i32
    %dma_wait3A_275 = arith.constant 0 : i32
    %dma_wait3A_276 = tpu.memref_slice %arg17[%dma_wait3A_272, %dma_wait3A_274, %dma_wait3A_275] : memref<4x128x16xf32, #tpu.memory_space<vmem>> -> memref<1x128x16xf32, #tpu.memory_space<vmem>>
    %dma_wait3A_277 = tpu.memref_squeeze %dma_wait3A_276 : memref<1x128x16xf32, #tpu.memory_space<vmem>> -> memref<128x16xf32, #tpu.memory_space<vmem>>
    %dma_wait3A_278 = arith.constant 0 : i32
    %dma_wait3A_279 = tpu.memref_slice %arg9[%dma_wait3A_273, %dma_wait3A_278] : memref<4x128xi32, #tpu.memory_space<vmem>> -> memref<1x128xi32, #tpu.memory_space<vmem>>
    %dma_wait3A_280 = tpu.memref_squeeze %dma_wait3A_279 : memref<1x128xi32, #tpu.memory_space<vmem>> -> memref<128xi32, #tpu.memory_space<vmem>>
    %dma_wait3A_281 = arith.constant 0 : i32
    %dma_wait3A_282 = arith.constant 0 : i32
    %dma_wait3A_283 = tpu.memref_slice %arg22[%dma_wait3A_281, %dma_wait3A_282] : memref<10240x16xf32, #tpu.memory_space<vmem_shared>> -> memref<10240x16xf32, #tpu.memory_space<vmem_shared>>
    tpu.wait_indirect_dma semaphore(%arg30 : memref<!tpu.dma_semaphore, #tpu.memory_space<semaphore_mem>>) src(%dma_wait3A_277 : memref<128x16xf32, #tpu.memory_space<vmem>>) dst(%dma_wait3A_283 : memref<10240x16xf32, #tpu.memory_space<vmem_shared>>)
    %dma_wait3A_284 = arith.constant 1 : i32
    %dma_wait3A_285 = arith.constant 1 : i32
    %dma_wait3A_286 = arith.constant 0 : i32
    %dma_wait3A_287 = arith.constant 0 : i32
    %dma_wait3A_288 = tpu.memref_slice %arg17[%dma_wait3A_284, %dma_wait3A_286, %dma_wait3A_287] : memref<4x128x16xf32, #tpu.memory_space<vmem>> -> memref<1x128x16xf32, #tpu.memory_space<vmem>>
    %dma_wait3A_289 = tpu.memref_squeeze %dma_wait3A_288 : memref<1x128x16xf32, #tpu.memory_space<vmem>> -> memref<128x16xf32, #tpu.memory_space<vmem>>
    %dma_wait3A_290 = arith.constant 0 : i32
    %dma_wait3A_291 = tpu.memref_slice %arg9[%dma_wait3A_285, %dma_wait3A_290] : memref<4x128xi32, #tpu.memory_space<vmem>> -> memref<1x128xi32, #tpu.memory_space<vmem>>
    %dma_wait3A_292 = tpu.memref_squeeze %dma_wait3A_291 : memref<1x128xi32, #tpu.memory_space<vmem>> -> memref<128xi32, #tpu.memory_space<vmem>>
    %dma_wait3A_293 = arith.constant 0 : i32
    %dma_wait3A_294 = arith.constant 0 : i32
    %dma_wait3A_295 = tpu.memref_slice %arg22[%dma_wait3A_293, %dma_wait3A_294] : memref<10240x16xf32, #tpu.memory_space<vmem_shared>> -> memref<10240x16xf32, #tpu.memory_space<vmem_shared>>
    tpu.wait_indirect_dma semaphore(%arg31 : memref<!tpu.dma_semaphore, #tpu.memory_space<semaphore_mem>>) src(%dma_wait3A_289 : memref<128x16xf32, #tpu.memory_space<vmem>>) dst(%dma_wait3A_295 : memref<10240x16xf32, #tpu.memory_space<vmem_shared>>)
    %dma_wait3A_296 = arith.constant 2 : i32
    %dma_wait3A_297 = arith.constant 2 : i32
    %dma_wait3A_298 = arith.constant 0 : i32
    %dma_wait3A_299 = arith.constant 0 : i32
    %dma_wait3A_300 = tpu.memref_slice %arg17[%dma_wait3A_296, %dma_wait3A_298, %dma_wait3A_299] : memref<4x128x16xf32, #tpu.memory_space<vmem>> -> memref<1x128x16xf32, #tpu.memory_space<vmem>>
    %dma_wait3A_301 = tpu.memref_squeeze %dma_wait3A_300 : memref<1x128x16xf32, #tpu.memory_space<vmem>> -> memref<128x16xf32, #tpu.memory_space<vmem>>
    %dma_wait3A_302 = arith.constant 0 : i32
    %dma_wait3A_303 = tpu.memref_slice %arg9[%dma_wait3A_297, %dma_wait3A_302] : memref<4x128xi32, #tpu.memory_space<vmem>> -> memref<1x128xi32, #tpu.memory_space<vmem>>
    %dma_wait3A_304 = tpu.memref_squeeze %dma_wait3A_303 : memref<1x128xi32, #tpu.memory_space<vmem>> -> memref<128xi32, #tpu.memory_space<vmem>>
    %dma_wait3A_305 = arith.constant 0 : i32
    %dma_wait3A_306 = arith.constant 0 : i32
    %dma_wait3A_307 = tpu.memref_slice %arg22[%dma_wait3A_305, %dma_wait3A_306] : memref<10240x16xf32, #tpu.memory_space<vmem_shared>> -> memref<10240x16xf32, #tpu.memory_space<vmem_shared>>
    tpu.wait_indirect_dma semaphore(%arg32 : memref<!tpu.dma_semaphore, #tpu.memory_space<semaphore_mem>>) src(%dma_wait3A_301 : memref<128x16xf32, #tpu.memory_space<vmem>>) dst(%dma_wait3A_307 : memref<10240x16xf32, #tpu.memory_space<vmem_shared>>)
    %dma_wait3A_308 = arith.constant 3 : i32
    %dma_wait3A_309 = arith.constant 3 : i32
    %dma_wait3A_310 = arith.constant 0 : i32
    %dma_wait3A_311 = arith.constant 0 : i32
    %dma_wait3A_312 = tpu.memref_slice %arg17[%dma_wait3A_308, %dma_wait3A_310, %dma_wait3A_311] : memref<4x128x16xf32, #tpu.memory_space<vmem>> -> memref<1x128x16xf32, #tpu.memory_space<vmem>>
    %dma_wait3A_313 = tpu.memref_squeeze %dma_wait3A_312 : memref<1x128x16xf32, #tpu.memory_space<vmem>> -> memref<128x16xf32, #tpu.memory_space<vmem>>
    %dma_wait3A_314 = arith.constant 0 : i32
    %dma_wait3A_315 = tpu.memref_slice %arg9[%dma_wait3A_309, %dma_wait3A_314] : memref<4x128xi32, #tpu.memory_space<vmem>> -> memref<1x128xi32, #tpu.memory_space<vmem>>
    %dma_wait3A_316 = tpu.memref_squeeze %dma_wait3A_315 : memref<1x128xi32, #tpu.memory_space<vmem>> -> memref<128xi32, #tpu.memory_space<vmem>>
    %dma_wait3A_317 = arith.constant 0 : i32
    %dma_wait3A_318 = arith.constant 0 : i32
    %dma_wait3A_319 = tpu.memref_slice %arg22[%dma_wait3A_317, %dma_wait3A_318] : memref<10240x16xf32, #tpu.memory_space<vmem_shared>> -> memref<10240x16xf32, #tpu.memory_space<vmem_shared>>
    tpu.wait_indirect_dma semaphore(%arg33 : memref<!tpu.dma_semaphore, #tpu.memory_space<semaphore_mem>>) src(%dma_wait3A_313 : memref<128x16xf32, #tpu.memory_space<vmem>>) dst(%dma_wait3A_319 : memref<10240x16xf32, #tpu.memory_space<vmem_shared>>)
    %barrier3A_320 = arith.constant 0 : index
    tpu.barrier barrier_id(%barrier3A_320)
    %eq3A = arith.constant 0 : i32
    %eq3A_321 = arith.cmpi eq, %add3A, %eq3A : i32
    %convert_element_type3A = arith.extui %eq3A_321 : i1 to i32
    %cond3A = arith.constant 0 : i32
    %cond3A_322 = arith.cmpi ne, %convert_element_type3A, %cond3A : i32
    scf.if %cond3A_322 {
      %scan3A_381 = arith.constant 0 : i32
      %scan3A_382 = arith.constant 0 : i32
      %scan3A_383 = arith.constant 625 : i32
      %scan3A_384 = arith.addi %scan3A_382, %scan3A_383 : i32
      %scan3A_385 = arith.constant 1 : i32
      %scan3A_386 = scf.for %scan3A_388 = %scan3A_382 to %scan3A_384 step %scan3A_385 iter_args(%scan3A_389 = %scan3A_381) -> (i32)  : i32 {
        %jit3A_390 = arith.constant 8 : i32
        %div3A = arith.divsi %scan3A_388, %jit3A_390 : i32
        %sign3A = arith.constant 0 : i32
        %sign3A_391 = arith.cmpi sgt, %scan3A_388, %sign3A : i32
        %sign3A_392 = arith.extui %sign3A_391 : i1 to i32
        %sign3A_393 = arith.constant 0 : i32
        %sign3A_394 = arith.cmpi slt, %scan3A_388, %sign3A_393 : i32
        %sign3A_395 = arith.extui %sign3A_394 : i1 to i32
        %sign3A_396 = arith.subi %sign3A_392, %sign3A_395 : i32
        %sign3A_397 = arith.constant 0 : i32
        %sign3A_398 = arith.cmpi sgt, %jit3A_390, %sign3A_397 : i32
        %sign3A_399 = arith.extui %sign3A_398 : i1 to i32
        %sign3A_400 = arith.constant 0 : i32
        %sign3A_401 = arith.cmpi slt, %jit3A_390, %sign3A_400 : i32
        %sign3A_402 = arith.extui %sign3A_401 : i1 to i32
        %sign3A_403 = arith.subi %sign3A_399, %sign3A_402 : i32
        %ne3A = arith.cmpi ne, %sign3A_396, %sign3A_403 : i32
        %rem3A = arith.remsi %scan3A_388, %jit3A_390 : i32
        %ne3A_404 = arith.constant 0 : i32
        %ne3A_405 = arith.cmpi ne, %rem3A, %ne3A_404 : i32
        %and3A = arith.andi %ne3A, %ne3A_405 : i1
        %sub3A = arith.constant 1 : i32
        %sub3A_406 = arith.subi %div3A, %sub3A : i32
        %select_n3A_407 = arith.select %and3A, %sub3A_406, %div3A : i32
        %jit3A_408 = arith.constant 8 : i32
        %eq3A_409 = arith.constant 0 : i32
        %eq3A_410 = arith.cmpi eq, %jit3A_408, %eq3A_409 : i32
        %jit3A_411 = arith.constant 1 : i32
        %select_n3A_412 = arith.select %eq3A_410, %jit3A_411, %jit3A_408 : i32
        %rem3A_413 = arith.remsi %scan3A_388, %select_n3A_412 : i32
        %ne3A_414 = arith.constant 0 : i32
        %ne3A_415 = arith.cmpi ne, %rem3A_413, %ne3A_414 : i32
        %lt3A = arith.constant 0 : i32
        %lt3A_416 = arith.cmpi slt, %rem3A_413, %lt3A : i32
        %lt3A_417 = arith.constant 0 : i32
        %lt3A_418 = arith.cmpi slt, %select_n3A_412, %lt3A_417 : i32
        %ne3A_419 = arith.xori %lt3A_416, %lt3A_418 : i1
        %and3A_420 = arith.andi %ne3A_419, %ne3A_415 : i1
        %add3A_421 = arith.addi %rem3A_413, %select_n3A_412 : i32
        %select_n3A_422 = arith.select %and3A_420, %add3A_421, %rem3A_413 : i32
        %mul3A_423 = arith.constant 16 : i32
        %mul3A_424 = arith.muli %select_n3A_422, %mul3A_423 : i32
        %get3A = arith.index_cast %select_n3A_407 : i32 to index
        %get3A_425 = arith.index_cast %mul3A_424 : i32 to index
        %get3A_426 = tpu.vector_load %arg12[%get3A, %get3A_425] {strides = array<i32>} : memref<80x128xf32, #tpu.memory_space<vmem>>, vector<16xf32>,
        %get3A_427 = arith.index_cast %select_n3A_407 : i32 to index
        %get3A_428 = arith.index_cast %mul3A_424 : i32 to index
        %get3A_429 = tpu.vector_load %arg11[%get3A_427, %get3A_428] {strides = array<i32>} : memref<80x128xf32, #tpu.memory_space<vmem>>, vector<16xf32>,
        %add3A_430 = arith.addf %get3A_426, %get3A_429 : vector<16xf32>
        %swap3A_431 = arith.index_cast %select_n3A_407 : i32 to index
        %swap3A_432 = arith.index_cast %mul3A_424 : i32 to index
        %swap3A_433 = tpu.vector_load %arg12[%swap3A_431, %swap3A_432] {strides = array<i32>} : memref<80x128xf32, #tpu.memory_space<vmem>>, vector<16xf32>,
        tpu.vector_store %arg12[%swap3A_431, %swap3A_432], %add3A_430 {strides = array<i32>} : memref<80x128xf32, #tpu.memory_space<vmem>>, vector<16xf32>,
        %scan3A_434 = arith.constant 0 : i32
        scf.yield %scan3A_434 : i32
      }
      %scan3A_387 = arith.constant 625 : i32
    } else {
    }
    %scan3A_323 = arith.constant 0 : i32
    %scan3A_324 = arith.constant 0 : i32
    %scan3A_325 = arith.constant 640 : i32
    %scan3A_326 = arith.addi %scan3A_324, %scan3A_325 : i32
    %scan3A_327 = arith.constant 1 : i32
    %scan3A_328 = scf.for %scan3A_381 = %scan3A_324 to %scan3A_326 step %scan3A_327 iter_args(%scan3A_382 = %scan3A_323) -> (i32)  : i32 {
      %jit3A_383 = arith.constant 8 : i32
      %div3A = arith.divsi %scan3A_381, %jit3A_383 : i32
      %sign3A = arith.constant 0 : i32
      %sign3A_384 = arith.cmpi sgt, %scan3A_381, %sign3A : i32
      %sign3A_385 = arith.extui %sign3A_384 : i1 to i32
      %sign3A_386 = arith.constant 0 : i32
      %sign3A_387 = arith.cmpi slt, %scan3A_381, %sign3A_386 : i32
      %sign3A_388 = arith.extui %sign3A_387 : i1 to i32
      %sign3A_389 = arith.subi %sign3A_385, %sign3A_388 : i32
      %sign3A_390 = arith.constant 0 : i32
      %sign3A_391 = arith.cmpi sgt, %jit3A_383, %sign3A_390 : i32
      %sign3A_392 = arith.extui %sign3A_391 : i1 to i32
      %sign3A_393 = arith.constant 0 : i32
      %sign3A_394 = arith.cmpi slt, %jit3A_383, %sign3A_393 : i32
      %sign3A_395 = arith.extui %sign3A_394 : i1 to i32
      %sign3A_396 = arith.subi %sign3A_392, %sign3A_395 : i32
      %ne3A = arith.cmpi ne, %sign3A_389, %sign3A_396 : i32
      %rem3A = arith.remsi %scan3A_381, %jit3A_383 : i32
      %ne3A_397 = arith.constant 0 : i32
      %ne3A_398 = arith.cmpi ne, %rem3A, %ne3A_397 : i32
      %and3A = arith.andi %ne3A, %ne3A_398 : i1
      %sub3A = arith.constant 1 : i32
      %sub3A_399 = arith.subi %div3A, %sub3A : i32
      %select_n3A_400 = arith.select %and3A, %sub3A_399, %div3A : i32
      %jit3A_401 = arith.constant 8 : i32
      %eq3A_402 = arith.constant 0 : i32
      %eq3A_403 = arith.cmpi eq, %jit3A_401, %eq3A_402 : i32
      %jit3A_404 = arith.constant 1 : i32
      %select_n3A_405 = arith.select %eq3A_403, %jit3A_404, %jit3A_401 : i32
      %rem3A_406 = arith.remsi %scan3A_381, %select_n3A_405 : i32
      %ne3A_407 = arith.constant 0 : i32
      %ne3A_408 = arith.cmpi ne, %rem3A_406, %ne3A_407 : i32
      %lt3A = arith.constant 0 : i32
      %lt3A_409 = arith.cmpi slt, %rem3A_406, %lt3A : i32
      %lt3A_410 = arith.constant 0 : i32
      %lt3A_411 = arith.cmpi slt, %select_n3A_405, %lt3A_410 : i32
      %ne3A_412 = arith.xori %lt3A_409, %lt3A_411 : i1
      %and3A_413 = arith.andi %ne3A_412, %ne3A_408 : i1
      %add3A_414 = arith.addi %rem3A_406, %select_n3A_405 : i32
      %select_n3A_415 = arith.select %and3A_413, %add3A_414, %rem3A_406 : i32
      %mul3A_416 = arith.constant 16 : i32
      %mul3A_417 = arith.muli %select_n3A_415, %mul3A_416 : i32
      %get3A = arith.index_cast %select_n3A_400 : i32 to index
      %get3A_418 = arith.index_cast %mul3A_417 : i32 to index
      %get3A_419 = tpu.vector_load %arg12[%get3A, %get3A_418] {strides = array<i32>} : memref<80x128xf32, #tpu.memory_space<vmem>>, vector<16xf32>,
      %get3A_420 = arith.index_cast %select_n3A_400 : i32 to index
      %get3A_421 = arith.index_cast %mul3A_417 : i32 to index
      %get3A_422 = tpu.vector_load %arg11[%get3A_420, %get3A_421] {strides = array<i32>} : memref<80x128xf32, #tpu.memory_space<vmem>>, vector<16xf32>,
      %mul3A_423 = arith.mulf %get3A_419, %get3A_422 : vector<16xf32>
      %swap3A_424 = arith.index_cast %select_n3A_400 : i32 to index
      %swap3A_425 = arith.index_cast %mul3A_417 : i32 to index
      %swap3A_426 = tpu.vector_load %arg12[%swap3A_424, %swap3A_425] {strides = array<i32>} : memref<80x128xf32, #tpu.memory_space<vmem>>, vector<16xf32>,
      tpu.vector_store %arg12[%swap3A_424, %swap3A_425], %mul3A_423 {strides = array<i32>} : memref<80x128xf32, #tpu.memory_space<vmem>>, vector<16xf32>,
      %scan3A_427 = arith.constant 0 : i32
      scf.yield %scan3A_427 : i32
    }
    %scan3A_329 = arith.constant 640 : i32
    %iota3A = tpu.iota {dimensions = array<i32: 0>} : vector<16xi32>
    %add3A_330 = arith.constant 0 : i32
    %add3A_331 = vector.broadcast %add3A_330 : i32 to vector<16xi32>
    %add3A_332 = arith.addi %iota3A, %add3A_331 : vector<16xi32>
    %swap3A = arith.constant 0 : index
    %swap3A_333 = tpu.vector_load %arg21[%swap3A] {strides = array<i32>} : memref<80xi32, #tpu.memory_space<vmem>>, vector<16xi32>,
    tpu.vector_store %arg21[%swap3A], %add3A_332 {strides = array<i32>} : memref<80xi32, #tpu.memory_space<vmem>>, vector<16xi32>,
    %iota3A_334 = tpu.iota {dimensions = array<i32: 0>} : vector<16xi32>
    %add3A_335 = arith.constant 16 : i32
    %add3A_336 = vector.broadcast %add3A_335 : i32 to vector<16xi32>
    %add3A_337 = arith.addi %iota3A_334, %add3A_336 : vector<16xi32>
    %swap3A_338 = arith.constant 16 : index
    %swap3A_339 = tpu.vector_load %arg21[%swap3A_338] {strides = array<i32>} : memref<80xi32, #tpu.memory_space<vmem>>, vector<16xi32>,
    tpu.vector_store %arg21[%swap3A_338], %add3A_337 {strides = array<i32>} : memref<80xi32, #tpu.memory_space<vmem>>, vector<16xi32>,
    %iota3A_340 = tpu.iota {dimensions = array<i32: 0>} : vector<16xi32>
    %add3A_341 = arith.constant 32 : i32
    %add3A_342 = vector.broadcast %add3A_341 : i32 to vector<16xi32>
    %add3A_343 = arith.addi %iota3A_340, %add3A_342 : vector<16xi32>
    %swap3A_344 = arith.constant 32 : index
    %swap3A_345 = tpu.vector_load %arg21[%swap3A_344] {strides = array<i32>} : memref<80xi32, #tpu.memory_space<vmem>>, vector<16xi32>,
    tpu.vector_store %arg21[%swap3A_344], %add3A_343 {strides = array<i32>} : memref<80xi32, #tpu.memory_space<vmem>>, vector<16xi32>,
    %iota3A_346 = tpu.iota {dimensions = array<i32: 0>} : vector<16xi32>
    %add3A_347 = arith.constant 48 : i32
    %add3A_348 = vector.broadcast %add3A_347 : i32 to vector<16xi32>
    %add3A_349 = arith.addi %iota3A_346, %add3A_348 : vector<16xi32>
    %swap3A_350 = arith.constant 48 : index
    %swap3A_351 = tpu.vector_load %arg21[%swap3A_350] {strides = array<i32>} : memref<80xi32, #tpu.memory_space<vmem>>, vector<16xi32>,
    tpu.vector_store %arg21[%swap3A_350], %add3A_349 {strides = array<i32>} : memref<80xi32, #tpu.memory_space<vmem>>, vector<16xi32>,
    %iota3A_352 = tpu.iota {dimensions = array<i32: 0>} : vector<16xi32>
    %add3A_353 = arith.constant 64 : i32
    %add3A_354 = vector.broadcast %add3A_353 : i32 to vector<16xi32>
    %add3A_355 = arith.addi %iota3A_352, %add3A_354 : vector<16xi32>
    %swap3A_356 = arith.constant 64 : index
    %swap3A_357 = tpu.vector_load %arg21[%swap3A_356] {strides = array<i32>} : memref<80xi32, #tpu.memory_space<vmem>>, vector<16xi32>,
    tpu.vector_store %arg21[%swap3A_356], %add3A_355 {strides = array<i32>} : memref<80xi32, #tpu.memory_space<vmem>>, vector<16xi32>,
    %eq3A_358 = arith.constant 0 : i32
    %eq3A_359 = arith.cmpi eq, %arg1, %eq3A_358 : i32
    %convert_element_type3A_360 = arith.extui %eq3A_359 : i1 to i32
    %cond3A_361 = arith.constant 0 : i32
    %cond3A_362 = arith.cmpi ne, %convert_element_type3A_360, %cond3A_361 : i32
    scf.if %cond3A_362 {
      %scan3A_381 = arith.constant 0 : i32
      %scan3A_382 = arith.constant 0 : i32
      %scan3A_383 = arith.constant 40 : i32
      %scan3A_384 = arith.addi %scan3A_382, %scan3A_383 : i32
      %scan3A_385 = arith.constant 1 : i32
      %scan3A_386 = scf.for %scan3A_388 = %scan3A_382 to %scan3A_384 step %scan3A_385 iter_args(%scan3A_389 = %scan3A_381) -> (i32)  : i32 {
        %jit3A_390 = arith.constant 8 : i32
        %div3A = arith.divsi %scan3A_388, %jit3A_390 : i32
        %sign3A = arith.constant 0 : i32
        %sign3A_391 = arith.cmpi sgt, %scan3A_388, %sign3A : i32
        %sign3A_392 = arith.extui %sign3A_391 : i1 to i32
        %sign3A_393 = arith.constant 0 : i32
        %sign3A_394 = arith.cmpi slt, %scan3A_388, %sign3A_393 : i32
        %sign3A_395 = arith.extui %sign3A_394 : i1 to i32
        %sign3A_396 = arith.subi %sign3A_392, %sign3A_395 : i32
        %sign3A_397 = arith.constant 0 : i32
        %sign3A_398 = arith.cmpi sgt, %jit3A_390, %sign3A_397 : i32
        %sign3A_399 = arith.extui %sign3A_398 : i1 to i32
        %sign3A_400 = arith.constant 0 : i32
        %sign3A_401 = arith.cmpi slt, %jit3A_390, %sign3A_400 : i32
        %sign3A_402 = arith.extui %sign3A_401 : i1 to i32
        %sign3A_403 = arith.subi %sign3A_399, %sign3A_402 : i32
        %ne3A = arith.cmpi ne, %sign3A_396, %sign3A_403 : i32
        %rem3A = arith.remsi %scan3A_388, %jit3A_390 : i32
        %ne3A_404 = arith.constant 0 : i32
        %ne3A_405 = arith.cmpi ne, %rem3A, %ne3A_404 : i32
        %and3A = arith.andi %ne3A, %ne3A_405 : i1
        %sub3A = arith.constant 1 : i32
        %sub3A_406 = arith.subi %div3A, %sub3A : i32
        %select_n3A_407 = arith.select %and3A, %sub3A_406, %div3A : i32
        %jit3A_408 = arith.constant 8 : i32
        %eq3A_409 = arith.constant 0 : i32
        %eq3A_410 = arith.cmpi eq, %jit3A_408, %eq3A_409 : i32
        %jit3A_411 = arith.constant 1 : i32
        %select_n3A_412 = arith.select %eq3A_410, %jit3A_411, %jit3A_408 : i32
        %rem3A_413 = arith.remsi %scan3A_388, %select_n3A_412 : i32
        %ne3A_414 = arith.constant 0 : i32
        %ne3A_415 = arith.cmpi ne, %rem3A_413, %ne3A_414 : i32
        %lt3A = arith.constant 0 : i32
        %lt3A_416 = arith.cmpi slt, %rem3A_413, %lt3A : i32
        %lt3A_417 = arith.constant 0 : i32
        %lt3A_418 = arith.cmpi slt, %select_n3A_412, %lt3A_417 : i32
        %ne3A_419 = arith.xori %lt3A_416, %lt3A_418 : i1
        %and3A_420 = arith.andi %ne3A_419, %ne3A_415 : i1
        %add3A_421 = arith.addi %rem3A_413, %select_n3A_412 : i32
        %select_n3A_422 = arith.select %and3A_420, %add3A_421, %rem3A_413 : i32
        %mul3A_423 = arith.constant 16 : i32
        %mul3A_424 = arith.muli %select_n3A_422, %mul3A_423 : i32
        %swap3A_425 = arith.index_cast %select_n3A_407 : i32 to index
        %swap3A_426 = arith.index_cast %mul3A_424 : i32 to index
        %swap3A_427 = tpu.vector_load %arg16[%swap3A_425, %swap3A_426] {strides = array<i32>} : memref<5x128xf32, #tpu.memory_space<vmem>>, vector<16xf32>,
        tpu.vector_store %arg16[%swap3A_425, %swap3A_426], %broadcast_in_dim3A_41 {strides = array<i32>} : memref<5x128xf32, #tpu.memory_space<vmem>>, vector<16xf32>,
        %scan3A_428 = arith.constant 0 : i32
        scf.yield %scan3A_428 : i32
      }
      %scan3A_387 = arith.constant 40 : i32
      "tpu.region"() ({
        %run_scoped3A_388 = tpu.sem_alloc : memref<!tpu.dma_semaphore, #tpu.memory_space<semaphore_mem>>
        %dma_start3A_389 = arith.constant 0 : i32
        %dma_start3A_390 = arith.constant 0 : i32
        %dma_start3A_391 = tpu.memref_slice %arg25[%dma_start3A_389, %dma_start3A_390] : memref<80x128xf32, #tpu.memory_space<vmem_shared>> -> memref<5x128xf32, #tpu.memory_space<vmem_shared>>
        %dma_start3A_392 = arith.constant 0 : i32
        %dma_start3A_393 = arith.constant 0 : i32
        %dma_start3A_394 = tpu.memref_slice %arg25[%dma_start3A_392, %dma_start3A_393] : memref<80x128xf32, #tpu.memory_space<vmem_shared>> -> memref<5x128xf32, #tpu.memory_space<vmem_shared>>
        tpu.enqueue_dma source(%arg16 : memref<5x128xf32, #tpu.memory_space<vmem>>) target(%dma_start3A_394 : memref<5x128xf32, #tpu.memory_space<vmem_shared>>) target_semaphore(%run_scoped3A_388 : memref<!tpu.dma_semaphore, #tpu.memory_space<semaphore_mem>>)
        %dma_wait3A_395 = arith.constant 0 : i32
        %dma_wait3A_396 = arith.constant 0 : i32
        %dma_wait3A_397 = tpu.memref_slice %arg25[%dma_wait3A_395, %dma_wait3A_396] : memref<80x128xf32, #tpu.memory_space<vmem_shared>> -> memref<5x128xf32, #tpu.memory_space<vmem_shared>>
        %dma_wait3A_398 = arith.constant 0 : i32
        %dma_wait3A_399 = arith.constant 0 : i32
        %dma_wait3A_400 = tpu.memref_slice %arg25[%dma_wait3A_398, %dma_wait3A_399] : memref<80x128xf32, #tpu.memory_space<vmem_shared>> -> memref<5x128xf32, #tpu.memory_space<vmem_shared>>
        tpu.wait_dma2 semaphore(%run_scoped3A_388 : memref<!tpu.dma_semaphore, #tpu.memory_space<semaphore_mem>>) src(%arg16 : memref<5x128xf32, #tpu.memory_space<vmem>>) dst(%dma_wait3A_400 : memref<5x128xf32, #tpu.memory_space<vmem_shared>>)
        tpu.yield
      }) : () -> ()
      "tpu.region"() ({
        %run_scoped3A_388 = tpu.sem_alloc : memref<!tpu.dma_semaphore, #tpu.memory_space<semaphore_mem>>
        %dma_start3A_389 = arith.constant 5 : i32
        %dma_start3A_390 = arith.constant 0 : i32
        %dma_start3A_391 = tpu.memref_slice %arg25[%dma_start3A_389, %dma_start3A_390] : memref<80x128xf32, #tpu.memory_space<vmem_shared>> -> memref<5x128xf32, #tpu.memory_space<vmem_shared>>
        %dma_start3A_392 = arith.constant 5 : i32
        %dma_start3A_393 = arith.constant 0 : i32
        %dma_start3A_394 = tpu.memref_slice %arg25[%dma_start3A_392, %dma_start3A_393] : memref<80x128xf32, #tpu.memory_space<vmem_shared>> -> memref<5x128xf32, #tpu.memory_space<vmem_shared>>
        tpu.enqueue_dma source(%arg16 : memref<5x128xf32, #tpu.memory_space<vmem>>) target(%dma_start3A_394 : memref<5x128xf32, #tpu.memory_space<vmem_shared>>) target_semaphore(%run_scoped3A_388 : memref<!tpu.dma_semaphore, #tpu.memory_space<semaphore_mem>>)
        %dma_wait3A_395 = arith.constant 5 : i32
        %dma_wait3A_396 = arith.constant 0 : i32
        %dma_wait3A_397 = tpu.memref_slice %arg25[%dma_wait3A_395, %dma_wait3A_396] : memref<80x128xf32, #tpu.memory_space<vmem_shared>> -> memref<5x128xf32, #tpu.memory_space<vmem_shared>>
        %dma_wait3A_398 = arith.constant 5 : i32
        %dma_wait3A_399 = arith.constant 0 : i32
        %dma_wait3A_400 = tpu.memref_slice %arg25[%dma_wait3A_398, %dma_wait3A_399] : memref<80x128xf32, #tpu.memory_space<vmem_shared>> -> memref<5x128xf32, #tpu.memory_space<vmem_shared>>
        tpu.wait_dma2 semaphore(%run_scoped3A_388 : memref<!tpu.dma_semaphore, #tpu.memory_space<semaphore_mem>>) src(%arg16 : memref<5x128xf32, #tpu.memory_space<vmem>>) dst(%dma_wait3A_400 : memref<5x128xf32, #tpu.memory_space<vmem_shared>>)
        tpu.yield
      }) : () -> ()
      "tpu.region"() ({
        %run_scoped3A_388 = tpu.sem_alloc : memref<!tpu.dma_semaphore, #tpu.memory_space<semaphore_mem>>
        %dma_start3A_389 = arith.constant 10 : i32
        %dma_start3A_390 = arith.constant 0 : i32
        %dma_start3A_391 = tpu.memref_slice %arg25[%dma_start3A_389, %dma_start3A_390] : memref<80x128xf32, #tpu.memory_space<vmem_shared>> -> memref<5x128xf32, #tpu.memory_space<vmem_shared>>
        %dma_start3A_392 = arith.constant 10 : i32
        %dma_start3A_393 = arith.constant 0 : i32
        %dma_start3A_394 = tpu.memref_slice %arg25[%dma_start3A_392, %dma_start3A_393] : memref<80x128xf32, #tpu.memory_space<vmem_shared>> -> memref<5x128xf32, #tpu.memory_space<vmem_shared>>
        tpu.enqueue_dma source(%arg16 : memref<5x128xf32, #tpu.memory_space<vmem>>) target(%dma_start3A_394 : memref<5x128xf32, #tpu.memory_space<vmem_shared>>) target_semaphore(%run_scoped3A_388 : memref<!tpu.dma_semaphore, #tpu.memory_space<semaphore_mem>>)
        %dma_wait3A_395 = arith.constant 10 : i32
        %dma_wait3A_396 = arith.constant 0 : i32
        %dma_wait3A_397 = tpu.memref_slice %arg25[%dma_wait3A_395, %dma_wait3A_396] : memref<80x128xf32, #tpu.memory_space<vmem_shared>> -> memref<5x128xf32, #tpu.memory_space<vmem_shared>>
        %dma_wait3A_398 = arith.constant 10 : i32
        %dma_wait3A_399 = arith.constant 0 : i32
        %dma_wait3A_400 = tpu.memref_slice %arg25[%dma_wait3A_398, %dma_wait3A_399] : memref<80x128xf32, #tpu.memory_space<vmem_shared>> -> memref<5x128xf32, #tpu.memory_space<vmem_shared>>
        tpu.wait_dma2 semaphore(%run_scoped3A_388 : memref<!tpu.dma_semaphore, #tpu.memory_space<semaphore_mem>>) src(%arg16 : memref<5x128xf32, #tpu.memory_space<vmem>>) dst(%dma_wait3A_400 : memref<5x128xf32, #tpu.memory_space<vmem_shared>>)
        tpu.yield
      }) : () -> ()
      "tpu.region"() ({
        %run_scoped3A_388 = tpu.sem_alloc : memref<!tpu.dma_semaphore, #tpu.memory_space<semaphore_mem>>
        %dma_start3A_389 = arith.constant 15 : i32
        %dma_start3A_390 = arith.constant 0 : i32
        %dma_start3A_391 = tpu.memref_slice %arg25[%dma_start3A_389, %dma_start3A_390] : memref<80x128xf32, #tpu.memory_space<vmem_shared>> -> memref<5x128xf32, #tpu.memory_space<vmem_shared>>
        %dma_start3A_392 = arith.constant 15 : i32
        %dma_start3A_393 = arith.constant 0 : i32
        %dma_start3A_394 = tpu.memref_slice %arg25[%dma_start3A_392, %dma_start3A_393] : memref<80x128xf32, #tpu.memory_space<vmem_shared>> -> memref<5x128xf32, #tpu.memory_space<vmem_shared>>
        tpu.enqueue_dma source(%arg16 : memref<5x128xf32, #tpu.memory_space<vmem>>) target(%dma_start3A_394 : memref<5x128xf32, #tpu.memory_space<vmem_shared>>) target_semaphore(%run_scoped3A_388 : memref<!tpu.dma_semaphore, #tpu.memory_space<semaphore_mem>>)
        %dma_wait3A_395 = arith.constant 15 : i32
        %dma_wait3A_396 = arith.constant 0 : i32
        %dma_wait3A_397 = tpu.memref_slice %arg25[%dma_wait3A_395, %dma_wait3A_396] : memref<80x128xf32, #tpu.memory_space<vmem_shared>> -> memref<5x128xf32, #tpu.memory_space<vmem_shared>>
        %dma_wait3A_398 = arith.constant 15 : i32
        %dma_wait3A_399 = arith.constant 0 : i32
        %dma_wait3A_400 = tpu.memref_slice %arg25[%dma_wait3A_398, %dma_wait3A_399] : memref<80x128xf32, #tpu.memory_space<vmem_shared>> -> memref<5x128xf32, #tpu.memory_space<vmem_shared>>
        tpu.wait_dma2 semaphore(%run_scoped3A_388 : memref<!tpu.dma_semaphore, #tpu.memory_space<semaphore_mem>>) src(%arg16 : memref<5x128xf32, #tpu.memory_space<vmem>>) dst(%dma_wait3A_400 : memref<5x128xf32, #tpu.memory_space<vmem_shared>>)
        tpu.yield
      }) : () -> ()
      "tpu.region"() ({
        %run_scoped3A_388 = tpu.sem_alloc : memref<!tpu.dma_semaphore, #tpu.memory_space<semaphore_mem>>
        %dma_start3A_389 = arith.constant 20 : i32
        %dma_start3A_390 = arith.constant 0 : i32
        %dma_start3A_391 = tpu.memref_slice %arg25[%dma_start3A_389, %dma_start3A_390] : memref<80x128xf32, #tpu.memory_space<vmem_shared>> -> memref<5x128xf32, #tpu.memory_space<vmem_shared>>
        %dma_start3A_392 = arith.constant 20 : i32
        %dma_start3A_393 = arith.constant 0 : i32
        %dma_start3A_394 = tpu.memref_slice %arg25[%dma_start3A_392, %dma_start3A_393] : memref<80x128xf32, #tpu.memory_space<vmem_shared>> -> memref<5x128xf32, #tpu.memory_space<vmem_shared>>
        tpu.enqueue_dma source(%arg16 : memref<5x128xf32, #tpu.memory_space<vmem>>) target(%dma_start3A_394 : memref<5x128xf32, #tpu.memory_space<vmem_shared>>) target_semaphore(%run_scoped3A_388 : memref<!tpu.dma_semaphore, #tpu.memory_space<semaphore_mem>>)
        %dma_wait3A_395 = arith.constant 20 : i32
        %dma_wait3A_396 = arith.constant 0 : i32
        %dma_wait3A_397 = tpu.memref_slice %arg25[%dma_wait3A_395, %dma_wait3A_396] : memref<80x128xf32, #tpu.memory_space<vmem_shared>> -> memref<5x128xf32, #tpu.memory_space<vmem_shared>>
        %dma_wait3A_398 = arith.constant 20 : i32
        %dma_wait3A_399 = arith.constant 0 : i32
        %dma_wait3A_400 = tpu.memref_slice %arg25[%dma_wait3A_398, %dma_wait3A_399] : memref<80x128xf32, #tpu.memory_space<vmem_shared>> -> memref<5x128xf32, #tpu.memory_space<vmem_shared>>
        tpu.wait_dma2 semaphore(%run_scoped3A_388 : memref<!tpu.dma_semaphore, #tpu.memory_space<semaphore_mem>>) src(%arg16 : memref<5x128xf32, #tpu.memory_space<vmem>>) dst(%dma_wait3A_400 : memref<5x128xf32, #tpu.memory_space<vmem_shared>>)
        tpu.yield
      }) : () -> ()
      "tpu.region"() ({
        %run_scoped3A_388 = tpu.sem_alloc : memref<!tpu.dma_semaphore, #tpu.memory_space<semaphore_mem>>
        %dma_start3A_389 = arith.constant 25 : i32
        %dma_start3A_390 = arith.constant 0 : i32
        %dma_start3A_391 = tpu.memref_slice %arg25[%dma_start3A_389, %dma_start3A_390] : memref<80x128xf32, #tpu.memory_space<vmem_shared>> -> memref<5x128xf32, #tpu.memory_space<vmem_shared>>
        %dma_start3A_392 = arith.constant 25 : i32
        %dma_start3A_393 = arith.constant 0 : i32
        %dma_start3A_394 = tpu.memref_slice %arg25[%dma_start3A_392, %dma_start3A_393] : memref<80x128xf32, #tpu.memory_space<vmem_shared>> -> memref<5x128xf32, #tpu.memory_space<vmem_shared>>
        tpu.enqueue_dma source(%arg16 : memref<5x128xf32, #tpu.memory_space<vmem>>) target(%dma_start3A_394 : memref<5x128xf32, #tpu.memory_space<vmem_shared>>) target_semaphore(%run_scoped3A_388 : memref<!tpu.dma_semaphore, #tpu.memory_space<semaphore_mem>>)
        %dma_wait3A_395 = arith.constant 25 : i32
        %dma_wait3A_396 = arith.constant 0 : i32
        %dma_wait3A_397 = tpu.memref_slice %arg25[%dma_wait3A_395, %dma_wait3A_396] : memref<80x128xf32, #tpu.memory_space<vmem_shared>> -> memref<5x128xf32, #tpu.memory_space<vmem_shared>>
        %dma_wait3A_398 = arith.constant 25 : i32
        %dma_wait3A_399 = arith.constant 0 : i32
        %dma_wait3A_400 = tpu.memref_slice %arg25[%dma_wait3A_398, %dma_wait3A_399] : memref<80x128xf32, #tpu.memory_space<vmem_shared>> -> memref<5x128xf32, #tpu.memory_space<vmem_shared>>
        tpu.wait_dma2 semaphore(%run_scoped3A_388 : memref<!tpu.dma_semaphore, #tpu.memory_space<semaphore_mem>>) src(%arg16 : memref<5x128xf32, #tpu.memory_space<vmem>>) dst(%dma_wait3A_400 : memref<5x128xf32, #tpu.memory_space<vmem_shared>>)
        tpu.yield
      }) : () -> ()
      "tpu.region"() ({
        %run_scoped3A_388 = tpu.sem_alloc : memref<!tpu.dma_semaphore, #tpu.memory_space<semaphore_mem>>
        %dma_start3A_389 = arith.constant 30 : i32
        %dma_start3A_390 = arith.constant 0 : i32
        %dma_start3A_391 = tpu.memref_slice %arg25[%dma_start3A_389, %dma_start3A_390] : memref<80x128xf32, #tpu.memory_space<vmem_shared>> -> memref<5x128xf32, #tpu.memory_space<vmem_shared>>
        %dma_start3A_392 = arith.constant 30 : i32
        %dma_start3A_393 = arith.constant 0 : i32
        %dma_start3A_394 = tpu.memref_slice %arg25[%dma_start3A_392, %dma_start3A_393] : memref<80x128xf32, #tpu.memory_space<vmem_shared>> -> memref<5x128xf32, #tpu.memory_space<vmem_shared>>
        tpu.enqueue_dma source(%arg16 : memref<5x128xf32, #tpu.memory_space<vmem>>) target(%dma_start3A_394 : memref<5x128xf32, #tpu.memory_space<vmem_shared>>) target_semaphore(%run_scoped3A_388 : memref<!tpu.dma_semaphore, #tpu.memory_space<semaphore_mem>>)
        %dma_wait3A_395 = arith.constant 30 : i32
        %dma_wait3A_396 = arith.constant 0 : i32
        %dma_wait3A_397 = tpu.memref_slice %arg25[%dma_wait3A_395, %dma_wait3A_396] : memref<80x128xf32, #tpu.memory_space<vmem_shared>> -> memref<5x128xf32, #tpu.memory_space<vmem_shared>>
        %dma_wait3A_398 = arith.constant 30 : i32
        %dma_wait3A_399 = arith.constant 0 : i32
        %dma_wait3A_400 = tpu.memref_slice %arg25[%dma_wait3A_398, %dma_wait3A_399] : memref<80x128xf32, #tpu.memory_space<vmem_shared>> -> memref<5x128xf32, #tpu.memory_space<vmem_shared>>
        tpu.wait_dma2 semaphore(%run_scoped3A_388 : memref<!tpu.dma_semaphore, #tpu.memory_space<semaphore_mem>>) src(%arg16 : memref<5x128xf32, #tpu.memory_space<vmem>>) dst(%dma_wait3A_400 : memref<5x128xf32, #tpu.memory_space<vmem_shared>>)
        tpu.yield
      }) : () -> ()
      "tpu.region"() ({
        %run_scoped3A_388 = tpu.sem_alloc : memref<!tpu.dma_semaphore, #tpu.memory_space<semaphore_mem>>
        %dma_start3A_389 = arith.constant 35 : i32
        %dma_start3A_390 = arith.constant 0 : i32
        %dma_start3A_391 = tpu.memref_slice %arg25[%dma_start3A_389, %dma_start3A_390] : memref<80x128xf32, #tpu.memory_space<vmem_shared>> -> memref<5x128xf32, #tpu.memory_space<vmem_shared>>
        %dma_start3A_392 = arith.constant 35 : i32
        %dma_start3A_393 = arith.constant 0 : i32
        %dma_start3A_394 = tpu.memref_slice %arg25[%dma_start3A_392, %dma_start3A_393] : memref<80x128xf32, #tpu.memory_space<vmem_shared>> -> memref<5x128xf32, #tpu.memory_space<vmem_shared>>
        tpu.enqueue_dma source(%arg16 : memref<5x128xf32, #tpu.memory_space<vmem>>) target(%dma_start3A_394 : memref<5x128xf32, #tpu.memory_space<vmem_shared>>) target_semaphore(%run_scoped3A_388 : memref<!tpu.dma_semaphore, #tpu.memory_space<semaphore_mem>>)
        %dma_wait3A_395 = arith.constant 35 : i32
        %dma_wait3A_396 = arith.constant 0 : i32
        %dma_wait3A_397 = tpu.memref_slice %arg25[%dma_wait3A_395, %dma_wait3A_396] : memref<80x128xf32, #tpu.memory_space<vmem_shared>> -> memref<5x128xf32, #tpu.memory_space<vmem_shared>>
        %dma_wait3A_398 = arith.constant 35 : i32
        %dma_wait3A_399 = arith.constant 0 : i32
        %dma_wait3A_400 = tpu.memref_slice %arg25[%dma_wait3A_398, %dma_wait3A_399] : memref<80x128xf32, #tpu.memory_space<vmem_shared>> -> memref<5x128xf32, #tpu.memory_space<vmem_shared>>
        tpu.wait_dma2 semaphore(%run_scoped3A_388 : memref<!tpu.dma_semaphore, #tpu.memory_space<semaphore_mem>>) src(%arg16 : memref<5x128xf32, #tpu.memory_space<vmem>>) dst(%dma_wait3A_400 : memref<5x128xf32, #tpu.memory_space<vmem_shared>>)
        tpu.yield
      }) : () -> ()
      "tpu.region"() ({
        %run_scoped3A_388 = tpu.sem_alloc : memref<!tpu.dma_semaphore, #tpu.memory_space<semaphore_mem>>
        %dma_start3A_389 = arith.constant 40 : i32
        %dma_start3A_390 = arith.constant 0 : i32
        %dma_start3A_391 = tpu.memref_slice %arg25[%dma_start3A_389, %dma_start3A_390] : memref<80x128xf32, #tpu.memory_space<vmem_shared>> -> memref<5x128xf32, #tpu.memory_space<vmem_shared>>
        %dma_start3A_392 = arith.constant 40 : i32
        %dma_start3A_393 = arith.constant 0 : i32
        %dma_start3A_394 = tpu.memref_slice %arg25[%dma_start3A_392, %dma_start3A_393] : memref<80x128xf32, #tpu.memory_space<vmem_shared>> -> memref<5x128xf32, #tpu.memory_space<vmem_shared>>
        tpu.enqueue_dma source(%arg16 : memref<5x128xf32, #tpu.memory_space<vmem>>) target(%dma_start3A_394 : memref<5x128xf32, #tpu.memory_space<vmem_shared>>) target_semaphore(%run_scoped3A_388 : memref<!tpu.dma_semaphore, #tpu.memory_space<semaphore_mem>>)
        %dma_wait3A_395 = arith.constant 40 : i32
        %dma_wait3A_396 = arith.constant 0 : i32
        %dma_wait3A_397 = tpu.memref_slice %arg25[%dma_wait3A_395, %dma_wait3A_396] : memref<80x128xf32, #tpu.memory_space<vmem_shared>> -> memref<5x128xf32, #tpu.memory_space<vmem_shared>>
        %dma_wait3A_398 = arith.constant 40 : i32
        %dma_wait3A_399 = arith.constant 0 : i32
        %dma_wait3A_400 = tpu.memref_slice %arg25[%dma_wait3A_398, %dma_wait3A_399] : memref<80x128xf32, #tpu.memory_space<vmem_shared>> -> memref<5x128xf32, #tpu.memory_space<vmem_shared>>
        tpu.wait_dma2 semaphore(%run_scoped3A_388 : memref<!tpu.dma_semaphore, #tpu.memory_space<semaphore_mem>>) src(%arg16 : memref<5x128xf32, #tpu.memory_space<vmem>>) dst(%dma_wait3A_400 : memref<5x128xf32, #tpu.memory_space<vmem_shared>>)
        tpu.yield
      }) : () -> ()
      "tpu.region"() ({
        %run_scoped3A_388 = tpu.sem_alloc : memref<!tpu.dma_semaphore, #tpu.memory_space<semaphore_mem>>
        %dma_start3A_389 = arith.constant 45 : i32
        %dma_start3A_390 = arith.constant 0 : i32
        %dma_start3A_391 = tpu.memref_slice %arg25[%dma_start3A_389, %dma_start3A_390] : memref<80x128xf32, #tpu.memory_space<vmem_shared>> -> memref<5x128xf32, #tpu.memory_space<vmem_shared>>
        %dma_start3A_392 = arith.constant 45 : i32
        %dma_start3A_393 = arith.constant 0 : i32
        %dma_start3A_394 = tpu.memref_slice %arg25[%dma_start3A_392, %dma_start3A_393] : memref<80x128xf32, #tpu.memory_space<vmem_shared>> -> memref<5x128xf32, #tpu.memory_space<vmem_shared>>
        tpu.enqueue_dma source(%arg16 : memref<5x128xf32, #tpu.memory_space<vmem>>) target(%dma_start3A_394 : memref<5x128xf32, #tpu.memory_space<vmem_shared>>) target_semaphore(%run_scoped3A_388 : memref<!tpu.dma_semaphore, #tpu.memory_space<semaphore_mem>>)
        %dma_wait3A_395 = arith.constant 45 : i32
        %dma_wait3A_396 = arith.constant 0 : i32
        %dma_wait3A_397 = tpu.memref_slice %arg25[%dma_wait3A_395, %dma_wait3A_396] : memref<80x128xf32, #tpu.memory_space<vmem_shared>> -> memref<5x128xf32, #tpu.memory_space<vmem_shared>>
        %dma_wait3A_398 = arith.constant 45 : i32
        %dma_wait3A_399 = arith.constant 0 : i32
        %dma_wait3A_400 = tpu.memref_slice %arg25[%dma_wait3A_398, %dma_wait3A_399] : memref<80x128xf32, #tpu.memory_space<vmem_shared>> -> memref<5x128xf32, #tpu.memory_space<vmem_shared>>
        tpu.wait_dma2 semaphore(%run_scoped3A_388 : memref<!tpu.dma_semaphore, #tpu.memory_space<semaphore_mem>>) src(%arg16 : memref<5x128xf32, #tpu.memory_space<vmem>>) dst(%dma_wait3A_400 : memref<5x128xf32, #tpu.memory_space<vmem_shared>>)
        tpu.yield
      }) : () -> ()
      "tpu.region"() ({
        %run_scoped3A_388 = tpu.sem_alloc : memref<!tpu.dma_semaphore, #tpu.memory_space<semaphore_mem>>
        %dma_start3A_389 = arith.constant 50 : i32
        %dma_start3A_390 = arith.constant 0 : i32
        %dma_start3A_391 = tpu.memref_slice %arg25[%dma_start3A_389, %dma_start3A_390] : memref<80x128xf32, #tpu.memory_space<vmem_shared>> -> memref<5x128xf32, #tpu.memory_space<vmem_shared>>
        %dma_start3A_392 = arith.constant 50 : i32
        %dma_start3A_393 = arith.constant 0 : i32
        %dma_start3A_394 = tpu.memref_slice %arg25[%dma_start3A_392, %dma_start3A_393] : memref<80x128xf32, #tpu.memory_space<vmem_shared>> -> memref<5x128xf32, #tpu.memory_space<vmem_shared>>
        tpu.enqueue_dma source(%arg16 : memref<5x128xf32, #tpu.memory_space<vmem>>) target(%dma_start3A_394 : memref<5x128xf32, #tpu.memory_space<vmem_shared>>) target_semaphore(%run_scoped3A_388 : memref<!tpu.dma_semaphore, #tpu.memory_space<semaphore_mem>>)
        %dma_wait3A_395 = arith.constant 50 : i32
        %dma_wait3A_396 = arith.constant 0 : i32
        %dma_wait3A_397 = tpu.memref_slice %arg25[%dma_wait3A_395, %dma_wait3A_396] : memref<80x128xf32, #tpu.memory_space<vmem_shared>> -> memref<5x128xf32, #tpu.memory_space<vmem_shared>>
        %dma_wait3A_398 = arith.constant 50 : i32
        %dma_wait3A_399 = arith.constant 0 : i32
        %dma_wait3A_400 = tpu.memref_slice %arg25[%dma_wait3A_398, %dma_wait3A_399] : memref<80x128xf32, #tpu.memory_space<vmem_shared>> -> memref<5x128xf32, #tpu.memory_space<vmem_shared>>
        tpu.wait_dma2 semaphore(%run_scoped3A_388 : memref<!tpu.dma_semaphore, #tpu.memory_space<semaphore_mem>>) src(%arg16 : memref<5x128xf32, #tpu.memory_space<vmem>>) dst(%dma_wait3A_400 : memref<5x128xf32, #tpu.memory_space<vmem_shared>>)
        tpu.yield
      }) : () -> ()
      "tpu.region"() ({
        %run_scoped3A_388 = tpu.sem_alloc : memref<!tpu.dma_semaphore, #tpu.memory_space<semaphore_mem>>
        %dma_start3A_389 = arith.constant 55 : i32
        %dma_start3A_390 = arith.constant 0 : i32
        %dma_start3A_391 = tpu.memref_slice %arg25[%dma_start3A_389, %dma_start3A_390] : memref<80x128xf32, #tpu.memory_space<vmem_shared>> -> memref<5x128xf32, #tpu.memory_space<vmem_shared>>
        %dma_start3A_392 = arith.constant 55 : i32
        %dma_start3A_393 = arith.constant 0 : i32
        %dma_start3A_394 = tpu.memref_slice %arg25[%dma_start3A_392, %dma_start3A_393] : memref<80x128xf32, #tpu.memory_space<vmem_shared>> -> memref<5x128xf32, #tpu.memory_space<vmem_shared>>
        tpu.enqueue_dma source(%arg16 : memref<5x128xf32, #tpu.memory_space<vmem>>) target(%dma_start3A_394 : memref<5x128xf32, #tpu.memory_space<vmem_shared>>) target_semaphore(%run_scoped3A_388 : memref<!tpu.dma_semaphore, #tpu.memory_space<semaphore_mem>>)
        %dma_wait3A_395 = arith.constant 55 : i32
        %dma_wait3A_396 = arith.constant 0 : i32
        %dma_wait3A_397 = tpu.memref_slice %arg25[%dma_wait3A_395, %dma_wait3A_396] : memref<80x128xf32, #tpu.memory_space<vmem_shared>> -> memref<5x128xf32, #tpu.memory_space<vmem_shared>>
        %dma_wait3A_398 = arith.constant 55 : i32
        %dma_wait3A_399 = arith.constant 0 : i32
        %dma_wait3A_400 = tpu.memref_slice %arg25[%dma_wait3A_398, %dma_wait3A_399] : memref<80x128xf32, #tpu.memory_space<vmem_shared>> -> memref<5x128xf32, #tpu.memory_space<vmem_shared>>
        tpu.wait_dma2 semaphore(%run_scoped3A_388 : memref<!tpu.dma_semaphore, #tpu.memory_space<semaphore_mem>>) src(%arg16 : memref<5x128xf32, #tpu.memory_space<vmem>>) dst(%dma_wait3A_400 : memref<5x128xf32, #tpu.memory_space<vmem_shared>>)
        tpu.yield
      }) : () -> ()
      "tpu.region"() ({
        %run_scoped3A_388 = tpu.sem_alloc : memref<!tpu.dma_semaphore, #tpu.memory_space<semaphore_mem>>
        %dma_start3A_389 = arith.constant 60 : i32
        %dma_start3A_390 = arith.constant 0 : i32
        %dma_start3A_391 = tpu.memref_slice %arg25[%dma_start3A_389, %dma_start3A_390] : memref<80x128xf32, #tpu.memory_space<vmem_shared>> -> memref<5x128xf32, #tpu.memory_space<vmem_shared>>
        %dma_start3A_392 = arith.constant 60 : i32
        %dma_start3A_393 = arith.constant 0 : i32
        %dma_start3A_394 = tpu.memref_slice %arg25[%dma_start3A_392, %dma_start3A_393] : memref<80x128xf32, #tpu.memory_space<vmem_shared>> -> memref<5x128xf32, #tpu.memory_space<vmem_shared>>
        tpu.enqueue_dma source(%arg16 : memref<5x128xf32, #tpu.memory_space<vmem>>) target(%dma_start3A_394 : memref<5x128xf32, #tpu.memory_space<vmem_shared>>) target_semaphore(%run_scoped3A_388 : memref<!tpu.dma_semaphore, #tpu.memory_space<semaphore_mem>>)
        %dma_wait3A_395 = arith.constant 60 : i32
        %dma_wait3A_396 = arith.constant 0 : i32
        %dma_wait3A_397 = tpu.memref_slice %arg25[%dma_wait3A_395, %dma_wait3A_396] : memref<80x128xf32, #tpu.memory_space<vmem_shared>> -> memref<5x128xf32, #tpu.memory_space<vmem_shared>>
        %dma_wait3A_398 = arith.constant 60 : i32
        %dma_wait3A_399 = arith.constant 0 : i32
        %dma_wait3A_400 = tpu.memref_slice %arg25[%dma_wait3A_398, %dma_wait3A_399] : memref<80x128xf32, #tpu.memory_space<vmem_shared>> -> memref<5x128xf32, #tpu.memory_space<vmem_shared>>
        tpu.wait_dma2 semaphore(%run_scoped3A_388 : memref<!tpu.dma_semaphore, #tpu.memory_space<semaphore_mem>>) src(%arg16 : memref<5x128xf32, #tpu.memory_space<vmem>>) dst(%dma_wait3A_400 : memref<5x128xf32, #tpu.memory_space<vmem_shared>>)
        tpu.yield
      }) : () -> ()
      "tpu.region"() ({
        %run_scoped3A_388 = tpu.sem_alloc : memref<!tpu.dma_semaphore, #tpu.memory_space<semaphore_mem>>
        %dma_start3A_389 = arith.constant 65 : i32
        %dma_start3A_390 = arith.constant 0 : i32
        %dma_start3A_391 = tpu.memref_slice %arg25[%dma_start3A_389, %dma_start3A_390] : memref<80x128xf32, #tpu.memory_space<vmem_shared>> -> memref<5x128xf32, #tpu.memory_space<vmem_shared>>
        %dma_start3A_392 = arith.constant 65 : i32
        %dma_start3A_393 = arith.constant 0 : i32
        %dma_start3A_394 = tpu.memref_slice %arg25[%dma_start3A_392, %dma_start3A_393] : memref<80x128xf32, #tpu.memory_space<vmem_shared>> -> memref<5x128xf32, #tpu.memory_space<vmem_shared>>
        tpu.enqueue_dma source(%arg16 : memref<5x128xf32, #tpu.memory_space<vmem>>) target(%dma_start3A_394 : memref<5x128xf32, #tpu.memory_space<vmem_shared>>) target_semaphore(%run_scoped3A_388 : memref<!tpu.dma_semaphore, #tpu.memory_space<semaphore_mem>>)
        %dma_wait3A_395 = arith.constant 65 : i32
        %dma_wait3A_396 = arith.constant 0 : i32
        %dma_wait3A_397 = tpu.memref_slice %arg25[%dma_wait3A_395, %dma_wait3A_396] : memref<80x128xf32, #tpu.memory_space<vmem_shared>> -> memref<5x128xf32, #tpu.memory_space<vmem_shared>>
        %dma_wait3A_398 = arith.constant 65 : i32
        %dma_wait3A_399 = arith.constant 0 : i32
        %dma_wait3A_400 = tpu.memref_slice %arg25[%dma_wait3A_398, %dma_wait3A_399] : memref<80x128xf32, #tpu.memory_space<vmem_shared>> -> memref<5x128xf32, #tpu.memory_space<vmem_shared>>
        tpu.wait_dma2 semaphore(%run_scoped3A_388 : memref<!tpu.dma_semaphore, #tpu.memory_space<semaphore_mem>>) src(%arg16 : memref<5x128xf32, #tpu.memory_space<vmem>>) dst(%dma_wait3A_400 : memref<5x128xf32, #tpu.memory_space<vmem_shared>>)
        tpu.yield
      }) : () -> ()
      "tpu.region"() ({
        %run_scoped3A_388 = tpu.sem_alloc : memref<!tpu.dma_semaphore, #tpu.memory_space<semaphore_mem>>
        %dma_start3A_389 = arith.constant 70 : i32
        %dma_start3A_390 = arith.constant 0 : i32
        %dma_start3A_391 = tpu.memref_slice %arg25[%dma_start3A_389, %dma_start3A_390] : memref<80x128xf32, #tpu.memory_space<vmem_shared>> -> memref<5x128xf32, #tpu.memory_space<vmem_shared>>
        %dma_start3A_392 = arith.constant 70 : i32
        %dma_start3A_393 = arith.constant 0 : i32
        %dma_start3A_394 = tpu.memref_slice %arg25[%dma_start3A_392, %dma_start3A_393] : memref<80x128xf32, #tpu.memory_space<vmem_shared>> -> memref<5x128xf32, #tpu.memory_space<vmem_shared>>
        tpu.enqueue_dma source(%arg16 : memref<5x128xf32, #tpu.memory_space<vmem>>) target(%dma_start3A_394 : memref<5x128xf32, #tpu.memory_space<vmem_shared>>) target_semaphore(%run_scoped3A_388 : memref<!tpu.dma_semaphore, #tpu.memory_space<semaphore_mem>>)
        %dma_wait3A_395 = arith.constant 70 : i32
        %dma_wait3A_396 = arith.constant 0 : i32
        %dma_wait3A_397 = tpu.memref_slice %arg25[%dma_wait3A_395, %dma_wait3A_396] : memref<80x128xf32, #tpu.memory_space<vmem_shared>> -> memref<5x128xf32, #tpu.memory_space<vmem_shared>>
        %dma_wait3A_398 = arith.constant 70 : i32
        %dma_wait3A_399 = arith.constant 0 : i32
        %dma_wait3A_400 = tpu.memref_slice %arg25[%dma_wait3A_398, %dma_wait3A_399] : memref<80x128xf32, #tpu.memory_space<vmem_shared>> -> memref<5x128xf32, #tpu.memory_space<vmem_shared>>
        tpu.wait_dma2 semaphore(%run_scoped3A_388 : memref<!tpu.dma_semaphore, #tpu.memory_space<semaphore_mem>>) src(%arg16 : memref<5x128xf32, #tpu.memory_space<vmem>>) dst(%dma_wait3A_400 : memref<5x128xf32, #tpu.memory_space<vmem_shared>>)
        tpu.yield
      }) : () -> ()
      "tpu.region"() ({
        %run_scoped3A_388 = tpu.sem_alloc : memref<!tpu.dma_semaphore, #tpu.memory_space<semaphore_mem>>
        %dma_start3A_389 = arith.constant 75 : i32
        %dma_start3A_390 = arith.constant 0 : i32
        %dma_start3A_391 = tpu.memref_slice %arg25[%dma_start3A_389, %dma_start3A_390] : memref<80x128xf32, #tpu.memory_space<vmem_shared>> -> memref<5x128xf32, #tpu.memory_space<vmem_shared>>
        %dma_start3A_392 = arith.constant 75 : i32
        %dma_start3A_393 = arith.constant 0 : i32
        %dma_start3A_394 = tpu.memref_slice %arg25[%dma_start3A_392, %dma_start3A_393] : memref<80x128xf32, #tpu.memory_space<vmem_shared>> -> memref<5x128xf32, #tpu.memory_space<vmem_shared>>
        tpu.enqueue_dma source(%arg16 : memref<5x128xf32, #tpu.memory_space<vmem>>) target(%dma_start3A_394 : memref<5x128xf32, #tpu.memory_space<vmem_shared>>) target_semaphore(%run_scoped3A_388 : memref<!tpu.dma_semaphore, #tpu.memory_space<semaphore_mem>>)
        %dma_wait3A_395 = arith.constant 75 : i32
        %dma_wait3A_396 = arith.constant 0 : i32
        %dma_wait3A_397 = tpu.memref_slice %arg25[%dma_wait3A_395, %dma_wait3A_396] : memref<80x128xf32, #tpu.memory_space<vmem_shared>> -> memref<5x128xf32, #tpu.memory_space<vmem_shared>>
        %dma_wait3A_398 = arith.constant 75 : i32
        %dma_wait3A_399 = arith.constant 0 : i32
        %dma_wait3A_400 = tpu.memref_slice %arg25[%dma_wait3A_398, %dma_wait3A_399] : memref<80x128xf32, #tpu.memory_space<vmem_shared>> -> memref<5x128xf32, #tpu.memory_space<vmem_shared>>
        tpu.wait_dma2 semaphore(%run_scoped3A_388 : memref<!tpu.dma_semaphore, #tpu.memory_space<semaphore_mem>>) src(%arg16 : memref<5x128xf32, #tpu.memory_space<vmem>>) dst(%dma_wait3A_400 : memref<5x128xf32, #tpu.memory_space<vmem_shared>>)
        tpu.yield
      }) : () -> ()
    } else {
    }
    %barrier3A_363 = arith.constant 0 : index
    tpu.barrier barrier_id(%barrier3A_363)
    "tpu.region"() ({
      %run_scoped3A_381 = tpu.sem_alloc : memref<!tpu.dma_semaphore, #tpu.memory_space<semaphore_mem>>
      %dma_start3A_382 = arith.constant 0 : i32
      %dma_start3A_383 = arith.constant 0 : i32
      %dma_start3A_384 = tpu.memref_slice %arg25[%dma_start3A_382, %dma_start3A_383] : memref<80x128xf32, #tpu.memory_space<vmem_shared>> -> memref<80x128xf32, #tpu.memory_space<vmem_shared>>
      tpu.enqueue_indirect_dma source(%arg12 : memref<80x128xf32, #tpu.memory_space<vmem>>) target(%dma_start3A_384 : memref<80x128xf32, #tpu.memory_space<vmem_shared>>) offsets(%arg21 : memref<80xi32, #tpu.memory_space<vmem>>) semaphore(%run_scoped3A_381 : memref<!tpu.dma_semaphore, #tpu.memory_space<semaphore_mem>>) {add = true}
      %dma_wait3A_385 = arith.constant 0 : i32
      %dma_wait3A_386 = arith.constant 0 : i32
      %dma_wait3A_387 = tpu.memref_slice %arg25[%dma_wait3A_385, %dma_wait3A_386] : memref<80x128xf32, #tpu.memory_space<vmem_shared>> -> memref<80x128xf32, #tpu.memory_space<vmem_shared>>
      tpu.wait_indirect_dma semaphore(%run_scoped3A_381 : memref<!tpu.dma_semaphore, #tpu.memory_space<semaphore_mem>>) src(%arg12 : memref<80x128xf32, #tpu.memory_space<vmem>>) dst(%dma_wait3A_387 : memref<80x128xf32, #tpu.memory_space<vmem_shared>>)
      tpu.yield
    }) : () -> ()
    %barrier3A_364 = arith.constant 0 : index
    tpu.barrier barrier_id(%barrier3A_364)
    "tpu.region"() ({
      %run_scoped3A_381 = tpu.sem_alloc : memref<!tpu.dma_semaphore, #tpu.memory_space<semaphore_mem>>
      %dma_start3A_382 = arith.constant 0 : i32
      %dma_start3A_383 = tpu.memref_slice %arg22[%mul3A_4, %dma_start3A_382] : memref<10240x16xf32, #tpu.memory_space<vmem_shared>> -> memref<640x16xf32, #tpu.memory_space<vmem_shared>>
      %dma_start3A_384 = arith.constant 0 : i32
      %dma_start3A_385 = tpu.memref_slice %arg22[%mul3A_4, %dma_start3A_384] : memref<10240x16xf32, #tpu.memory_space<vmem_shared>> -> memref<640x16xf32, #tpu.memory_space<vmem_shared>>
      tpu.enqueue_dma source(%dma_start3A_385 : memref<640x16xf32, #tpu.memory_space<vmem_shared>>) target(%arg15 : memref<640x16xf32, #tpu.memory_space<vmem>>) target_semaphore(%run_scoped3A_381 : memref<!tpu.dma_semaphore, #tpu.memory_space<semaphore_mem>>)
      %dma_wait3A_386 = arith.constant 0 : i32
      %dma_wait3A_387 = tpu.memref_slice %arg22[%mul3A_4, %dma_wait3A_386] : memref<10240x16xf32, #tpu.memory_space<vmem_shared>> -> memref<640x16xf32, #tpu.memory_space<vmem_shared>>
      %dma_wait3A_388 = arith.constant 0 : i32
      %dma_wait3A_389 = tpu.memref_slice %arg22[%mul3A_4, %dma_wait3A_388] : memref<10240x16xf32, #tpu.memory_space<vmem_shared>> -> memref<640x16xf32, #tpu.memory_space<vmem_shared>>
      tpu.wait_dma2 semaphore(%run_scoped3A_381 : memref<!tpu.dma_semaphore, #tpu.memory_space<semaphore_mem>>) src(%dma_wait3A_389 : memref<640x16xf32, #tpu.memory_space<vmem_shared>>) dst(%arg15 : memref<640x16xf32, #tpu.memory_space<vmem>>)
      tpu.yield
    }) : () -> ()
    %mul3A_365 = arith.constant 5 : i32
    %mul3A_366 = arith.muli %arg1, %mul3A_365 : i32
    "tpu.region"() ({
      %run_scoped3A_381 = tpu.sem_alloc : memref<!tpu.dma_semaphore, #tpu.memory_space<semaphore_mem>>
      %dma_start3A_382 = arith.constant 0 : i32
      %dma_start3A_383 = tpu.memref_slice %arg25[%mul3A_366, %dma_start3A_382] : memref<80x128xf32, #tpu.memory_space<vmem_shared>> -> memref<5x128xf32, #tpu.memory_space<vmem_shared>>
      %dma_start3A_384 = arith.constant 0 : i32
      %dma_start3A_385 = tpu.memref_slice %arg25[%mul3A_366, %dma_start3A_384] : memref<80x128xf32, #tpu.memory_space<vmem_shared>> -> memref<5x128xf32, #tpu.memory_space<vmem_shared>>
      tpu.enqueue_dma source(%dma_start3A_385 : memref<5x128xf32, #tpu.memory_space<vmem_shared>>) target(%arg16 : memref<5x128xf32, #tpu.memory_space<vmem>>) target_semaphore(%run_scoped3A_381 : memref<!tpu.dma_semaphore, #tpu.memory_space<semaphore_mem>>)
      %dma_wait3A_386 = arith.constant 0 : i32
      %dma_wait3A_387 = tpu.memref_slice %arg25[%mul3A_366, %dma_wait3A_386] : memref<80x128xf32, #tpu.memory_space<vmem_shared>> -> memref<5x128xf32, #tpu.memory_space<vmem_shared>>
      %dma_wait3A_388 = arith.constant 0 : i32
      %dma_wait3A_389 = tpu.memref_slice %arg25[%mul3A_366, %dma_wait3A_388] : memref<80x128xf32, #tpu.memory_space<vmem_shared>> -> memref<5x128xf32, #tpu.memory_space<vmem_shared>>
      tpu.wait_dma2 semaphore(%run_scoped3A_381 : memref<!tpu.dma_semaphore, #tpu.memory_space<semaphore_mem>>) src(%dma_wait3A_389 : memref<5x128xf32, #tpu.memory_space<vmem_shared>>) dst(%arg16 : memref<5x128xf32, #tpu.memory_space<vmem>>)
      tpu.yield
    }) : () -> ()
    %eq3A_367 = arith.constant 0 : i32
    %eq3A_368 = arith.cmpi eq, %arg0, %eq3A_367 : i32
    %jit3A = arith.constant 1.000000e+00 : f32
    %jit3A_369 = arith.constant 0.000000e+00 : f32
    %select_n3A = arith.select %eq3A_368, %jit3A, %jit3A_369 : f32
    %scan3A_370 = arith.constant 0 : i32
    %scan3A_371 = arith.constant 0 : i32
    %scan3A_372 = arith.constant 40 : i32
    %scan3A_373 = arith.addi %scan3A_371, %scan3A_372 : i32
    %scan3A_374 = arith.constant 1 : i32
    %scan3A_375 = scf.for %scan3A_381 = %scan3A_371 to %scan3A_373 step %scan3A_374 iter_args(%scan3A_382 = %scan3A_370) -> (i32)  : i32 {
      %mul3A_383 = arith.constant 16 : i32
      %mul3A_384 = arith.muli %scan3A_381, %mul3A_383 : i32
      %add3A_385 = arith.addi %mul3A_4, %mul3A_384 : i32
      %jit3A_386 = arith.constant 128 : i32
      %div3A = arith.divsi %add3A_385, %jit3A_386 : i32
      %sign3A = arith.constant 0 : i32
      %sign3A_387 = arith.cmpi sgt, %add3A_385, %sign3A : i32
      %sign3A_388 = arith.extui %sign3A_387 : i1 to i32
      %sign3A_389 = arith.constant 0 : i32
      %sign3A_390 = arith.cmpi slt, %add3A_385, %sign3A_389 : i32
      %sign3A_391 = arith.extui %sign3A_390 : i1 to i32
      %sign3A_392 = arith.subi %sign3A_388, %sign3A_391 : i32
      %sign3A_393 = arith.constant 0 : i32
      %sign3A_394 = arith.cmpi sgt, %jit3A_386, %sign3A_393 : i32
      %sign3A_395 = arith.extui %sign3A_394 : i1 to i32
      %sign3A_396 = arith.constant 0 : i32
      %sign3A_397 = arith.cmpi slt, %jit3A_386, %sign3A_396 : i32
      %sign3A_398 = arith.extui %sign3A_397 : i1 to i32
      %sign3A_399 = arith.subi %sign3A_395, %sign3A_398 : i32
      %ne3A = arith.cmpi ne, %sign3A_392, %sign3A_399 : i32
      %rem3A = arith.remsi %add3A_385, %jit3A_386 : i32
      %ne3A_400 = arith.constant 0 : i32
      %ne3A_401 = arith.cmpi ne, %rem3A, %ne3A_400 : i32
      %and3A = arith.andi %ne3A, %ne3A_401 : i1
      %sub3A = arith.constant 1 : i32
      %sub3A_402 = arith.subi %div3A, %sub3A : i32
      %select_n3A_403 = arith.select %and3A, %sub3A_402, %div3A : i32
      %jit3A_404 = arith.constant 128 : i32
      %eq3A_405 = arith.constant 0 : i32
      %eq3A_406 = arith.cmpi eq, %jit3A_404, %eq3A_405 : i32
      %jit3A_407 = arith.constant 1 : i32
      %select_n3A_408 = arith.select %eq3A_406, %jit3A_407, %jit3A_404 : i32
      %rem3A_409 = arith.remsi %add3A_385, %select_n3A_408 : i32
      %ne3A_410 = arith.constant 0 : i32
      %ne3A_411 = arith.cmpi ne, %rem3A_409, %ne3A_410 : i32
      %lt3A = arith.constant 0 : i32
      %lt3A_412 = arith.cmpi slt, %rem3A_409, %lt3A : i32
      %lt3A_413 = arith.constant 0 : i32
      %lt3A_414 = arith.cmpi slt, %select_n3A_408, %lt3A_413 : i32
      %ne3A_415 = arith.xori %lt3A_412, %lt3A_414 : i1
      %and3A_416 = arith.andi %ne3A_415, %ne3A_411 : i1
      %add3A_417 = arith.addi %rem3A_409, %select_n3A_408 : i32
      %select_n3A_418 = arith.select %and3A_416, %add3A_417, %rem3A_409 : i32
      %get3A = arith.index_cast %select_n3A_403 : i32 to index
      %get3A_419 = arith.index_cast %select_n3A_418 : i32 to index
      %get3A_420 = tpu.vector_load %arg11[%get3A, %get3A_419] {strides = array<i32>} : memref<80x128xf32, #tpu.memory_space<vmem>>, vector<16xf32>,
      %jit3A_421 = arith.constant 128 : i32
      %div3A_422 = arith.divsi %mul3A_384, %jit3A_421 : i32
      %sign3A_423 = arith.constant 0 : i32
      %sign3A_424 = arith.cmpi sgt, %mul3A_384, %sign3A_423 : i32
      %sign3A_425 = arith.extui %sign3A_424 : i1 to i32
      %sign3A_426 = arith.constant 0 : i32
      %sign3A_427 = arith.cmpi slt, %mul3A_384, %sign3A_426 : i32
      %sign3A_428 = arith.extui %sign3A_427 : i1 to i32
      %sign3A_429 = arith.subi %sign3A_425, %sign3A_428 : i32
      %sign3A_430 = arith.constant 0 : i32
      %sign3A_431 = arith.cmpi sgt, %jit3A_421, %sign3A_430 : i32
      %sign3A_432 = arith.extui %sign3A_431 : i1 to i32
      %sign3A_433 = arith.constant 0 : i32
      %sign3A_434 = arith.cmpi slt, %jit3A_421, %sign3A_433 : i32
      %sign3A_435 = arith.extui %sign3A_434 : i1 to i32
      %sign3A_436 = arith.subi %sign3A_432, %sign3A_435 : i32
      %ne3A_437 = arith.cmpi ne, %sign3A_429, %sign3A_436 : i32
      %rem3A_438 = arith.remsi %mul3A_384, %jit3A_421 : i32
      %ne3A_439 = arith.constant 0 : i32
      %ne3A_440 = arith.cmpi ne, %rem3A_438, %ne3A_439 : i32
      %and3A_441 = arith.andi %ne3A_437, %ne3A_440 : i1
      %sub3A_442 = arith.constant 1 : i32
      %sub3A_443 = arith.subi %div3A_422, %sub3A_442 : i32
      %select_n3A_444 = arith.select %and3A_441, %sub3A_443, %div3A_422 : i32
      %jit3A_445 = arith.constant 128 : i32
      %eq3A_446 = arith.constant 0 : i32
      %eq3A_447 = arith.cmpi eq, %jit3A_445, %eq3A_446 : i32
      %jit3A_448 = arith.constant 1 : i32
      %select_n3A_449 = arith.select %eq3A_447, %jit3A_448, %jit3A_445 : i32
      %rem3A_450 = arith.remsi %mul3A_384, %select_n3A_449 : i32
      %ne3A_451 = arith.constant 0 : i32
      %ne3A_452 = arith.cmpi ne, %rem3A_450, %ne3A_451 : i32
      %lt3A_453 = arith.constant 0 : i32
      %lt3A_454 = arith.cmpi slt, %rem3A_450, %lt3A_453 : i32
      %lt3A_455 = arith.constant 0 : i32
      %lt3A_456 = arith.cmpi slt, %select_n3A_449, %lt3A_455 : i32
      %ne3A_457 = arith.xori %lt3A_454, %lt3A_456 : i1
      %and3A_458 = arith.andi %ne3A_457, %ne3A_452 : i1
      %add3A_459 = arith.addi %rem3A_450, %select_n3A_449 : i32
      %select_n3A_460 = arith.select %and3A_458, %add3A_459, %rem3A_450 : i32
      %get3A_461 = arith.index_cast %select_n3A_444 : i32 to index
      %get3A_462 = arith.index_cast %select_n3A_460 : i32 to index
      %get3A_463 = tpu.vector_load %arg16[%get3A_461, %get3A_462] {strides = array<i32>} : memref<5x128xf32, #tpu.memory_space<vmem>>, vector<16xf32>,
      %add3A_464 = arith.constant 0 : i32
      %add3A_465 = arith.addi %mul3A_384, %add3A_464 : i32
      %mul3A_466 = arith.constant 2 : i32
      %mul3A_467 = arith.muli %mul3A_466, %scan3A_381 : i32
      %add3A_468 = arith.constant 0 : i32
      %add3A_469 = arith.addi %mul3A_467, %add3A_468 : i32
      %get3A_470 = arith.index_cast %add3A_465 : i32 to index
      %get3A_471 = arith.constant 0 : index
      %get3A_472 = tpu.vector_load %arg15[%get3A_470, %get3A_471] {strides = array<i32>} : memref<640x16xf32, #tpu.memory_space<vmem>>, vector<16xf32>,
      %get3A_473 = arith.index_cast %add3A_465 : i32 to index
      %get3A_474 = arith.constant 0 : index
      %get3A_475 = tpu.vector_load %arg14[%get3A_473, %get3A_474] {strides = array<i32>} : memref<640x16xf32, #tpu.memory_space<vmem>>, vector<16xf32>,
      %mul3A_476 = vector.broadcast %select_n3A : f32 to vector<16xf32>
      %mul3A_477 = arith.mulf %get3A_475, %mul3A_476 : vector<16xf32>
      %add3A_478 = arith.addf %get3A_472, %mul3A_477 : vector<16xf32>
      %slice3A = vector.extract_strided_slice %get3A_420 {offsets = [0], sizes = [1], strides = [1]} : vector<16xf32> to vector<1xf32>
      %squeeze3A = vector.extract %slice3A[0] : f32 from vector<1xf32>
      %mul3A_479 = vector.broadcast %squeeze3A : f32 to vector<16xf32>
      %mul3A_480 = arith.mulf %add3A_478, %mul3A_479 : vector<16xf32>
      %swap3A_481 = arith.index_cast %add3A_469 : i32 to index
      %swap3A_482 = arith.constant 0 : index
      %swap3A_483 = tpu.vector_load %arg19[%swap3A_481, %swap3A_482] {strides = array<i32>} : memref<80x128xf32, #tpu.memory_space<vmem>>, vector<16xf32>,
      tpu.vector_store %arg19[%swap3A_481, %swap3A_482], %mul3A_480 {strides = array<i32>} : memref<80x128xf32, #tpu.memory_space<vmem>>, vector<16xf32>,
      %broadcast_in_dim3A_484 = arith.constant 0.000000e+00 : f32
      %broadcast_in_dim3A_485 = vector.broadcast %broadcast_in_dim3A_484 : f32 to vector<16xf32>
      %slice3A_486 = vector.extract_strided_slice %get3A_463 {offsets = [0], sizes = [1], strides = [1]} : vector<16xf32> to vector<1xf32>
      %squeeze3A_487 = vector.extract %slice3A_486[0] : f32 from vector<1xf32>
      %add3A_488 = vector.broadcast %squeeze3A_487 : f32 to vector<16xf32>
      %add3A_489 = arith.addf %broadcast_in_dim3A_485, %add3A_488 : vector<16xf32>
      %swap3A_490 = arith.index_cast %add3A_469 : i32 to index
      %swap3A_491 = arith.constant 0 : index
      %swap3A_492 = tpu.vector_load %arg20[%swap3A_490, %swap3A_491] {strides = array<i32>} : memref<80x128xf32, #tpu.memory_space<vmem>>, vector<16xf32>,
      tpu.vector_store %arg20[%swap3A_490, %swap3A_491], %add3A_489 {strides = array<i32>} : memref<80x128xf32, #tpu.memory_space<vmem>>, vector<16xf32>,
      %add3A_493 = arith.constant 1 : i32
      %add3A_494 = arith.addi %mul3A_384, %add3A_493 : i32
      %mul3A_495 = arith.constant 2 : i32
      %mul3A_496 = arith.muli %mul3A_495, %scan3A_381 : i32
      %add3A_497 = arith.constant 0 : i32
      %add3A_498 = arith.addi %mul3A_496, %add3A_497 : i32
      %get3A_499 = arith.index_cast %add3A_494 : i32 to index
      %get3A_500 = arith.constant 0 : index
      %get3A_501 = tpu.vector_load %arg15[%get3A_499, %get3A_500] {strides = array<i32>} : memref<640x16xf32, #tpu.memory_space<vmem>>, vector<16xf32>,
      %get3A_502 = arith.index_cast %add3A_494 : i32 to index
      %get3A_503 = arith.constant 0 : index
      %get3A_504 = tpu.vector_load %arg14[%get3A_502, %get3A_503] {strides = array<i32>} : memref<640x16xf32, #tpu.memory_space<vmem>>, vector<16xf32>,
      %mul3A_505 = vector.broadcast %select_n3A : f32 to vector<16xf32>
      %mul3A_506 = arith.mulf %get3A_504, %mul3A_505 : vector<16xf32>
      %add3A_507 = arith.addf %get3A_501, %mul3A_506 : vector<16xf32>
      %slice3A_508 = vector.extract_strided_slice %get3A_420 {offsets = [1], sizes = [1], strides = [1]} : vector<16xf32> to vector<1xf32>
      %squeeze3A_509 = vector.extract %slice3A_508[0] : f32 from vector<1xf32>
      %mul3A_510 = vector.broadcast %squeeze3A_509 : f32 to vector<16xf32>
      %mul3A_511 = arith.mulf %add3A_507, %mul3A_510 : vector<16xf32>
      %swap3A_512 = arith.index_cast %add3A_498 : i32 to index
      %swap3A_513 = arith.constant 16 : index
      %swap3A_514 = tpu.vector_load %arg19[%swap3A_512, %swap3A_513] {strides = array<i32>} : memref<80x128xf32, #tpu.memory_space<vmem>>, vector<16xf32>,
      tpu.vector_store %arg19[%swap3A_512, %swap3A_513], %mul3A_511 {strides = array<i32>} : memref<80x128xf32, #tpu.memory_space<vmem>>, vector<16xf32>,
      %broadcast_in_dim3A_515 = arith.constant 0.000000e+00 : f32
      %broadcast_in_dim3A_516 = vector.broadcast %broadcast_in_dim3A_515 : f32 to vector<16xf32>
      %slice3A_517 = vector.extract_strided_slice %get3A_463 {offsets = [1], sizes = [1], strides = [1]} : vector<16xf32> to vector<1xf32>
      %squeeze3A_518 = vector.extract %slice3A_517[0] : f32 from vector<1xf32>
      %add3A_519 = vector.broadcast %squeeze3A_518 : f32 to vector<16xf32>
      %add3A_520 = arith.addf %broadcast_in_dim3A_516, %add3A_519 : vector<16xf32>
      %swap3A_521 = arith.index_cast %add3A_498 : i32 to index
      %swap3A_522 = arith.constant 16 : index
      %swap3A_523 = tpu.vector_load %arg20[%swap3A_521, %swap3A_522] {strides = array<i32>} : memref<80x128xf32, #tpu.memory_space<vmem>>, vector<16xf32>,
      tpu.vector_store %arg20[%swap3A_521, %swap3A_522], %add3A_520 {strides = array<i32>} : memref<80x128xf32, #tpu.memory_space<vmem>>, vector<16xf32>,
      %add3A_524 = arith.constant 2 : i32
      %add3A_525 = arith.addi %mul3A_384, %add3A_524 : i32
      %mul3A_526 = arith.constant 2 : i32
      %mul3A_527 = arith.muli %mul3A_526, %scan3A_381 : i32
      %add3A_528 = arith.constant 0 : i32
      %add3A_529 = arith.addi %mul3A_527, %add3A_528 : i32
      %get3A_530 = arith.index_cast %add3A_525 : i32 to index
      %get3A_531 = arith.constant 0 : index
      %get3A_532 = tpu.vector_load %arg15[%get3A_530, %get3A_531] {strides = array<i32>} : memref<640x16xf32, #tpu.memory_space<vmem>>, vector<16xf32>,
      %get3A_533 = arith.index_cast %add3A_525 : i32 to index
      %get3A_534 = arith.constant 0 : index
      %get3A_535 = tpu.vector_load %arg14[%get3A_533, %get3A_534] {strides = array<i32>} : memref<640x16xf32, #tpu.memory_space<vmem>>, vector<16xf32>,
      %mul3A_536 = vector.broadcast %select_n3A : f32 to vector<16xf32>
      %mul3A_537 = arith.mulf %get3A_535, %mul3A_536 : vector<16xf32>
      %add3A_538 = arith.addf %get3A_532, %mul3A_537 : vector<16xf32>
      %slice3A_539 = vector.extract_strided_slice %get3A_420 {offsets = [2], sizes = [1], strides = [1]} : vector<16xf32> to vector<1xf32>
      %squeeze3A_540 = vector.extract %slice3A_539[0] : f32 from vector<1xf32>
      %mul3A_541 = vector.broadcast %squeeze3A_540 : f32 to vector<16xf32>
      %mul3A_542 = arith.mulf %add3A_538, %mul3A_541 : vector<16xf32>
      %swap3A_543 = arith.index_cast %add3A_529 : i32 to index
      %swap3A_544 = arith.constant 32 : index
      %swap3A_545 = tpu.vector_load %arg19[%swap3A_543, %swap3A_544] {strides = array<i32>} : memref<80x128xf32, #tpu.memory_space<vmem>>, vector<16xf32>,
      tpu.vector_store %arg19[%swap3A_543, %swap3A_544], %mul3A_542 {strides = array<i32>} : memref<80x128xf32, #tpu.memory_space<vmem>>, vector<16xf32>,
      %broadcast_in_dim3A_546 = arith.constant 0.000000e+00 : f32
      %broadcast_in_dim3A_547 = vector.broadcast %broadcast_in_dim3A_546 : f32 to vector<16xf32>
      %slice3A_548 = vector.extract_strided_slice %get3A_463 {offsets = [2], sizes = [1], strides = [1]} : vector<16xf32> to vector<1xf32>
      %squeeze3A_549 = vector.extract %slice3A_548[0] : f32 from vector<1xf32>
      %add3A_550 = vector.broadcast %squeeze3A_549 : f32 to vector<16xf32>
      %add3A_551 = arith.addf %broadcast_in_dim3A_547, %add3A_550 : vector<16xf32>
      %swap3A_552 = arith.index_cast %add3A_529 : i32 to index
      %swap3A_553 = arith.constant 32 : index
      %swap3A_554 = tpu.vector_load %arg20[%swap3A_552, %swap3A_553] {strides = array<i32>} : memref<80x128xf32, #tpu.memory_space<vmem>>, vector<16xf32>,
      tpu.vector_store %arg20[%swap3A_552, %swap3A_553], %add3A_551 {strides = array<i32>} : memref<80x128xf32, #tpu.memory_space<vmem>>, vector<16xf32>,
      %add3A_555 = arith.constant 3 : i32
      %add3A_556 = arith.addi %mul3A_384, %add3A_555 : i32
      %mul3A_557 = arith.constant 2 : i32
      %mul3A_558 = arith.muli %mul3A_557, %scan3A_381 : i32
      %add3A_559 = arith.constant 0 : i32
      %add3A_560 = arith.addi %mul3A_558, %add3A_559 : i32
      %get3A_561 = arith.index_cast %add3A_556 : i32 to index
      %get3A_562 = arith.constant 0 : index
      %get3A_563 = tpu.vector_load %arg15[%get3A_561, %get3A_562] {strides = array<i32>} : memref<640x16xf32, #tpu.memory_space<vmem>>, vector<16xf32>,
      %get3A_564 = arith.index_cast %add3A_556 : i32 to index
      %get3A_565 = arith.constant 0 : index
      %get3A_566 = tpu.vector_load %arg14[%get3A_564, %get3A_565] {strides = array<i32>} : memref<640x16xf32, #tpu.memory_space<vmem>>, vector<16xf32>,
      %mul3A_567 = vector.broadcast %select_n3A : f32 to vector<16xf32>
      %mul3A_568 = arith.mulf %get3A_566, %mul3A_567 : vector<16xf32>
      %add3A_569 = arith.addf %get3A_563, %mul3A_568 : vector<16xf32>
      %slice3A_570 = vector.extract_strided_slice %get3A_420 {offsets = [3], sizes = [1], strides = [1]} : vector<16xf32> to vector<1xf32>
      %squeeze3A_571 = vector.extract %slice3A_570[0] : f32 from vector<1xf32>
      %mul3A_572 = vector.broadcast %squeeze3A_571 : f32 to vector<16xf32>
      %mul3A_573 = arith.mulf %add3A_569, %mul3A_572 : vector<16xf32>
      %swap3A_574 = arith.index_cast %add3A_560 : i32 to index
      %swap3A_575 = arith.constant 48 : index
      %swap3A_576 = tpu.vector_load %arg19[%swap3A_574, %swap3A_575] {strides = array<i32>} : memref<80x128xf32, #tpu.memory_space<vmem>>, vector<16xf32>,
      tpu.vector_store %arg19[%swap3A_574, %swap3A_575], %mul3A_573 {strides = array<i32>} : memref<80x128xf32, #tpu.memory_space<vmem>>, vector<16xf32>,
      %broadcast_in_dim3A_577 = arith.constant 0.000000e+00 : f32
      %broadcast_in_dim3A_578 = vector.broadcast %broadcast_in_dim3A_577 : f32 to vector<16xf32>
      %slice3A_579 = vector.extract_strided_slice %get3A_463 {offsets = [3], sizes = [1], strides = [1]} : vector<16xf32> to vector<1xf32>
      %squeeze3A_580 = vector.extract %slice3A_579[0] : f32 from vector<1xf32>
      %add3A_581 = vector.broadcast %squeeze3A_580 : f32 to vector<16xf32>
      %add3A_582 = arith.addf %broadcast_in_dim3A_578, %add3A_581 : vector<16xf32>
      %swap3A_583 = arith.index_cast %add3A_560 : i32 to index
      %swap3A_584 = arith.constant 48 : index
      %swap3A_585 = tpu.vector_load %arg20[%swap3A_583, %swap3A_584] {strides = array<i32>} : memref<80x128xf32, #tpu.memory_space<vmem>>, vector<16xf32>,
      tpu.vector_store %arg20[%swap3A_583, %swap3A_584], %add3A_582 {strides = array<i32>} : memref<80x128xf32, #tpu.memory_space<vmem>>, vector<16xf32>,
      %add3A_586 = arith.constant 4 : i32
      %add3A_587 = arith.addi %mul3A_384, %add3A_586 : i32
      %mul3A_588 = arith.constant 2 : i32
      %mul3A_589 = arith.muli %mul3A_588, %scan3A_381 : i32
      %add3A_590 = arith.constant 0 : i32
      %add3A_591 = arith.addi %mul3A_589, %add3A_590 : i32
      %get3A_592 = arith.index_cast %add3A_587 : i32 to index
      %get3A_593 = arith.constant 0 : index
      %get3A_594 = tpu.vector_load %arg15[%get3A_592, %get3A_593] {strides = array<i32>} : memref<640x16xf32, #tpu.memory_space<vmem>>, vector<16xf32>,
      %get3A_595 = arith.index_cast %add3A_587 : i32 to index
      %get3A_596 = arith.constant 0 : index
      %get3A_597 = tpu.vector_load %arg14[%get3A_595, %get3A_596] {strides = array<i32>} : memref<640x16xf32, #tpu.memory_space<vmem>>, vector<16xf32>,
      %mul3A_598 = vector.broadcast %select_n3A : f32 to vector<16xf32>
      %mul3A_599 = arith.mulf %get3A_597, %mul3A_598 : vector<16xf32>
      %add3A_600 = arith.addf %get3A_594, %mul3A_599 : vector<16xf32>
      %slice3A_601 = vector.extract_strided_slice %get3A_420 {offsets = [4], sizes = [1], strides = [1]} : vector<16xf32> to vector<1xf32>
      %squeeze3A_602 = vector.extract %slice3A_601[0] : f32 from vector<1xf32>
      %mul3A_603 = vector.broadcast %squeeze3A_602 : f32 to vector<16xf32>
      %mul3A_604 = arith.mulf %add3A_600, %mul3A_603 : vector<16xf32>
      %swap3A_605 = arith.index_cast %add3A_591 : i32 to index
      %swap3A_606 = arith.constant 64 : index
      %swap3A_607 = tpu.vector_load %arg19[%swap3A_605, %swap3A_606] {strides = array<i32>} : memref<80x128xf32, #tpu.memory_space<vmem>>, vector<16xf32>,
      tpu.vector_store %arg19[%swap3A_605, %swap3A_606], %mul3A_604 {strides = array<i32>} : memref<80x128xf32, #tpu.memory_space<vmem>>, vector<16xf32>,
      %broadcast_in_dim3A_608 = arith.constant 0.000000e+00 : f32
      %broadcast_in_dim3A_609 = vector.broadcast %broadcast_in_dim3A_608 : f32 to vector<16xf32>
      %slice3A_610 = vector.extract_strided_slice %get3A_463 {offsets = [4], sizes = [1], strides = [1]} : vector<16xf32> to vector<1xf32>
      %squeeze3A_611 = vector.extract %slice3A_610[0] : f32 from vector<1xf32>
      %add3A_612 = vector.broadcast %squeeze3A_611 : f32 to vector<16xf32>
      %add3A_613 = arith.addf %broadcast_in_dim3A_609, %add3A_612 : vector<16xf32>
      %swap3A_614 = arith.index_cast %add3A_591 : i32 to index
      %swap3A_615 = arith.constant 64 : index
      %swap3A_616 = tpu.vector_load %arg20[%swap3A_614, %swap3A_615] {strides = array<i32>} : memref<80x128xf32, #tpu.memory_space<vmem>>, vector<16xf32>,
      tpu.vector_store %arg20[%swap3A_614, %swap3A_615], %add3A_613 {strides = array<i32>} : memref<80x128xf32, #tpu.memory_space<vmem>>, vector<16xf32>,
      %add3A_617 = arith.constant 5 : i32
      %add3A_618 = arith.addi %mul3A_384, %add3A_617 : i32
      %mul3A_619 = arith.constant 2 : i32
      %mul3A_620 = arith.muli %mul3A_619, %scan3A_381 : i32
      %add3A_621 = arith.constant 0 : i32
      %add3A_622 = arith.addi %mul3A_620, %add3A_621 : i32
      %get3A_623 = arith.index_cast %add3A_618 : i32 to index
      %get3A_624 = arith.constant 0 : index
      %get3A_625 = tpu.vector_load %arg15[%get3A_623, %get3A_624] {strides = array<i32>} : memref<640x16xf32, #tpu.memory_space<vmem>>, vector<16xf32>,
      %get3A_626 = arith.index_cast %add3A_618 : i32 to index
      %get3A_627 = arith.constant 0 : index
      %get3A_628 = tpu.vector_load %arg14[%get3A_626, %get3A_627] {strides = array<i32>} : memref<640x16xf32, #tpu.memory_space<vmem>>, vector<16xf32>,
      %mul3A_629 = vector.broadcast %select_n3A : f32 to vector<16xf32>
      %mul3A_630 = arith.mulf %get3A_628, %mul3A_629 : vector<16xf32>
      %add3A_631 = arith.addf %get3A_625, %mul3A_630 : vector<16xf32>
      %slice3A_632 = vector.extract_strided_slice %get3A_420 {offsets = [5], sizes = [1], strides = [1]} : vector<16xf32> to vector<1xf32>
      %squeeze3A_633 = vector.extract %slice3A_632[0] : f32 from vector<1xf32>
      %mul3A_634 = vector.broadcast %squeeze3A_633 : f32 to vector<16xf32>
      %mul3A_635 = arith.mulf %add3A_631, %mul3A_634 : vector<16xf32>
      %swap3A_636 = arith.index_cast %add3A_622 : i32 to index
      %swap3A_637 = arith.constant 80 : index
      %swap3A_638 = tpu.vector_load %arg19[%swap3A_636, %swap3A_637] {strides = array<i32>} : memref<80x128xf32, #tpu.memory_space<vmem>>, vector<16xf32>,
      tpu.vector_store %arg19[%swap3A_636, %swap3A_637], %mul3A_635 {strides = array<i32>} : memref<80x128xf32, #tpu.memory_space<vmem>>, vector<16xf32>,
      %broadcast_in_dim3A_639 = arith.constant 0.000000e+00 : f32
      %broadcast_in_dim3A_640 = vector.broadcast %broadcast_in_dim3A_639 : f32 to vector<16xf32>
      %slice3A_641 = vector.extract_strided_slice %get3A_463 {offsets = [5], sizes = [1], strides = [1]} : vector<16xf32> to vector<1xf32>
      %squeeze3A_642 = vector.extract %slice3A_641[0] : f32 from vector<1xf32>
      %add3A_643 = vector.broadcast %squeeze3A_642 : f32 to vector<16xf32>
      %add3A_644 = arith.addf %broadcast_in_dim3A_640, %add3A_643 : vector<16xf32>
      %swap3A_645 = arith.index_cast %add3A_622 : i32 to index
      %swap3A_646 = arith.constant 80 : index
      %swap3A_647 = tpu.vector_load %arg20[%swap3A_645, %swap3A_646] {strides = array<i32>} : memref<80x128xf32, #tpu.memory_space<vmem>>, vector<16xf32>,
      tpu.vector_store %arg20[%swap3A_645, %swap3A_646], %add3A_644 {strides = array<i32>} : memref<80x128xf32, #tpu.memory_space<vmem>>, vector<16xf32>,
      %add3A_648 = arith.constant 6 : i32
      %add3A_649 = arith.addi %mul3A_384, %add3A_648 : i32
      %mul3A_650 = arith.constant 2 : i32
      %mul3A_651 = arith.muli %mul3A_650, %scan3A_381 : i32
      %add3A_652 = arith.constant 0 : i32
      %add3A_653 = arith.addi %mul3A_651, %add3A_652 : i32
      %get3A_654 = arith.index_cast %add3A_649 : i32 to index
      %get3A_655 = arith.constant 0 : index
      %get3A_656 = tpu.vector_load %arg15[%get3A_654, %get3A_655] {strides = array<i32>} : memref<640x16xf32, #tpu.memory_space<vmem>>, vector<16xf32>,
      %get3A_657 = arith.index_cast %add3A_649 : i32 to index
      %get3A_658 = arith.constant 0 : index
      %get3A_659 = tpu.vector_load %arg14[%get3A_657, %get3A_658] {strides = array<i32>} : memref<640x16xf32, #tpu.memory_space<vmem>>, vector<16xf32>,
      %mul3A_660 = vector.broadcast %select_n3A : f32 to vector<16xf32>
      %mul3A_661 = arith.mulf %get3A_659, %mul3A_660 : vector<16xf32>
      %add3A_662 = arith.addf %get3A_656, %mul3A_661 : vector<16xf32>
      %slice3A_663 = vector.extract_strided_slice %get3A_420 {offsets = [6], sizes = [1], strides = [1]} : vector<16xf32> to vector<1xf32>
      %squeeze3A_664 = vector.extract %slice3A_663[0] : f32 from vector<1xf32>
      %mul3A_665 = vector.broadcast %squeeze3A_664 : f32 to vector<16xf32>
      %mul3A_666 = arith.mulf %add3A_662, %mul3A_665 : vector<16xf32>
      %swap3A_667 = arith.index_cast %add3A_653 : i32 to index
      %swap3A_668 = arith.constant 96 : index
      %swap3A_669 = tpu.vector_load %arg19[%swap3A_667, %swap3A_668] {strides = array<i32>} : memref<80x128xf32, #tpu.memory_space<vmem>>, vector<16xf32>,
      tpu.vector_store %arg19[%swap3A_667, %swap3A_668], %mul3A_666 {strides = array<i32>} : memref<80x128xf32, #tpu.memory_space<vmem>>, vector<16xf32>,
      %broadcast_in_dim3A_670 = arith.constant 0.000000e+00 : f32
      %broadcast_in_dim3A_671 = vector.broadcast %broadcast_in_dim3A_670 : f32 to vector<16xf32>
      %slice3A_672 = vector.extract_strided_slice %get3A_463 {offsets = [6], sizes = [1], strides = [1]} : vector<16xf32> to vector<1xf32>
      %squeeze3A_673 = vector.extract %slice3A_672[0] : f32 from vector<1xf32>
      %add3A_674 = vector.broadcast %squeeze3A_673 : f32 to vector<16xf32>
      %add3A_675 = arith.addf %broadcast_in_dim3A_671, %add3A_674 : vector<16xf32>
      %swap3A_676 = arith.index_cast %add3A_653 : i32 to index
      %swap3A_677 = arith.constant 96 : index
      %swap3A_678 = tpu.vector_load %arg20[%swap3A_676, %swap3A_677] {strides = array<i32>} : memref<80x128xf32, #tpu.memory_space<vmem>>, vector<16xf32>,
      tpu.vector_store %arg20[%swap3A_676, %swap3A_677], %add3A_675 {strides = array<i32>} : memref<80x128xf32, #tpu.memory_space<vmem>>, vector<16xf32>,
      %add3A_679 = arith.constant 7 : i32
      %add3A_680 = arith.addi %mul3A_384, %add3A_679 : i32
      %mul3A_681 = arith.constant 2 : i32
      %mul3A_682 = arith.muli %mul3A_681, %scan3A_381 : i32
      %add3A_683 = arith.constant 0 : i32
      %add3A_684 = arith.addi %mul3A_682, %add3A_683 : i32
      %get3A_685 = arith.index_cast %add3A_680 : i32 to index
      %get3A_686 = arith.constant 0 : index
      %get3A_687 = tpu.vector_load %arg15[%get3A_685, %get3A_686] {strides = array<i32>} : memref<640x16xf32, #tpu.memory_space<vmem>>, vector<16xf32>,
      %get3A_688 = arith.index_cast %add3A_680 : i32 to index
      %get3A_689 = arith.constant 0 : index
      %get3A_690 = tpu.vector_load %arg14[%get3A_688, %get3A_689] {strides = array<i32>} : memref<640x16xf32, #tpu.memory_space<vmem>>, vector<16xf32>,
      %mul3A_691 = vector.broadcast %select_n3A : f32 to vector<16xf32>
      %mul3A_692 = arith.mulf %get3A_690, %mul3A_691 : vector<16xf32>
      %add3A_693 = arith.addf %get3A_687, %mul3A_692 : vector<16xf32>
      %slice3A_694 = vector.extract_strided_slice %get3A_420 {offsets = [7], sizes = [1], strides = [1]} : vector<16xf32> to vector<1xf32>
      %squeeze3A_695 = vector.extract %slice3A_694[0] : f32 from vector<1xf32>
      %mul3A_696 = vector.broadcast %squeeze3A_695 : f32 to vector<16xf32>
      %mul3A_697 = arith.mulf %add3A_693, %mul3A_696 : vector<16xf32>
      %swap3A_698 = arith.index_cast %add3A_684 : i32 to index
      %swap3A_699 = arith.constant 112 : index
      %swap3A_700 = tpu.vector_load %arg19[%swap3A_698, %swap3A_699] {strides = array<i32>} : memref<80x128xf32, #tpu.memory_space<vmem>>, vector<16xf32>,
      tpu.vector_store %arg19[%swap3A_698, %swap3A_699], %mul3A_697 {strides = array<i32>} : memref<80x128xf32, #tpu.memory_space<vmem>>, vector<16xf32>,
      %broadcast_in_dim3A_701 = arith.constant 0.000000e+00 : f32
      %broadcast_in_dim3A_702 = vector.broadcast %broadcast_in_dim3A_701 : f32 to vector<16xf32>
      %slice3A_703 = vector.extract_strided_slice %get3A_463 {offsets = [7], sizes = [1], strides = [1]} : vector<16xf32> to vector<1xf32>
      %squeeze3A_704 = vector.extract %slice3A_703[0] : f32 from vector<1xf32>
      %add3A_705 = vector.broadcast %squeeze3A_704 : f32 to vector<16xf32>
      %add3A_706 = arith.addf %broadcast_in_dim3A_702, %add3A_705 : vector<16xf32>
      %swap3A_707 = arith.index_cast %add3A_684 : i32 to index
      %swap3A_708 = arith.constant 112 : index
      %swap3A_709 = tpu.vector_load %arg20[%swap3A_707, %swap3A_708] {strides = array<i32>} : memref<80x128xf32, #tpu.memory_space<vmem>>, vector<16xf32>,
      tpu.vector_store %arg20[%swap3A_707, %swap3A_708], %add3A_706 {strides = array<i32>} : memref<80x128xf32, #tpu.memory_space<vmem>>, vector<16xf32>,
      %add3A_710 = arith.constant 8 : i32
      %add3A_711 = arith.addi %mul3A_384, %add3A_710 : i32
      %mul3A_712 = arith.constant 2 : i32
      %mul3A_713 = arith.muli %mul3A_712, %scan3A_381 : i32
      %add3A_714 = arith.constant 1 : i32
      %add3A_715 = arith.addi %mul3A_713, %add3A_714 : i32
      %get3A_716 = arith.index_cast %add3A_711 : i32 to index
      %get3A_717 = arith.constant 0 : index
      %get3A_718 = tpu.vector_load %arg15[%get3A_716, %get3A_717] {strides = array<i32>} : memref<640x16xf32, #tpu.memory_space<vmem>>, vector<16xf32>,
      %get3A_719 = arith.index_cast %add3A_711 : i32 to index
      %get3A_720 = arith.constant 0 : index
      %get3A_721 = tpu.vector_load %arg14[%get3A_719, %get3A_720] {strides = array<i32>} : memref<640x16xf32, #tpu.memory_space<vmem>>, vector<16xf32>,
      %mul3A_722 = vector.broadcast %select_n3A : f32 to vector<16xf32>
      %mul3A_723 = arith.mulf %get3A_721, %mul3A_722 : vector<16xf32>
      %add3A_724 = arith.addf %get3A_718, %mul3A_723 : vector<16xf32>
      %slice3A_725 = vector.extract_strided_slice %get3A_420 {offsets = [8], sizes = [1], strides = [1]} : vector<16xf32> to vector<1xf32>
      %squeeze3A_726 = vector.extract %slice3A_725[0] : f32 from vector<1xf32>
      %mul3A_727 = vector.broadcast %squeeze3A_726 : f32 to vector<16xf32>
      %mul3A_728 = arith.mulf %add3A_724, %mul3A_727 : vector<16xf32>
      %swap3A_729 = arith.index_cast %add3A_715 : i32 to index
      %swap3A_730 = arith.constant 0 : index
      %swap3A_731 = tpu.vector_load %arg19[%swap3A_729, %swap3A_730] {strides = array<i32>} : memref<80x128xf32, #tpu.memory_space<vmem>>, vector<16xf32>,
      tpu.vector_store %arg19[%swap3A_729, %swap3A_730], %mul3A_728 {strides = array<i32>} : memref<80x128xf32, #tpu.memory_space<vmem>>, vector<16xf32>,
      %broadcast_in_dim3A_732 = arith.constant 0.000000e+00 : f32
      %broadcast_in_dim3A_733 = vector.broadcast %broadcast_in_dim3A_732 : f32 to vector<16xf32>
      %slice3A_734 = vector.extract_strided_slice %get3A_463 {offsets = [8], sizes = [1], strides = [1]} : vector<16xf32> to vector<1xf32>
      %squeeze3A_735 = vector.extract %slice3A_734[0] : f32 from vector<1xf32>
      %add3A_736 = vector.broadcast %squeeze3A_735 : f32 to vector<16xf32>
      %add3A_737 = arith.addf %broadcast_in_dim3A_733, %add3A_736 : vector<16xf32>
      %swap3A_738 = arith.index_cast %add3A_715 : i32 to index
      %swap3A_739 = arith.constant 0 : index
      %swap3A_740 = tpu.vector_load %arg20[%swap3A_738, %swap3A_739] {strides = array<i32>} : memref<80x128xf32, #tpu.memory_space<vmem>>, vector<16xf32>,
      tpu.vector_store %arg20[%swap3A_738, %swap3A_739], %add3A_737 {strides = array<i32>} : memref<80x128xf32, #tpu.memory_space<vmem>>, vector<16xf32>,
      %add3A_741 = arith.constant 9 : i32
      %add3A_742 = arith.addi %mul3A_384, %add3A_741 : i32
      %mul3A_743 = arith.constant 2 : i32
      %mul3A_744 = arith.muli %mul3A_743, %scan3A_381 : i32
      %add3A_745 = arith.constant 1 : i32
      %add3A_746 = arith.addi %mul3A_744, %add3A_745 : i32
      %get3A_747 = arith.index_cast %add3A_742 : i32 to index
      %get3A_748 = arith.constant 0 : index
      %get3A_749 = tpu.vector_load %arg15[%get3A_747, %get3A_748] {strides = array<i32>} : memref<640x16xf32, #tpu.memory_space<vmem>>, vector<16xf32>,
      %get3A_750 = arith.index_cast %add3A_742 : i32 to index
      %get3A_751 = arith.constant 0 : index
      %get3A_752 = tpu.vector_load %arg14[%get3A_750, %get3A_751] {strides = array<i32>} : memref<640x16xf32, #tpu.memory_space<vmem>>, vector<16xf32>,
      %mul3A_753 = vector.broadcast %select_n3A : f32 to vector<16xf32>
      %mul3A_754 = arith.mulf %get3A_752, %mul3A_753 : vector<16xf32>
      %add3A_755 = arith.addf %get3A_749, %mul3A_754 : vector<16xf32>
      %slice3A_756 = vector.extract_strided_slice %get3A_420 {offsets = [9], sizes = [1], strides = [1]} : vector<16xf32> to vector<1xf32>
      %squeeze3A_757 = vector.extract %slice3A_756[0] : f32 from vector<1xf32>
      %mul3A_758 = vector.broadcast %squeeze3A_757 : f32 to vector<16xf32>
      %mul3A_759 = arith.mulf %add3A_755, %mul3A_758 : vector<16xf32>
      %swap3A_760 = arith.index_cast %add3A_746 : i32 to index
      %swap3A_761 = arith.constant 16 : index
      %swap3A_762 = tpu.vector_load %arg19[%swap3A_760, %swap3A_761] {strides = array<i32>} : memref<80x128xf32, #tpu.memory_space<vmem>>, vector<16xf32>,
      tpu.vector_store %arg19[%swap3A_760, %swap3A_761], %mul3A_759 {strides = array<i32>} : memref<80x128xf32, #tpu.memory_space<vmem>>, vector<16xf32>,
      %broadcast_in_dim3A_763 = arith.constant 0.000000e+00 : f32
      %broadcast_in_dim3A_764 = vector.broadcast %broadcast_in_dim3A_763 : f32 to vector<16xf32>
      %slice3A_765 = vector.extract_strided_slice %get3A_463 {offsets = [9], sizes = [1], strides = [1]} : vector<16xf32> to vector<1xf32>
      %squeeze3A_766 = vector.extract %slice3A_765[0] : f32 from vector<1xf32>
      %add3A_767 = vector.broadcast %squeeze3A_766 : f32 to vector<16xf32>
      %add3A_768 = arith.addf %broadcast_in_dim3A_764, %add3A_767 : vector<16xf32>
      %swap3A_769 = arith.index_cast %add3A_746 : i32 to index
      %swap3A_770 = arith.constant 16 : index
      %swap3A_771 = tpu.vector_load %arg20[%swap3A_769, %swap3A_770] {strides = array<i32>} : memref<80x128xf32, #tpu.memory_space<vmem>>, vector<16xf32>,
      tpu.vector_store %arg20[%swap3A_769, %swap3A_770], %add3A_768 {strides = array<i32>} : memref<80x128xf32, #tpu.memory_space<vmem>>, vector<16xf32>,
      %add3A_772 = arith.constant 10 : i32
      %add3A_773 = arith.addi %mul3A_384, %add3A_772 : i32
      %mul3A_774 = arith.constant 2 : i32
      %mul3A_775 = arith.muli %mul3A_774, %scan3A_381 : i32
      %add3A_776 = arith.constant 1 : i32
      %add3A_777 = arith.addi %mul3A_775, %add3A_776 : i32
      %get3A_778 = arith.index_cast %add3A_773 : i32 to index
      %get3A_779 = arith.constant 0 : index
      %get3A_780 = tpu.vector_load %arg15[%get3A_778, %get3A_779] {strides = array<i32>} : memref<640x16xf32, #tpu.memory_space<vmem>>, vector<16xf32>,
      %get3A_781 = arith.index_cast %add3A_773 : i32 to index
      %get3A_782 = arith.constant 0 : index
      %get3A_783 = tpu.vector_load %arg14[%get3A_781, %get3A_782] {strides = array<i32>} : memref<640x16xf32, #tpu.memory_space<vmem>>, vector<16xf32>,
      %mul3A_784 = vector.broadcast %select_n3A : f32 to vector<16xf32>
      %mul3A_785 = arith.mulf %get3A_783, %mul3A_784 : vector<16xf32>
      %add3A_786 = arith.addf %get3A_780, %mul3A_785 : vector<16xf32>
      %slice3A_787 = vector.extract_strided_slice %get3A_420 {offsets = [10], sizes = [1], strides = [1]} : vector<16xf32> to vector<1xf32>
      %squeeze3A_788 = vector.extract %slice3A_787[0] : f32 from vector<1xf32>
      %mul3A_789 = vector.broadcast %squeeze3A_788 : f32 to vector<16xf32>
      %mul3A_790 = arith.mulf %add3A_786, %mul3A_789 : vector<16xf32>
      %swap3A_791 = arith.index_cast %add3A_777 : i32 to index
      %swap3A_792 = arith.constant 32 : index
      %swap3A_793 = tpu.vector_load %arg19[%swap3A_791, %swap3A_792] {strides = array<i32>} : memref<80x128xf32, #tpu.memory_space<vmem>>, vector<16xf32>,
      tpu.vector_store %arg19[%swap3A_791, %swap3A_792], %mul3A_790 {strides = array<i32>} : memref<80x128xf32, #tpu.memory_space<vmem>>, vector<16xf32>,
      %broadcast_in_dim3A_794 = arith.constant 0.000000e+00 : f32
      %broadcast_in_dim3A_795 = vector.broadcast %broadcast_in_dim3A_794 : f32 to vector<16xf32>
      %slice3A_796 = vector.extract_strided_slice %get3A_463 {offsets = [10], sizes = [1], strides = [1]} : vector<16xf32> to vector<1xf32>
      %squeeze3A_797 = vector.extract %slice3A_796[0] : f32 from vector<1xf32>
      %add3A_798 = vector.broadcast %squeeze3A_797 : f32 to vector<16xf32>
      %add3A_799 = arith.addf %broadcast_in_dim3A_795, %add3A_798 : vector<16xf32>
      %swap3A_800 = arith.index_cast %add3A_777 : i32 to index
      %swap3A_801 = arith.constant 32 : index
      %swap3A_802 = tpu.vector_load %arg20[%swap3A_800, %swap3A_801] {strides = array<i32>} : memref<80x128xf32, #tpu.memory_space<vmem>>, vector<16xf32>,
      tpu.vector_store %arg20[%swap3A_800, %swap3A_801], %add3A_799 {strides = array<i32>} : memref<80x128xf32, #tpu.memory_space<vmem>>, vector<16xf32>,
      %add3A_803 = arith.constant 11 : i32
      %add3A_804 = arith.addi %mul3A_384, %add3A_803 : i32
      %mul3A_805 = arith.constant 2 : i32
      %mul3A_806 = arith.muli %mul3A_805, %scan3A_381 : i32
      %add3A_807 = arith.constant 1 : i32
      %add3A_808 = arith.addi %mul3A_806, %add3A_807 : i32
      %get3A_809 = arith.index_cast %add3A_804 : i32 to index
      %get3A_810 = arith.constant 0 : index
      %get3A_811 = tpu.vector_load %arg15[%get3A_809, %get3A_810] {strides = array<i32>} : memref<640x16xf32, #tpu.memory_space<vmem>>, vector<16xf32>,
      %get3A_812 = arith.index_cast %add3A_804 : i32 to index
      %get3A_813 = arith.constant 0 : index
      %get3A_814 = tpu.vector_load %arg14[%get3A_812, %get3A_813] {strides = array<i32>} : memref<640x16xf32, #tpu.memory_space<vmem>>, vector<16xf32>,
      %mul3A_815 = vector.broadcast %select_n3A : f32 to vector<16xf32>
      %mul3A_816 = arith.mulf %get3A_814, %mul3A_815 : vector<16xf32>
      %add3A_817 = arith.addf %get3A_811, %mul3A_816 : vector<16xf32>
      %slice3A_818 = vector.extract_strided_slice %get3A_420 {offsets = [11], sizes = [1], strides = [1]} : vector<16xf32> to vector<1xf32>
      %squeeze3A_819 = vector.extract %slice3A_818[0] : f32 from vector<1xf32>
      %mul3A_820 = vector.broadcast %squeeze3A_819 : f32 to vector<16xf32>
      %mul3A_821 = arith.mulf %add3A_817, %mul3A_820 : vector<16xf32>
      %swap3A_822 = arith.index_cast %add3A_808 : i32 to index
      %swap3A_823 = arith.constant 48 : index
      %swap3A_824 = tpu.vector_load %arg19[%swap3A_822, %swap3A_823] {strides = array<i32>} : memref<80x128xf32, #tpu.memory_space<vmem>>, vector<16xf32>,
      tpu.vector_store %arg19[%swap3A_822, %swap3A_823], %mul3A_821 {strides = array<i32>} : memref<80x128xf32, #tpu.memory_space<vmem>>, vector<16xf32>,
      %broadcast_in_dim3A_825 = arith.constant 0.000000e+00 : f32
      %broadcast_in_dim3A_826 = vector.broadcast %broadcast_in_dim3A_825 : f32 to vector<16xf32>
      %slice3A_827 = vector.extract_strided_slice %get3A_463 {offsets = [11], sizes = [1], strides = [1]} : vector<16xf32> to vector<1xf32>
      %squeeze3A_828 = vector.extract %slice3A_827[0] : f32 from vector<1xf32>
      %add3A_829 = vector.broadcast %squeeze3A_828 : f32 to vector<16xf32>
      %add3A_830 = arith.addf %broadcast_in_dim3A_826, %add3A_829 : vector<16xf32>
      %swap3A_831 = arith.index_cast %add3A_808 : i32 to index
      %swap3A_832 = arith.constant 48 : index
      %swap3A_833 = tpu.vector_load %arg20[%swap3A_831, %swap3A_832] {strides = array<i32>} : memref<80x128xf32, #tpu.memory_space<vmem>>, vector<16xf32>,
      tpu.vector_store %arg20[%swap3A_831, %swap3A_832], %add3A_830 {strides = array<i32>} : memref<80x128xf32, #tpu.memory_space<vmem>>, vector<16xf32>,
      %add3A_834 = arith.constant 12 : i32
      %add3A_835 = arith.addi %mul3A_384, %add3A_834 : i32
      %mul3A_836 = arith.constant 2 : i32
      %mul3A_837 = arith.muli %mul3A_836, %scan3A_381 : i32
      %add3A_838 = arith.constant 1 : i32
      %add3A_839 = arith.addi %mul3A_837, %add3A_838 : i32
      %get3A_840 = arith.index_cast %add3A_835 : i32 to index
      %get3A_841 = arith.constant 0 : index
      %get3A_842 = tpu.vector_load %arg15[%get3A_840, %get3A_841] {strides = array<i32>} : memref<640x16xf32, #tpu.memory_space<vmem>>, vector<16xf32>,
      %get3A_843 = arith.index_cast %add3A_835 : i32 to index
      %get3A_844 = arith.constant 0 : index
      %get3A_845 = tpu.vector_load %arg14[%get3A_843, %get3A_844] {strides = array<i32>} : memref<640x16xf32, #tpu.memory_space<vmem>>, vector<16xf32>,
      %mul3A_846 = vector.broadcast %select_n3A : f32 to vector<16xf32>
      %mul3A_847 = arith.mulf %get3A_845, %mul3A_846 : vector<16xf32>
      %add3A_848 = arith.addf %get3A_842, %mul3A_847 : vector<16xf32>
      %slice3A_849 = vector.extract_strided_slice %get3A_420 {offsets = [12], sizes = [1], strides = [1]} : vector<16xf32> to vector<1xf32>
      %squeeze3A_850 = vector.extract %slice3A_849[0] : f32 from vector<1xf32>
      %mul3A_851 = vector.broadcast %squeeze3A_850 : f32 to vector<16xf32>
      %mul3A_852 = arith.mulf %add3A_848, %mul3A_851 : vector<16xf32>
      %swap3A_853 = arith.index_cast %add3A_839 : i32 to index
      %swap3A_854 = arith.constant 64 : index
      %swap3A_855 = tpu.vector_load %arg19[%swap3A_853, %swap3A_854] {strides = array<i32>} : memref<80x128xf32, #tpu.memory_space<vmem>>, vector<16xf32>,
      tpu.vector_store %arg19[%swap3A_853, %swap3A_854], %mul3A_852 {strides = array<i32>} : memref<80x128xf32, #tpu.memory_space<vmem>>, vector<16xf32>,
      %broadcast_in_dim3A_856 = arith.constant 0.000000e+00 : f32
      %broadcast_in_dim3A_857 = vector.broadcast %broadcast_in_dim3A_856 : f32 to vector<16xf32>
      %slice3A_858 = vector.extract_strided_slice %get3A_463 {offsets = [12], sizes = [1], strides = [1]} : vector<16xf32> to vector<1xf32>
      %squeeze3A_859 = vector.extract %slice3A_858[0] : f32 from vector<1xf32>
      %add3A_860 = vector.broadcast %squeeze3A_859 : f32 to vector<16xf32>
      %add3A_861 = arith.addf %broadcast_in_dim3A_857, %add3A_860 : vector<16xf32>
      %swap3A_862 = arith.index_cast %add3A_839 : i32 to index
      %swap3A_863 = arith.constant 64 : index
      %swap3A_864 = tpu.vector_load %arg20[%swap3A_862, %swap3A_863] {strides = array<i32>} : memref<80x128xf32, #tpu.memory_space<vmem>>, vector<16xf32>,
      tpu.vector_store %arg20[%swap3A_862, %swap3A_863], %add3A_861 {strides = array<i32>} : memref<80x128xf32, #tpu.memory_space<vmem>>, vector<16xf32>,
      %add3A_865 = arith.constant 13 : i32
      %add3A_866 = arith.addi %mul3A_384, %add3A_865 : i32
      %mul3A_867 = arith.constant 2 : i32
      %mul3A_868 = arith.muli %mul3A_867, %scan3A_381 : i32
      %add3A_869 = arith.constant 1 : i32
      %add3A_870 = arith.addi %mul3A_868, %add3A_869 : i32
      %get3A_871 = arith.index_cast %add3A_866 : i32 to index
      %get3A_872 = arith.constant 0 : index
      %get3A_873 = tpu.vector_load %arg15[%get3A_871, %get3A_872] {strides = array<i32>} : memref<640x16xf32, #tpu.memory_space<vmem>>, vector<16xf32>,
      %get3A_874 = arith.index_cast %add3A_866 : i32 to index
      %get3A_875 = arith.constant 0 : index
      %get3A_876 = tpu.vector_load %arg14[%get3A_874, %get3A_875] {strides = array<i32>} : memref<640x16xf32, #tpu.memory_space<vmem>>, vector<16xf32>,
      %mul3A_877 = vector.broadcast %select_n3A : f32 to vector<16xf32>
      %mul3A_878 = arith.mulf %get3A_876, %mul3A_877 : vector<16xf32>
      %add3A_879 = arith.addf %get3A_873, %mul3A_878 : vector<16xf32>
      %slice3A_880 = vector.extract_strided_slice %get3A_420 {offsets = [13], sizes = [1], strides = [1]} : vector<16xf32> to vector<1xf32>
      %squeeze3A_881 = vector.extract %slice3A_880[0] : f32 from vector<1xf32>
      %mul3A_882 = vector.broadcast %squeeze3A_881 : f32 to vector<16xf32>
      %mul3A_883 = arith.mulf %add3A_879, %mul3A_882 : vector<16xf32>
      %swap3A_884 = arith.index_cast %add3A_870 : i32 to index
      %swap3A_885 = arith.constant 80 : index
      %swap3A_886 = tpu.vector_load %arg19[%swap3A_884, %swap3A_885] {strides = array<i32>} : memref<80x128xf32, #tpu.memory_space<vmem>>, vector<16xf32>,
      tpu.vector_store %arg19[%swap3A_884, %swap3A_885], %mul3A_883 {strides = array<i32>} : memref<80x128xf32, #tpu.memory_space<vmem>>, vector<16xf32>,
      %broadcast_in_dim3A_887 = arith.constant 0.000000e+00 : f32
      %broadcast_in_dim3A_888 = vector.broadcast %broadcast_in_dim3A_887 : f32 to vector<16xf32>
      %slice3A_889 = vector.extract_strided_slice %get3A_463 {offsets = [13], sizes = [1], strides = [1]} : vector<16xf32> to vector<1xf32>
      %squeeze3A_890 = vector.extract %slice3A_889[0] : f32 from vector<1xf32>
      %add3A_891 = vector.broadcast %squeeze3A_890 : f32 to vector<16xf32>
      %add3A_892 = arith.addf %broadcast_in_dim3A_888, %add3A_891 : vector<16xf32>
      %swap3A_893 = arith.index_cast %add3A_870 : i32 to index
      %swap3A_894 = arith.constant 80 : index
      %swap3A_895 = tpu.vector_load %arg20[%swap3A_893, %swap3A_894] {strides = array<i32>} : memref<80x128xf32, #tpu.memory_space<vmem>>, vector<16xf32>,
      tpu.vector_store %arg20[%swap3A_893, %swap3A_894], %add3A_892 {strides = array<i32>} : memref<80x128xf32, #tpu.memory_space<vmem>>, vector<16xf32>,
      %add3A_896 = arith.constant 14 : i32
      %add3A_897 = arith.addi %mul3A_384, %add3A_896 : i32
      %mul3A_898 = arith.constant 2 : i32
      %mul3A_899 = arith.muli %mul3A_898, %scan3A_381 : i32
      %add3A_900 = arith.constant 1 : i32
      %add3A_901 = arith.addi %mul3A_899, %add3A_900 : i32
      %get3A_902 = arith.index_cast %add3A_897 : i32 to index
      %get3A_903 = arith.constant 0 : index
      %get3A_904 = tpu.vector_load %arg15[%get3A_902, %get3A_903] {strides = array<i32>} : memref<640x16xf32, #tpu.memory_space<vmem>>, vector<16xf32>,
      %get3A_905 = arith.index_cast %add3A_897 : i32 to index
      %get3A_906 = arith.constant 0 : index
      %get3A_907 = tpu.vector_load %arg14[%get3A_905, %get3A_906] {strides = array<i32>} : memref<640x16xf32, #tpu.memory_space<vmem>>, vector<16xf32>,
      %mul3A_908 = vector.broadcast %select_n3A : f32 to vector<16xf32>
      %mul3A_909 = arith.mulf %get3A_907, %mul3A_908 : vector<16xf32>
      %add3A_910 = arith.addf %get3A_904, %mul3A_909 : vector<16xf32>
      %slice3A_911 = vector.extract_strided_slice %get3A_420 {offsets = [14], sizes = [1], strides = [1]} : vector<16xf32> to vector<1xf32>
      %squeeze3A_912 = vector.extract %slice3A_911[0] : f32 from vector<1xf32>
      %mul3A_913 = vector.broadcast %squeeze3A_912 : f32 to vector<16xf32>
      %mul3A_914 = arith.mulf %add3A_910, %mul3A_913 : vector<16xf32>
      %swap3A_915 = arith.index_cast %add3A_901 : i32 to index
      %swap3A_916 = arith.constant 96 : index
      %swap3A_917 = tpu.vector_load %arg19[%swap3A_915, %swap3A_916] {strides = array<i32>} : memref<80x128xf32, #tpu.memory_space<vmem>>, vector<16xf32>,
      tpu.vector_store %arg19[%swap3A_915, %swap3A_916], %mul3A_914 {strides = array<i32>} : memref<80x128xf32, #tpu.memory_space<vmem>>, vector<16xf32>,
      %broadcast_in_dim3A_918 = arith.constant 0.000000e+00 : f32
      %broadcast_in_dim3A_919 = vector.broadcast %broadcast_in_dim3A_918 : f32 to vector<16xf32>
      %slice3A_920 = vector.extract_strided_slice %get3A_463 {offsets = [14], sizes = [1], strides = [1]} : vector<16xf32> to vector<1xf32>
      %squeeze3A_921 = vector.extract %slice3A_920[0] : f32 from vector<1xf32>
      %add3A_922 = vector.broadcast %squeeze3A_921 : f32 to vector<16xf32>
      %add3A_923 = arith.addf %broadcast_in_dim3A_919, %add3A_922 : vector<16xf32>
      %swap3A_924 = arith.index_cast %add3A_901 : i32 to index
      %swap3A_925 = arith.constant 96 : index
      %swap3A_926 = tpu.vector_load %arg20[%swap3A_924, %swap3A_925] {strides = array<i32>} : memref<80x128xf32, #tpu.memory_space<vmem>>, vector<16xf32>,
      tpu.vector_store %arg20[%swap3A_924, %swap3A_925], %add3A_923 {strides = array<i32>} : memref<80x128xf32, #tpu.memory_space<vmem>>, vector<16xf32>,
      %add3A_927 = arith.constant 15 : i32
      %add3A_928 = arith.addi %mul3A_384, %add3A_927 : i32
      %mul3A_929 = arith.constant 2 : i32
      %mul3A_930 = arith.muli %mul3A_929, %scan3A_381 : i32
      %add3A_931 = arith.constant 1 : i32
      %add3A_932 = arith.addi %mul3A_930, %add3A_931 : i32
      %get3A_933 = arith.index_cast %add3A_928 : i32 to index
      %get3A_934 = arith.constant 0 : index
      %get3A_935 = tpu.vector_load %arg15[%get3A_933, %get3A_934] {strides = array<i32>} : memref<640x16xf32, #tpu.memory_space<vmem>>, vector<16xf32>,
      %get3A_936 = arith.index_cast %add3A_928 : i32 to index
      %get3A_937 = arith.constant 0 : index
      %get3A_938 = tpu.vector_load %arg14[%get3A_936, %get3A_937] {strides = array<i32>} : memref<640x16xf32, #tpu.memory_space<vmem>>, vector<16xf32>,
      %mul3A_939 = vector.broadcast %select_n3A : f32 to vector<16xf32>
      %mul3A_940 = arith.mulf %get3A_938, %mul3A_939 : vector<16xf32>
      %add3A_941 = arith.addf %get3A_935, %mul3A_940 : vector<16xf32>
      %slice3A_942 = vector.extract_strided_slice %get3A_420 {offsets = [15], sizes = [1], strides = [1]} : vector<16xf32> to vector<1xf32>
      %squeeze3A_943 = vector.extract %slice3A_942[0] : f32 from vector<1xf32>
      %mul3A_944 = vector.broadcast %squeeze3A_943 : f32 to vector<16xf32>
      %mul3A_945 = arith.mulf %add3A_941, %mul3A_944 : vector<16xf32>
      %swap3A_946 = arith.index_cast %add3A_932 : i32 to index
      %swap3A_947 = arith.constant 112 : index
      %swap3A_948 = tpu.vector_load %arg19[%swap3A_946, %swap3A_947] {strides = array<i32>} : memref<80x128xf32, #tpu.memory_space<vmem>>, vector<16xf32>,
      tpu.vector_store %arg19[%swap3A_946, %swap3A_947], %mul3A_945 {strides = array<i32>} : memref<80x128xf32, #tpu.memory_space<vmem>>, vector<16xf32>,
      %broadcast_in_dim3A_949 = arith.constant 0.000000e+00 : f32
      %broadcast_in_dim3A_950 = vector.broadcast %broadcast_in_dim3A_949 : f32 to vector<16xf32>
      %slice3A_951 = vector.extract_strided_slice %get3A_463 {offsets = [15], sizes = [1], strides = [1]} : vector<16xf32> to vector<1xf32>
      %squeeze3A_952 = vector.extract %slice3A_951[0] : f32 from vector<1xf32>
      %add3A_953 = vector.broadcast %squeeze3A_952 : f32 to vector<16xf32>
      %add3A_954 = arith.addf %broadcast_in_dim3A_950, %add3A_953 : vector<16xf32>
      %swap3A_955 = arith.index_cast %add3A_932 : i32 to index
      %swap3A_956 = arith.constant 112 : index
      %swap3A_957 = tpu.vector_load %arg20[%swap3A_955, %swap3A_956] {strides = array<i32>} : memref<80x128xf32, #tpu.memory_space<vmem>>, vector<16xf32>,
      tpu.vector_store %arg20[%swap3A_955, %swap3A_956], %add3A_954 {strides = array<i32>} : memref<80x128xf32, #tpu.memory_space<vmem>>, vector<16xf32>,
      %scan3A_958 = arith.constant 0 : i32
      scf.yield %scan3A_958 : i32
    }
    %scan3A_376 = arith.constant 40 : i32
    %mul3A_377 = arith.constant 80 : i32
    %mul3A_378 = arith.muli %arg1, %mul3A_377 : i32
    "tpu.region"() ({
      %run_scoped3A_381 = tpu.sem_alloc : memref<!tpu.dma_semaphore, #tpu.memory_space<semaphore_mem>>
      %dma_start3A_382 = arith.constant 0 : i32
      %dma_start3A_383 = tpu.memref_slice %arg5[%arg0, %mul3A_378, %dma_start3A_382] : memref<2x1280x128xf32, #tpu.memory_space<hbm>> -> memref<1x80x128xf32, #tpu.memory_space<hbm>>
      %dma_start3A_384 = tpu.memref_squeeze %dma_start3A_383 : memref<1x80x128xf32, #tpu.memory_space<hbm>> -> memref<80x128xf32, #tpu.memory_space<hbm>>
      %dma_start3A_385 = arith.constant 0 : i32
      %dma_start3A_386 = tpu.memref_slice %arg5[%arg0, %mul3A_378, %dma_start3A_385] : memref<2x1280x128xf32, #tpu.memory_space<hbm>> -> memref<1x80x128xf32, #tpu.memory_space<hbm>>
      %dma_start3A_387 = tpu.memref_squeeze %dma_start3A_386 : memref<1x80x128xf32, #tpu.memory_space<hbm>> -> memref<80x128xf32, #tpu.memory_space<hbm>>
      tpu.enqueue_dma source(%arg19 : memref<80x128xf32, #tpu.memory_space<vmem>>) target(%dma_start3A_387 : memref<80x128xf32, #tpu.memory_space<hbm>>) target_semaphore(%run_scoped3A_381 : memref<!tpu.dma_semaphore, #tpu.memory_space<semaphore_mem>>)
      %dma_wait3A_388 = arith.constant 0 : i32
      %dma_wait3A_389 = tpu.memref_slice %arg5[%arg0, %mul3A_378, %dma_wait3A_388] : memref<2x1280x128xf32, #tpu.memory_space<hbm>> -> memref<1x80x128xf32, #tpu.memory_space<hbm>>
      %dma_wait3A_390 = tpu.memref_squeeze %dma_wait3A_389 : memref<1x80x128xf32, #tpu.memory_space<hbm>> -> memref<80x128xf32, #tpu.memory_space<hbm>>
      %dma_wait3A_391 = arith.constant 0 : i32
      %dma_wait3A_392 = tpu.memref_slice %arg5[%arg0, %mul3A_378, %dma_wait3A_391] : memref<2x1280x128xf32, #tpu.memory_space<hbm>> -> memref<1x80x128xf32, #tpu.memory_space<hbm>>
      %dma_wait3A_393 = tpu.memref_squeeze %dma_wait3A_392 : memref<1x80x128xf32, #tpu.memory_space<hbm>> -> memref<80x128xf32, #tpu.memory_space<hbm>>
      tpu.wait_dma2 semaphore(%run_scoped3A_381 : memref<!tpu.dma_semaphore, #tpu.memory_space<semaphore_mem>>) src(%arg19 : memref<80x128xf32, #tpu.memory_space<vmem>>) dst(%dma_wait3A_393 : memref<80x128xf32, #tpu.memory_space<hbm>>)
      tpu.yield
    }) : () -> ()
    %mul3A_379 = arith.constant 80 : i32
    %mul3A_380 = arith.muli %arg1, %mul3A_379 : i32
    "tpu.region"() ({
      %run_scoped3A_381 = tpu.sem_alloc : memref<!tpu.dma_semaphore, #tpu.memory_space<semaphore_mem>>
      %dma_start3A_382 = arith.constant 0 : i32
      %dma_start3A_383 = tpu.memref_slice %arg6[%arg0, %mul3A_380, %dma_start3A_382] : memref<2x1280x128xf32, #tpu.memory_space<hbm>> -> memref<1x80x128xf32, #tpu.memory_space<hbm>>
      %dma_start3A_384 = tpu.memref_squeeze %dma_start3A_383 : memref<1x80x128xf32, #tpu.memory_space<hbm>> -> memref<80x128xf32, #tpu.memory_space<hbm>>
      %dma_start3A_385 = arith.constant 0 : i32
      %dma_start3A_386 = tpu.memref_slice %arg6[%arg0, %mul3A_380, %dma_start3A_385] : memref<2x1280x128xf32, #tpu.memory_space<hbm>> -> memref<1x80x128xf32, #tpu.memory_space<hbm>>
      %dma_start3A_387 = tpu.memref_squeeze %dma_start3A_386 : memref<1x80x128xf32, #tpu.memory_space<hbm>> -> memref<80x128xf32, #tpu.memory_space<hbm>>
      tpu.enqueue_dma source(%arg20 : memref<80x128xf32, #tpu.memory_space<vmem>>) target(%dma_start3A_387 : memref<80x128xf32, #tpu.memory_space<hbm>>) target_semaphore(%run_scoped3A_381 : memref<!tpu.dma_semaphore, #tpu.memory_space<semaphore_mem>>)
      %dma_wait3A_388 = arith.constant 0 : i32
      %dma_wait3A_389 = tpu.memref_slice %arg6[%arg0, %mul3A_380, %dma_wait3A_388] : memref<2x1280x128xf32, #tpu.memory_space<hbm>> -> memref<1x80x128xf32, #tpu.memory_space<hbm>>
      %dma_wait3A_390 = tpu.memref_squeeze %dma_wait3A_389 : memref<1x80x128xf32, #tpu.memory_space<hbm>> -> memref<80x128xf32, #tpu.memory_space<hbm>>
      %dma_wait3A_391 = arith.constant 0 : i32
      %dma_wait3A_392 = tpu.memref_slice %arg6[%arg0, %mul3A_380, %dma_wait3A_391] : memref<2x1280x128xf32, #tpu.memory_space<hbm>> -> memref<1x80x128xf32, #tpu.memory_space<hbm>>
      %dma_wait3A_393 = tpu.memref_squeeze %dma_wait3A_392 : memref<1x80x128xf32, #tpu.memory_space<hbm>> -> memref<80x128xf32, #tpu.memory_space<hbm>>
      tpu.wait_dma2 semaphore(%run_scoped3A_381 : memref<!tpu.dma_semaphore, #tpu.memory_space<semaphore_mem>>) src(%arg20 : memref<80x128xf32, #tpu.memory_space<vmem>>) dst(%dma_wait3A_393 : memref<80x128xf32, #tpu.memory_space<hbm>>)
      tpu.yield
    }) : () -> ()
    return
  }
}

#map = affine_map<(d0, d1) -> (0, 0)>
#map1 = affine_map<(d0, d1) -> (0, 0, 0)>
module attributes {stable_mosaic.version = 14 : i64} {
  func.func @_deg_kernel(%arg0: i32, %arg1: i32, %arg2: memref<2x320000xi32, #tpu.memory_space<hbm>>, %arg3: memref<2x80x128xf32, #tpu.memory_space<hbm>>, %arg4: memref<10000xi32, #tpu.memory_space<vmem>>, %arg5: memref<80x128xf32, #tpu.memory_space<vmem>>, %arg6: memref<5x128xf32, #tpu.memory_space<vmem>>, %arg7: memref<80xi32, #tpu.memory_space<vmem>>, %arg8: memref<80x128xf32, #tpu.memory_space<vmem_shared>>) attributes {dimension_semantics = [#tpu.dimension_semantics<core_parallel>, #tpu.dimension_semantics<subcore_parallel>], iteration_bounds = array<i64: 2, 16>, scalar_prefetch = 0 : i64, scratch_operands = 5 : i64, tpu.core_type = #tpu.core_type<sc_vector_subcore>, window_params = [{transform_indices = #map}, {transform_indices = #map1}]} {
    %mul3A = arith.constant 2 : i32
    %mul3A_0 = arith.muli %arg1, %mul3A : i32
    %add3A = arith.addi %mul3A_0, %arg0 : i32
    %mul3A_1 = arith.constant 10000 : i32
    %mul3A_2 = arith.muli %add3A, %mul3A_1 : i32
    %run_scoped3A = arith.constant 1 : i32
    "tpu.region"() ({
      %run_scoped3A_207 = tpu.sem_alloc : memref<!tpu.dma_semaphore, #tpu.memory_space<semaphore_mem>>
      %dma_start3A = tpu.memref_slice %arg2[%run_scoped3A, %mul3A_2] : memref<2x320000xi32, #tpu.memory_space<hbm>> -> memref<1x10000xi32, #tpu.memory_space<hbm>>
      %dma_start3A_208 = tpu.memref_squeeze %dma_start3A : memref<1x10000xi32, #tpu.memory_space<hbm>> -> memref<10000xi32, #tpu.memory_space<hbm>>
      %dma_start3A_209 = tpu.memref_slice %arg2[%run_scoped3A, %mul3A_2] : memref<2x320000xi32, #tpu.memory_space<hbm>> -> memref<1x10000xi32, #tpu.memory_space<hbm>>
      %dma_start3A_210 = tpu.memref_squeeze %dma_start3A_209 : memref<1x10000xi32, #tpu.memory_space<hbm>> -> memref<10000xi32, #tpu.memory_space<hbm>>
      tpu.enqueue_dma source(%dma_start3A_210 : memref<10000xi32, #tpu.memory_space<hbm>>) target(%arg4 : memref<10000xi32, #tpu.memory_space<vmem>>) target_semaphore(%run_scoped3A_207 : memref<!tpu.dma_semaphore, #tpu.memory_space<semaphore_mem>>)
      %dma_wait3A = tpu.memref_slice %arg2[%run_scoped3A, %mul3A_2] : memref<2x320000xi32, #tpu.memory_space<hbm>> -> memref<1x10000xi32, #tpu.memory_space<hbm>>
      %dma_wait3A_211 = tpu.memref_squeeze %dma_wait3A : memref<1x10000xi32, #tpu.memory_space<hbm>> -> memref<10000xi32, #tpu.memory_space<hbm>>
      %dma_wait3A_212 = tpu.memref_slice %arg2[%run_scoped3A, %mul3A_2] : memref<2x320000xi32, #tpu.memory_space<hbm>> -> memref<1x10000xi32, #tpu.memory_space<hbm>>
      %dma_wait3A_213 = tpu.memref_squeeze %dma_wait3A_212 : memref<1x10000xi32, #tpu.memory_space<hbm>> -> memref<10000xi32, #tpu.memory_space<hbm>>
      tpu.wait_dma2 semaphore(%run_scoped3A_207 : memref<!tpu.dma_semaphore, #tpu.memory_space<semaphore_mem>>) src(%dma_wait3A_213 : memref<10000xi32, #tpu.memory_space<hbm>>) dst(%arg4 : memref<10000xi32, #tpu.memory_space<vmem>>)
      tpu.yield
    }) : () -> ()
    %broadcast_in_dim3A = arith.constant 0.000000e+00 : f32
    %broadcast_in_dim3A_3 = vector.broadcast %broadcast_in_dim3A : f32 to vector<16xf32>
    %broadcast_in_dim3A_4 = arith.constant 1.000000e+00 : f32
    %broadcast_in_dim3A_5 = vector.broadcast %broadcast_in_dim3A_4 : f32 to vector<16xf32>
    %scan3A = arith.constant 0 : i32
    %scan3A_6 = arith.constant 0 : i32
    %scan3A_7 = arith.constant 640 : i32
    %scan3A_8 = arith.addi %scan3A_6, %scan3A_7 : i32
    %scan3A_9 = arith.constant 1 : i32
    %scan3A_10 = scf.for %scan3A_207 = %scan3A_6 to %scan3A_8 step %scan3A_9 iter_args(%scan3A_208 = %scan3A) -> (i32)  : i32 {
      %jit3A = arith.constant 8 : i32
      %div3A = arith.divsi %scan3A_207, %jit3A : i32
      %sign3A = arith.constant 0 : i32
      %sign3A_209 = arith.cmpi sgt, %scan3A_207, %sign3A : i32
      %sign3A_210 = arith.extui %sign3A_209 : i1 to i32
      %sign3A_211 = arith.constant 0 : i32
      %sign3A_212 = arith.cmpi slt, %scan3A_207, %sign3A_211 : i32
      %sign3A_213 = arith.extui %sign3A_212 : i1 to i32
      %sign3A_214 = arith.subi %sign3A_210, %sign3A_213 : i32
      %sign3A_215 = arith.constant 0 : i32
      %sign3A_216 = arith.cmpi sgt, %jit3A, %sign3A_215 : i32
      %sign3A_217 = arith.extui %sign3A_216 : i1 to i32
      %sign3A_218 = arith.constant 0 : i32
      %sign3A_219 = arith.cmpi slt, %jit3A, %sign3A_218 : i32
      %sign3A_220 = arith.extui %sign3A_219 : i1 to i32
      %sign3A_221 = arith.subi %sign3A_217, %sign3A_220 : i32
      %ne3A = arith.cmpi ne, %sign3A_214, %sign3A_221 : i32
      %rem3A = arith.remsi %scan3A_207, %jit3A : i32
      %ne3A_222 = arith.constant 0 : i32
      %ne3A_223 = arith.cmpi ne, %rem3A, %ne3A_222 : i32
      %and3A = arith.andi %ne3A, %ne3A_223 : i1
      %sub3A = arith.constant 1 : i32
      %sub3A_224 = arith.subi %div3A, %sub3A : i32
      %select_n3A = arith.select %and3A, %sub3A_224, %div3A : i32
      %jit3A_225 = arith.constant 8 : i32
      %eq3A_226 = arith.constant 0 : i32
      %eq3A_227 = arith.cmpi eq, %jit3A_225, %eq3A_226 : i32
      %jit3A_228 = arith.constant 1 : i32
      %select_n3A_229 = arith.select %eq3A_227, %jit3A_228, %jit3A_225 : i32
      %rem3A_230 = arith.remsi %scan3A_207, %select_n3A_229 : i32
      %ne3A_231 = arith.constant 0 : i32
      %ne3A_232 = arith.cmpi ne, %rem3A_230, %ne3A_231 : i32
      %lt3A = arith.constant 0 : i32
      %lt3A_233 = arith.cmpi slt, %rem3A_230, %lt3A : i32
      %lt3A_234 = arith.constant 0 : i32
      %lt3A_235 = arith.cmpi slt, %select_n3A_229, %lt3A_234 : i32
      %ne3A_236 = arith.xori %lt3A_233, %lt3A_235 : i1
      %and3A_237 = arith.andi %ne3A_236, %ne3A_232 : i1
      %add3A_238 = arith.addi %rem3A_230, %select_n3A_229 : i32
      %select_n3A_239 = arith.select %and3A_237, %add3A_238, %rem3A_230 : i32
      %mul3A_240 = arith.constant 16 : i32
      %mul3A_241 = arith.muli %select_n3A_239, %mul3A_240 : i32
      %swap3A_242 = arith.index_cast %select_n3A : i32 to index
      %swap3A_243 = arith.index_cast %mul3A_241 : i32 to index
      %swap3A_244 = tpu.vector_load %arg5[%swap3A_242, %swap3A_243] {strides = array<i32>} : memref<80x128xf32, #tpu.memory_space<vmem>>, vector<16xf32>,
      tpu.vector_store %arg5[%swap3A_242, %swap3A_243], %broadcast_in_dim3A_3 {strides = array<i32>} : memref<80x128xf32, #tpu.memory_space<vmem>>, vector<16xf32>,
      %scan3A_245 = arith.constant 0 : i32
      scf.yield %scan3A_245 : i32
    }
    %scan3A_11 = arith.constant 640 : i32
    %swap3A = arith.constant 0 : i32
    %swap3A_12 = arith.index_cast %swap3A : i32 to index
    %swap3A_13 = arith.constant 0 : index
    %swap3A_14 = tpu.vector_load %arg6[%swap3A_12, %swap3A_13] {strides = array<i32>} : memref<5x128xf32, #tpu.memory_space<vmem>>, vector<16xf32>,
    tpu.vector_store %arg6[%swap3A_12, %swap3A_13], %broadcast_in_dim3A_3 {strides = array<i32>} : memref<5x128xf32, #tpu.memory_space<vmem>>, vector<16xf32>,
    %swap3A_15 = arith.constant 0 : i32
    %swap3A_16 = arith.index_cast %swap3A_15 : i32 to index
    %swap3A_17 = arith.constant 16 : index
    %swap3A_18 = tpu.vector_load %arg6[%swap3A_16, %swap3A_17] {strides = array<i32>} : memref<5x128xf32, #tpu.memory_space<vmem>>, vector<16xf32>,
    tpu.vector_store %arg6[%swap3A_16, %swap3A_17], %broadcast_in_dim3A_3 {strides = array<i32>} : memref<5x128xf32, #tpu.memory_space<vmem>>, vector<16xf32>,
    %swap3A_19 = arith.constant 0 : i32
    %swap3A_20 = arith.index_cast %swap3A_19 : i32 to index
    %swap3A_21 = arith.constant 32 : index
    %swap3A_22 = tpu.vector_load %arg6[%swap3A_20, %swap3A_21] {strides = array<i32>} : memref<5x128xf32, #tpu.memory_space<vmem>>, vector<16xf32>,
    tpu.vector_store %arg6[%swap3A_20, %swap3A_21], %broadcast_in_dim3A_3 {strides = array<i32>} : memref<5x128xf32, #tpu.memory_space<vmem>>, vector<16xf32>,
    %swap3A_23 = arith.constant 0 : i32
    %swap3A_24 = arith.index_cast %swap3A_23 : i32 to index
    %swap3A_25 = arith.constant 48 : index
    %swap3A_26 = tpu.vector_load %arg6[%swap3A_24, %swap3A_25] {strides = array<i32>} : memref<5x128xf32, #tpu.memory_space<vmem>>, vector<16xf32>,
    tpu.vector_store %arg6[%swap3A_24, %swap3A_25], %broadcast_in_dim3A_3 {strides = array<i32>} : memref<5x128xf32, #tpu.memory_space<vmem>>, vector<16xf32>,
    %swap3A_27 = arith.constant 0 : i32
    %swap3A_28 = arith.index_cast %swap3A_27 : i32 to index
    %swap3A_29 = arith.constant 64 : index
    %swap3A_30 = tpu.vector_load %arg6[%swap3A_28, %swap3A_29] {strides = array<i32>} : memref<5x128xf32, #tpu.memory_space<vmem>>, vector<16xf32>,
    tpu.vector_store %arg6[%swap3A_28, %swap3A_29], %broadcast_in_dim3A_3 {strides = array<i32>} : memref<5x128xf32, #tpu.memory_space<vmem>>, vector<16xf32>,
    %swap3A_31 = arith.constant 0 : i32
    %swap3A_32 = arith.index_cast %swap3A_31 : i32 to index
    %swap3A_33 = arith.constant 80 : index
    %swap3A_34 = tpu.vector_load %arg6[%swap3A_32, %swap3A_33] {strides = array<i32>} : memref<5x128xf32, #tpu.memory_space<vmem>>, vector<16xf32>,
    tpu.vector_store %arg6[%swap3A_32, %swap3A_33], %broadcast_in_dim3A_3 {strides = array<i32>} : memref<5x128xf32, #tpu.memory_space<vmem>>, vector<16xf32>,
    %swap3A_35 = arith.constant 0 : i32
    %swap3A_36 = arith.index_cast %swap3A_35 : i32 to index
    %swap3A_37 = arith.constant 96 : index
    %swap3A_38 = tpu.vector_load %arg6[%swap3A_36, %swap3A_37] {strides = array<i32>} : memref<5x128xf32, #tpu.memory_space<vmem>>, vector<16xf32>,
    tpu.vector_store %arg6[%swap3A_36, %swap3A_37], %broadcast_in_dim3A_3 {strides = array<i32>} : memref<5x128xf32, #tpu.memory_space<vmem>>, vector<16xf32>,
    %swap3A_39 = arith.constant 0 : i32
    %swap3A_40 = arith.index_cast %swap3A_39 : i32 to index
    %swap3A_41 = arith.constant 112 : index
    %swap3A_42 = tpu.vector_load %arg6[%swap3A_40, %swap3A_41] {strides = array<i32>} : memref<5x128xf32, #tpu.memory_space<vmem>>, vector<16xf32>,
    tpu.vector_store %arg6[%swap3A_40, %swap3A_41], %broadcast_in_dim3A_3 {strides = array<i32>} : memref<5x128xf32, #tpu.memory_space<vmem>>, vector<16xf32>,
    %swap3A_43 = arith.constant 1 : i32
    %swap3A_44 = arith.index_cast %swap3A_43 : i32 to index
    %swap3A_45 = arith.constant 0 : index
    %swap3A_46 = tpu.vector_load %arg6[%swap3A_44, %swap3A_45] {strides = array<i32>} : memref<5x128xf32, #tpu.memory_space<vmem>>, vector<16xf32>,
    tpu.vector_store %arg6[%swap3A_44, %swap3A_45], %broadcast_in_dim3A_3 {strides = array<i32>} : memref<5x128xf32, #tpu.memory_space<vmem>>, vector<16xf32>,
    %swap3A_47 = arith.constant 1 : i32
    %swap3A_48 = arith.index_cast %swap3A_47 : i32 to index
    %swap3A_49 = arith.constant 16 : index
    %swap3A_50 = tpu.vector_load %arg6[%swap3A_48, %swap3A_49] {strides = array<i32>} : memref<5x128xf32, #tpu.memory_space<vmem>>, vector<16xf32>,
    tpu.vector_store %arg6[%swap3A_48, %swap3A_49], %broadcast_in_dim3A_3 {strides = array<i32>} : memref<5x128xf32, #tpu.memory_space<vmem>>, vector<16xf32>,
    %swap3A_51 = arith.constant 1 : i32
    %swap3A_52 = arith.index_cast %swap3A_51 : i32 to index
    %swap3A_53 = arith.constant 32 : index
    %swap3A_54 = tpu.vector_load %arg6[%swap3A_52, %swap3A_53] {strides = array<i32>} : memref<5x128xf32, #tpu.memory_space<vmem>>, vector<16xf32>,
    tpu.vector_store %arg6[%swap3A_52, %swap3A_53], %broadcast_in_dim3A_3 {strides = array<i32>} : memref<5x128xf32, #tpu.memory_space<vmem>>, vector<16xf32>,
    %swap3A_55 = arith.constant 1 : i32
    %swap3A_56 = arith.index_cast %swap3A_55 : i32 to index
    %swap3A_57 = arith.constant 48 : index
    %swap3A_58 = tpu.vector_load %arg6[%swap3A_56, %swap3A_57] {strides = array<i32>} : memref<5x128xf32, #tpu.memory_space<vmem>>, vector<16xf32>,
    tpu.vector_store %arg6[%swap3A_56, %swap3A_57], %broadcast_in_dim3A_3 {strides = array<i32>} : memref<5x128xf32, #tpu.memory_space<vmem>>, vector<16xf32>,
    %swap3A_59 = arith.constant 1 : i32
    %swap3A_60 = arith.index_cast %swap3A_59 : i32 to index
    %swap3A_61 = arith.constant 64 : index
    %swap3A_62 = tpu.vector_load %arg6[%swap3A_60, %swap3A_61] {strides = array<i32>} : memref<5x128xf32, #tpu.memory_space<vmem>>, vector<16xf32>,
    tpu.vector_store %arg6[%swap3A_60, %swap3A_61], %broadcast_in_dim3A_3 {strides = array<i32>} : memref<5x128xf32, #tpu.memory_space<vmem>>, vector<16xf32>,
    %swap3A_63 = arith.constant 1 : i32
    %swap3A_64 = arith.index_cast %swap3A_63 : i32 to index
    %swap3A_65 = arith.constant 80 : index
    %swap3A_66 = tpu.vector_load %arg6[%swap3A_64, %swap3A_65] {strides = array<i32>} : memref<5x128xf32, #tpu.memory_space<vmem>>, vector<16xf32>,
    tpu.vector_store %arg6[%swap3A_64, %swap3A_65], %broadcast_in_dim3A_3 {strides = array<i32>} : memref<5x128xf32, #tpu.memory_space<vmem>>, vector<16xf32>,
    %swap3A_67 = arith.constant 1 : i32
    %swap3A_68 = arith.index_cast %swap3A_67 : i32 to index
    %swap3A_69 = arith.constant 96 : index
    %swap3A_70 = tpu.vector_load %arg6[%swap3A_68, %swap3A_69] {strides = array<i32>} : memref<5x128xf32, #tpu.memory_space<vmem>>, vector<16xf32>,
    tpu.vector_store %arg6[%swap3A_68, %swap3A_69], %broadcast_in_dim3A_3 {strides = array<i32>} : memref<5x128xf32, #tpu.memory_space<vmem>>, vector<16xf32>,
    %swap3A_71 = arith.constant 1 : i32
    %swap3A_72 = arith.index_cast %swap3A_71 : i32 to index
    %swap3A_73 = arith.constant 112 : index
    %swap3A_74 = tpu.vector_load %arg6[%swap3A_72, %swap3A_73] {strides = array<i32>} : memref<5x128xf32, #tpu.memory_space<vmem>>, vector<16xf32>,
    tpu.vector_store %arg6[%swap3A_72, %swap3A_73], %broadcast_in_dim3A_3 {strides = array<i32>} : memref<5x128xf32, #tpu.memory_space<vmem>>, vector<16xf32>,
    %swap3A_75 = arith.constant 2 : i32
    %swap3A_76 = arith.index_cast %swap3A_75 : i32 to index
    %swap3A_77 = arith.constant 0 : index
    %swap3A_78 = tpu.vector_load %arg6[%swap3A_76, %swap3A_77] {strides = array<i32>} : memref<5x128xf32, #tpu.memory_space<vmem>>, vector<16xf32>,
    tpu.vector_store %arg6[%swap3A_76, %swap3A_77], %broadcast_in_dim3A_3 {strides = array<i32>} : memref<5x128xf32, #tpu.memory_space<vmem>>, vector<16xf32>,
    %swap3A_79 = arith.constant 2 : i32
    %swap3A_80 = arith.index_cast %swap3A_79 : i32 to index
    %swap3A_81 = arith.constant 16 : index
    %swap3A_82 = tpu.vector_load %arg6[%swap3A_80, %swap3A_81] {strides = array<i32>} : memref<5x128xf32, #tpu.memory_space<vmem>>, vector<16xf32>,
    tpu.vector_store %arg6[%swap3A_80, %swap3A_81], %broadcast_in_dim3A_3 {strides = array<i32>} : memref<5x128xf32, #tpu.memory_space<vmem>>, vector<16xf32>,
    %swap3A_83 = arith.constant 2 : i32
    %swap3A_84 = arith.index_cast %swap3A_83 : i32 to index
    %swap3A_85 = arith.constant 32 : index
    %swap3A_86 = tpu.vector_load %arg6[%swap3A_84, %swap3A_85] {strides = array<i32>} : memref<5x128xf32, #tpu.memory_space<vmem>>, vector<16xf32>,
    tpu.vector_store %arg6[%swap3A_84, %swap3A_85], %broadcast_in_dim3A_3 {strides = array<i32>} : memref<5x128xf32, #tpu.memory_space<vmem>>, vector<16xf32>,
    %swap3A_87 = arith.constant 2 : i32
    %swap3A_88 = arith.index_cast %swap3A_87 : i32 to index
    %swap3A_89 = arith.constant 48 : index
    %swap3A_90 = tpu.vector_load %arg6[%swap3A_88, %swap3A_89] {strides = array<i32>} : memref<5x128xf32, #tpu.memory_space<vmem>>, vector<16xf32>,
    tpu.vector_store %arg6[%swap3A_88, %swap3A_89], %broadcast_in_dim3A_3 {strides = array<i32>} : memref<5x128xf32, #tpu.memory_space<vmem>>, vector<16xf32>,
    %swap3A_91 = arith.constant 2 : i32
    %swap3A_92 = arith.index_cast %swap3A_91 : i32 to index
    %swap3A_93 = arith.constant 64 : index
    %swap3A_94 = tpu.vector_load %arg6[%swap3A_92, %swap3A_93] {strides = array<i32>} : memref<5x128xf32, #tpu.memory_space<vmem>>, vector<16xf32>,
    tpu.vector_store %arg6[%swap3A_92, %swap3A_93], %broadcast_in_dim3A_3 {strides = array<i32>} : memref<5x128xf32, #tpu.memory_space<vmem>>, vector<16xf32>,
    %swap3A_95 = arith.constant 2 : i32
    %swap3A_96 = arith.index_cast %swap3A_95 : i32 to index
    %swap3A_97 = arith.constant 80 : index
    %swap3A_98 = tpu.vector_load %arg6[%swap3A_96, %swap3A_97] {strides = array<i32>} : memref<5x128xf32, #tpu.memory_space<vmem>>, vector<16xf32>,
    tpu.vector_store %arg6[%swap3A_96, %swap3A_97], %broadcast_in_dim3A_3 {strides = array<i32>} : memref<5x128xf32, #tpu.memory_space<vmem>>, vector<16xf32>,
    %swap3A_99 = arith.constant 2 : i32
    %swap3A_100 = arith.index_cast %swap3A_99 : i32 to index
    %swap3A_101 = arith.constant 96 : index
    %swap3A_102 = tpu.vector_load %arg6[%swap3A_100, %swap3A_101] {strides = array<i32>} : memref<5x128xf32, #tpu.memory_space<vmem>>, vector<16xf32>,
    tpu.vector_store %arg6[%swap3A_100, %swap3A_101], %broadcast_in_dim3A_3 {strides = array<i32>} : memref<5x128xf32, #tpu.memory_space<vmem>>, vector<16xf32>,
    %swap3A_103 = arith.constant 2 : i32
    %swap3A_104 = arith.index_cast %swap3A_103 : i32 to index
    %swap3A_105 = arith.constant 112 : index
    %swap3A_106 = tpu.vector_load %arg6[%swap3A_104, %swap3A_105] {strides = array<i32>} : memref<5x128xf32, #tpu.memory_space<vmem>>, vector<16xf32>,
    tpu.vector_store %arg6[%swap3A_104, %swap3A_105], %broadcast_in_dim3A_3 {strides = array<i32>} : memref<5x128xf32, #tpu.memory_space<vmem>>, vector<16xf32>,
    %swap3A_107 = arith.constant 3 : i32
    %swap3A_108 = arith.index_cast %swap3A_107 : i32 to index
    %swap3A_109 = arith.constant 0 : index
    %swap3A_110 = tpu.vector_load %arg6[%swap3A_108, %swap3A_109] {strides = array<i32>} : memref<5x128xf32, #tpu.memory_space<vmem>>, vector<16xf32>,
    tpu.vector_store %arg6[%swap3A_108, %swap3A_109], %broadcast_in_dim3A_3 {strides = array<i32>} : memref<5x128xf32, #tpu.memory_space<vmem>>, vector<16xf32>,
    %swap3A_111 = arith.constant 3 : i32
    %swap3A_112 = arith.index_cast %swap3A_111 : i32 to index
    %swap3A_113 = arith.constant 16 : index
    %swap3A_114 = tpu.vector_load %arg6[%swap3A_112, %swap3A_113] {strides = array<i32>} : memref<5x128xf32, #tpu.memory_space<vmem>>, vector<16xf32>,
    tpu.vector_store %arg6[%swap3A_112, %swap3A_113], %broadcast_in_dim3A_3 {strides = array<i32>} : memref<5x128xf32, #tpu.memory_space<vmem>>, vector<16xf32>,
    %swap3A_115 = arith.constant 3 : i32
    %swap3A_116 = arith.index_cast %swap3A_115 : i32 to index
    %swap3A_117 = arith.constant 32 : index
    %swap3A_118 = tpu.vector_load %arg6[%swap3A_116, %swap3A_117] {strides = array<i32>} : memref<5x128xf32, #tpu.memory_space<vmem>>, vector<16xf32>,
    tpu.vector_store %arg6[%swap3A_116, %swap3A_117], %broadcast_in_dim3A_3 {strides = array<i32>} : memref<5x128xf32, #tpu.memory_space<vmem>>, vector<16xf32>,
    %swap3A_119 = arith.constant 3 : i32
    %swap3A_120 = arith.index_cast %swap3A_119 : i32 to index
    %swap3A_121 = arith.constant 48 : index
    %swap3A_122 = tpu.vector_load %arg6[%swap3A_120, %swap3A_121] {strides = array<i32>} : memref<5x128xf32, #tpu.memory_space<vmem>>, vector<16xf32>,
    tpu.vector_store %arg6[%swap3A_120, %swap3A_121], %broadcast_in_dim3A_3 {strides = array<i32>} : memref<5x128xf32, #tpu.memory_space<vmem>>, vector<16xf32>,
    %swap3A_123 = arith.constant 3 : i32
    %swap3A_124 = arith.index_cast %swap3A_123 : i32 to index
    %swap3A_125 = arith.constant 64 : index
    %swap3A_126 = tpu.vector_load %arg6[%swap3A_124, %swap3A_125] {strides = array<i32>} : memref<5x128xf32, #tpu.memory_space<vmem>>, vector<16xf32>,
    tpu.vector_store %arg6[%swap3A_124, %swap3A_125], %broadcast_in_dim3A_3 {strides = array<i32>} : memref<5x128xf32, #tpu.memory_space<vmem>>, vector<16xf32>,
    %swap3A_127 = arith.constant 3 : i32
    %swap3A_128 = arith.index_cast %swap3A_127 : i32 to index
    %swap3A_129 = arith.constant 80 : index
    %swap3A_130 = tpu.vector_load %arg6[%swap3A_128, %swap3A_129] {strides = array<i32>} : memref<5x128xf32, #tpu.memory_space<vmem>>, vector<16xf32>,
    tpu.vector_store %arg6[%swap3A_128, %swap3A_129], %broadcast_in_dim3A_3 {strides = array<i32>} : memref<5x128xf32, #tpu.memory_space<vmem>>, vector<16xf32>,
    %swap3A_131 = arith.constant 3 : i32
    %swap3A_132 = arith.index_cast %swap3A_131 : i32 to index
    %swap3A_133 = arith.constant 96 : index
    %swap3A_134 = tpu.vector_load %arg6[%swap3A_132, %swap3A_133] {strides = array<i32>} : memref<5x128xf32, #tpu.memory_space<vmem>>, vector<16xf32>,
    tpu.vector_store %arg6[%swap3A_132, %swap3A_133], %broadcast_in_dim3A_3 {strides = array<i32>} : memref<5x128xf32, #tpu.memory_space<vmem>>, vector<16xf32>,
    %swap3A_135 = arith.constant 3 : i32
    %swap3A_136 = arith.index_cast %swap3A_135 : i32 to index
    %swap3A_137 = arith.constant 112 : index
    %swap3A_138 = tpu.vector_load %arg6[%swap3A_136, %swap3A_137] {strides = array<i32>} : memref<5x128xf32, #tpu.memory_space<vmem>>, vector<16xf32>,
    tpu.vector_store %arg6[%swap3A_136, %swap3A_137], %broadcast_in_dim3A_3 {strides = array<i32>} : memref<5x128xf32, #tpu.memory_space<vmem>>, vector<16xf32>,
    %swap3A_139 = arith.constant 4 : i32
    %swap3A_140 = arith.index_cast %swap3A_139 : i32 to index
    %swap3A_141 = arith.constant 0 : index
    %swap3A_142 = tpu.vector_load %arg6[%swap3A_140, %swap3A_141] {strides = array<i32>} : memref<5x128xf32, #tpu.memory_space<vmem>>, vector<16xf32>,
    tpu.vector_store %arg6[%swap3A_140, %swap3A_141], %broadcast_in_dim3A_3 {strides = array<i32>} : memref<5x128xf32, #tpu.memory_space<vmem>>, vector<16xf32>,
    %swap3A_143 = arith.constant 4 : i32
    %swap3A_144 = arith.index_cast %swap3A_143 : i32 to index
    %swap3A_145 = arith.constant 16 : index
    %swap3A_146 = tpu.vector_load %arg6[%swap3A_144, %swap3A_145] {strides = array<i32>} : memref<5x128xf32, #tpu.memory_space<vmem>>, vector<16xf32>,
    tpu.vector_store %arg6[%swap3A_144, %swap3A_145], %broadcast_in_dim3A_3 {strides = array<i32>} : memref<5x128xf32, #tpu.memory_space<vmem>>, vector<16xf32>,
    %swap3A_147 = arith.constant 4 : i32
    %swap3A_148 = arith.index_cast %swap3A_147 : i32 to index
    %swap3A_149 = arith.constant 32 : index
    %swap3A_150 = tpu.vector_load %arg6[%swap3A_148, %swap3A_149] {strides = array<i32>} : memref<5x128xf32, #tpu.memory_space<vmem>>, vector<16xf32>,
    tpu.vector_store %arg6[%swap3A_148, %swap3A_149], %broadcast_in_dim3A_3 {strides = array<i32>} : memref<5x128xf32, #tpu.memory_space<vmem>>, vector<16xf32>,
    %swap3A_151 = arith.constant 4 : i32
    %swap3A_152 = arith.index_cast %swap3A_151 : i32 to index
    %swap3A_153 = arith.constant 48 : index
    %swap3A_154 = tpu.vector_load %arg6[%swap3A_152, %swap3A_153] {strides = array<i32>} : memref<5x128xf32, #tpu.memory_space<vmem>>, vector<16xf32>,
    tpu.vector_store %arg6[%swap3A_152, %swap3A_153], %broadcast_in_dim3A_3 {strides = array<i32>} : memref<5x128xf32, #tpu.memory_space<vmem>>, vector<16xf32>,
    %swap3A_155 = arith.constant 4 : i32
    %swap3A_156 = arith.index_cast %swap3A_155 : i32 to index
    %swap3A_157 = arith.constant 64 : index
    %swap3A_158 = tpu.vector_load %arg6[%swap3A_156, %swap3A_157] {strides = array<i32>} : memref<5x128xf32, #tpu.memory_space<vmem>>, vector<16xf32>,
    tpu.vector_store %arg6[%swap3A_156, %swap3A_157], %broadcast_in_dim3A_3 {strides = array<i32>} : memref<5x128xf32, #tpu.memory_space<vmem>>, vector<16xf32>,
    %swap3A_159 = arith.constant 4 : i32
    %swap3A_160 = arith.index_cast %swap3A_159 : i32 to index
    %swap3A_161 = arith.constant 80 : index
    %swap3A_162 = tpu.vector_load %arg6[%swap3A_160, %swap3A_161] {strides = array<i32>} : memref<5x128xf32, #tpu.memory_space<vmem>>, vector<16xf32>,
    tpu.vector_store %arg6[%swap3A_160, %swap3A_161], %broadcast_in_dim3A_3 {strides = array<i32>} : memref<5x128xf32, #tpu.memory_space<vmem>>, vector<16xf32>,
    %swap3A_163 = arith.constant 4 : i32
    %swap3A_164 = arith.index_cast %swap3A_163 : i32 to index
    %swap3A_165 = arith.constant 96 : index
    %swap3A_166 = tpu.vector_load %arg6[%swap3A_164, %swap3A_165] {strides = array<i32>} : memref<5x128xf32, #tpu.memory_space<vmem>>, vector<16xf32>,
    tpu.vector_store %arg6[%swap3A_164, %swap3A_165], %broadcast_in_dim3A_3 {strides = array<i32>} : memref<5x128xf32, #tpu.memory_space<vmem>>, vector<16xf32>,
    %swap3A_167 = arith.constant 4 : i32
    %swap3A_168 = arith.index_cast %swap3A_167 : i32 to index
    %swap3A_169 = arith.constant 112 : index
    %swap3A_170 = tpu.vector_load %arg6[%swap3A_168, %swap3A_169] {strides = array<i32>} : memref<5x128xf32, #tpu.memory_space<vmem>>, vector<16xf32>,
    tpu.vector_store %arg6[%swap3A_168, %swap3A_169], %broadcast_in_dim3A_3 {strides = array<i32>} : memref<5x128xf32, #tpu.memory_space<vmem>>, vector<16xf32>,
    %iota3A = tpu.iota {dimensions = array<i32: 0>} : vector<16xi32>
    %add3A_171 = arith.constant 0 : i32
    %add3A_172 = vector.broadcast %add3A_171 : i32 to vector<16xi32>
    %add3A_173 = arith.addi %iota3A, %add3A_172 : vector<16xi32>
    %swap3A_174 = arith.constant 0 : index
    %swap3A_175 = tpu.vector_load %arg7[%swap3A_174] {strides = array<i32>} : memref<80xi32, #tpu.memory_space<vmem>>, vector<16xi32>,
    tpu.vector_store %arg7[%swap3A_174], %add3A_173 {strides = array<i32>} : memref<80xi32, #tpu.memory_space<vmem>>, vector<16xi32>,
    %iota3A_176 = tpu.iota {dimensions = array<i32: 0>} : vector<16xi32>
    %add3A_177 = arith.constant 16 : i32
    %add3A_178 = vector.broadcast %add3A_177 : i32 to vector<16xi32>
    %add3A_179 = arith.addi %iota3A_176, %add3A_178 : vector<16xi32>
    %swap3A_180 = arith.constant 16 : index
    %swap3A_181 = tpu.vector_load %arg7[%swap3A_180] {strides = array<i32>} : memref<80xi32, #tpu.memory_space<vmem>>, vector<16xi32>,
    tpu.vector_store %arg7[%swap3A_180], %add3A_179 {strides = array<i32>} : memref<80xi32, #tpu.memory_space<vmem>>, vector<16xi32>,
    %iota3A_182 = tpu.iota {dimensions = array<i32: 0>} : vector<16xi32>
    %add3A_183 = arith.constant 32 : i32
    %add3A_184 = vector.broadcast %add3A_183 : i32 to vector<16xi32>
    %add3A_185 = arith.addi %iota3A_182, %add3A_184 : vector<16xi32>
    %swap3A_186 = arith.constant 32 : index
    %swap3A_187 = tpu.vector_load %arg7[%swap3A_186] {strides = array<i32>} : memref<80xi32, #tpu.memory_space<vmem>>, vector<16xi32>,
    tpu.vector_store %arg7[%swap3A_186], %add3A_185 {strides = array<i32>} : memref<80xi32, #tpu.memory_space<vmem>>, vector<16xi32>,
    %iota3A_188 = tpu.iota {dimensions = array<i32: 0>} : vector<16xi32>
    %add3A_189 = arith.constant 48 : i32
    %add3A_190 = vector.broadcast %add3A_189 : i32 to vector<16xi32>
    %add3A_191 = arith.addi %iota3A_188, %add3A_190 : vector<16xi32>
    %swap3A_192 = arith.constant 48 : index
    %swap3A_193 = tpu.vector_load %arg7[%swap3A_192] {strides = array<i32>} : memref<80xi32, #tpu.memory_space<vmem>>, vector<16xi32>,
    tpu.vector_store %arg7[%swap3A_192], %add3A_191 {strides = array<i32>} : memref<80xi32, #tpu.memory_space<vmem>>, vector<16xi32>,
    %iota3A_194 = tpu.iota {dimensions = array<i32: 0>} : vector<16xi32>
    %add3A_195 = arith.constant 64 : i32
    %add3A_196 = vector.broadcast %add3A_195 : i32 to vector<16xi32>
    %add3A_197 = arith.addi %iota3A_194, %add3A_196 : vector<16xi32>
    %swap3A_198 = arith.constant 64 : index
    %swap3A_199 = tpu.vector_load %arg7[%swap3A_198] {strides = array<i32>} : memref<80xi32, #tpu.memory_space<vmem>>, vector<16xi32>,
    tpu.vector_store %arg7[%swap3A_198], %add3A_197 {strides = array<i32>} : memref<80xi32, #tpu.memory_space<vmem>>, vector<16xi32>,
    %mul3A_200 = arith.constant 5 : i32
    %mul3A_201 = arith.muli %arg1, %mul3A_200 : i32
    "tpu.region"() ({
      %run_scoped3A_207 = tpu.sem_alloc : memref<!tpu.dma_semaphore, #tpu.memory_space<semaphore_mem>>
      %dma_start3A = arith.constant 0 : i32
      %dma_start3A_208 = tpu.memref_slice %arg8[%mul3A_201, %dma_start3A] : memref<80x128xf32, #tpu.memory_space<vmem_shared>> -> memref<5x128xf32, #tpu.memory_space<vmem_shared>>
      %dma_start3A_209 = arith.constant 0 : i32
      %dma_start3A_210 = tpu.memref_slice %arg8[%mul3A_201, %dma_start3A_209] : memref<80x128xf32, #tpu.memory_space<vmem_shared>> -> memref<5x128xf32, #tpu.memory_space<vmem_shared>>
      tpu.enqueue_dma source(%arg6 : memref<5x128xf32, #tpu.memory_space<vmem>>) target(%dma_start3A_210 : memref<5x128xf32, #tpu.memory_space<vmem_shared>>) target_semaphore(%run_scoped3A_207 : memref<!tpu.dma_semaphore, #tpu.memory_space<semaphore_mem>>)
      %dma_wait3A = arith.constant 0 : i32
      %dma_wait3A_211 = tpu.memref_slice %arg8[%mul3A_201, %dma_wait3A] : memref<80x128xf32, #tpu.memory_space<vmem_shared>> -> memref<5x128xf32, #tpu.memory_space<vmem_shared>>
      %dma_wait3A_212 = arith.constant 0 : i32
      %dma_wait3A_213 = tpu.memref_slice %arg8[%mul3A_201, %dma_wait3A_212] : memref<80x128xf32, #tpu.memory_space<vmem_shared>> -> memref<5x128xf32, #tpu.memory_space<vmem_shared>>
      tpu.wait_dma2 semaphore(%run_scoped3A_207 : memref<!tpu.dma_semaphore, #tpu.memory_space<semaphore_mem>>) src(%arg6 : memref<5x128xf32, #tpu.memory_space<vmem>>) dst(%dma_wait3A_213 : memref<5x128xf32, #tpu.memory_space<vmem_shared>>)
      tpu.yield
    }) : () -> ()
    %parallel_loop3A = arith.constant 0 : i32
    %parallel_loop3A_202 = arith.constant 625 : i32
    %parallel_loop3A_203 = arith.constant 1 : i32
    scf.for %parallel_loop3A_207 = %parallel_loop3A to %parallel_loop3A_202 step %parallel_loop3A_203  : i32 {
      %parallel_loop3A_208 = arith.constant 16 : i32
      %parallel_loop3A_209 = arith.muli %parallel_loop3A_207, %parallel_loop3A_208 : i32
      %parallel_loop3A_210 = arith.index_cast %parallel_loop3A_209 : i32 to index
      %parallel_loop3A_211 = tpu.vector_load %arg4[%parallel_loop3A_210] {strides = array<i32>} : memref<10000xi32, #tpu.memory_space<vmem>>, vector<16xi32>,
      %parallel_loop3A_212 = arith.constant 7 : i32
      %parallel_loop3A_213 = vector.broadcast %parallel_loop3A_212 : i32 to vector<16xi32>
      %parallel_loop3A_214 = arith.shrsi %parallel_loop3A_211, %parallel_loop3A_213 : vector<16xi32>
      %parallel_loop3A_215 = arith.constant 127 : i32
      %parallel_loop3A_216 = vector.broadcast %parallel_loop3A_215 : i32 to vector<16xi32>
      %parallel_loop3A_217 = arith.andi %parallel_loop3A_211, %parallel_loop3A_216 : vector<16xi32>
      tpu.vector_store_idx %arg5[%parallel_loop3A_214, %parallel_loop3A_217], %broadcast_in_dim3A_5 {add = true} : memref<80x128xf32, #tpu.memory_space<vmem>>[vector<16xi32>, vector<16xi32>], vector<16xf32>,
    } {sc.loop_unroll_factor = 4 : i64, sc.parallel_access}
    %barrier3A = arith.constant 0 : index
    tpu.barrier barrier_id(%barrier3A)
    "tpu.region"() ({
      %run_scoped3A_207 = tpu.sem_alloc : memref<!tpu.dma_semaphore, #tpu.memory_space<semaphore_mem>>
      %dma_start3A = arith.constant 0 : i32
      %dma_start3A_208 = arith.constant 0 : i32
      %dma_start3A_209 = tpu.memref_slice %arg8[%dma_start3A, %dma_start3A_208] : memref<80x128xf32, #tpu.memory_space<vmem_shared>> -> memref<80x128xf32, #tpu.memory_space<vmem_shared>>
      tpu.enqueue_indirect_dma source(%arg5 : memref<80x128xf32, #tpu.memory_space<vmem>>) target(%dma_start3A_209 : memref<80x128xf32, #tpu.memory_space<vmem_shared>>) offsets(%arg7 : memref<80xi32, #tpu.memory_space<vmem>>) semaphore(%run_scoped3A_207 : memref<!tpu.dma_semaphore, #tpu.memory_space<semaphore_mem>>) {add = true}
      %dma_wait3A = arith.constant 0 : i32
      %dma_wait3A_210 = arith.constant 0 : i32
      %dma_wait3A_211 = tpu.memref_slice %arg8[%dma_wait3A, %dma_wait3A_210] : memref<80x128xf32, #tpu.memory_space<vmem_shared>> -> memref<80x128xf32, #tpu.memory_space<vmem_shared>>
      tpu.wait_indirect_dma semaphore(%run_scoped3A_207 : memref<!tpu.dma_semaphore, #tpu.memory_space<semaphore_mem>>) src(%arg5 : memref<80x128xf32, #tpu.memory_space<vmem>>) dst(%dma_wait3A_211 : memref<80x128xf32, #tpu.memory_space<vmem_shared>>)
      tpu.yield
    }) : () -> ()
    %barrier3A_204 = arith.constant 0 : index
    tpu.barrier barrier_id(%barrier3A_204)
    %eq3A = arith.constant 0 : i32
    %eq3A_205 = arith.cmpi eq, %arg1, %eq3A : i32
    %convert_element_type3A = arith.extui %eq3A_205 : i1 to i32
    %cond3A = arith.constant 0 : i32
    %cond3A_206 = arith.cmpi ne, %convert_element_type3A, %cond3A : i32
    scf.if %cond3A_206 {
      "tpu.region"() ({
        %run_scoped3A_207 = tpu.sem_alloc : memref<!tpu.dma_semaphore, #tpu.memory_space<semaphore_mem>>
        %dma_start3A = arith.constant 0 : i32
        %dma_start3A_208 = arith.constant 0 : i32
        %dma_start3A_209 = tpu.memref_slice %arg3[%arg0, %dma_start3A, %dma_start3A_208] : memref<2x80x128xf32, #tpu.memory_space<hbm>> -> memref<1x80x128xf32, #tpu.memory_space<hbm>>
        %dma_start3A_210 = tpu.memref_squeeze %dma_start3A_209 : memref<1x80x128xf32, #tpu.memory_space<hbm>> -> memref<80x128xf32, #tpu.memory_space<hbm>>
        tpu.enqueue_dma source(%arg8 : memref<80x128xf32, #tpu.memory_space<vmem_shared>>) target(%dma_start3A_210 : memref<80x128xf32, #tpu.memory_space<hbm>>) target_semaphore(%run_scoped3A_207 : memref<!tpu.dma_semaphore, #tpu.memory_space<semaphore_mem>>)
        %dma_wait3A = arith.constant 0 : i32
        %dma_wait3A_211 = arith.constant 0 : i32
        %dma_wait3A_212 = tpu.memref_slice %arg3[%arg0, %dma_wait3A, %dma_wait3A_211] : memref<2x80x128xf32, #tpu.memory_space<hbm>> -> memref<1x80x128xf32, #tpu.memory_space<hbm>>
        %dma_wait3A_213 = tpu.memref_squeeze %dma_wait3A_212 : memref<1x80x128xf32, #tpu.memory_space<hbm>> -> memref<80x128xf32, #tpu.memory_space<hbm>>
        tpu.wait_dma2 semaphore(%run_scoped3A_207 : memref<!tpu.dma_semaphore, #tpu.memory_space<semaphore_mem>>) src(%arg8 : memref<80x128xf32, #tpu.memory_space<vmem_shared>>) dst(%dma_wait3A_213 : memref<80x128xf32, #tpu.memory_space<hbm>>)
        tpu.yield
      }) : () -> ()
    } else {
    }
    return
  }
}

module attributes {stable_mosaic.version = 14 : i64} {
  func.func @_mm_body(%arg0: memref<10000x128xf32, #tpu.memory_space<vmem>>, %arg1: memref<128x16xf32, #tpu.memory_space<vmem>>, %arg2: memref<10240x16xf32, #tpu.memory_space<vmem>>) attributes {dimension_semantics = [], scalar_prefetch = 0 : i64, scratch_operands = 0 : i64, tpu.core_type = #tpu.core_type<tc>} {
    %get3A = arith.constant 0 : index
    %get3A_0 = arith.constant 0 : index
    %get3A_1 = vector.load %arg0[%get3A, %get3A_0] : memref<10000x128xf32, #tpu.memory_space<vmem>>, vector<10000x128xf32>
    %get3A_2 = arith.constant 0 : index
    %get3A_3 = arith.constant 0 : index
    %get3A_4 = vector.load %arg1[%get3A_2, %get3A_3] : memref<128x16xf32, #tpu.memory_space<vmem>>, vector<128x16xf32>
    %dot_general3A = arith.constant dense<0.000000e+00> : vector<10000x16xf32>
    %dot_general3A_5 = tpu.matmul %get3A_1, %get3A_4, %dot_general3A {dimension_numbers = #tpu.dot_dimension_numbers<[1], [0], [0], [1], [0, 0, 1, 1], [], []>, transpose_lhs_hint = false} : vector<10000x128xf32>, vector<128x16xf32>, vector<10000x16xf32> -> vector<10000x16xf32>
    %broadcast_in_dim3A = arith.constant 0.000000e+00 : f32
    %broadcast_in_dim3A_6 = vector.broadcast %broadcast_in_dim3A : f32 to vector<240x16xf32>
    %concatenate3A = tpu.concatenate %dot_general3A_5, %broadcast_in_dim3A_6 in 0 : vector<10000x16xf32>, vector<240x16xf32> -> vector<10240x16xf32>
    %swap3A = arith.constant 0 : index
    %swap3A_7 = arith.constant 0 : index
    %swap3A_8 = vector.load %arg2[%swap3A, %swap3A_7] : memref<10240x16xf32, #tpu.memory_space<vmem>>, vector<10240x16xf32>
    tpu.vector_store %arg2[%swap3A, %swap3A_7], %concatenate3A {strides = array<i32>} : memref<10240x16xf32, #tpu.memory_space<vmem>>, vector<10240x16xf32>,
    return
  }
}

module attributes {stable_mosaic.version = 14 : i64} {
  func.func @_fin_body(%arg0: memref<2x1280x128xf32, #tpu.memory_space<vmem>>, %arg1: memref<2x1280x128xf32, #tpu.memory_space<vmem>>, %arg2: memref<1x16xf32, #tpu.memory_space<vmem>>, %arg3: memref<16x10xf32, #tpu.memory_space<vmem>>, %arg4: memref<1x10xf32, #tpu.memory_space<vmem>>, %arg5: memref<1x10xf32, #tpu.memory_space<vmem>>) attributes {dimension_semantics = [], scalar_prefetch = 0 : i64, scratch_operands = 0 : i64, tpu.core_type = #tpu.core_type<tc>} {
    %get3A = arith.constant 0 : index
    %get3A_0 = arith.constant 0 : index
    %get3A_1 = vector.load %arg2[%get3A, %get3A_0] : memref<1x16xf32, #tpu.memory_space<vmem>>, vector<1x16xf32>
    %concatenate3A = tpu.concatenate %get3A_1, %get3A_1, %get3A_1, %get3A_1, %get3A_1, %get3A_1, %get3A_1, %get3A_1 in 1 : vector<1x16xf32>, vector<1x16xf32>, vector<1x16xf32>, vector<1x16xf32>, vector<1x16xf32>, vector<1x16xf32>, vector<1x16xf32>, vector<1x16xf32> -> vector<1x128xf32>
    %get3A_2 = arith.constant 0 : index
    %get3A_3 = arith.constant 0 : index
    %get3A_4 = arith.constant 0 : index
    %get3A_5 = vector.load %arg0[%get3A_2, %get3A_3, %get3A_4] : memref<2x1280x128xf32, #tpu.memory_space<vmem>>, vector<1x1280x128xf32>
    %get3A_6 = vector.shape_cast %get3A_5 : vector<1x1280x128xf32> to vector<1280x128xf32>
    %get3A_7 = arith.constant 1 : index
    %get3A_8 = arith.constant 0 : index
    %get3A_9 = arith.constant 0 : index
    %get3A_10 = vector.load %arg0[%get3A_7, %get3A_8, %get3A_9] : memref<2x1280x128xf32, #tpu.memory_space<vmem>>, vector<1x1280x128xf32>
    %get3A_11 = vector.shape_cast %get3A_10 : vector<1x1280x128xf32> to vector<1280x128xf32>
    %add3A = arith.addf %get3A_6, %get3A_11 : vector<1280x128xf32>
    %add3A_12 = vector.broadcast %concatenate3A : vector<1x128xf32> to vector<1280x128xf32>
    %add3A_13 = arith.addf %add3A, %add3A_12 : vector<1280x128xf32>
    %max3A = arith.constant 0.000000e+00 : f32
    %max3A_14 = vector.broadcast %max3A : f32 to vector<1280x128xf32>
    %max3A_15 = arith.maximumf %add3A_13, %max3A_14 : vector<1280x128xf32>
    %get3A_16 = arith.constant 0 : index
    %get3A_17 = arith.constant 0 : index
    %get3A_18 = arith.constant 0 : index
    %get3A_19 = vector.load %arg1[%get3A_16, %get3A_17, %get3A_18] : memref<2x1280x128xf32, #tpu.memory_space<vmem>>, vector<1x1280x128xf32>
    %get3A_20 = vector.shape_cast %get3A_19 : vector<1x1280x128xf32> to vector<1280x128xf32>
    %get3A_21 = arith.constant 1 : index
    %get3A_22 = arith.constant 0 : index
    %get3A_23 = arith.constant 0 : index
    %get3A_24 = vector.load %arg1[%get3A_21, %get3A_22, %get3A_23] : memref<2x1280x128xf32, #tpu.memory_space<vmem>>, vector<1x1280x128xf32>
    %get3A_25 = vector.shape_cast %get3A_24 : vector<1x1280x128xf32> to vector<1280x128xf32>
    %add3A_26 = arith.addf %get3A_20, %get3A_25 : vector<1280x128xf32>
    %mul3A = arith.mulf %add3A_26, %max3A_15 : vector<1280x128xf32>
    %reduce_sum3A = arith.constant dense<0.000000e+00> : vector<128xf32>
    %reduce_sum3A_27 = vector.multi_reduction <add>, %mul3A, %reduce_sum3A [0] : vector<1280x128xf32> to vector<128xf32>
    %broadcast_in_dim3A = vector.shape_cast %reduce_sum3A_27 : vector<128xf32> to vector<1x128xf32>
    %iota3A = tpu.iota {dimensions = array<i32: 0>} : vector<128x16xi32>
    %iota3A_28 = tpu.iota {dimensions = array<i32: 1>} : vector<128x16xi32>
    %jit3A = arith.constant 16 : i32
    %eq3A = arith.constant 0 : i32
    %eq3A_29 = arith.cmpi eq, %jit3A, %eq3A : i32
    %jit3A_30 = arith.constant 1 : i32
    %select_n3A = arith.select %eq3A_29, %jit3A_30, %jit3A : i32
    %rem3A = vector.broadcast %select_n3A : i32 to vector<128x16xi32>
    %rem3A_31 = arith.remsi %iota3A, %rem3A : vector<128x16xi32>
    %ne3A = arith.constant 0 : i32
    %ne3A_32 = vector.broadcast %ne3A : i32 to vector<128x16xi32>
    %ne3A_33 = arith.cmpi ne, %rem3A_31, %ne3A_32 : vector<128x16xi32>
    %lt3A = arith.constant 0 : i32
    %lt3A_34 = vector.broadcast %lt3A : i32 to vector<128x16xi32>
    %lt3A_35 = arith.cmpi slt, %rem3A_31, %lt3A_34 : vector<128x16xi32>
    %lt3A_36 = arith.constant 0 : i32
    %lt3A_37 = arith.cmpi slt, %select_n3A, %lt3A_36 : i32
    %ne3A_38 = vector.broadcast %lt3A_37 : i1 to vector<128x16xi1>
    %ne3A_39 = vector.broadcast %ne3A_38 : vector<128x16xi1> to vector<128x16xi1>
    %ne3A_40 = arith.xori %lt3A_35, %ne3A_39 : vector<128x16xi1>
    %and3A = arith.andi %ne3A_40, %ne3A_33 : vector<128x16xi1>
    %add3A_41 = vector.broadcast %select_n3A : i32 to vector<128x16xi32>
    %add3A_42 = arith.addi %rem3A_31, %add3A_41 : vector<128x16xi32>
    %select_n3A_43 = arith.select %and3A, %add3A_42, %rem3A_31 : vector<128x16xi1>, vector<128x16xi32>
    %eq3A_44 = arith.cmpi eq, %select_n3A_43, %iota3A_28 : vector<128x16xi32>
    %jit3A_45 = arith.constant 1.000000e+00 : f32
    %jit3A_46 = arith.constant 0.000000e+00 : f32
    %broadcast_in_dim3A_47 = vector.broadcast %jit3A_45 : f32 to vector<128x16xf32>
    %broadcast_in_dim3A_48 = vector.broadcast %jit3A_46 : f32 to vector<128x16xf32>
    %select_n3A_49 = arith.select %eq3A_44, %broadcast_in_dim3A_47, %broadcast_in_dim3A_48 : vector<128x16xi1>, vector<128x16xf32>
    %dot_general3A = arith.constant dense<0.000000e+00> : vector<1x16xf32>
    %dot_general3A_50 = tpu.matmul %broadcast_in_dim3A, %select_n3A_49, %dot_general3A {dimension_numbers = #tpu.dot_dimension_numbers<[1], [0], [0], [1], [0, 0, 1, 1], [], []>, transpose_lhs_hint = false} : vector<1x128xf32>, vector<128x16xf32>, vector<1x16xf32> -> vector<1x16xf32>
    %mul3A_51 = arith.constant 9.99999974E-5 : f32
    %mul3A_52 = vector.broadcast %mul3A_51 : f32 to vector<1x16xf32>
    %mul3A_53 = arith.mulf %dot_general3A_50, %mul3A_52 : vector<1x16xf32>
    %get3A_54 = arith.constant 0 : index
    %get3A_55 = arith.constant 0 : index
    %get3A_56 = vector.load %arg3[%get3A_54, %get3A_55] : memref<16x10xf32, #tpu.memory_space<vmem>>, vector<16x10xf32>
    %dot_general3A_57 = arith.constant dense<0.000000e+00> : vector<1x10xf32>
    %dot_general3A_58 = tpu.matmul %mul3A_53, %get3A_56, %dot_general3A_57 {dimension_numbers = #tpu.dot_dimension_numbers<[1], [0], [0], [1], [0, 0, 1, 1], [], []>, transpose_lhs_hint = false} : vector<1x16xf32>, vector<16x10xf32>, vector<1x10xf32> -> vector<1x10xf32>
    %get3A_59 = arith.constant 0 : index
    %get3A_60 = arith.constant 0 : index
    %get3A_61 = vector.load %arg4[%get3A_59, %get3A_60] : memref<1x10xf32, #tpu.memory_space<vmem>>, vector<1x10xf32>
    %add3A_62 = arith.addf %dot_general3A_58, %get3A_61 : vector<1x10xf32>
    %reduce_max3A = vector.shape_cast %add3A_62 : vector<1x10xf32> to vector<1x1x10xf32>
    %reduce_max3A_63 = arith.constant dense<0xFF800000> : vector<1xf32>
    %reduce_max3A_64 = vector.multi_reduction <maximumf>, %reduce_max3A, %reduce_max3A_63 [1, 2] : vector<1x1x10xf32> to vector<1xf32>
    %reduce_max3A_65 = vector.shape_cast %reduce_max3A_64 : vector<1xf32> to vector<1x1x1xf32>
    %reduce_max3A_66 = vector.extract %reduce_max3A_65[0, 0, 0] : f32 from vector<1x1x1xf32>
    %sub3A = vector.broadcast %reduce_max3A_66 : f32 to vector<1x10xf32>
    %sub3A_67 = arith.subf %add3A_62, %sub3A : vector<1x10xf32>
    %exp3A = math.exp %sub3A_67 : vector<1x10xf32>
    %reduce_sum3A_68 = vector.shape_cast %exp3A : vector<1x10xf32> to vector<1x1x10xf32>
    %reduce_sum3A_69 = arith.constant dense<0.000000e+00> : vector<1xf32>
    %reduce_sum3A_70 = vector.multi_reduction <add>, %reduce_sum3A_68, %reduce_sum3A_69 [1, 2] : vector<1x1x10xf32> to vector<1xf32>
    %reduce_sum3A_71 = vector.shape_cast %reduce_sum3A_70 : vector<1xf32> to vector<1x1x1xf32>
    %reduce_sum3A_72 = vector.extract %reduce_sum3A_71[0, 0, 0] : f32 from vector<1x1x1xf32>
    %div3A = vector.broadcast %reduce_sum3A_72 : f32 to vector<1x10xf32>
    %div3A_73 = arith.divf %exp3A, %div3A : vector<1x10xf32>
    %swap3A = arith.constant 0 : index
    %swap3A_74 = arith.constant 0 : index
    %swap3A_75 = vector.load %arg5[%swap3A, %swap3A_74] : memref<1x10xf32, #tpu.memory_space<vmem>>, vector<1x10xf32>
    tpu.vector_store %arg5[%swap3A, %swap3A_74], %div3A_73 {strides = array<i32>} : memref<1x10xf32, #tpu.memory_space<vmem>>, vector<1x10xf32>,
    return
  }
}

</mosaic_0001>

<sc_bundles>
// kernel: kernel.6.cloned.1.call-start
scs
__scs_entry_jumppad:
0x0: {  	(pc) =	sbr.rel $0x88, $3  }
0x1: {  	(tag) =	ssettag $0x0;
	lr =	simm.s32 $0x1  }
0x2: {  	[smem:$0x3F9B] =	sst lr;
	_ =	strace $0xD0000000  }
0x3: {  	_ = 	snop  }
0x4: {  	_ = 	snop  }
0x5: {  	_ = 	snop  }
0x6: {  	_ = 	snop  }
0x7: {  	_ = 	snop  }
__scs_overlays_trampoline_lowered:
0x8: {  	[smem:$0x3FAA] =	sst s0  }
0x9: {  	[smem:$0x3FAB] =	sst s1  }
0xa: {  	[smem:$0x3FAC] =	sst s2  }
0xb: {  	[smem:$0x3FAD] =	sst s3  }
0xc: {  	[smem:$0x3FAE] =	sst s4  }
0xd: {  	[smem:$0x3FAF] =	sst s5  }
0xe: {  	[smem:$0x3FB0] =	sst s6  }
0xf: {  	[smem:$0x3FB1] =	sst s7  }
0x10: {  	[smem:$0x3FB2] =	sst s8  }
0x11: {  	[smem:$0x3FB3] =	sst s9;
	s0 =	simm.s32 @!p0 $0x0  }
0x12: {  	s1 =	sld [smem:$0x3F99];
	s0 =	simm.s32 @p0 $0x1  }
0x13: {  	[smem:$0x3FB4] =	sst s0;
	s0 =	simm.s32 @!p1 $0x0  }
0x14: {  	s2 =	sld [smem:$0x3F98];
	s0 =	simm.s32 @p1 $0x1  }
0x15: {  	[smem:$0x3FB5] =	sst s0;
	s0 =	simm.s32 @!p2 $0x0  }
0x16: {  	s3 =	sld [smem:$0x3FDB];
	s0 =	simm.s32 @p2 $0x1  }
0x17: {  	s4 =	simm.s32 $0x1BF5;
	[smem:$0x3FB7] =	sst s0  }
0x18: {  	s0 =	sld [smem:$0x3F9A];
	_ =	swait.ge [sflag:s4], $0x0  }
0x19: {  	s7 =	sld [smem:$0x3F9B]  }
0x1a: {  	s8 =	sadd.s32 $0xFFFFE003, lr  }
0x1b: {  	s9 =	sadd.s32 $0xFFFFFEF7, lr;
	s5 =	simm.s32 $0xFFFFFFFF;
	p2 =	slt.u32 s8, $0xFFFFF086  }
0x1c: {  	p1 =	slt.u32 s9, $0xF7A;
	s5 =	simm.s32 @!p2 $0x0  }
0x1d: {  	s5 =	simm.s32 @p1 $0x1;
	p0 =	seq.s32 s7, s2  }
0x1e: {  	s7 =	smul.u32 @!p0 $0xF7A, s2;
	p2 =	seq.s32 @!p0 s5, $0x0  }
0x1f: {  	s9 =	smul.u32 $0xF7A, s1;
	s8 =	simm.s32 @!p0 $0x1BF5;
	p2 =	por !p2, p0  }
0x20: {  	[sflag:s8] =	ssyncset.s32 @!p0 $0xFFFFF086;
	s6 =	sadd.s32 @!p0 s3, s7;
	s7 =	simm.s32 @!p0 $0x108  }
0x21: {  	s3 =	sadd.s32 s3, s9;
	s6 =	sadd.s32 @!p0 $0x88, s6;
	s7 =	simm.s32 @p2 $0x1082  }
0x22: {  	[simem:s7], [sflag:s8] =	dma.local @!p0 [hbm:s6], $0xF7A  }
0x23: {  	s9 =	sor.u32 $0xD0000000, s2;
	s6 =	simm.s32 $0x108;
	_ =	swait.ge @!p0 [sflag:s8], $0x0  }
0x24: {  	s3 =	sadd.s32 $0x88, s3;
	s6 =	simm.s32 @!p1 $0x1082;
	[sflag:s4] =	ssyncset.s32 $0xFFFFF086  }
0x25: {  	[simem:s6], [sflag:s4] =	dma.local [hbm:s3], $0xF7A  }
0x26: {  	[smem:$0x3F9B] =	sst s1;
	(tag) =	ssettag s2;
	_ =	strace s9  }
0x27: {  	s1 =	sld [smem:$0x3FAB]  }
0x28: {  	s2 =	sld [smem:$0x3FAC]  }
0x29: {  	s4 =	sld [smem:$0x3FAE]  }
0x2a: {  	p0 =	seq.s32 s5, $0x0;
	s5 =	sld [smem:$0x3FAF]  }
0x2b: {  	s6 =	sld [smem:$0x3FB0]  }
0x2c: {  	s7 =	sld [smem:$0x3FB1]  }
0x2d: {  	s3 =	simm.s32 $0x108;
	s8 =	sld [smem:$0x3FB2]  }
0x2e: {  	s3 =	simm.s32 @!p0 $0x1082;
	s9 =	sld [smem:$0x3FB3]  }
0x2f: {  	lr =	sadd.s32 s0, s3;
	s0 =	sld [smem:$0x3FAA]  }
0x30: {  	s3 =	sld [smem:$0x3FAD]  }
0x31: {  	[smem:$0x3FB6] =	sst s10  }
0x32: {  	s10 =	sld [smem:$0x3FB4];
	_ =	sdelay $0x3  }
0x33: {  	p0 =	seq.s32 s10, $0x1;
	s10 =	sld [smem:$0x3FB6];
	_ =	sdelay $0x3  }
0x34: {  	[smem:$0x3FB6] =	sst s10  }
0x35: {  	s10 =	sld [smem:$0x3FB5];
	_ =	sdelay $0x3  }
0x36: {  	p1 =	seq.s32 s10, $0x1;
	s10 =	sld [smem:$0x3FB6];
	_ =	sdelay $0x3  }
0x37: {  	[smem:$0x3FB6] =	sst s10  }
0x38: {  	s10 =	sld [smem:$0x3FB7]  }
0x39: {  	_ = 	snop;
	(pc) =	sbr.ind lr, $3  }
0x3a: {  	_ = 	snop  }
0x3b: {  	_ = 	snop  }
0x3c: {  	p2 =	seq.s32 s10, $0x1;
	s10 =	sld [smem:$0x3FB6]  }
0x3d: {  	_ =	shalt  }
0x3e: {  	_ =	shalt  }
0x3f: {  	_ =	shalt  }
0x40: {  	_ =	shalt  }
0x41: {  	_ =	shalt  }
0x42: {  	_ =	shalt  }
0x43: {  	_ =	shalt  }
0x44: {  	_ =	shalt  }
0x45: {  	_ =	shalt  }
0x46: {  	_ =	shalt  }
0x47: {  	_ =	shalt  }
0x48: {  	_ =	shalt  }
0x49: {  	_ =	shalt  }
0x4a: {  	_ =	shalt  }
0x4b: {  	_ =	shalt  }
0x4c: {  	_ =	shalt  }
0x4d: {  	_ =	shalt  }
0x4e: {  	_ =	shalt  }
0x4f: {  	_ =	shalt  }
0x50: {  	_ =	shalt  }
0x51: {  	_ =	shalt  }
0x52: {  	_ =	shalt  }
0x53: {  	_ =	shalt  }
0x54: {  	_ =	shalt  }
0x55: {  	_ =	shalt  }
0x56: {  	_ =	shalt  }
0x57: {  	_ =	shalt  }
0x58: {  	_ =	shalt  }
0x59: {  	_ =	shalt  }
0x5a: {  	_ =	shalt  }
0x5b: {  	_ =	shalt  }
0x5c: {  	_ =	shalt  }
0x5d: {  	_ =	shalt  }
0x5e: {  	_ =	shalt  }
0x5f: {  	_ =	shalt  }
0x60: {  	_ =	shalt  }
0x61: {  	_ =	shalt  }
0x62: {  	_ =	shalt  }
0x63: {  	_ =	shalt  }
0x64: {  	_ =	shalt  }
0x65: {  	_ =	shalt  }
0x66: {  	_ =	shalt  }
0x67: {  	_ =	shalt  }
0x68: {  	_ =	shalt  }
0x69: {  	_ =	shalt  }
0x6a: {  	_ =	shalt  }
0x6b: {  	_ =	shalt  }
0x6c: {  	_ =	shalt  }
0x6d: {  	_ =	shalt  }
0x6e: {  	_ =	shalt  }
0x6f: {  	_ =	shalt  }
0x70: {  	_ =	shalt  }
0x71: {  	_ =	shalt  }
0x72: {  	_ =	shalt  }
0x73: {  	_ =	shalt  }
0x74: {  	_ =	shalt  }
0x75: {  	_ =	shalt  }
0x76: {  	_ =	shalt  }
0x77: {  	_ =	shalt  }
0x78: {  	_ =	shalt  }
0x79: {  	_ =	shalt  }
0x7a: {  	_ =	shalt  }
0x7b: {  	_ =	shalt  }
0x7c: {  	_ =	shalt  }
0x7d: {  	_ =	shalt  }
0x7e: {  	_ =	shalt  }
0x7f: {  	_ =	shalt  }
0x80: {  	_ =	shalt  }
0x81: {  	_ =	shalt  }
0x82: {  	_ =	shalt  }
0x83: {  	_ =	shalt  }
0x84: {  	_ =	shalt  }
0x85: {  	_ =	shalt  }
0x86: {  	_ =	shalt  }
0x87: {  	_ =	shalt  }
.Lfunc_end0:
.L_simem_size_0:
called_computation_lowered:
.L_overlay_start_0:
0x88: {  	s2 =	sld [smem:$0x3FD9]  }
0x89: {  	s3 =	sld [smem:$0x3FFE];
	_ =	sdelay $0x1  }
0x8a: {  	s1 =	srdreg.scid  }
0x8b: {  	s0 =	sand.u32 $0x1, s1  }
0x8c: {  	s16 =	sshll.u32 s0, $0xA;
	s2 =	sadd.s32 s3, s2  }
0x8d: {  	s2 =	sadd.s32 s2, s16  }
0x8e: {  	[smem:$0x3FC2] =	sst s2  }
0x8f: {  	_ = 	snop  }
0x90: {  	(tm) =	ssettm $0x1  }
0x91: {  	s17 =	sld [smem:$0x3FFB];
	_ =	sdelay $0x3  }
0x92: {  	_ =	strace s17  }
0x93: {  	s2 =	sld [smem:$0x3FFC];
	_ =	sdelay $0x3  }
0x94: {  	_ =	strace s2  }
0x95: {  	s2 =	sld [smem:$0x3FFD];
	_ =	sdelay $0x3  }
0x96: {  	_ =	strace s2  }
0x97: {  	_ =	strace $0x8FFFFFFF  }
0x98: {  	s18 =	sld [smem:$0x3FDB];
	_ =	sdelay $0x1  }
0x99: {  	s19 =	simm.s32 $_scs_section_size  }
0x9a: {  	s4 =	simm.s32 $_size__tile_overlayer_lowered;
	s5 =	simm.s32 $_tile_overlayer_lowered  }
0x9b: {  	s22 =	simm.s32 $0x1BFF;
	s21 =	sshll.u32 s5, $0x1;
	s2 =	sadd.s32 s19, s18  }
0x9c: {  	s6 =	simm.s32 $0x0;
	s20 =	sshll.u32 s4, $0x1;
	s4 =	sadd.s32 s21, s2  }
0x9d: {  	[timem:s6], [sflag:s22] =	dma.local [hbm:s4], s20  }
0x9e: {  	_ =	swait.ge [sflag:s22], s20  }
0x9f: {  	s3 =	ssub.s32 $0x0, s20;
	[sflag:s22] =	ssyncset.done $0x0  }
0xa0: {  	[sflag:s22] =	ssyncadd.s32 s3;
	_ =	sdelay $0x1  }
0xa1: {  	s23 =	simm.s32 $0x1B8B  }
0xa2: {  	_ =	swait.ge [sflag:s23], $0x1  }
0xa3: {  	[sflag:s23] =	ssyncset.done $0x0  }
0xa4: {  	s25 =	simm.s32 $0x1B8E;
	s24 =	sld [smem:$0x3FFE];
	[sflag:s23] =	ssyncadd.s32 $0xFFFFFFFF  }
0xa5: {  	s26 =	simm.s32 $execute0_lowered;
	[smem:$0x3FD2] =	sst s25  }
0xa6: {  	s4 =	sshll.u32 s26, $0x1;
	_ =	strace $0x80000046;
	[dreg:$0x1] =	wrdreg $0xFFFFFFFF  }
0xa7: {  	s28 =	simm.s32 $_size_execute0_lowered;
	s2 =	sadd.s32 s2, s4;
	[dreg:$0x0] =	wrdreg $0x0  }
0xa8: {  	s4 =	sshll.u32 s28, $0x1;
	[dreg:$0x2] =	wrdreg s2  }
0xa9: {  	[dreg:$0x3] =	wrdreg s4  }
0xaa: {  	[dreg:$0x4] =	wrdreg $0xC0  }
0xab: {  	_ =	task [dreg:s6], $0x5FFFF  }
0xac: {  	[dreg:$0x1] =	wrdreg $0xFFFFFFFF  }
0xad: {  	[dreg:$0x0] =	wrdreg $0x60  }
0xae: {  	[dreg:$0x2] =	wrdreg s24  }
0xaf: {  	[dreg:$0x3] =	wrdreg $0x51E00  }
0xb0: {  	[dreg:$0x4] =	wrdreg $0x9  }
0xb1: {  	_ =	task.clear_ibuf [dreg:s6], $0x5FFFF;
	_ =	strace $0x90000046  }
0xb2: {  	s29 =	simm.s32 $0x9;
	_ =	strace $0x80000048  }
0xb3: {  	_ =	swait.ge [sflag:s29], $0x1  }
0xb4: {  	[sflag:s29] =	ssyncadd.s32 $0xFFFFFFFF  }
0xb5: {  	_ =	strace $0x90000048  }
0xb6: {  	_ =	sfence  }
0xb7: {  	s30 =	sld [smem:$0x0];
	_ =	sdelay $0x2  }
0xb8: {  	s31 =	sshll.u32 s1, $0xD;
	s1 =	sshrl.u32 s1, $0x2  }
0xb9: {  	s3 =	sand.u32 $0x4000, s31;
	s1 =	sadd.s32 s1, s30  }
0xba: {  	s0 =	sor.u32 s3, s0;
	s1 =	sshll.u32 s1, $0x11  }
0xbb: {  	s0 =	sor.u32 s1, s0  }
0xbc: {  	s0 =	sadd.s32 $0x8F2B, s0  }
0xbd: {  	[sflag:s0] =	ssyncadd.remote.s32 $0x1  }
0xbe: {  	_ =	sfence.sel $0xFFFF  }
0xbf: {  	[dreg:$0x0] =	wrdreg $0xFFFFFFFF;
	(pc) =	sbr.abs _section_cstart, $3  }
0xc0: {  	[dreg:$0x1] =	wrdreg $0xFFFFFFFF  }
0xc1: {  	_ =	task.clear_ibuf [dreg:s6], $0x2FFFF;
	_ =	strace $0x9FFFFFFF  }
0xc2: {  	(tm) =	ssettm $0x7FFFFFFF  }
0xc3: {  	_ =	shalt  }
tec
execute0_lowered:
.L_overlay_start_1:
0x0: {  	(tag) =	ssettag $0x1  }
0x1: {  	s3 =	rddreg [dreg:$0x0]  }
0x2: {  	s1 =	rddreg [dreg:$0x1];
	s2 =	srdreg.scid  }
0x3: {  	s10 =	stileid.u32;
	s0 =	rddreg [dreg:$0x2];
	s9 =	simm.s32 $0x2710  }
0x4: {  	s11 =	simm.s32 $0x5190;
	s13 =	simm.s32 $0x0;
	s4 =	sand.u32 $0x1, s2  }
0x5: {  	s5 =	sshll.u32 s10, $0x1;
	s2 =	simm.s32 $0x0;
	s7 =	smul.u32 $0xA00, s10  }
0x6: {  	p0 =	sne.s32 s10, $0x0;
	s10 =	simm.s32 $0x50;
	s6 =	smul.u32 $0x500, s4  }
0x7: {  	s5 =	sor.u32 s4, s5;
	[smem:$0x7FF] =	sst s2;
	s4 =	ssub.s32 $0x2, s4  }
0x8: {  	s12 =	sshrl.u32 @!p0 s1, $0x3;
	s5 =	smul.u32 $0x2710, s5;
	_ =	strace $0x80000047  }
0x9: {  	s8 =	sshrl.u32 s4, $0x1;
	s31 =	sshrl.u32 s7, $0x2;
	s7 =	simm.s32 $0x1  }
0xa: {  	v0 =	vlaneseq.u32;
	s6 =	sadd.s32 s6, s3;
	s8 =	ssub.s32 s4, s8;
	s5 =	sshrl.u32 s5, $0x3  }
0xb: {  	v1 =	vimm.f32 $0.0e+00;
	v6 =	vimm.f32 $1.000000000e+00;
	v2 =	vor.u32 $0x10, v0;
	s4 =	sadd.s32 s31, s1;
	s3 =	sadd.s32 s3, s5;
	s5 =	sadd.s32 $0x15A00, s6  }
0xc: {  	v3 =	vor.u32 $0x20, v0;
	v4 =	vor.u32 $0x30, v0;
	v5 =	vor.u32 $0x40, v0;
	s6 =	smax.u32 s8, $0x1;
	s8 =	simm.s32 $0x4F10;
	s3 =	sadd.s32 $0xBC40, s3  }
.LBB2_1:
0xd: {  	[tilespmem:s2], [sflag:$0x1] =	stream.linear.gather [hbm4b:s3+s2], $0x2710, $0x38;
	[tilespmem:$0x5460] =	vst v63  }
0xe: {  	s14 =	sand.u32 $0xFE00, s2;
	s15 =	sand.u32 $0x70, s2;
	_ =	swait.ge [sflag:s7], $0x2710  }
0xf: {  	s16 =	sshrl.u32 s14, $0x2;
	s14 =	simm.s32 $0x40;
	[sflag:s7] =	ssyncset.done $0x0  }
0x10: {  	s16 =	sor.u32 s15, s16;
	s15 =	simm.s32 $0x0;
	[sflag:s7] =	ssyncadd.s32 $0xFFFFD8F0  }
.LBB2_2:
0x11: {  	p1 =	sne.s32 s14, $0x9FC0  }
0x12: {  	[tilespmem:s16+$0x2710] =	vst v1;
	s15 =	sadd.s32 $0x10, s15;
	s16 =	smov.u32 s14;
	s14 =	sadd.s32 $0x40, s14  }
.Ltmp0:
0x13: {  	(pc) =	sbr.rel @p1 .LBB2_2-.Ltmp0, $4  }
0x14: {  	_ = 	snop  }
0x15: {  	s16 =	sand.u32 $0xFE00, s16  }
0x16: {  	s17 =	sand.u32 $0x70, s15;
	s16 =	sshrl.u32 s16, $0x2  }
0x17: {  	s16 =	sor.u32 s17, s16  }
0x18: {  	[tilespmem:s16+$0x2710] =	vst v1  }
0x19: {  	[tilespmem:$0x4F10] =	vst v1  }
0x1a: {  	[tilespmem:$0x4F20] =	vst v1  }
0x1b: {  	[tilespmem:$0x4F30] =	vst v1  }
0x1c: {  	[tilespmem:$0x4F40] =	vst v1  }
0x1d: {  	[tilespmem:$0x4F50] =	vst v1  }
0x1e: {  	[tilespmem:$0x4F60] =	vst v1  }
0x1f: {  	[tilespmem:$0x4F70] =	vst v1  }
0x20: {  	[tilespmem:$0x4F80] =	vst v1  }
0x21: {  	[tilespmem:$0x4F90] =	vst v1  }
0x22: {  	[tilespmem:$0x4FA0] =	vst v1  }
0x23: {  	[tilespmem:$0x4FB0] =	vst v1  }
0x24: {  	[tilespmem:$0x4FC0] =	vst v1  }
0x25: {  	[tilespmem:$0x4FD0] =	vst v1  }
0x26: {  	[tilespmem:$0x4FE0] =	vst v1  }
0x27: {  	[tilespmem:$0x4FF0] =	vst v1  }
0x28: {  	[tilespmem:$0x5000] =	vst v1  }
0x29: {  	[tilespmem:$0x5010] =	vst v1  }
0x2a: {  	[tilespmem:$0x5020] =	vst v1  }
0x2b: {  	[tilespmem:$0x5030] =	vst v1  }
0x2c: {  	[tilespmem:$0x5040] =	vst v1  }
0x2d: {  	[tilespmem:$0x5050] =	vst v1  }
0x2e: {  	[tilespmem:$0x5060] =	vst v1  }
0x2f: {  	[tilespmem:$0x5070] =	vst v1  }
0x30: {  	[tilespmem:$0x5080] =	vst v1  }
0x31: {  	[tilespmem:$0x5090] =	vst v1  }
0x32: {  	[tilespmem:$0x50A0] =	vst v1  }
0x33: {  	[tilespmem:$0x50B0] =	vst v1  }
0x34: {  	[tilespmem:$0x50C0] =	vst v1  }
0x35: {  	[tilespmem:$0x50D0] =	vst v1  }
0x36: {  	[tilespmem:$0x50E0] =	vst v1  }
0x37: {  	[tilespmem:$0x50F0] =	vst v1  }
0x38: {  	[tilespmem:$0x5100] =	vst v1  }
0x39: {  	[tilespmem:$0x5110] =	vst v1  }
0x3a: {  	[tilespmem:$0x5120] =	vst v1  }
0x3b: {  	[tilespmem:$0x5130] =	vst v1  }
0x3c: {  	[tilespmem:$0x5140] =	vst v1  }
0x3d: {  	[tilespmem:$0x5150] =	vst v1  }
0x3e: {  	[tilespmem:$0x5160] =	vst v1  }
0x3f: {  	[tilespmem:$0x5170] =	vst v1  }
0x40: {  	[tilespmem:$0x5180] =	vst v1  }
0x41: {  	[tilespmem:$0x5190] =	vst v0  }
0x42: {  	[tilespmem:$0x51A0] =	vst v2  }
0x43: {  	[tilespmem:$0x51B0] =	vst v3  }
0x44: {  	[tilespmem:$0x51C0] =	vst v4  }
0x45: {  	[tilespmem:$0x51D0] =	vst v5  }
0x46: {  	[spmem:s4] =	stream.linear.scatter [tilespmem:s8], [sflag:$0x1], $0x280, $0x38;
	[tilespmem:$0x5460] =	vst v63  }
0x47: {  	_ =	swait.ge [sflag:s7], $0x280  }
0x48: {  	[sflag:s7] =	ssyncset.done $0x0  }
0x49: {  	s14 =	simm.s32 $0x20;
	[sflag:s7] =	ssyncadd.s32 $0xFFFFFD80  }
0x4a: {  	v10 =	vld [tilespmem:s14+$0x10];
	_ =	sdelay $0x4  }
0x4b: {  	v9 =	vld [tilespmem:s14+$0xFFFFFFE0]  }
0x4c: {  	v7 =	vld [tilespmem:s14+$0xFFFFFFF0]  }
0x4d: {  	v8 =	vld [tilespmem:s14+$0x0]  }
0x4e: {  	s15 =	simm.s32 $0x60;
	s14 =	simm.s32 $0x0;
	[tilespmem:v10+s9+$0x0] =	vst.idx.add.f32.msk $0xffff, v6  }
.LBB2_4:
0x4f: {  	v10 =	vld [tilespmem:s15+$0x10];
	s14 =	sadd.s32 $0x4, s14  }
0x50: {  	v11 =	vld [tilespmem:s15+$0xFFFFFFF0];
	p1 =	slt.u32 s14, $0x26C  }
0x51: {  	v12 =	vld [tilespmem:s15+$0x0]  }
0x52: {  	v13 =	vld [tilespmem:s15+$0xFFFFFFE0]  }
.Ltmp1:
0x53: {  	[tilespmem:v9+s9+$0x0] =	vst.idx.add.f32.msk $0xffff, v6;
	(pc) =	sbr.rel @p1 .LBB2_4-.Ltmp1, $4  }
0x54: {  	[tilespmem:v7+s9+$0x0] =	vst.idx.add.f32.msk $0xffff, v6  }
0x55: {  	[tilespmem:v8+s9+$0x0] =	vst.idx.add.f32.msk $0xffff, v6;
	v7 =	vmov v11  }
0x56: {  	v8 =	vmov v12  }
0x57: {  	s15 =	sadd.s32 $0x40, s15;
	[tilespmem:v10+s9+$0x0] =	vst.idx.add.f32.msk $0xffff, v6;
	v9 =	vmov v13  }
0x58: {  	_ =	sdelay $0x3  }
0x59: {  	[tilespmem:v9+s9+$0x0] =	vst.idx.add.f32.msk $0xffff, v6  }
0x5a: {  	[tilespmem:v7+s9+$0x0] =	vst.idx.add.f32.msk $0xffff, v6  }
0x5b: {  	[tilespmem:v8+s9+$0x0] =	vst.idx.add.f32.msk $0xffff, v6  }
0x5c: {  	v7 =	vld [tilespmem:$0x2700];
	_ =	sdelay $0x7  }
0x5d: {  	[tilespmem:v7+s9+$0x0] =	vst.idx.add.f32.msk $0xffff, v6  }
0x5e: {  	[bflag:$0x0] =	sbarrier.arrive $0xFFFF  }
0x5f: {  	[spmem:s1] =	stream.indirect.scatter.add.f32 [tilespmem:s9], [sflag:$0x1], $0x80, s11, s10, $0xb8;
	[tilespmem:$0x5460] =	vst v63  }
0x60: {  	_ =	swait.ge [sflag:s7], $0x2800  }
0x61: {  	[sflag:s7] =	ssyncset.done $0x0  }
0x62: {  	s13 =	sadd.s32 $0x1, s13;
	[sflag:s7] =	ssyncadd.s32 $0xFFFFD800  }
0x63: {  	s14 =	simm.s32 @!p0 $0x1C01;
	p1 =	sne.s32 s13, s6;
	[bflag:$0x0] =	sbarrier.arrive $0xFFFF  }
0x64: {  	[hbm:s5], [sflag:s14] =	dma.local @!p0 [spmem:s12], $0x500  }
.Ltmp2:
0x65: {  	_ = 	snop;
	(pc) =	sbr.rel @p1 .LBB2_1-.Ltmp2, $4  }
0x66: {  	s14 =	simm.s32 @!p0 $0x1  }
0x67: {  	_ =	swait.ge @!p0 [sflag:s14], $0x500  }
0x68: {  	[sflag:s14] =	ssyncset.done @!p0 $0x0  }
0x69: {  	[sflag:s14] =	ssyncadd.s32 @!p0 $0xFFFFFB00  }
0x6a: {  	_ =	sfence.sel $0x180000  }
0x6b: {  	[bflag:$0x0] =	sbarrier.arrive $0xFFFF  }
0x6c: {  	_ =	strace $0x90000047  }
0x6d: {  	s0 =	sadd.s32 @!p0 $0x100000, s0;
	[bflag:$0x2] =	sbarrier.arrive $0xFFFF  }
0x6e: {  	[sflag:s0] =	ssyncadd.tile.s32 @!p0 $0x1;
	_ =	shalt  }
.Lfunc_end2:
_tile_overlayer_lowered:
.L_overlay_start_2:
0x6f: {  	(tag) =	ssettag $0x2  }
0x70: {  	s0 =	rddreg [dreg:$0x0];
	s2 =	stileid.u32  }
0x71: {  	s1 =	rddreg [dreg:$0x1];
	p0 =	sne.s32 s2, $0x0  }
0x72: {  	s3 =	rddreg [dreg:$0x2];
	[bflag:$0x3] =	sbarrier.arrive $0xFFFF;
	s2 =	simm.s32 @!p0 $0x1C01  }
0x73: {  	[timem:s3], [sflag:s2] =	dma.local @!p0 [hbm:s0], s1  }
0x74: {  	s0 =	simm.s32 @!p0 $0x1  }
0x75: {  	_ =	swait.ge @!p0 [sflag:s0], s1  }
0x76: {  	s1 =	ssub.s32 @!p0 $0x0, s1;
	[sflag:s0] =	ssyncset.done @!p0 $0x0  }
0x77: {  	[sflag:s0] =	ssyncadd.s32 @!p0 s1  }
0x78: {  	[bflag:$0x3] =	sbarrier.arrive $0xFFFF  }
0x79: {  	_ =	shalt  }

// kernel: kernel.9.cloned.1.call-start
scs
__scs_entry_jumppad:
0x0: {  	(pc) =	sbr.rel $0x88, $3  }
0x1: {  	(tag) =	ssettag $0x0;
	lr =	simm.s32 $0x1  }
0x2: {  	[smem:$0x3F9B] =	sst lr;
	_ =	strace $0xD0000000  }
0x3: {  	_ = 	snop  }
0x4: {  	_ = 	snop  }
0x5: {  	_ = 	snop  }
0x6: {  	_ = 	snop  }
0x7: {  	_ = 	snop  }
__scs_overlays_trampoline_lowered:
0x8: {  	[smem:$0x3FAA] =	sst s0  }
0x9: {  	[smem:$0x3FAB] =	sst s1  }
0xa: {  	[smem:$0x3FAC] =	sst s2  }
0xb: {  	[smem:$0x3FAD] =	sst s3  }
0xc: {  	[smem:$0x3FAE] =	sst s4  }
0xd: {  	[smem:$0x3FAF] =	sst s5  }
0xe: {  	[smem:$0x3FB0] =	sst s6  }
0xf: {  	[smem:$0x3FB1] =	sst s7  }
0x10: {  	[smem:$0x3FB2] =	sst s8  }
0x11: {  	[smem:$0x3FB3] =	sst s9;
	s0 =	simm.s32 @!p0 $0x0  }
0x12: {  	s1 =	sld [smem:$0x3F99];
	s0 =	simm.s32 @p0 $0x1  }
0x13: {  	[smem:$0x3FB4] =	sst s0;
	s0 =	simm.s32 @!p1 $0x0  }
0x14: {  	s2 =	sld [smem:$0x3F98];
	s0 =	simm.s32 @p1 $0x1  }
0x15: {  	[smem:$0x3FB5] =	sst s0;
	s0 =	simm.s32 @!p2 $0x0  }
0x16: {  	s3 =	sld [smem:$0x3FDB];
	s0 =	simm.s32 @p2 $0x1  }
0x17: {  	s4 =	simm.s32 $0x1BF5;
	[smem:$0x3FB7] =	sst s0  }
0x18: {  	s0 =	sld [smem:$0x3F9A];
	_ =	swait.ge [sflag:s4], $0x0  }
0x19: {  	s7 =	sld [smem:$0x3F9B]  }
0x1a: {  	s8 =	sadd.s32 $0xFFFFE003, lr  }
0x1b: {  	s9 =	sadd.s32 $0xFFFFFEF7, lr;
	s5 =	simm.s32 $0xFFFFFFFF;
	p2 =	slt.u32 s8, $0xFFFFF086  }
0x1c: {  	p1 =	slt.u32 s9, $0xF7A;
	s5 =	simm.s32 @!p2 $0x0  }
0x1d: {  	s5 =	simm.s32 @p1 $0x1;
	p0 =	seq.s32 s7, s2  }
0x1e: {  	s7 =	smul.u32 @!p0 $0xF7A, s2;
	p2 =	seq.s32 @!p0 s5, $0x0  }
0x1f: {  	s9 =	smul.u32 $0xF7A, s1;
	s8 =	simm.s32 @!p0 $0x1BF5;
	p2 =	por !p2, p0  }
0x20: {  	[sflag:s8] =	ssyncset.s32 @!p0 $0xFFFFF086;
	s6 =	sadd.s32 @!p0 s3, s7;
	s7 =	simm.s32 @!p0 $0x108  }
0x21: {  	s3 =	sadd.s32 s3, s9;
	s6 =	sadd.s32 @!p0 $0x88, s6;
	s7 =	simm.s32 @p2 $0x1082  }
0x22: {  	[simem:s7], [sflag:s8] =	dma.local @!p0 [hbm:s6], $0xF7A  }
0x23: {  	s9 =	sor.u32 $0xD0000000, s2;
	s6 =	simm.s32 $0x108;
	_ =	swait.ge @!p0 [sflag:s8], $0x0  }
0x24: {  	s3 =	sadd.s32 $0x88, s3;
	s6 =	simm.s32 @!p1 $0x1082;
	[sflag:s4] =	ssyncset.s32 $0xFFFFF086  }
0x25: {  	[simem:s6], [sflag:s4] =	dma.local [hbm:s3], $0xF7A  }
0x26: {  	[smem:$0x3F9B] =	sst s1;
	(tag) =	ssettag s2;
	_ =	strace s9  }
0x27: {  	s1 =	sld [smem:$0x3FAB]  }
0x28: {  	s2 =	sld [smem:$0x3FAC]  }
0x29: {  	s4 =	sld [smem:$0x3FAE]  }
0x2a: {  	p0 =	seq.s32 s5, $0x0;
	s5 =	sld [smem:$0x3FAF]  }
0x2b: {  	s6 =	sld [smem:$0x3FB0]  }
0x2c: {  	s7 =	sld [smem:$0x3FB1]  }
0x2d: {  	s3 =	simm.s32 $0x108;
	s8 =	sld [smem:$0x3FB2]  }
0x2e: {  	s3 =	simm.s32 @!p0 $0x1082;
	s9 =	sld [smem:$0x3FB3]  }
0x2f: {  	lr =	sadd.s32 s0, s3;
	s0 =	sld [smem:$0x3FAA]  }
0x30: {  	s3 =	sld [smem:$0x3FAD]  }
0x31: {  	[smem:$0x3FB6] =	sst s10  }
0x32: {  	s10 =	sld [smem:$0x3FB4];
	_ =	sdelay $0x3  }
0x33: {  	p0 =	seq.s32 s10, $0x1;
	s10 =	sld [smem:$0x3FB6];
	_ =	sdelay $0x3  }
0x34: {  	[smem:$0x3FB6] =	sst s10  }
0x35: {  	s10 =	sld [smem:$0x3FB5];
	_ =	sdelay $0x3  }
0x36: {  	p1 =	seq.s32 s10, $0x1;
	s10 =	sld [smem:$0x3FB6];
	_ =	sdelay $0x3  }
0x37: {  	[smem:$0x3FB6] =	sst s10  }
0x38: {  	s10 =	sld [smem:$0x3FB7]  }
0x39: {  	_ = 	snop;
	(pc) =	sbr.ind lr, $3  }
0x3a: {  	_ = 	snop  }
0x3b: {  	_ = 	snop  }
0x3c: {  	p2 =	seq.s32 s10, $0x1;
	s10 =	sld [smem:$0x3FB6]  }
0x3d: {  	_ =	shalt  }
0x3e: {  	_ =	shalt  }
0x3f: {  	_ =	shalt  }
0x40: {  	_ =	shalt  }
0x41: {  	_ =	shalt  }
0x42: {  	_ =	shalt  }
0x43: {  	_ =	shalt  }
0x44: {  	_ =	shalt  }
0x45: {  	_ =	shalt  }
0x46: {  	_ =	shalt  }
0x47: {  	_ =	shalt  }
0x48: {  	_ =	shalt  }
0x49: {  	_ =	shalt  }
0x4a: {  	_ =	shalt  }
0x4b: {  	_ =	shalt  }
0x4c: {  	_ =	shalt  }
0x4d: {  	_ =	shalt  }
0x4e: {  	_ =	shalt  }
0x4f: {  	_ =	shalt  }
0x50: {  	_ =	shalt  }
0x51: {  	_ =	shalt  }
0x52: {  	_ =	shalt  }
0x53: {  	_ =	shalt  }
0x54: {  	_ =	shalt  }
0x55: {  	_ =	shalt  }
0x56: {  	_ =	shalt  }
0x57: {  	_ =	shalt  }
0x58: {  	_ =	shalt  }
0x59: {  	_ =	shalt  }
0x5a: {  	_ =	shalt  }
0x5b: {  	_ =	shalt  }
0x5c: {  	_ =	shalt  }
0x5d: {  	_ =	shalt  }
0x5e: {  	_ =	shalt  }
0x5f: {  	_ =	shalt  }
0x60: {  	_ =	shalt  }
0x61: {  	_ =	shalt  }
0x62: {  	_ =	shalt  }
0x63: {  	_ =	shalt  }
0x64: {  	_ =	shalt  }
0x65: {  	_ =	shalt  }
0x66: {  	_ =	shalt  }
0x67: {  	_ =	shalt  }
0x68: {  	_ =	shalt  }
0x69: {  	_ =	shalt  }
0x6a: {  	_ =	shalt  }
0x6b: {  	_ =	shalt  }
0x6c: {  	_ =	shalt  }
0x6d: {  	_ =	shalt  }
0x6e: {  	_ =	shalt  }
0x6f: {  	_ =	shalt  }
0x70: {  	_ =	shalt  }
0x71: {  	_ =	shalt  }
0x72: {  	_ =	shalt  }
0x73: {  	_ =	shalt  }
0x74: {  	_ =	shalt  }
0x75: {  	_ =	shalt  }
0x76: {  	_ =	shalt  }
0x77: {  	_ =	shalt  }
0x78: {  	_ =	shalt  }
0x79: {  	_ =	shalt  }
0x7a: {  	_ =	shalt  }
0x7b: {  	_ =	shalt  }
0x7c: {  	_ =	shalt  }
0x7d: {  	_ =	shalt  }
0x7e: {  	_ =	shalt  }
0x7f: {  	_ =	shalt  }
0x80: {  	_ =	shalt  }
0x81: {  	_ =	shalt  }
0x82: {  	_ =	shalt  }
0x83: {  	_ =	shalt  }
0x84: {  	_ =	shalt  }
0x85: {  	_ =	shalt  }
0x86: {  	_ =	shalt  }
0x87: {  	_ =	shalt  }
.Lfunc_end0:
.L_simem_size_0:
called_computation.1_lowered:
.L_overlay_start_0:
0x88: {  	s2 =	sld [smem:$0x3FD9]  }
0x89: {  	s3 =	sld [smem:$0x3FFE];
	_ =	sdelay $0x1  }
0x8a: {  	s1 =	srdreg.scid  }
0x8b: {  	s0 =	sand.u32 $0x1, s1  }
0x8c: {  	s16 =	sshll.u32 s0, $0xA;
	s2 =	sadd.s32 s3, s2  }
0x8d: {  	s2 =	sadd.s32 s2, s16  }
0x8e: {  	[smem:$0x3FC2] =	sst s2  }
0x8f: {  	_ = 	snop  }
0x90: {  	(tm) =	ssettm $0x1  }
0x91: {  	s17 =	sld [smem:$0x3FFB];
	_ =	sdelay $0x3  }
0x92: {  	_ =	strace s17  }
0x93: {  	s2 =	sld [smem:$0x3FFC];
	_ =	sdelay $0x3  }
0x94: {  	_ =	strace s2  }
0x95: {  	s2 =	sld [smem:$0x3FFD];
	_ =	sdelay $0x3  }
0x96: {  	_ =	strace s2  }
0x97: {  	_ =	strace $0x8FFFFFFF  }
0x98: {  	s18 =	sld [smem:$0x3FDB];
	_ =	sdelay $0x1  }
0x99: {  	s19 =	simm.s32 $_scs_section_size  }
0x9a: {  	s4 =	simm.s32 $_size__tile_overlayer_lowered;
	s5 =	simm.s32 $_tile_overlayer_lowered  }
0x9b: {  	s22 =	simm.s32 $0x1BFF;
	s21 =	sshll.u32 s5, $0x1;
	s2 =	sadd.s32 s19, s18  }
0x9c: {  	s6 =	simm.s32 $0x0;
	s20 =	sshll.u32 s4, $0x1;
	s4 =	sadd.s32 s21, s2  }
0x9d: {  	[timem:s6], [sflag:s22] =	dma.local [hbm:s4], s20  }
0x9e: {  	_ =	swait.ge [sflag:s22], s20  }
0x9f: {  	s3 =	ssub.s32 $0x0, s20;
	[sflag:s22] =	ssyncset.done $0x0  }
0xa0: {  	[sflag:s22] =	ssyncadd.s32 s3;
	_ =	sdelay $0x1  }
0xa1: {  	s23 =	simm.s32 $0x1B8B  }
0xa2: {  	_ =	swait.ge [sflag:s23], $0x1  }
0xa3: {  	[sflag:s23] =	ssyncset.done $0x0  }
0xa4: {  	s25 =	simm.s32 $0x1B8E;
	s24 =	sld [smem:$0x3FFE];
	[sflag:s23] =	ssyncadd.s32 $0xFFFFFFFF  }
0xa5: {  	s26 =	simm.s32 $execute0_lowered;
	[smem:$0x3FD2] =	sst s25  }
0xa6: {  	s4 =	sshll.u32 s26, $0x1;
	_ =	strace $0x80000049;
	[dreg:$0x1] =	wrdreg $0xFFFFFFFF  }
0xa7: {  	s28 =	simm.s32 $_size_execute0_lowered;
	s2 =	sadd.s32 s2, s4;
	[dreg:$0x0] =	wrdreg $0x0  }
0xa8: {  	s4 =	sshll.u32 s28, $0x1;
	[dreg:$0x2] =	wrdreg s2  }
0xa9: {  	[dreg:$0x3] =	wrdreg s4  }
0xaa: {  	[dreg:$0x4] =	wrdreg $0xC0  }
0xab: {  	_ =	task [dreg:s6], $0x5FFFF  }
0xac: {  	[dreg:$0x1] =	wrdreg $0xFFFFFFFF  }
0xad: {  	[dreg:$0x0] =	wrdreg $0x60  }
0xae: {  	[dreg:$0x2] =	wrdreg s24  }
0xaf: {  	[dreg:$0x3] =	wrdreg $0x169000  }
0xb0: {  	[dreg:$0x4] =	wrdreg $0x1B9000  }
0xb1: {  	[dreg:$0x5] =	wrdreg $0x191000  }
0xb2: {  	[dreg:$0x6] =	wrdreg $0x1BB800  }
0xb3: {  	[dreg:$0x7] =	wrdreg $0x9  }
0xb4: {  	_ =	task.clear_ibuf [dreg:s6], $0x8FFFF;
	_ =	strace $0x90000049  }
0xb5: {  	s29 =	simm.s32 $0x9;
	_ =	strace $0x8000004B  }
0xb6: {  	_ =	swait.ge [sflag:s29], $0x1  }
0xb7: {  	[sflag:s29] =	ssyncadd.s32 $0xFFFFFFFF  }
0xb8: {  	_ =	strace $0x9000004B  }
0xb9: {  	_ =	sfence  }
0xba: {  	s30 =	sld [smem:$0x0];
	_ =	sdelay $0x2  }
0xbb: {  	s31 =	sshll.u32 s1, $0xD;
	s1 =	sshrl.u32 s1, $0x2  }
0xbc: {  	s3 =	sand.u32 $0x4000, s31;
	s1 =	sadd.s32 s1, s30  }
0xbd: {  	s0 =	sor.u32 s3, s0;
	s1 =	sshll.u32 s1, $0x11  }
0xbe: {  	s0 =	sor.u32 s1, s0  }
0xbf: {  	s0 =	sadd.s32 $0x8F2B, s0  }
0xc0: {  	[sflag:s0] =	ssyncadd.remote.s32 $0x1  }
0xc1: {  	_ =	sfence.sel $0xFFFF  }
0xc2: {  	[dreg:$0x0] =	wrdreg $0xFFFFFFFF;
	(pc) =	sbr.abs _section_cstart, $3  }
0xc3: {  	[dreg:$0x1] =	wrdreg $0xFFFFFFFF  }
0xc4: {  	_ =	task.clear_ibuf [dreg:s6], $0x2FFFF;
	_ =	strace $0x9FFFFFFF  }
0xc5: {  	(tm) =	ssettm $0x7FFFFFFF  }
tec
execute0_lowered:
.L_overlay_start_1:
0x0: {  	(tag) =	ssettag $0x1  }
0x1: {  	s0 =	rddreg [dreg:$0x0]  }
0x2: {  	s1 =	rddreg [dreg:$0x1]  }
0x3: {  	s16 =	rddreg [dreg:$0x2]  }
0x4: {  	s3 =	rddreg [dreg:$0x3]  }
0x5: {  	s17 =	rddreg [dreg:$0x4]  }
0x6: {  	s2 =	stileid.u32;
	s24 =	simm.s32 $0x0;
	s4 =	srdreg.scid  }
0x7: {  	s6 =	smul.u32 $0x280, s2;
	[smem:$0x7FF] =	sst s24  }
0x8: {  	s5 =	smul.u32 $0x2800, s2;
	s4 =	sand.u32 $0x1, s4;
	s18 =	sshll.u32 s2, $0x1  }
0x9: {  	_ =	strace $0x8000004A;
	s9 =	smul.u32 $0x28000, s4;
	s12 =	sor.u32 s4, s18  }
0xa: {  	s13 =	ssub.s32 $0x2, s4;
	p0 =	seq.s32 s4, $0x0;
	s4 =	sadd.s32 $0x280, s17  }
0xb: {  	s8 =	sshrl.u32 s6, $0x3;
	s20 =	smul.u32 $0x2710, s12;
	s14 =	sshrl.u32 s13, $0x1  }
0xc: {  	s25 =	sadd.s32 s5, s1;
	[dreg:$0x17] =	wrdreg s4;
	s10 =	sadd.s32 s8, s0  }
0xd: {  	s13 =	ssub.s32 s13, s14;
	[dreg:$0xa] =	wrdreg s25;
	s22 =	sadd.s32 $0x15A00, s10  }
0xe: {  	s15 =	sshrl.u32 s20, $0x3;
	s10 =	sadd.s32 $0x15F00, s10;
	[dreg:$0x8] =	wrdreg s22  }
0xf: {  	s8 =	sadd.s32 $0x4E200, s20;
	s20 =	sadd.s32 s6, s16;
	[dreg:$0x9] =	wrdreg s10  }
0x10: {  	s7 =	sadd.s32 $0x2000, s0;
	s25 =	smax.u32 s13, $0x1;
	[dreg:$0xf] =	wrdreg s20  }
0x11: {  	s11 =	sshrl.u32 s5, $0x3;
	s13 =	sadd.s32 $0xC80, s17;
	[dreg:$0x14] =	wrdreg s25  }
0x12: {  	p1 =	sne.s32 s12, $0x0;
	s16 =	sadd.s32 $0x1400, s17;
	[dreg:$0x1b] =	wrdreg s13  }
0x13: {  	s12 =	simm.f32 $1.000000000e+00;
	s22 =	sadd.s32 s5, s3;
	[dreg:$0x1e] =	wrdreg s16  }
0x14: {  	s9 =	sadd.s32 s5, s9;
	s15 =	sadd.s32 s7, s15;
	[dreg:$0x11] =	wrdreg s22  }
0x15: {  	s11 =	sadd.s32 s11, s0;
	s5 =	sadd.s32 $0x500, s17;
	[dreg:$0x6] =	wrdreg s15  }
0x16: {  	s12 =	simm.s32 @!p0 $0x0;
	s20 =	sadd.s32 $0x1B80, s17;
	[dreg:$0x18] =	wrdreg s5  }
0x17: {  	s21 =	sshrl.u32 s8, $0x3;
	s25 =	sadd.s32 $0x2580, s17;
	[smem:$0x7F8] =	sst s20  }
0x18: {  	p0 =	sne.s32 s2, $0x0;
	s14 =	sadd.s32 s7, s21;
	[smem:$0x7FC] =	sst s25  }
0x19: {  	s19 =	sshrl.u32 s9, $0x3;
	s21 =	sadd.s32 $0x16400, s11;
	[dreg:$0x7] =	wrdreg s14  }
0x1a: {  	s9 =	smul.u32 $0xA000, s2;
	s2 =	sadd.s32 $0xA120, s15;
	[dreg:$0x10] =	wrdreg s21  }
0x1b: {  	s0 =	sadd.s32 s19, s0;
	s11 =	sadd.s32 $0xA00, s17;
	[dreg:$0x16] =	wrdreg s2  }
0x1c: {  	s23 =	sshrl.u32 s9, $0x2;
	s22 =	sadd.s32 $0x2080, s17;
	[dreg:$0x1a] =	wrdreg s11  }
0x1d: {  	s26 =	sadd.s32 s23, s1;
	s23 =	sadd.s32 $0x1B400, s0;
	[smem:$0x7FA] =	sst s22  }
0x1e: {  	s30 =	simm.s32 $0x1;
	s0 =	sadd.s32 $0x25400, s0;
	[dreg:$0x12] =	wrdreg s23  }
0x1f: {  	s29 =	simm.s32 $0x4EA0;
	s21 =	sadd.s32 $0x1E00, s17;
	[dreg:$0x13] =	wrdreg s0  }
0x20: {  	s31 =	simm.s32 $0xFFB0;
	s14 =	sadd.s32 $0x800, s26;
	[smem:$0x7F9] =	sst s21  }
0x21: {  	s28 =	simm.s32 $0x4;
	s18 =	sadd.s32 $0x1000, s26;
	[dreg:$0xb] =	wrdreg s14  }
0x22: {  	s4 =	simm.s32 $0x5;
	s19 =	sadd.s32 $0x1800, s26;
	[dreg:$0xc] =	wrdreg s18  }
0x23: {  	v1 =	vmov s12;
	s12 =	simm.s32 $0x0;
	s10 =	sadd.s32 $0x2000, s26;
	[dreg:$0xd] =	wrdreg s19  }
0x24: {  	s16 =	simm.s32 $0x4E20;
	s26 =	sadd.s32 $0x9C50, s15;
	[dreg:$0xe] =	wrdreg s10  }
0x25: {  	s13 =	simm.s32 $0x80;
	s15 =	sadd.s32 $0x1180, s17;
	[dreg:$0x15] =	wrdreg s26  }
0x26: {  	s25 =	simm.s32 $0x3;
	s23 =	sadd.s32 $0x2300, s17;
	[dreg:$0x1d] =	wrdreg s15  }
0x27: {  	s2 =	simm.s32 $0xF7B0;
	s10 =	sadd.s32 $0x780, s17;
	[smem:$0x7FB] =	sst s23  }
0x28: {  	s22 =	simm.s32 $0xA;
	s14 =	sadd.s32 $0xF00, s17;
	[dreg:$0x19] =	wrdreg s10  }
0x29: {  	s11 =	simm.s32 $0x6;
	s18 =	sadd.s32 $0x1680, s17;
	[dreg:$0x1c] =	wrdreg s14  }
0x2a: {  	s0 =	simm.s32 $0x5030;
	s19 =	sadd.s32 $0x1900, s17;
	[dreg:$0x1f] =	wrdreg s18  }
0x2b: {  	v0 =	vlaneseq.u32;
	s21 =	simm.s32 $0x2;
	s26 =	sadd.s32 s6, s17;
	[smem:$0x7F7] =	sst s19  }
0x2c: {  	v2 =	vimm.f32 $0.0e+00;
	v3 =	vor.u32 $0x10, v0;
	s15 =	simm.s32 $0xD;
	s17 =	simm.s32 $0x9;
	[smem:$0x7FD] =	sst s26  }
0x2d: {  	v4 =	vor.u32 $0x20, v0;
	v5 =	vor.u32 $0x30, v0;
	v6 =	vor.u32 $0x40, v0;
	s18 =	simm.s32 $0x7830;
	s26 =	simm.s32 $0xB;
	s10 =	simm.s32 $0xC  }
.LBB2_1:
0x2e: {  	[smem:$0x7F6] =	sst s12  }
0x2f: {  	s5 =	rddreg [dreg:$0x6]  }
0x30: {  	[tilespmem:s24], [sflag:$0xD] =	stream.linear.gather [hbm4b:s5+s24], $0x2710, $0x38;
	[tilespmem:$0x1BE00] =	vst v63  }
0x31: {  	_ =	swait.ge [sflag:s15], $0x2710  }
0x32: {  	[sflag:s15] =	ssyncset.done $0x0  }
0x33: {  	s23 =	simm.s32 $0x2710;
	s20 =	rddreg [dreg:$0x7];
	[sflag:s15] =	ssyncadd.s32 $0xFFFFD8F0  }
0x34: {  	[tilespmem:s23], [sflag:$0xD] =	stream.linear.gather [hbm4b:s20+s24], $0x2710, $0x38;
	[tilespmem:$0x1BE00] =	vst v63  }
0x35: {  	_ =	swait.ge [sflag:s15], $0x2710  }
0x36: {  	s19 =	simm.s32 $0xA030;
	[sflag:s15] =	ssyncset.done $0x0  }
0x37: {  	s12 =	simm.s32 $0x0;
	s14 =	rddreg [dreg:$0x8];
	[sflag:s15] =	ssyncadd.s32 $0xFFFFD8F0  }
0x38: {  	[tilespmem:s19], [sflag:$0x1] =	stream.linear.gather [hbm4b:s14+s24], $0x280, $0x38;
	[tilespmem:$0x1BE00] =	vst v63  }
0x39: {  	s5 =	simm.s32 $0x0;
	s23 =	simm.s32 $0xA2B0;
	s20 =	rddreg [dreg:$0x9]  }
0x3a: {  	[tilespmem:s23], [sflag:$0x1] =	stream.linear.gather [hbm4b:s20+s24], $0x280, $0x38;
	[tilespmem:$0x1BE00] =	vst v63  }
.LBB2_2:
0x3b: {  	p2 =	sne.s32 s12, $0x9FC0  }
.Ltmp0:
0x3c: {  	_ = 	snop;
	(pc) =	sbr.rel @p2 .LBB2_2-.Ltmp0, $4  }
0x3d: {  	s14 =	sand.u32 $0xFE00, s12  }
0x3e: {  	s19 =	sand.u32 $0x70, s5;
	s14 =	sshrl.u32 s14, $0x2  }
0x3f: {  	s14 =	sor.u32 s19, s14  }
0x40: {  	s5 =	sadd.s32 $0x10, s5;
	s12 =	sadd.s32 $0x40, s12;
	[tilespmem:s14+$0x7830] =	vst v2  }
0x41: {  	s5 =	simm.s32 $0x40;
	s12 =	simm.s32 $0x0  }
.LBB2_4:
0x42: {  	p2 =	sne.s32 s5, $0x1FC0;
	[tilespmem:s12+$0xF7B0] =	vst v2;
	s12 =	smov.u32 s5;
	s5 =	sadd.s32 $0x40, s5  }
.Ltmp1:
0x43: {  	(pc) =	sbr.rel @p2 .LBB2_4-.Ltmp1, $2  }
0x44: {  	_ =	sdelay $0x2  }
0x45: {  	s12 =	sshra.s32 s12, $0x2  }
0x46: {  	[tilespmem:s12+$0xF7B0] =	vst v2;
	s5 =	rddreg [dreg:$0xa]  }
0x47: {  	[spmem:s5] =	stream.linear.scatter [tilespmem:s2], [sflag:$0xD], $0x800, $0x38;
	[tilespmem:$0x1BE00] =	vst v63  }
0x48: {  	_ =	swait.ge [sflag:s15], $0x800  }
0x49: {  	[sflag:s15] =	ssyncset.done $0x0  }
0x4a: {  	s24 =	rddreg [dreg:$0xb];
	[sflag:s15] =	ssyncadd.s32 $0xFFFFF800  }
0x4b: {  	[spmem:s24] =	stream.linear.scatter [tilespmem:s2], [sflag:$0xD], $0x800, $0x38;
	[tilespmem:$0x1BE00] =	vst v63  }
0x4c: {  	_ =	swait.ge [sflag:s15], $0x800  }
0x4d: {  	[sflag:s15] =	ssyncset.done $0x0  }
0x4e: {  	s12 =	rddreg [dreg:$0xc];
	[sflag:s15] =	ssyncadd.s32 $0xFFFFF800  }
0x4f: {  	[spmem:s12] =	stream.linear.scatter [tilespmem:s2], [sflag:$0xD], $0x800, $0x38;
	[tilespmem:$0x1BE00] =	vst v63  }
0x50: {  	_ =	swait.ge [sflag:s15], $0x800  }
0x51: {  	[sflag:s15] =	ssyncset.done $0x0  }
0x52: {  	s14 =	rddreg [dreg:$0xd];
	[sflag:s15] =	ssyncadd.s32 $0xFFFFF800  }
0x53: {  	[spmem:s14] =	stream.linear.scatter [tilespmem:s2], [sflag:$0xD], $0x800, $0x38;
	[tilespmem:$0x1BE00] =	vst v63  }
0x54: {  	_ =	swait.ge [sflag:s15], $0x800  }
0x55: {  	[sflag:s15] =	ssyncset.done $0x0  }
0x56: {  	s19 =	rddreg [dreg:$0xe];
	[sflag:s15] =	ssyncadd.s32 $0xFFFFF800  }
0x57: {  	[spmem:s19] =	stream.linear.scatter [tilespmem:s2], [sflag:$0xD], $0x800, $0x38;
	[tilespmem:$0x1BE00] =	vst v63  }
0x58: {  	_ =	swait.ge [sflag:s15], $0x800  }
0x59: {  	[sflag:s15] =	ssyncset.done $0x0  }
0x5a: {  	[sflag:s15] =	ssyncadd.s32 $0xFFFFF800  }
0x5b: {  	_ =	swait.ge [sflag:s30], $0x280  }
0x5c: {  	[sflag:s30] =	ssyncset.done $0x0  }
0x5d: {  	[sflag:s30] =	ssyncadd.s32 $0xFFFFFD80  }
0x5e: {  	_ =	swait.ge [sflag:s30], $0x280  }
0x5f: {  	s20 =	simm.s32 $0x0;
	[sflag:s30] =	ssyncset.done $0x0  }
0x60: {  	s5 =	sand.u32 $0x3F0, s20;
	[sflag:s30] =	ssyncadd.s32 $0xFFFFFD80  }
0x61: {  	s23 =	simm.s32 $0xA030;
	v7 =	vld [tilespmem:s5+$0xA2B0]  }
0x62: {  	v8 =	vld [tilespmem:s23+$0x0];
	_ =	sdelay $0x4  }
0x63: {  	v7 =	vadd.f32 v7, v8;
	_ =	sdelay $0x1  }
0x64: {  	v7 =	vadd.f32 $1.000000000e+00, v7;
	_ =	sdelay $0x1  }
0x65: {  	v8 =	vshra.s32 v7, $0x1;
	v7 =	vmul.f32 $-5.000000000e-01, v7  }
0x66: {  	v8 =	vsub.s32 $0x5F3759DF, v8  }
0x67: {  	v9 =	vmul.f32 v8, v7;
	_ =	sdelay $0x1  }
0x68: {  	v9 =	vmul.f32 v8, v9;
	_ =	sdelay $0x1  }
0x69: {  	v9 =	vadd.f32 $1.500000000e+00, v9;
	_ =	sdelay $0x1  }
0x6a: {  	v8 =	vmul.f32 v8, v9;
	_ =	sdelay $0x1  }
0x6b: {  	v9 =	vmul.f32 v8, v7;
	_ =	sdelay $0x1  }
0x6c: {  	v9 =	vmul.f32 v9, v8;
	_ =	sdelay $0x1  }
0x6d: {  	v9 =	vadd.f32 $1.500000000e+00, v9;
	_ =	sdelay $0x1  }
0x6e: {  	v8 =	vmul.f32 v9, v8;
	_ =	sdelay $0x1  }
0x6f: {  	v7 =	vmul.f32 v8, v7;
	_ =	sdelay $0x1  }
0x70: {  	v7 =	vmul.f32 v7, v8;
	_ =	sdelay $0x1  }
0x71: {  	v7 =	vadd.f32 $1.500000000e+00, v7;
	_ =	sdelay $0x1  }
0x72: {  	v7 =	vmul.f32 v7, v8  }
0x73: {  	s24 =	simm.s32 $0x10;
	s5 =	simm.s32 $0xF530  }
0x74: {  	s12 =	sand.u32 $0x3F0, s24;
	[tilespmem:s5+$0x0] =	vst v7  }
0x75: {  	s14 =	simm.s32 $0xA040;
	s19 =	simm.s32 $0x20;
	v7 =	vld [tilespmem:s12+$0xA2B0]  }
.LBB2_6:
0x76: {  	p2 =	sne.s32 s19, $0x270;
	v8 =	vld [tilespmem:s14+$0x0];
	_ =	sdelay $0x4  }
0x77: {  	v7 =	vadd.f32 v7, v8;
	_ =	sdelay $0x1  }
0x78: {  	v7 =	vadd.f32 $1.000000000e+00, v7;
	_ =	sdelay $0x1  }
0x79: {  	v8 =	vshra.s32 v7, $0x1;
	v7 =	vmul.f32 $-5.000000000e-01, v7  }
0x7a: {  	v8 =	vsub.s32 $0x5F3759DF, v8  }
0x7b: {  	v9 =	vmul.f32 v8, v7;
	_ =	sdelay $0x1  }
0x7c: {  	v9 =	vmul.f32 v8, v9;
	_ =	sdelay $0x1  }
0x7d: {  	v9 =	vadd.f32 $1.500000000e+00, v9;
	_ =	sdelay $0x1  }
0x7e: {  	v8 =	vmul.f32 v8, v9;
	_ =	sdelay $0x1  }
0x7f: {  	v9 =	vmul.f32 v8, v7;
	_ =	sdelay $0x1  }
0x80: {  	v9 =	vmul.f32 v9, v8;
	_ =	sdelay $0x1  }
0x81: {  	v9 =	vadd.f32 $1.500000000e+00, v9;
	_ =	sdelay $0x1  }
0x82: {  	v8 =	vmul.f32 v9, v8;
	_ =	sdelay $0x1  }
0x83: {  	v7 =	vmul.f32 v8, v7;
	_ =	sdelay $0x1  }
0x84: {  	v7 =	vmul.f32 v7, v8;
	_ =	sdelay $0x1  }
0x85: {  	v7 =	vadd.f32 $1.500000000e+00, v7  }
.Ltmp2:
0x86: {  	(pc) =	sbr.rel @p2 .LBB2_6-.Ltmp2, $4  }
0x87: {  	v7 =	vmul.f32 v7, v8  }
0x88: {  	s5 =	sadd.s32 $0x10, s5  }
0x89: {  	s12 =	sand.u32 $0x3F0, s19;
	[tilespmem:s5+$0x0] =	vst v7  }
0x8a: {  	s19 =	sadd.s32 $0x10, s19;
	s14 =	sadd.s32 $0x10, s14;
	v7 =	vld [tilespmem:s12+$0xA2B0]  }
0x8b: {  	v8 =	vld [tilespmem:s14+$0x0];
	_ =	sdelay $0x4  }
0x8c: {  	v7 =	vadd.f32 v7, v8;
	_ =	sdelay $0x1  }
0x8d: {  	v7 =	vadd.f32 $1.000000000e+00, v7;
	_ =	sdelay $0x1  }
0x8e: {  	v8 =	vshra.s32 v7, $0x1;
	v7 =	vmul.f32 $-5.000000000e-01, v7  }
0x8f: {  	v8 =	vsub.s32 $0x5F3759DF, v8  }
0x90: {  	v9 =	vmul.f32 v8, v7;
	_ =	sdelay $0x1  }
0x91: {  	v9 =	vmul.f32 v8, v9;
	_ =	sdelay $0x1  }
0x92: {  	v9 =	vadd.f32 $1.500000000e+00, v9;
	_ =	sdelay $0x1  }
0x93: {  	v8 =	vmul.f32 v8, v9;
	_ =	sdelay $0x1  }
0x94: {  	v9 =	vmul.f32 v8, v7;
	_ =	sdelay $0x1  }
0x95: {  	v9 =	vmul.f32 v9, v8;
	_ =	sdelay $0x1  }
0x96: {  	v9 =	vadd.f32 $1.500000000e+00, v9;
	_ =	sdelay $0x1  }
0x97: {  	v8 =	vmul.f32 v9, v8;
	_ =	sdelay $0x1  }
0x98: {  	v7 =	vmul.f32 v8, v7;
	_ =	sdelay $0x1  }
0x99: {  	v7 =	vmul.f32 v7, v8;
	_ =	sdelay $0x1  }
0x9a: {  	v7 =	vadd.f32 $1.500000000e+00, v7;
	_ =	sdelay $0x1  }
0x9b: {  	v7 =	vmul.f32 v7, v8  }
0x9c: {  	s5 =	sadd.s32 $0x10, s5  }
0x9d: {  	s20 =	rddreg [dreg:$0xf];
	s12 =	simm.s32 $0xF530;
	[tilespmem:s5+$0x0] =	vst v7  }
0x9e: {  	[spmem:s20] =	stream.linear.scatter [tilespmem:s12], [sflag:$0xD], $0x280, $0x38;
	[tilespmem:$0x1BE00] =	vst v63  }
0x9f: {  	_ =	swait.ge [sflag:s15], $0x280  }
0xa0: {  	[sflag:s15] =	ssyncset.done $0x0  }
0xa1: {  	[sflag:s15] =	ssyncadd.s32 $0xFFFFFD80  }
0xa2: {  	[bflag:$0x0] =	sbarrier.arrive $0xFFFF  }
0xa3: {  	s24 =	simm.s32 $0x0;
	s23 =	rddreg [dreg:$0x2]  }
0xa4: {  	[tilespmem:s0], [sflag:$0xD] =	stream.linear.gather [spmem:s23], $0x2800, $0x38;
	[tilespmem:$0x1BE00] =	vst v63  }
0xa5: {  	s19 =	simm.s32 $0xA530;
	s20 =	sadd.s32 $0x0, s6;
	s23 =	sand.u32 $0x70, s24  }
0xa6: {  	p2 =	seq.s32 s20, $0x0;
	_ =	swait.ge [sflag:s15], $0x2800;
	p3 =	sne.s32 s23, $0x0  }
0xa7: {  	s5 =	simm.s32 $0x1;
	[sflag:s15] =	ssyncset.done $0x0;
	p2 =	por !p2, !p3  }
0xa8: {  	s14 =	rddreg [dreg:$0x10];
	[sflag:s15] =	ssyncadd.s32 $0xFFFFD800;
	p2 =	por !p2, !p2  }
0xa9: {  	[tilespmem:s19], [sflag:$0xD] =	stream.linear.gather [hbm4b:s14+s24], $0x2800, $0x38;
	[tilespmem:$0x1BE00] =	vst v63  }
0xaa: {  	s12 =	sshrl.u32 s20, $0x7;
	s5 =	simm.s32 @!p2 $0x0  }
0xab: {  	s5 =	ssub.s32 s12, s5  }
0xac: {  	_ =	swait.ge [sflag:s15], $0x2800;
	s12 =	sshll.u32 s5, $0x9  }
0xad: {  	[sflag:s15] =	ssyncset.done $0x0;
	s12 =	sshra.s32 s12, $0x2  }
0xae: {  	[sflag:s15] =	ssyncadd.s32 $0xFFFFD800;
	s12 =	sor.u32 s23, s12  }
0xaf: {  	s5 =	simm.s32 $0xA5B0;
	v7 =	vld [tilespmem:s12+$0x5030]  }
0xb0: {  	v8 =	vld [tilespmem:s5+$0xFFFFFFB0]  }
0xb1: {  	v10 =	vld [tilespmem:s5+$0xFFFFFF80]  }
0xb2: {  	v9 =	vld [tilespmem:s5+$0xFFFFFF90]  }
0xb3: {  	v11 =	vld [tilespmem:s5+$0xFFFFFFA0]  }
0xb4: {  	v12 =	vld [tilespmem:s5+$0xFFFFFFF0];
	v13 =	vbroadcast v7, $0x0  }
0xb5: {  	v15 =	vld [tilespmem:s5+$0xFFFFFFD0];
	v14 =	vbroadcast v7, $0x1  }
0xb6: {  	v18 =	vld [tilespmem:s5+$0xFFFFFFC0];
	v16 =	vbroadcast v7, $0x2;
	v10 =	vmul.f32 v13, v10  }
0xb7: {  	v20 =	vld [tilespmem:s5+$0x0];
	v17 =	vbroadcast v7, $0x3;
	v9 =	vmul.f32 v9, v14  }
0xb8: {  	v13 =	vld [tilespmem:s5+$0xFFFFFFE0];
	v11 =	vmul.f32 v11, v16;
	v14 =	vbroadcast v7, $0x5;
	[tilespmem:s5+$0xFFFFFF80] =	vst v10  }
0xb9: {  	v8 =	vmul.f32 v8, v17;
	v16 =	vld [tilespmem:s5+$0x30];
	v10 =	vbroadcast v7, $0x4;
	[tilespmem:s5+$0xFFFFFF90] =	vst v9  }
0xba: {  	v19 =	vbroadcast v7, $0x7;
	v17 =	vld [tilespmem:s5+$0x10];
	[tilespmem:s5+$0xFFFFFFA0] =	vst v11;
	v11 =	vmul.f32 v15, v14  }
0xbb: {  	v62 =	vbroadcast v7, $0x9;
	v14 =	vld [tilespmem:s5+$0x20];
	[tilespmem:s5+$0xFFFFFFB0] =	vst v8;
	v10 =	vmul.f32 v18, v10  }
0xbc: {  	v21 =	vbroadcast v7, $0xB;
	v9 =	vbroadcast v7, $0x6;
	v8 =	vld [tilespmem:s5+$0x70];
	[tilespmem:s5+$0xFFFFFFD0] =	vst v11  }
0xbd: {  	v12 =	vmul.f32 v12, v19;
	v11 =	vld [tilespmem:s5+$0x40];
	[tilespmem:s5+$0xFFFFFFC0] =	vst v10;
	v10 =	vbroadcast v7, $0x8  }
0xbe: {  	v63 =	vbroadcast v7, $0xA;
	v13 =	vmul.f32 v13, v9;
	v9 =	vld [tilespmem:s5+$0x50]  }
0xbf: {  	s24 =	simm.s32 $0x10;
	s19 =	simm.s32 $0x20;
	[tilespmem:s5+$0xFFFFFFF0] =	vst v12;
	v12 =	vmul.f32 v16, v21;
	v15 =	vmul.f32 v20, v10;
	v10 =	vld [tilespmem:s5+$0x60]  }
0xc0: {  	s14 =	simm.s32 $0xA5B0;
	s20 =	sand.u32 $0x70, s24;
	s23 =	sadd.s32 $0x10, s6;
	[tilespmem:s5+$0xFFFFFFE0] =	vst v13;
	v13 =	vmul.f32 v17, v62;
	v14 =	vmul.f32 v14, v63  }
.LBB2_8:
0xc1: {  	p2 =	sne.s32 s19, $0x270;
	p3 =	seq.s32 s23, $0x0;
	p4 =	sne.s32 s20, $0x0;
	[tilespmem:s5+$0x0] =	vst v15;
	v15 =	vbroadcast v7, $0xC;
	v16 =	vbroadcast v7, $0xD  }
0xc2: {  	p3 =	por !p3, !p4;
	[tilespmem:s5+$0x10] =	vst v13;
	v13 =	vbroadcast v7, $0xE;
	v7 =	vbroadcast v7, $0xF  }
0xc3: {  	s12 =	sshrl.u32 s23, $0x7;
	s23 =	simm.s32 $0x1;
	p3 =	por !p3, !p3;
	[tilespmem:s5+$0x20] =	vst v14;
	v11 =	vmul.f32 v11, v15;
	v9 =	vmul.f32 v9, v16  }
0xc4: {  	s23 =	simm.s32 @!p3 $0x0;
	[tilespmem:s5+$0x30] =	vst v12;
	v10 =	vmul.f32 v10, v13;
	v7 =	vmul.f32 v8, v7  }
0xc5: {  	s12 =	ssub.s32 s12, s23;
	[tilespmem:s5+$0x40] =	vst v11  }
0xc6: {  	s12 =	sshll.u32 s12, $0x9;
	[tilespmem:s5+$0x50] =	vst v9  }
0xc7: {  	s5 =	sadd.s32 $0x100, s5;
	s12 =	sshra.s32 s12, $0x2;
	[tilespmem:s14+$0x60] =	vst v10  }
0xc8: {  	s12 =	sor.u32 s20, s12;
	v8 =	vld [tilespmem:s5+$0xFFFFFFB0];
	[tilespmem:s14+$0x70] =	vst v7;
	s14 =	smov.u32 s5  }
0xc9: {  	v7 =	vld [tilespmem:s12+$0x5030]  }
0xca: {  	v9 =	vld [tilespmem:s5+$0xFFFFFF90]  }
0xcb: {  	v10 =	vld [tilespmem:s5+$0xFFFFFF80]  }
0xcc: {  	v11 =	vld [tilespmem:s5+$0xFFFFFFA0]  }
0xcd: {  	v12 =	vld [tilespmem:s5+$0xFFFFFFF0]  }
0xce: {  	v13 =	vbroadcast v7, $0x0;
	v14 =	vbroadcast v7, $0x1;
	v15 =	vld [tilespmem:s5+$0xFFFFFFD0]  }
0xcf: {  	v16 =	vbroadcast v7, $0x2;
	v17 =	vbroadcast v7, $0x3;
	v18 =	vld [tilespmem:s5+$0xFFFFFFC0]  }
0xd0: {  	v10 =	vmul.f32 v13, v10;
	v9 =	vmul.f32 v9, v14;
	v13 =	vld [tilespmem:s5+$0xFFFFFFE0]  }
0xd1: {  	v8 =	vmul.f32 v8, v17;
	v11 =	vmul.f32 v11, v16;
	v16 =	vld [tilespmem:s5+$0x30]  }
0xd2: {  	v14 =	vbroadcast v7, $0x5;
	[tilespmem:s5+$0xFFFFFF80] =	vst v10;
	v10 =	vbroadcast v7, $0x4;
	v17 =	vld [tilespmem:s5+$0x10]  }
0xd3: {  	v19 =	vbroadcast v7, $0x7;
	[tilespmem:s5+$0xFFFFFF90] =	vst v9;
	v9 =	vbroadcast v7, $0x6;
	v20 =	vld [tilespmem:s5+$0x0]  }
0xd4: {  	[tilespmem:s5+$0xFFFFFFA0] =	vst v11;
	v10 =	vmul.f32 v18, v10;
	v11 =	vmul.f32 v15, v14;
	v14 =	vld [tilespmem:s5+$0x20]  }
.Ltmp3:
0xd5: {  	v12 =	vmul.f32 v12, v19;
	[tilespmem:s5+$0xFFFFFFB0] =	vst v8;
	v13 =	vmul.f32 v13, v9;
	v8 =	vld [tilespmem:s5+$0x70];
	(pc) =	sbr.rel @p2 .LBB2_8-.Ltmp3, $4  }
0xd6: {  	v18 =	vbroadcast v7, $0x9;
	[tilespmem:s5+$0xFFFFFFC0] =	vst v10;
	v10 =	vbroadcast v7, $0x8;
	v9 =	vld [tilespmem:s5+$0x50]  }
0xd7: {  	v21 =	vbroadcast v7, $0xB;
	v19 =	vbroadcast v7, $0xA;
	[tilespmem:s5+$0xFFFFFFD0] =	vst v11;
	v11 =	vld [tilespmem:s5+$0x40]  }
0xd8: {  	[tilespmem:s5+$0xFFFFFFE0] =	vst v13;
	v15 =	vmul.f32 v20, v10;
	v13 =	vmul.f32 v17, v18;
	v10 =	vld [tilespmem:s5+$0x60]  }
0xd9: {  	s23 =	sadd.s32 s19, s6;
	s20 =	sand.u32 $0x70, s19;
	s19 =	sadd.s32 $0x10, s19;
	[tilespmem:s5+$0xFFFFFFF0] =	vst v12;
	v14 =	vmul.f32 v14, v19;
	v12 =	vmul.f32 v16, v21  }
0xda: {  	p2 =	seq.s32 s23, $0x0;
	p3 =	sne.s32 s20, $0x0;
	[tilespmem:s5+$0x0] =	vst v15;
	v35 =	vbroadcast v7, $0xC  }
0xdb: {  	v16 =	vbroadcast v7, $0xD;
	[tilespmem:s5+$0x10] =	vst v13;
	p2 =	por !p2, !p3  }
0xdc: {  	v36 =	vbroadcast v7, $0xE;
	s12 =	simm.s32 $0x1;
	[tilespmem:s5+$0x20] =	vst v14;
	p2 =	por !p2, !p2;
	v11 =	vmul.f32 v11, v35  }
0xdd: {  	v7 =	vbroadcast v7, $0xF;
	s19 =	sshrl.u32 s23, $0x7;
	[tilespmem:s5+$0x30] =	vst v12;
	v9 =	vmul.f32 v9, v16;
	s12 =	simm.s32 @!p2 $0x0  }
0xde: {  	v10 =	vmul.f32 v10, v36;
	s12 =	ssub.s32 s19, s12;
	[tilespmem:s5+$0x40] =	vst v11  }
0xdf: {  	v7 =	vmul.f32 v8, v7;
	[tilespmem:s5+$0x50] =	vst v9;
	s12 =	sshll.u32 s12, $0x9  }
0xe0: {  	[tilespmem:s14+$0x60] =	vst v10;
	s12 =	sshra.s32 s12, $0x2  }
0xe1: {  	[tilespmem:s14+$0x70] =	vst v7;
	s12 =	sor.u32 s20, s12  }
0xe2: {  	v7 =	vld [tilespmem:s12+$0x5030]  }
0xe3: {  	s14 =	sadd.s32 $0x100, s5  }
0xe4: {  	v8 =	vld [tilespmem:s14+$0xFFFFFF80]  }
0xe5: {  	v37 =	vld [tilespmem:s14+$0xFFFFFF90]  }
0xe6: {  	v38 =	vld [tilespmem:s14+$0xFFFFFFA0]  }
0xe7: {  	v39 =	vld [tilespmem:s14+$0xFFFFFFB0];
	v40 =	vbroadcast v7, $0x0  }
0xe8: {  	v43 =	vld [tilespmem:s14+$0xFFFFFFD0];
	v41 =	vbroadcast v7, $0x1  }
0xe9: {  	v46 =	vld [tilespmem:s14+$0xFFFFFFE0];
	v44 =	vbroadcast v7, $0x2;
	v8 =	vmul.f32 v40, v8  }
0xea: {  	v42 =	vld [tilespmem:s14+$0xFFFFFFC0];
	v45 =	vbroadcast v7, $0x3;
	v9 =	vmul.f32 v37, v41  }
0xeb: {  	v49 =	vld [tilespmem:s14+$0x10];
	v47 =	vbroadcast v7, $0x5;
	v10 =	vmul.f32 v38, v44;
	[tilespmem:s14+$0xFFFFFF80] =	vst v8  }
0xec: {  	v51 =	vld [tilespmem:s14+$0x20];
	v18 =	vbroadcast v7, $0x6;
	v11 =	vmul.f32 v39, v45;
	[tilespmem:s14+$0xFFFFFF90] =	vst v9  }
0xed: {  	v59 =	vld [tilespmem:s14+$0x60];
	v12 =	vmul.f32 v43, v47;
	v8 =	vbroadcast v7, $0x4;
	[tilespmem:s14+$0xFFFFFFA0] =	vst v10  }
0xee: {  	v48 =	vld [tilespmem:s14+$0x0];
	v53 =	vbroadcast v7, $0x9;
	v13 =	vmul.f32 v46, v18;
	[tilespmem:s14+$0xFFFFFFB0] =	vst v11  }
0xef: {  	v17 =	vld [tilespmem:s14+$0xFFFFFFF0];
	v56 =	vbroadcast v7, $0xA;
	[tilespmem:s14+$0xFFFFFFD0] =	vst v12;
	v8 =	vmul.f32 v42, v8  }
0xf0: {  	v52 =	vld [tilespmem:s14+$0x30];
	v62 =	vbroadcast v7, $0xE;
	v58 =	vmul.f32 v49, v53;
	[tilespmem:s14+$0xFFFFFFE0] =	vst v13  }
0xf1: {  	v55 =	vld [tilespmem:s14+$0x50];
	v14 =	vmul.f32 v51, v56;
	[tilespmem:s14+$0xFFFFFFC0] =	vst v8;
	v8 =	vbroadcast v7, $0x8  }
0xf2: {  	v54 =	vld [tilespmem:s14+$0x40];
	v50 =	vbroadcast v7, $0x7;
	v63 =	vmul.f32 v59, v62;
	[tilespmem:s14+$0x10] =	vst v58  }
0xf3: {  	v60 =	vld [tilespmem:s14+$0x70];
	v57 =	vbroadcast v7, $0xB;
	[tilespmem:s14+$0x20] =	vst v14;
	v8 =	vmul.f32 v48, v8  }
0xf4: {  	v61 =	vbroadcast v7, $0xD;
	v10 =	vmul.f32 v17, v50;
	[tilespmem:s14+$0x60] =	vst v63  }
0xf5: {  	v9 =	vmul.f32 v52, v57;
	[tilespmem:s14+$0x0] =	vst v8;
	v8 =	vbroadcast v7, $0xC  }
0xf6: {  	v11 =	vmul.f32 v55, v61;
	[tilespmem:s14+$0xFFFFFFF0] =	vst v10;
	v7 =	vbroadcast v7, $0xF  }
0xf7: {  	[tilespmem:s14+$0x30] =	vst v9;
	v8 =	vmul.f32 v54, v8  }
0xf8: {  	[tilespmem:s14+$0x50] =	vst v11;
	v7 =	vmul.f32 v60, v7  }
0xf9: {  	[tilespmem:s14+$0x40] =	vst v8  }
0xfa: {  	s19 =	rddreg [dreg:$0x11];
	s20 =	simm.s32 $0xA530;
	[tilespmem:s14+$0x70] =	vst v7  }
0xfb: {  	[spmem:s19] =	stream.linear.scatter [tilespmem:s20], [sflag:$0xD], $0x2800, $0x38;
	[tilespmem:$0x1BE00] =	vst v63  }
0xfc: {  	_ =	swait.ge [sflag:s15], $0x2800  }
0xfd: {  	[sflag:s15] =	ssyncset.done $0x0  }
0xfe: {  	[sflag:s15] =	ssyncadd.s32 $0xFFFFD800  }
0xff: {  	[bflag:$0x0] =	sbarrier.arrive $0xFFFF  }
0x100: {  	s5 =	simm.s32 $0x0;
	s23 =	rddreg [dreg:$0x7]  }
0x101: {  	[tilespmem:s16], [sflag:$0x9] =	stream.linear.gather [hbm4b:s23+s5], $0x80, $0x38;
	[tilespmem:$0x1BE00] =	vst v63  }
0x102: {  	_ = 	snop  }
0x103: {  	[tilespmem:s2], [sflag:$0x1] =	stream.indirect.gather [spmem:s3], $0x10, s5, s13, $0xb8;
	[tilespmem:$0x1BE00] =	vst v63  }
0x104: {  	s24 =	rddreg [dreg:$0x15]  }
0x105: {  	[tilespmem:s29], [sflag:$0xA] =	stream.linear.gather [hbm4b:s24+s5], $0x80, $0x38;
	[tilespmem:$0x1BE00] =	vst v63  }
0x106: {  	_ = 	snop  }
0x107: {  	[tilespmem:s31], [sflag:$0x2] =	stream.indirect.gather [spmem:s3], $0x10, s13, s13, $0xb8;
	[tilespmem:$0x1BE00] =	vst v63  }
.LBB2_10:
0x108: {  	_ =	swait.ge [sflag:s30], $0x800  }
0x109: {  	[sflag:s30] =	ssyncset.done $0x0  }
0x10a: {  	[sflag:s30] =	ssyncadd.s32 $0xFFFFF800  }
0x10b: {  	s14 =	sshll.u32 s5, $0x9;
	p2 =	por $0x1, $0x1;
	_ =	swait.ge [sflag:s17], $0x80  }
0x10c: {  	s12 =	simm.s32 $0x0;
	s19 =	sor.u32 $0x10, s14;
	[sflag:s17] =	ssyncset.done $0x0  }
0x10d: {  	s20 =	sor.u32 $0x20, s14;
	s23 =	sor.u32 $0x30, s14;
	[sflag:s17] =	ssyncadd.s32 $0xFFFFFF80  }
.LBB2_11:
0x10e: {  	s24 =	sor.u32 s14, s12  }
0x10f: {  	s31 =	sor.u32 s19, s12;
	v7 =	vld [tilespmem:s24+$0x2710]  }
0x110: {  	s15 =	sor.u32 s20, s12;
	v8 =	vld [tilespmem:s31+$0x2710]  }
0x111: {  	s29 =	sor.u32 s23, s12;
	v9 =	vld [tilespmem:s15+$0x2710]  }
0x112: {  	v10 =	vld [tilespmem:s29+$0x2710]  }
0x113: {  	v11 =	vld [tilespmem:s24+$0x0]  }
0x114: {  	v12 =	vld [tilespmem:s31+$0x0]  }
0x115: {  	v13 =	vld [tilespmem:s15+$0x0]  }
0x116: {  	v14 =	vld [tilespmem:s29+$0x0]  }
0x117: {  	v7 =	vld.idx.msk [tilespmem:v7+s0+$0x0], $0xffff  }
0x118: {  	v8 =	vld.idx.msk [tilespmem:v8+s0+$0x0], $0xffff  }
0x119: {  	v9 =	vld.idx.msk [tilespmem:v9+s0+$0x0], $0xffff  }
0x11a: {  	p3 =	por p2, p2;
	v10 =	vld.idx.msk [tilespmem:v10+s0+$0x0], $0xffff  }
.Ltmp4:
0x11b: {  	_ = 	snop;
	(pc) =	sbr.rel @p3 .LBB2_11-.Ltmp4, $4  }
0x11c: {  	[tilespmem:v11+s18+$0x0] =	vst.idx.add.f32.msk $0xffff, v7  }
0x11d: {  	[tilespmem:v12+s18+$0x0] =	vst.idx.add.f32.msk $0xffff, v8  }
0x11e: {  	[tilespmem:v13+s18+$0x0] =	vst.idx.add.f32.msk $0xffff, v9  }
0x11f: {  	s12 =	simm.s32 $0x40;
	p2 =	por $0x0, $0x0;
	[tilespmem:v14+s18+$0x0] =	vst.idx.add.f32.msk $0xffff, v10  }
0x120: {  	[spmem:s1] =	stream.indirect.scatter.add.f32 [tilespmem:s2], [sflag:$0x5], $0x10, s16, s13, $0xb8;
	[tilespmem:$0x1BE00] =	vst v63  }
0x121: {  	p2 =	seq.s32 s5, $0x0  }
0x122: {  	s19 =	sor.u32 $0x100, s14;
	s12 =	simm.s32 @!p2 $0x7  }
0x123: {  	s15 =	sadd.s32 s19, s8;
	_ =	swait.ge @!p2 [sflag:s12], $0x800  }
0x124: {  	s24 =	simm.s32 $0x4F20;
	s15 =	sshrl.u32 s15, $0x3;
	[sflag:s12] =	ssyncset.done @!p2 $0x0  }
0x125: {  	s15 =	sadd.s32 s7, s15;
	[sflag:s12] =	ssyncadd.s32 @!p2 $0xFFFFF800;
	s12 =	simm.s32 $0x0  }
0x126: {  	[tilespmem:s24], [sflag:$0xB] =	stream.linear.gather [hbm4b:s15+s12], $0x80, $0x38;
	[tilespmem:$0x1BE00] =	vst v63  }
0x127: {  	s29 =	simm.s32 $0x107B0  }
0x128: {  	[tilespmem:s29], [sflag:$0x3] =	stream.indirect.gather [spmem:s3], $0x10, s19, s13, $0xb8;
	[tilespmem:$0x1BE00] =	vst v63  }
0x129: {  	_ =	swait.ge [sflag:s21], $0x800  }
0x12a: {  	[sflag:s21] =	ssyncset.done $0x0  }
0x12b: {  	[sflag:s21] =	ssyncadd.s32 $0xFFFFF800  }
0x12c: {  	s20 =	sor.u32 $0x80, s14;
	_ =	swait.ge [sflag:s22], $0x80  }
0x12d: {  	s23 =	sor.u32 $0x90, s14;
	s31 =	sor.u32 $0xA0, s14;
	[sflag:s22] =	ssyncset.done $0x0  }
0x12e: {  	p3 =	por $0x1, $0x1;
	s24 =	sor.u32 $0xB0, s14;
	[sflag:s22] =	ssyncadd.s32 $0xFFFFFF80  }
.LBB2_13:
0x12f: {  	s15 =	sor.u32 s20, s12  }
0x130: {  	s16 =	sor.u32 s23, s12;
	v7 =	vld [tilespmem:s15+$0x2710]  }
0x131: {  	s29 =	sor.u32 s31, s12;
	v8 =	vld [tilespmem:s16+$0x2710]  }
0x132: {  	s12 =	sor.u32 s24, s12;
	v9 =	vld [tilespmem:s29+$0x2710]  }
0x133: {  	v10 =	vld [tilespmem:s12+$0x2710]  }
0x134: {  	v11 =	vld [tilespmem:s15+$0x0]  }
0x135: {  	v12 =	vld [tilespmem:s16+$0x0]  }
0x136: {  	v13 =	vld [tilespmem:s29+$0x0]  }
0x137: {  	v14 =	vld [tilespmem:s12+$0x0]  }
0x138: {  	v7 =	vld.idx.msk [tilespmem:v7+s0+$0x0], $0xffff  }
0x139: {  	v8 =	vld.idx.msk [tilespmem:v8+s0+$0x0], $0xffff  }
0x13a: {  	v9 =	vld.idx.msk [tilespmem:v9+s0+$0x0], $0xffff  }
0x13b: {  	p4 =	por p3, p3;
	v10 =	vld.idx.msk [tilespmem:v10+s0+$0x0], $0xffff  }
.Ltmp5:
0x13c: {  	_ = 	snop;
	(pc) =	sbr.rel @p4 .LBB2_13-.Ltmp5, $4  }
0x13d: {  	[tilespmem:v11+s18+$0x0] =	vst.idx.add.f32.msk $0xffff, v7  }
0x13e: {  	[tilespmem:v12+s18+$0x0] =	vst.idx.add.f32.msk $0xffff, v8  }
0x13f: {  	[tilespmem:v13+s18+$0x0] =	vst.idx.add.f32.msk $0xffff, v9  }
0x140: {  	p3 =	por $0x0, $0x0;
	s12 =	simm.s32 $0x40;
	[tilespmem:v14+s18+$0x0] =	vst.idx.add.f32.msk $0xffff, v10  }
0x141: {  	s29 =	simm.s32 $0x4EA0  }
0x142: {  	s23 =	simm.s32 $0xFFB0;
	s12 =	simm.s32 @!p2 $0x8;
	s20 =	sor.u32 $0x180, s14  }
0x143: {  	[spmem:s1] =	stream.indirect.scatter.add.f32 [tilespmem:s23], [sflag:$0x6], $0x10, s29, s13, $0xb8;
	[tilespmem:$0x1BE00] =	vst v63  }
0x144: {  	s15 =	sadd.s32 s20, s8;
	_ =	swait.ge @!p2 [sflag:s12], $0x800  }
0x145: {  	s16 =	simm.s32 $0x4FA0;
	s15 =	sshrl.u32 s15, $0x3;
	[sflag:s12] =	ssyncset.done @!p2 $0x0  }
0x146: {  	s15 =	sadd.s32 s7, s15;
	[sflag:s12] =	ssyncadd.s32 @!p2 $0xFFFFF800;
	s12 =	simm.s32 $0x0  }
0x147: {  	[tilespmem:s16], [sflag:$0xC] =	stream.linear.gather [hbm4b:s15+s12], $0x80, $0x38;
	[tilespmem:$0x1BE00] =	vst v63  }
0x148: {  	s31 =	simm.s32 $0x10FB0  }
0x149: {  	[tilespmem:s31], [sflag:$0x4] =	stream.indirect.gather [spmem:s3], $0x10, s20, s13, $0xb8;
	[tilespmem:$0x1BE00] =	vst v63  }
0x14a: {  	_ =	swait.ge [sflag:s25], $0x800  }
0x14b: {  	[sflag:s25] =	ssyncset.done $0x0  }
0x14c: {  	[sflag:s25] =	ssyncadd.s32 $0xFFFFF800  }
0x14d: {  	_ =	swait.ge [sflag:s26], $0x80  }
0x14e: {  	[sflag:s26] =	ssyncset.done $0x0  }
0x14f: {  	s24 =	simm.s32 $0x0;
	p2 =	por $0x1, $0x1;
	[sflag:s26] =	ssyncadd.s32 $0xFFFFFF80  }
.LBB2_15:
0x150: {  	s15 =	sor.u32 s19, s12  }
0x151: {  	s12 =	sor.u32 s12, s14;
	v7 =	vld [tilespmem:s15+$0x2710]  }
0x152: {  	v8 =	vld [tilespmem:s12+$0x2820]  }
0x153: {  	v9 =	vld [tilespmem:s12+$0x2830]  }
0x154: {  	v10 =	vld [tilespmem:s12+$0x2840]  }
0x155: {  	v11 =	vld [tilespmem:s15+$0x0];
	s16 =	sor.u32 $0x110, s12  }
0x156: {  	s31 =	sor.u32 $0x120, s12;
	v12 =	vld [tilespmem:s16+$0x0]  }
0x157: {  	s12 =	sor.u32 $0x130, s12;
	v13 =	vld [tilespmem:s31+$0x0]  }
0x158: {  	v14 =	vld [tilespmem:s12+$0x0]  }
0x159: {  	v7 =	vld.idx.msk [tilespmem:v7+s0+$0x0], $0xffff  }
0x15a: {  	v8 =	vld.idx.msk [tilespmem:v8+s0+$0x0], $0xffff  }
0x15b: {  	v9 =	vld.idx.msk [tilespmem:v9+s0+$0x0], $0xffff  }
0x15c: {  	p3 =	por p2, p2;
	v10 =	vld.idx.msk [tilespmem:v10+s0+$0x0], $0xffff  }
.Ltmp6:
0x15d: {  	_ = 	snop;
	(pc) =	sbr.rel @p3 .LBB2_15-.Ltmp6, $4  }
0x15e: {  	[tilespmem:v11+s18+$0x0] =	vst.idx.add.f32.msk $0xffff, v7  }
0x15f: {  	[tilespmem:v12+s18+$0x0] =	vst.idx.add.f32.msk $0xffff, v8  }
0x160: {  	[tilespmem:v13+s18+$0x0] =	vst.idx.add.f32.msk $0xffff, v9  }
0x161: {  	p2 =	por $0x0, $0x0;
	s12 =	simm.s32 $0x40;
	[tilespmem:v14+s18+$0x0] =	vst.idx.add.f32.msk $0xffff, v10  }
0x162: {  	s12 =	simm.s32 $0x4F20;
	s15 =	simm.s32 $0x107B0  }
0x163: {  	[spmem:s1] =	stream.indirect.scatter.add.f32 [tilespmem:s15], [sflag:$0x7], $0x10, s12, s13, $0xb8;
	[tilespmem:$0x1BE00] =	vst v63  }
0x164: {  	s15 =	sadd.s32 $0x200, s14  }
0x165: {  	_ =	swait.ge [sflag:s4], $0x800;
	s31 =	sadd.s32 s15, s8  }
0x166: {  	s19 =	simm.s32 $0x4E20;
	[sflag:s4] =	ssyncset.done $0x0;
	s12 =	sshrl.u32 s31, $0x3  }
0x167: {  	[sflag:s4] =	ssyncadd.s32 $0xFFFFF800;
	s16 =	sadd.s32 s7, s12;
	s12 =	simm.s32 $0x0  }
0x168: {  	[tilespmem:s19], [sflag:$0x9] =	stream.linear.gather [hbm4b:s16+s12], $0x80, $0x38;
	[tilespmem:$0x1BE00] =	vst v63  }
0x169: {  	_ = 	snop  }
0x16a: {  	[tilespmem:s2], [sflag:$0x1] =	stream.indirect.gather [spmem:s3], $0x10, s15, s13, $0xb8;
	[tilespmem:$0x1BE00] =	vst v63  }
0x16b: {  	_ =	swait.ge [sflag:s28], $0x800  }
0x16c: {  	[sflag:s28] =	ssyncset.done $0x0  }
0x16d: {  	[sflag:s28] =	ssyncadd.s32 $0xFFFFF800  }
0x16e: {  	_ =	swait.ge [sflag:s10], $0x80  }
0x16f: {  	[sflag:s10] =	ssyncset.done $0x0  }
0x170: {  	p2 =	por $0x1, $0x1;
	s16 =	simm.s32 $0x4E20;
	[sflag:s10] =	ssyncadd.s32 $0xFFFFFF80  }
.LBB2_17:
0x171: {  	s15 =	sor.u32 s20, s12  }
0x172: {  	s12 =	sor.u32 s12, s14;
	v7 =	vld [tilespmem:s15+$0x2710]  }
0x173: {  	v8 =	vld [tilespmem:s12+$0x28A0]  }
0x174: {  	v9 =	vld [tilespmem:s12+$0x28B0]  }
0x175: {  	v10 =	vld [tilespmem:s12+$0x28C0]  }
0x176: {  	v11 =	vld [tilespmem:s15+$0x0];
	s19 =	sor.u32 $0x190, s12  }
0x177: {  	s31 =	sor.u32 $0x1A0, s12;
	v12 =	vld [tilespmem:s19+$0x0]  }
0x178: {  	s12 =	sor.u32 $0x1B0, s12;
	v13 =	vld [tilespmem:s31+$0x0]  }
0x179: {  	v14 =	vld [tilespmem:s12+$0x0]  }
0x17a: {  	v7 =	vld.idx.msk [tilespmem:v7+s0+$0x0], $0xffff  }
0x17b: {  	v8 =	vld.idx.msk [tilespmem:v8+s0+$0x0], $0xffff  }
0x17c: {  	v9 =	vld.idx.msk [tilespmem:v9+s0+$0x0], $0xffff  }
0x17d: {  	p3 =	por p2, p2;
	v10 =	vld.idx.msk [tilespmem:v10+s0+$0x0], $0xffff  }
.Ltmp7:
0x17e: {  	_ = 	snop;
	(pc) =	sbr.rel @p3 .LBB2_17-.Ltmp7, $4  }
0x17f: {  	[tilespmem:v11+s18+$0x0] =	vst.idx.add.f32.msk $0xffff, v7  }
0x180: {  	[tilespmem:v12+s18+$0x0] =	vst.idx.add.f32.msk $0xffff, v8  }
0x181: {  	[tilespmem:v13+s18+$0x0] =	vst.idx.add.f32.msk $0xffff, v9  }
0x182: {  	p2 =	por $0x0, $0x0;
	s12 =	simm.s32 $0x40;
	[tilespmem:v14+s18+$0x0] =	vst.idx.add.f32.msk $0xffff, v10  }
0x183: {  	s12 =	simm.s32 $0x4FA0  }
0x184: {  	s15 =	simm.s32 $0x10FB0;
	s31 =	sadd.s32 $0x280, s14;
	s5 =	sadd.s32 $0x1, s5  }
0x185: {  	[spmem:s1] =	stream.indirect.scatter.add.f32 [tilespmem:s15], [sflag:$0x8], $0x10, s12, s13, $0xb8;
	[tilespmem:$0x1BE00] =	vst v63  }
0x186: {  	s14 =	sadd.s32 s31, s8;
	p2 =	sne.s32 s5, $0x13;
	_ =	swait.ge [sflag:s11], $0x800  }
.Ltmp8:
0x187: {  	s14 =	sshrl.u32 s14, $0x3;
	[sflag:s11] =	ssyncset.done $0x0;
	(pc) =	sbr.rel @p2 .LBB2_10-.Ltmp8, $4  }
0x188: {  	s14 =	sadd.s32 s7, s14;
	[sflag:s11] =	ssyncadd.s32 $0xFFFFF800  }
0x189: {  	[tilespmem:s29], [sflag:$0xA] =	stream.linear.gather [hbm4b:s14+s24], $0x80, $0x38;
	[tilespmem:$0x1BE00] =	vst v63  }
0x18a: {  	_ = 	snop  }
0x18b: {  	[tilespmem:s23], [sflag:$0x2] =	stream.indirect.gather [spmem:s3], $0x10, s31, s13, $0xb8;
	[tilespmem:$0x1BE00] =	vst v63  }
0x18c: {  	_ =	swait.ge [sflag:s30], $0x800  }
0x18d: {  	[sflag:s30] =	ssyncset.done $0x0  }
0x18e: {  	[sflag:s30] =	ssyncadd.s32 $0xFFFFF800  }
0x18f: {  	_ =	swait.ge [sflag:s17], $0x80  }
0x190: {  	[sflag:s17] =	ssyncset.done $0x0  }
0x191: {  	s5 =	simm.s32 $0x0;
	p2 =	por $0x1, $0x1;
	[sflag:s17] =	ssyncadd.s32 $0xFFFFFF80  }
.LBB2_20:
0x192: {  	v7 =	vld [tilespmem:s5+$0x4D10]  }
0x193: {  	v8 =	vld [tilespmem:s5+$0x4D20]  }
0x194: {  	v9 =	vld [tilespmem:s5+$0x4D30]  }
0x195: {  	s12 =	sor.u32 $0x2600, s5;
	v10 =	vld [tilespmem:s5+$0x4D40]  }
0x196: {  	s19 =	sor.u32 $0x2610, s5;
	v11 =	vld [tilespmem:s12+$0x0]  }
0x197: {  	s20 =	sor.u32 $0x2620, s5;
	v12 =	vld [tilespmem:s19+$0x0]  }
0x198: {  	s31 =	sor.u32 $0x2630, s5;
	v13 =	vld [tilespmem:s20+$0x0]  }
0x199: {  	v14 =	vld [tilespmem:s31+$0x0]  }
0x19a: {  	v7 =	vld.idx.msk [tilespmem:v7+s0+$0x0], $0xffff  }
0x19b: {  	v8 =	vld.idx.msk [tilespmem:v8+s0+$0x0], $0xffff  }
0x19c: {  	v9 =	vld.idx.msk [tilespmem:v9+s0+$0x0], $0xffff  }
0x19d: {  	p3 =	por p2, p2;
	v10 =	vld.idx.msk [tilespmem:v10+s0+$0x0], $0xffff  }
.Ltmp9:
0x19e: {  	_ = 	snop;
	(pc) =	sbr.rel @p3 .LBB2_20-.Ltmp9, $4  }
0x19f: {  	[tilespmem:v11+s18+$0x0] =	vst.idx.add.f32.msk $0xffff, v7  }
0x1a0: {  	[tilespmem:v12+s18+$0x0] =	vst.idx.add.f32.msk $0xffff, v8  }
0x1a1: {  	[tilespmem:v13+s18+$0x0] =	vst.idx.add.f32.msk $0xffff, v9  }
0x1a2: {  	s5 =	simm.s32 $0x40;
	p2 =	por $0x0, $0x0;
	[tilespmem:v14+s18+$0x0] =	vst.idx.add.f32.msk $0xffff, v10  }
0x1a3: {  	[spmem:s1] =	stream.indirect.scatter.add.f32 [tilespmem:s2], [sflag:$0x5], $0x10, s16, s13, $0xb8;
	[tilespmem:$0x1BE00] =	vst v63  }
0x1a4: {  	_ =	swait.ge [sflag:s21], $0x800  }
0x1a5: {  	[sflag:s21] =	ssyncset.done $0x0  }
0x1a6: {  	[sflag:s21] =	ssyncadd.s32 $0xFFFFF800  }
0x1a7: {  	_ =	swait.ge [sflag:s22], $0x80  }
0x1a8: {  	s5 =	simm.s32 $0x0;
	[sflag:s22] =	ssyncset.done $0x0  }
0x1a9: {  	p2 =	por $0x1, $0x1;
	s15 =	simm.s32 $0xD;
	[sflag:s22] =	ssyncadd.s32 $0xFFFFFF80  }
.LBB2_22:
0x1aa: {  	v7 =	vld [tilespmem:s5+$0x4D90]  }
0x1ab: {  	v8 =	vld [tilespmem:s5+$0x4DA0]  }
0x1ac: {  	v9 =	vld [tilespmem:s5+$0x4DB0]  }
0x1ad: {  	s12 =	sor.u32 $0x2680, s5;
	v10 =	vld [tilespmem:s5+$0x4DC0]  }
0x1ae: {  	s19 =	sor.u32 $0x2690, s5;
	v11 =	vld [tilespmem:s12+$0x0]  }
0x1af: {  	s20 =	sor.u32 $0x26A0, s5;
	v12 =	vld [tilespmem:s19+$0x0]  }
0x1b0: {  	s31 =	sor.u32 $0x26B0, s5;
	v13 =	vld [tilespmem:s20+$0x0]  }
0x1b1: {  	v14 =	vld [tilespmem:s31+$0x0]  }
0x1b2: {  	v7 =	vld.idx.msk [tilespmem:v7+s0+$0x0], $0xffff  }
0x1b3: {  	v8 =	vld.idx.msk [tilespmem:v8+s0+$0x0], $0xffff  }
0x1b4: {  	v9 =	vld.idx.msk [tilespmem:v9+s0+$0x0], $0xffff  }
0x1b5: {  	p3 =	por p2, p2;
	v10 =	vld.idx.msk [tilespmem:v10+s0+$0x0], $0xffff  }
.Ltmp10:
0x1b6: {  	_ = 	snop;
	(pc) =	sbr.rel @p3 .LBB2_22-.Ltmp10, $4  }
0x1b7: {  	[tilespmem:v11+s18+$0x0] =	vst.idx.add.f32.msk $0xffff, v7  }
0x1b8: {  	[tilespmem:v12+s18+$0x0] =	vst.idx.add.f32.msk $0xffff, v8  }
0x1b9: {  	[tilespmem:v13+s18+$0x0] =	vst.idx.add.f32.msk $0xffff, v9  }
0x1ba: {  	s5 =	simm.s32 $0x40;
	p2 =	por $0x0, $0x0;
	[tilespmem:v14+s18+$0x0] =	vst.idx.add.f32.msk $0xffff, v10  }
0x1bb: {  	[spmem:s1] =	stream.indirect.scatter.add.f32 [tilespmem:s23], [sflag:$0x6], $0x10, s29, s13, $0xb8;
	[tilespmem:$0x1BE00] =	vst v63  }
0x1bc: {  	s5 =	simm.s32 $0x0;
	s12 =	rddreg [dreg:$0x16];
	s14 =	simm.s32 $0x5020  }
0x1bd: {  	[tilespmem:s14], [sflag:$0xD] =	stream.linear.gather [hbm4b:s12+s5], $0x10, $0x38;
	[tilespmem:$0x1BE00] =	vst v63  }
0x1be: {  	_ =	swait.ge [sflag:s15], $0x10  }
0x1bf: {  	s31 =	simm.s32 $0x10;
	[sflag:s15] =	ssyncset.done $0x0  }
0x1c0: {  	s20 =	simm.s32 $0x2700;
	s19 =	simm.s32 $0x117B0;
	[sflag:s15] =	ssyncadd.s32 $0xFFFFFFF0  }
0x1c1: {  	[tilespmem:s19], [sflag:$0x1] =	stream.indirect.gather [spmem:s3], $0x10, s20, s31, $0xb8;
	[tilespmem:$0x1BE00] =	vst v63  }
0x1c2: {  	_ =	swait.ge [sflag:s30], $0x100  }
0x1c3: {  	[sflag:s30] =	ssyncset.done $0x0  }
0x1c4: {  	[sflag:s30] =	ssyncadd.s32 $0xFFFFFF00  }
0x1c5: {  	[spmem:s1] =	stream.indirect.scatter.add.f32 [tilespmem:s19], [sflag:$0x5], $0x10, s14, s31, $0xb8;
	[tilespmem:$0x1BE00] =	vst v63  }
0x1c6: {  	_ =	swait.ge [sflag:s4], $0x100  }
0x1c7: {  	[sflag:s4] =	ssyncset.done $0x0  }
0x1c8: {  	[sflag:s4] =	ssyncadd.s32 $0xFFFFFF00  }
0x1c9: {  	v7 =	vld [tilespmem:$0x4E10];
	_ =	sdelay $0x4  }
0x1ca: {  	v8 =	vld [tilespmem:$0x2700];
	_ =	sdelay $0x2  }
0x1cb: {  	v7 =	vld.idx.msk [tilespmem:v7+s0+$0x0], $0xffff;
	_ =	sdelay $0x4  }
0x1cc: {  	[tilespmem:v8+s18+$0x0] =	vst.idx.add.f32.msk $0xffff, v7  }
0x1cd: {  	_ =	swait.ge [sflag:s4], $0x800  }
0x1ce: {  	[sflag:s4] =	ssyncset.done $0x0  }
0x1cf: {  	[sflag:s4] =	ssyncadd.s32 $0xFFFFF800  }
0x1d0: {  	_ =	swait.ge [sflag:s11], $0x800  }
0x1d1: {  	[sflag:s11] =	ssyncset.done $0x0  }
0x1d2: {  	s23 =	simm.s32 $0x7;
	[sflag:s11] =	ssyncadd.s32 $0xFFFFF800  }
0x1d3: {  	_ =	swait.ge [sflag:s23], $0x800  }
0x1d4: {  	[sflag:s23] =	ssyncset.done $0x0  }
0x1d5: {  	s31 =	simm.s32 $0x8;
	[sflag:s23] =	ssyncadd.s32 $0xFFFFF800  }
.Ltmp11:
0x1d6: {  	_ =	swait.ge [sflag:s31], $0x800;
	(pc) =	sbr.rel @p1 .LBB2_27-.Ltmp11, $3  }
0x1d7: {  	[sflag:s31] =	ssyncset.done $0x0  }
0x1d8: {  	[sflag:s31] =	ssyncadd.s32 $0xFFFFF800  }
0x1d9: {  	[bflag:$0x0] =	sbarrier.arrive $0xFFFF;
	_ =	sdelay $0x1  }
0x1da: {  	s5 =	simm.s32 $0x0  }
0x1db: {  	s12 =	simm.s32 $0x40;
	v7 =	vld [tilespmem:s5+$0x5030]  }
.LBB2_25:
0x1dc: {  	p2 =	sne.s32 s12, $0x9C00;
	v8 =	vld [tilespmem:s5+$0x7830];
	_ =	sdelay $0x2  }
.Ltmp12:
0x1dd: {  	(pc) =	sbr.rel @p2 .LBB2_25-.Ltmp12, $4  }
0x1de: {  	_ = 	snop  }
0x1df: {  	v8 =	vadd.f32 v7, v8  }
0x1e0: {  	s14 =	sshra.s32 s12, $0x2  }
0x1e1: {  	s12 =	sadd.s32 $0x40, s12;
	v7 =	vld [tilespmem:s14+$0x5030];
	[tilespmem:s5+$0x7830] =	vst v8;
	s5 =	smov.u32 s14  }
0x1e2: {  	v8 =	vld [tilespmem:s5+$0x7830];
	_ =	sdelay $0x4  }
0x1e3: {  	v7 =	vadd.f32 v7, v8;
	_ =	sdelay $0x1  }
0x1e4: {  	[tilespmem:s5+$0x7830] =	vst v7  }
.LBB2_27:
0x1e5: {  	s5 =	simm.s32 $0x0  }
0x1e6: {  	s12 =	simm.s32 $0x40;
	v7 =	vld [tilespmem:s5+$0x5030]  }
.LBB2_28:
0x1e7: {  	p2 =	sne.s32 s12, $0x9FC0;
	v8 =	vld [tilespmem:s5+$0x7830];
	_ =	sdelay $0x2  }
.Ltmp13:
0x1e8: {  	(pc) =	sbr.rel @p2 .LBB2_28-.Ltmp13, $4  }
0x1e9: {  	_ = 	snop  }
0x1ea: {  	v8 =	vmul.f32 v7, v8  }
0x1eb: {  	s14 =	sshra.s32 s12, $0x2  }
0x1ec: {  	s12 =	sadd.s32 $0x40, s12;
	v7 =	vld [tilespmem:s14+$0x5030];
	[tilespmem:s5+$0x7830] =	vst v8;
	s5 =	smov.u32 s14  }
0x1ed: {  	v8 =	vld [tilespmem:s5+$0x7830];
	_ =	sdelay $0x4  }
0x1ee: {  	v7 =	vmul.f32 v7, v8;
	_ =	sdelay $0x1  }
0x1ef: {  	[tilespmem:s5+$0x7830] =	vst v7  }
.Ltmp14:
0x1f0: {  	[tilespmem:$0x168B0] =	vst v0;
	(pc) =	sbr.rel @p0 .LBB2_33-.Ltmp14, $4  }
0x1f1: {  	[tilespmem:$0x168C0] =	vst v3  }
0x1f2: {  	[tilespmem:$0x168D0] =	vst v4  }
0x1f3: {  	[tilespmem:$0x168E0] =	vst v5  }
0x1f4: {  	[tilespmem:$0x168F0] =	vst v6  }
0x1f5: {  	s5 =	simm.s32 $0x0  }
0x1f6: {  	s12 =	sand.u32 $0xE00, s5  }
0x1f7: {  	s14 =	sand.u32 $0x70, s5;
	s15 =	sshrl.u32 s12, $0x2  }
0x1f8: {  	s12 =	simm.s32 $0x40;
	s14 =	sor.u32 s14, s15  }
.LBB2_31:
0x1f9: {  	p2 =	sne.s32 s12, $0x9C0  }
0x1fa: {  	[tilespmem:s14+$0xF530] =	vst v2;
	s5 =	sadd.s32 $0x10, s5;
	s14 =	smov.u32 s12;
	s12 =	sadd.s32 $0x40, s12  }
.Ltmp15:
0x1fb: {  	(pc) =	sbr.rel @p2 .LBB2_31-.Ltmp15, $4  }
0x1fc: {  	_ = 	snop  }
0x1fd: {  	s14 =	sand.u32 $0xE00, s14  }
0x1fe: {  	s15 =	sand.u32 $0x70, s5;
	s14 =	sshrl.u32 s14, $0x2  }
0x1ff: {  	s14 =	sor.u32 s15, s14  }
0x200: {  	[tilespmem:s14+$0xF530] =	vst v2;
	s5 =	rddreg [dreg:$0x4];
	s12 =	simm.s32 $0xF530;
	s15 =	simm.s32 $0xD  }
0x201: {  	[spmem:s5] =	stream.linear.scatter [tilespmem:s12], [sflag:$0xD], $0x280, $0x38;
	[tilespmem:$0x1BE00] =	vst v63  }
0x202: {  	_ =	swait.ge [sflag:s15], $0x280  }
0x203: {  	[sflag:s15] =	ssyncset.done $0x0  }
0x204: {  	s14 =	rddreg [dreg:$0x17];
	[sflag:s15] =	ssyncadd.s32 $0xFFFFFD80  }
0x205: {  	[spmem:s14] =	stream.linear.scatter [tilespmem:s12], [sflag:$0xD], $0x280, $0x38;
	[tilespmem:$0x1BE00] =	vst v63  }
0x206: {  	_ =	swait.ge [sflag:s15], $0x280  }
0x207: {  	[sflag:s15] =	ssyncset.done $0x0  }
0x208: {  	s19 =	rddreg [dreg:$0x18];
	[sflag:s15] =	ssyncadd.s32 $0xFFFFFD80  }
0x209: {  	[spmem:s19] =	stream.linear.scatter [tilespmem:s12], [sflag:$0xD], $0x280, $0x38;
	[tilespmem:$0x1BE00] =	vst v63  }
0x20a: {  	_ =	swait.ge [sflag:s15], $0x280  }
0x20b: {  	[sflag:s15] =	ssyncset.done $0x0  }
0x20c: {  	s20 =	rddreg [dreg:$0x19];
	[sflag:s15] =	ssyncadd.s32 $0xFFFFFD80  }
0x20d: {  	[spmem:s20] =	stream.linear.scatter [tilespmem:s12], [sflag:$0xD], $0x280, $0x38;
	[tilespmem:$0x1BE00] =	vst v63  }
0x20e: {  	_ =	swait.ge [sflag:s15], $0x280  }
0x20f: {  	[sflag:s15] =	ssyncset.done $0x0  }
0x210: {  	s23 =	rddreg [dreg:$0x1a];
	[sflag:s15] =	ssyncadd.s32 $0xFFFFFD80  }
0x211: {  	[spmem:s23] =	stream.linear.scatter [tilespmem:s12], [sflag:$0xD], $0x280, $0x38;
	[tilespmem:$0x1BE00] =	vst v63  }
0x212: {  	_ =	swait.ge [sflag:s15], $0x280  }
0x213: {  	[sflag:s15] =	ssyncset.done $0x0  }
0x214: {  	s31 =	rddreg [dreg:$0x1b];
	[sflag:s15] =	ssyncadd.s32 $0xFFFFFD80  }
0x215: {  	[spmem:s31] =	stream.linear.scatter [tilespmem:s12], [sflag:$0xD], $0x280, $0x38;
	[tilespmem:$0x1BE00] =	vst v63  }
0x216: {  	_ =	swait.ge [sflag:s15], $0x280  }
0x217: {  	[sflag:s15] =	ssyncset.done $0x0  }
0x218: {  	s14 =	rddreg [dreg:$0x1c];
	[sflag:s15] =	ssyncadd.s32 $0xFFFFFD80  }
0x219: {  	[spmem:s14] =	stream.linear.scatter [tilespmem:s12], [sflag:$0xD], $0x280, $0x38;
	[tilespmem:$0x1BE00] =	vst v63  }
0x21a: {  	_ =	swait.ge [sflag:s15], $0x280  }
0x21b: {  	[sflag:s15] =	ssyncset.done $0x0  }
0x21c: {  	s19 =	rddreg [dreg:$0x1d];
	[sflag:s15] =	ssyncadd.s32 $0xFFFFFD80  }
0x21d: {  	[spmem:s19] =	stream.linear.scatter [tilespmem:s12], [sflag:$0xD], $0x280, $0x38;
	[tilespmem:$0x1BE00] =	vst v63  }
0x21e: {  	_ =	swait.ge [sflag:s15], $0x280  }
0x21f: {  	[sflag:s15] =	ssyncset.done $0x0  }
0x220: {  	s20 =	rddreg [dreg:$0x1e];
	[sflag:s15] =	ssyncadd.s32 $0xFFFFFD80  }
0x221: {  	[spmem:s20] =	stream.linear.scatter [tilespmem:s12], [sflag:$0xD], $0x280, $0x38;
	[tilespmem:$0x1BE00] =	vst v63  }
0x222: {  	_ =	swait.ge [sflag:s15], $0x280  }
0x223: {  	[sflag:s15] =	ssyncset.done $0x0  }
0x224: {  	s23 =	rddreg [dreg:$0x1f];
	[sflag:s15] =	ssyncadd.s32 $0xFFFFFD80  }
0x225: {  	[spmem:s23] =	stream.linear.scatter [tilespmem:s12], [sflag:$0xD], $0x280, $0x38;
	[tilespmem:$0x1BE00] =	vst v63  }
0x226: {  	_ =	swait.ge [sflag:s15], $0x280  }
0x227: {  	s31 =	sld [smem:$0x7F7]  }
0x228: {  	[sflag:s15] =	ssyncset.done $0x0  }
0x229: {  	[sflag:s15] =	ssyncadd.s32 $0xFFFFFD80  }
0x22a: {  	[spmem:s31] =	stream.linear.scatter [tilespmem:s12], [sflag:$0xD], $0x280, $0x38;
	[tilespmem:$0x1BE00] =	vst v63  }
0x22b: {  	_ =	swait.ge [sflag:s15], $0x280  }
0x22c: {  	s14 =	sld [smem:$0x7F8]  }
0x22d: {  	[sflag:s15] =	ssyncset.done $0x0  }
0x22e: {  	[sflag:s15] =	ssyncadd.s32 $0xFFFFFD80  }
0x22f: {  	[spmem:s14] =	stream.linear.scatter [tilespmem:s12], [sflag:$0xD], $0x280, $0x38;
	[tilespmem:$0x1BE00] =	vst v63  }
0x230: {  	_ =	swait.ge [sflag:s15], $0x280  }
0x231: {  	s19 =	sld [smem:$0x7F9]  }
0x232: {  	[sflag:s15] =	ssyncset.done $0x0  }
0x233: {  	[sflag:s15] =	ssyncadd.s32 $0xFFFFFD80  }
0x234: {  	[spmem:s19] =	stream.linear.scatter [tilespmem:s12], [sflag:$0xD], $0x280, $0x38;
	[tilespmem:$0x1BE00] =	vst v63  }
0x235: {  	_ =	swait.ge [sflag:s15], $0x280  }
0x236: {  	s20 =	sld [smem:$0x7FA]  }
0x237: {  	[sflag:s15] =	ssyncset.done $0x0  }
0x238: {  	[sflag:s15] =	ssyncadd.s32 $0xFFFFFD80  }
0x239: {  	[spmem:s20] =	stream.linear.scatter [tilespmem:s12], [sflag:$0xD], $0x280, $0x38;
	[tilespmem:$0x1BE00] =	vst v63  }
0x23a: {  	_ =	swait.ge [sflag:s15], $0x280  }
0x23b: {  	s23 =	sld [smem:$0x7FB]  }
0x23c: {  	[sflag:s15] =	ssyncset.done $0x0  }
0x23d: {  	[sflag:s15] =	ssyncadd.s32 $0xFFFFFD80  }
0x23e: {  	[spmem:s23] =	stream.linear.scatter [tilespmem:s12], [sflag:$0xD], $0x280, $0x38;
	[tilespmem:$0x1BE00] =	vst v63  }
0x23f: {  	_ =	swait.ge [sflag:s15], $0x280  }
0x240: {  	s31 =	sld [smem:$0x7FC]  }
0x241: {  	[sflag:s15] =	ssyncset.done $0x0  }
0x242: {  	[sflag:s15] =	ssyncadd.s32 $0xFFFFFD80  }
0x243: {  	[spmem:s31] =	stream.linear.scatter [tilespmem:s12], [sflag:$0xD], $0x280, $0x38;
	[tilespmem:$0x1BE00] =	vst v63  }
0x244: {  	_ =	swait.ge [sflag:s15], $0x280  }
0x245: {  	[sflag:s15] =	ssyncset.done $0x0  }
0x246: {  	[sflag:s15] =	ssyncadd.s32 $0xFFFFFD80  }
.LBB2_33:
0x247: {  	[bflag:$0x0] =	sbarrier.arrive $0xFFFF  }
0x248: {  	s12 =	simm.s32 $0x50;
	s14 =	simm.s32 $0x168B0;
	s5 =	rddreg [dreg:$0x4]  }
0x249: {  	[spmem:s5] =	stream.indirect.scatter.add.f32 [tilespmem:s18], [sflag:$0xD], $0x80, s14, s12, $0xb8;
	[tilespmem:$0x1BE00] =	vst v63  }
0x24a: {  	_ =	swait.ge [sflag:s15], $0x2800  }
0x24b: {  	[sflag:s15] =	ssyncset.done $0x0  }
0x24c: {  	[sflag:s15] =	ssyncadd.s32 $0xFFFFD800  }
0x24d: {  	[bflag:$0x0] =	sbarrier.arrive $0xFFFF  }
0x24e: {  	s23 =	simm.s32 $0xCD30;
	s20 =	rddreg [dreg:$0xa]  }
0x24f: {  	[tilespmem:s23], [sflag:$0xD] =	stream.linear.gather [spmem:s20], $0x2800, $0x38;
	[tilespmem:$0x1BE00] =	vst v63  }
0x250: {  	_ =	swait.ge [sflag:s15], $0x2800  }
0x251: {  	s12 =	sld [smem:$0x7FD]  }
0x252: {  	[sflag:s15] =	ssyncset.done $0x0  }
0x253: {  	s14 =	simm.s32 $0xF530;
	[sflag:s15] =	ssyncadd.s32 $0xFFFFD800  }
0x254: {  	[tilespmem:s14], [sflag:$0xD] =	stream.linear.gather [spmem:s12], $0x280, $0x38;
	[tilespmem:$0x1BE00] =	vst v63  }
0x255: {  	_ =	swait.ge [sflag:s15], $0x280  }
0x256: {  	s31 =	simm.s32 $0x0;
	s14 =	simm.s32 $0x0;
	[sflag:s15] =	ssyncset.done $0x0  }
0x257: {  	s19 =	sand.u32 $0x70, s14;
	[sflag:s15] =	ssyncadd.s32 $0xFFFFFD80;
	s15 =	sadd.s32 $0x0, s9  }
0x258: {  	p3 =	sne.s32 s19, $0x0;
	v7 =	vld [tilespmem:s31+$0xCDB0];
	p2 =	seq.s32 s15, $0x0  }
0x259: {  	v8 =	vld [tilespmem:s31+$0xCDD0];
	p2 =	por !p2, !p3  }
0x25a: {  	s20 =	sadd.s32 $0x0, s6;
	v9 =	vld [tilespmem:s31+$0xCDE0];
	s15 =	simm.s32 $0x1;
	p2 =	por !p2, !p2  }
0x25b: {  	s5 =	sshrl.u32 s20, $0x7;
	v13 =	vld [tilespmem:s31+$0xA560];
	s15 =	simm.s32 @!p2 $0x0  }
0x25c: {  	v14 =	vld [tilespmem:s31+$0xA570];
	s5 =	ssub.s32 s5, s15  }
0x25d: {  	v19 =	vld [tilespmem:s31+$0xA5C0];
	s5 =	sshll.u32 s5, $0x9  }
0x25e: {  	v21 =	vld [tilespmem:s31+$0xA5E0];
	s5 =	sshra.s32 s5, $0x2  }
0x25f: {  	v20 =	vld [tilespmem:s31+$0xA5D0];
	s5 =	sor.u32 s19, s5  }
0x260: {  	v26 =	vld [tilespmem:s5+$0x5030]  }
0x261: {  	v18 =	vld [tilespmem:s31+$0xA5B0]  }
0x262: {  	v27 =	vld [tilespmem:s31+$0xCDC0]  }
0x263: {  	v16 =	vld [tilespmem:s31+$0xA590];
	v21 =	vmul.f32 v21, v1  }
0x264: {  	v17 =	vld [tilespmem:s31+$0xA5A0];
	v20 =	vmul.f32 v20, v1  }
0x265: {  	v15 =	vld [tilespmem:s31+$0xA580];
	v19 =	vmul.f32 v19, v1;
	v9 =	vadd.f32 v21, v9;
	v21 =	vbroadcast v26, $0xB  }
0x266: {  	s23 =	sand.u32 $0xE00, s14;
	v30 =	vld [tilespmem:s31+$0xCDA0];
	v18 =	vmul.f32 v18, v1;
	v8 =	vadd.f32 v20, v8;
	v20 =	vbroadcast v26, $0xA  }
0x267: {  	v31 =	vld [tilespmem:s31+$0xCD80];
	v19 =	vadd.f32 v19, v27;
	s5 =	sshrl.u32 s23, $0x2;
	v27 =	vbroadcast v26, $0x9;
	v9 =	vmul.f32 v9, v21  }
0x268: {  	v29 =	vld [tilespmem:s31+$0xCD90];
	v16 =	vmul.f32 v16, v1;
	s5 =	sor.u32 s19, s5;
	v8 =	vmul.f32 v8, v20  }
0x269: {  	v17 =	vmul.f32 v17, v1;
	v7 =	vadd.f32 v18, v7;
	v20 =	vld [tilespmem:s5+$0xF530];
	v18 =	vmul.f32 v19, v27;
	[tilespmem:s31+$0x11960] =	vst v9  }
0x26a: {  	v28 =	vld [tilespmem:s31+$0xCD70];
	v9 =	vbroadcast v26, $0x8;
	[tilespmem:s31+$0x11950] =	vst v8;
	v8 =	vmul.f32 v15, v1  }
0x26b: {  	v10 =	vld [tilespmem:s31+$0xA530];
	v14 =	vmul.f32 v14, v1;
	v15 =	vadd.f32 v17, v30;
	v17 =	vbroadcast v26, $0x7  }
0x26c: {  	v21 =	vld [tilespmem:s31+$0xCD60];
	[tilespmem:s31+$0x11940] =	vst v18;
	v18 =	vbroadcast v26, $0x5;
	v7 =	vmul.f32 v7, v9;
	v8 =	vadd.f32 v8, v31  }
0x26d: {  	v11 =	vld [tilespmem:s31+$0xA540];
	v16 =	vadd.f32 v16, v29;
	v9 =	vbroadcast v26, $0x6;
	v15 =	vmul.f32 v15, v17  }
0x26e: {  	v12 =	vld [tilespmem:s31+$0xA550];
	v13 =	vmul.f32 v13, v1;
	[tilespmem:s31+$0x11930] =	vst v7;
	v8 =	vmul.f32 v8, v18;
	v18 =	vadd.f32 $0.0e+00, v20  }
0x26f: {  	v22 =	vld [tilespmem:s31+$0xA5F0];
	v9 =	vmul.f32 v16, v9;
	v7 =	vadd.f32 v14, v28;
	v14 =	vbroadcast v26, $0x4;
	[tilespmem:s31+$0x11920] =	vst v15  }
0x270: {  	v24 =	vld [tilespmem:s31+$0xA610];
	[tilespmem:s31+$0x11900] =	vst v8;
	v8 =	vbroadcast v18, $0x3  }
0x271: {  	v32 =	vld [tilespmem:s31+$0xCD50];
	v13 =	vadd.f32 v13, v21;
	v15 =	vbroadcast v26, $0x3;
	[tilespmem:s31+$0x11910] =	vst v9;
	v7 =	vmul.f32 v7, v14  }
0x272: {  	v25 =	vld [tilespmem:s31+$0xA620];
	[tilespmem:s31+$0x140E0] =	vst v8;
	v8 =	vbroadcast v18, $0x1  }
0x273: {  	v11 =	vmul.f32 v11, v1;
	v19 =	vld [tilespmem:s31+$0xCD40];
	v13 =	vmul.f32 v13, v15;
	[tilespmem:s31+$0x118F0] =	vst v7  }
0x274: {  	v17 =	vld [tilespmem:s31+$0xCD30];
	v7 =	vbroadcast v18, $0x2;
	[tilespmem:s31+$0x140C0] =	vst v8;
	v8 =	vmul.f32 v12, v1  }
0x275: {  	v10 =	vmul.f32 v10, v1;
	v9 =	vld [tilespmem:s31+$0xCDF0];
	[tilespmem:s31+$0x118E0] =	vst v13;
	v12 =	vbroadcast v18, $0x0  }
0x276: {  	v23 =	vld [tilespmem:s31+$0xA600];
	s5 =	simm.s32 $0x100;
	v14 =	vbroadcast v26, $0x2;
	v13 =	vbroadcast v18, $0xB;
	[tilespmem:s31+$0x140D0] =	vst v7;
	v8 =	vadd.f32 v8, v32  }
0x277: {  	v24 =	vmul.f32 v24, v1;
	v7 =	vld [tilespmem:s5+$0xCDB0];
	[tilespmem:s31+$0x140B0] =	vst v12;
	v12 =	vbroadcast v26, $0x1  }
0x278: {  	v21 =	vld [tilespmem:s31+$0xCE10];
	v11 =	vadd.f32 v11, v19;
	[tilespmem:s31+$0x14160] =	vst v13;
	v13 =	vmul.f32 v8, v14;
	v14 =	vmul.f32 v22, v1  }
0x279: {  	v27 =	vmul.f32 v25, v1;
	v19 =	vld [tilespmem:s31+$0xCE20];
	v15 =	vbroadcast v26, $0x0;
	v17 =	vadd.f32 v10, v17  }
0x27a: {  	v8 =	vld [tilespmem:s5+$0xCDD0];
	v11 =	vmul.f32 v11, v12;
	[tilespmem:s31+$0x118D0] =	vst v13;
	v13 =	vadd.f32 v14, v9;
	v14 =	vbroadcast v26, $0xC  }
0x27b: {  	v25 =	vbroadcast v26, $0xD;
	v16 =	vld [tilespmem:s31+$0xCE00];
	v12 =	vmul.f32 v17, v15  }
0x27c: {  	v62 =	vbroadcast v18, $0x6;
	v10 =	vld [tilespmem:s5+$0xCDE0];
	[tilespmem:s31+$0x118C0] =	vst v11;
	v13 =	vmul.f32 v13, v14  }
0x27d: {  	v20 =	vbroadcast v18, $0x7;
	v9 =	vld [tilespmem:s5+$0xA530];
	[tilespmem:s31+$0x118B0] =	vst v12;
	v14 =	vbroadcast v18, $0xA  }
0x27e: {  	v21 =	vadd.f32 v24, v21;
	v24 =	vbroadcast v26, $0xE;
	v11 =	vld [tilespmem:s5+$0xA540];
	[tilespmem:s31+$0x11970] =	vst v13;
	v13 =	vbroadcast v18, $0x9  }
0x27f: {  	v17 =	vmul.f32 v23, v1;
	v12 =	vld [tilespmem:s5+$0xA550];
	[tilespmem:s31+$0x14150] =	vst v14;
	v14 =	vbroadcast v18, $0x8  }
0x280: {  	v63 =	vbroadcast v18, $0x5;
	v27 =	vadd.f32 v27, v19;
	v19 =	vbroadcast v18, $0xE;
	v15 =	vld [tilespmem:s5+$0xA560];
	[tilespmem:s31+$0x14140] =	vst v13  }
0x281: {  	v24 =	vmul.f32 v21, v24;
	v17 =	vadd.f32 v17, v16;
	v26 =	vbroadcast v26, $0xF;
	v13 =	vld [tilespmem:s5+$0xA570];
	[tilespmem:s31+$0x14130] =	vst v14  }
0x282: {  	v22 =	vbroadcast v18, $0x4;
	v23 =	vbroadcast v18, $0xC;
	v14 =	vld [tilespmem:s5+$0xA580];
	[tilespmem:s31+$0x14120] =	vst v20  }
0x283: {  	s20 =	simm.s32 $0x800;
	s19 =	simm.s32 $0x10;
	v25 =	vmul.f32 v17, v25;
	v21 =	vmul.f32 v27, v26;
	v16 =	vld [tilespmem:s5+$0xA590];
	[tilespmem:s31+$0x14110] =	vst v62  }
0x284: {  	s12 =	sadd.s32 $0x400, s9;
	s23 =	sand.u32 $0x70, s19;
	v20 =	vbroadcast v18, $0xD;
	v18 =	vbroadcast v18, $0xF;
	v17 =	vld [tilespmem:s5+$0xA5A0];
	[tilespmem:s31+$0x14100] =	vst v63  }
.LBB2_34:
0x285: {  	p2 =	sne.s32 s20, $0x9C00;
	p3 =	seq.s32 s12, $0x0;
	p4 =	sne.s32 s23, $0x0;
	v26 =	vld [tilespmem:s5+$0xA5B0];
	[tilespmem:s31+$0x140F0] =	vst v22  }
0x286: {  	p3 =	por !p3, !p4;
	v22 =	vld [tilespmem:s5+$0xA5C0];
	[tilespmem:s31+$0x14170] =	vst v23  }
0x287: {  	s12 =	sadd.s32 s19, s6;
	s15 =	simm.s32 $0x1;
	p3 =	por !p3, !p3;
	v23 =	vld [tilespmem:s5+$0xA5D0];
	[tilespmem:s31+$0x11980] =	vst v25  }
0x288: {  	s12 =	sshrl.u32 s12, $0x7;
	s15 =	simm.s32 @!p3 $0x0;
	v25 =	vld [tilespmem:s5+$0xA5E0];
	[tilespmem:s31+$0x14180] =	vst v20  }
0x289: {  	v9 =	vmul.f32 v9, v1;
	s12 =	ssub.s32 s12, s15;
	v20 =	vld [tilespmem:s5+$0xA5F0];
	[tilespmem:s31+$0x11990] =	vst v24  }
0x28a: {  	v11 =	vmul.f32 v11, v1;
	v12 =	vmul.f32 v12, v1;
	s12 =	sshll.u32 s12, $0x9;
	v24 =	vld [tilespmem:s5+$0xA600];
	[tilespmem:s31+$0x14190] =	vst v19  }
0x28b: {  	v15 =	vmul.f32 v15, v1;
	v19 =	vmul.f32 v13, v1;
	s12 =	sshra.s32 s12, $0x2;
	v27 =	vld [tilespmem:s5+$0xA610];
	[tilespmem:s31+$0x119A0] =	vst v21  }
0x28c: {  	v14 =	vmul.f32 v14, v1;
	v16 =	vmul.f32 v16, v1;
	s12 =	sor.u32 s23, s12;
	v21 =	vld [tilespmem:s5+$0xA620];
	[tilespmem:s31+$0x141A0] =	vst v18;
	s31 =	smov.u32 s5  }
0x28d: {  	v17 =	vmul.f32 v17, v1;
	v18 =	vmul.f32 v26, v1;
	v13 =	vld [tilespmem:s12+$0x5030]  }
0x28e: {  	v22 =	vmul.f32 v22, v1;
	v23 =	vmul.f32 v23, v1;
	v26 =	vld [tilespmem:s31+$0xCDC0]  }
0x28f: {  	v25 =	vmul.f32 v25, v1;
	v20 =	vmul.f32 v20, v1;
	v28 =	vld [tilespmem:s31+$0xCD70]  }
0x290: {  	v24 =	vmul.f32 v24, v1;
	v29 =	vld [tilespmem:s31+$0xCD90];
	v27 =	vmul.f32 v27, v1  }
0x291: {  	v7 =	vadd.f32 v18, v7;
	v8 =	vadd.f32 v23, v8;
	v30 =	vld [tilespmem:s31+$0xCDA0];
	v18 =	vmul.f32 v21, v1  }
0x292: {  	s14 =	sadd.s32 $0x40, s14;
	v10 =	vadd.f32 v25, v10;
	v21 =	vld [tilespmem:s31+$0xCD80];
	v23 =	vbroadcast v13, $0xA;
	v25 =	vbroadcast v13, $0xB  }
0x293: {  	s5 =	sand.u32 $0xE00, s14;
	v31 =	vbroadcast v13, $0x8;
	v22 =	vadd.f32 v22, v26;
	v26 =	vbroadcast v13, $0x9  }
0x294: {  	s5 =	sshrl.u32 s5, $0x2;
	v32 =	vld [tilespmem:s31+$0xCD50];
	v19 =	vadd.f32 v19, v28;
	v8 =	vmul.f32 v8, v23;
	v10 =	vmul.f32 v10, v25  }
0x295: {  	s5 =	sor.u32 s23, s5;
	v7 =	vmul.f32 v7, v31;
	v23 =	vld [tilespmem:s31+$0xCD60];
	v16 =	vadd.f32 v16, v29;
	v22 =	vmul.f32 v22, v26  }
0x296: {  	v28 =	vbroadcast v13, $0x7;
	v26 =	vbroadcast v13, $0x6;
	v25 =	vld [tilespmem:s5+$0xF530];
	v17 =	vadd.f32 v17, v30;
	[tilespmem:s31+$0x11960] =	vst v10  }
0x297: {  	v10 =	vbroadcast v13, $0x4;
	v14 =	vadd.f32 v14, v21;
	v21 =	vbroadcast v13, $0x5;
	[tilespmem:s31+$0x11950] =	vst v8  }
0x298: {  	v16 =	vmul.f32 v16, v26;
	v8 =	vld [tilespmem:s31+$0xCD40];
	v17 =	vmul.f32 v17, v28;
	[tilespmem:s31+$0x11940] =	vst v22  }
0x299: {  	v10 =	vmul.f32 v19, v10;
	v22 =	vld [tilespmem:s31+$0xCD30];
	v12 =	vadd.f32 v12, v32;
	v14 =	vmul.f32 v14, v21;
	[tilespmem:s31+$0x11930] =	vst v7  }
0x29a: {  	v19 =	vbroadcast v13, $0x3;
	v7 =	vbroadcast v13, $0x2;
	v15 =	vadd.f32 v15, v23;
	[tilespmem:s31+$0x11920] =	vst v17  }
0x29b: {  	v17 =	vbroadcast v13, $0x0;
	v23 =	vbroadcast v13, $0x1;
	v21 =	vadd.f32 $0.0e+00, v25;
	[tilespmem:s31+$0x11910] =	vst v16;
	v16 =	vld [tilespmem:s31+$0xCDF0]  }
0x29c: {  	v12 =	vmul.f32 v12, v7;
	v7 =	vmul.f32 v15, v19;
	[tilespmem:s31+$0x11900] =	vst v14  }
0x29d: {  	v8 =	vadd.f32 v11, v8;
	v11 =	vbroadcast v21, $0x2;
	v14 =	vbroadcast v21, $0x3;
	[tilespmem:s31+$0x118F0] =	vst v10  }
0x29e: {  	v10 =	vbroadcast v21, $0x0;
	v15 =	vbroadcast v21, $0x1;
	v9 =	vadd.f32 v9, v22;
	[tilespmem:s31+$0x118E0] =	vst v7  }
0x29f: {  	v19 =	vmul.f32 v8, v23;
	[tilespmem:s31+$0x140E0] =	vst v14;
	v8 =	vbroadcast v21, $0xB  }
0x2a0: {  	v14 =	vmul.f32 v9, v17;
	[tilespmem:s31+$0x140D0] =	vst v11;
	v9 =	vadd.f32 v20, v16;
	v11 =	vbroadcast v13, $0xC;
	v16 =	vld [tilespmem:s31+$0xCE00]  }
0x2a1: {  	s5 =	sshra.s32 s20, $0x2;
	v17 =	vbroadcast v21, $0x9;
	[tilespmem:s31+$0x140C0] =	vst v15;
	v15 =	vbroadcast v21, $0xA;
	v25 =	vld [tilespmem:s31+$0xCE10]  }
0x2a2: {  	v26 =	vbroadcast v21, $0x8;
	v7 =	vld [tilespmem:s5+$0xCDB0];
	[tilespmem:s31+$0x140B0] =	vst v10;
	v28 =	vmul.f32 v9, v11  }
0x2a3: {  	v29 =	vbroadcast v21, $0x6;
	v30 =	vbroadcast v21, $0x7;
	[tilespmem:s31+$0x14160] =	vst v8;
	v31 =	vld [tilespmem:s31+$0xCE20]  }
0x2a4: {  	v32 =	vbroadcast v21, $0x5;
	v22 =	vbroadcast v21, $0x4;
	v8 =	vld [tilespmem:s5+$0xCDD0];
	[tilespmem:s31+$0x118D0] =	vst v12  }
0x2a5: {  	v23 =	vbroadcast v21, $0xC;
	v10 =	vld [tilespmem:s5+$0xCDE0];
	[tilespmem:s31+$0x118C0] =	vst v19;
	v12 =	vadd.f32 v24, v16;
	v16 =	vbroadcast v13, $0xD  }
0x2a6: {  	v20 =	vbroadcast v21, $0xD;
	v24 =	vbroadcast v13, $0xE;
	v9 =	vld [tilespmem:s5+$0xA530];
	[tilespmem:s31+$0x118B0] =	vst v14;
	v14 =	vadd.f32 v27, v25  }
0x2a7: {  	v19 =	vbroadcast v21, $0xE;
	v11 =	vld [tilespmem:s5+$0xA540];
	[tilespmem:s31+$0x11970] =	vst v28;
	v25 =	vmul.f32 v12, v16  }
0x2a8: {  	v16 =	vbroadcast v13, $0xF;
	v12 =	vld [tilespmem:s5+$0xA550];
	[tilespmem:s31+$0x14150] =	vst v15;
	v24 =	vmul.f32 v14, v24;
	v14 =	vadd.f32 v18, v31  }
.Ltmp16:
0x2a9: {  	v18 =	vbroadcast v21, $0xF;
	v15 =	vld [tilespmem:s5+$0xA560];
	[tilespmem:s31+$0x14140] =	vst v17;
	(pc) =	sbr.rel @p2 .LBB2_34-.Ltmp16, $4  }
0x2aa: {  	v13 =	vld [tilespmem:s5+$0xA570];
	[tilespmem:s31+$0x14130] =	vst v26;
	v21 =	vmul.f32 v14, v16  }
0x2ab: {  	v14 =	vld [tilespmem:s5+$0xA580];
	[tilespmem:s31+$0x14120] =	vst v30  }
0x2ac: {  	s19 =	sadd.s32 $0x10, s19;
	v16 =	vld [tilespmem:s5+$0xA590];
	[tilespmem:s31+$0x14110] =	vst v29  }
0x2ad: {  	s12 =	sadd.s32 s20, s9;
	s23 =	sand.u32 $0x70, s19;
	s20 =	sadd.s32 $0x400, s20;
	v17 =	vld [tilespmem:s5+$0xA5A0];
	[tilespmem:s31+$0x14100] =	vst v32  }
0x2ae: {  	v26 =	vld [tilespmem:s5+$0xA5B0];
	[tilespmem:s31+$0x140F0] =	vst v22;
	p2 =	seq.s32 s12, $0x0;
	p3 =	sne.s32 s23, $0x0  }
0x2af: {  	v22 =	vld [tilespmem:s5+$0xA5C0];
	[tilespmem:s31+$0x14170] =	vst v23;
	p2 =	por !p2, !p3  }
0x2b0: {  	s20 =	sadd.s32 s19, s6;
	s15 =	simm.s32 $0x1;
	v23 =	vld [tilespmem:s5+$0xA5D0];
	[tilespmem:s31+$0x11980] =	vst v25;
	p2 =	por !p2, !p2  }
0x2b1: {  	s12 =	sshrl.u32 s20, $0x7;
	v25 =	vld [tilespmem:s5+$0xA5E0];
	[tilespmem:s31+$0x14180] =	vst v20;
	s15 =	simm.s32 @!p2 $0x0  }
0x2b2: {  	v20 =	vld [tilespmem:s5+$0xA5F0];
	[tilespmem:s31+$0x11990] =	vst v24;
	s12 =	ssub.s32 s12, s15  }
0x2b3: {  	v24 =	vld [tilespmem:s5+$0xA600];
	[tilespmem:s31+$0x14190] =	vst v19;
	s12 =	sshll.u32 s12, $0x9  }
0x2b4: {  	v19 =	vld [tilespmem:s5+$0xA610];
	[tilespmem:s31+$0x119A0] =	vst v21;
	s12 =	sshra.s32 s12, $0x2  }
0x2b5: {  	v21 =	vld [tilespmem:s5+$0xA620];
	s12 =	sor.u32 s23, s12;
	[tilespmem:s31+$0x141A0] =	vst v18  }
0x2b6: {  	v18 =	vld [tilespmem:s12+$0x5030];
	_ =	sdelay $0x1  }
0x2b7: {  	v11 =	vmul.f32 v11, v1;
	v27 =	vld [tilespmem:s5+$0xCDC0]  }
0x2b8: {  	s19 =	sadd.s32 $0x40, s14;
	v16 =	vmul.f32 v16, v1;
	v25 =	vmul.f32 v25, v1  }
0x2b9: {  	v17 =	vmul.f32 v17, v1;
	v23 =	vmul.f32 v23, v1;
	s12 =	sand.u32 $0xE00, s19;
	v63 =	vld [tilespmem:s5+$0xCD40]  }
0x2ba: {  	v22 =	vmul.f32 v22, v1;
	v30 =	vld [tilespmem:s5+$0xCDA0];
	s12 =	sshrl.u32 s12, $0x2;
	v10 =	vadd.f32 v25, v10;
	v55 =	vbroadcast v18, $0xB  }
0x2bb: {  	v26 =	vmul.f32 v26, v1;
	v29 =	vld [tilespmem:s5+$0xCD90];
	v8 =	vadd.f32 v23, v8;
	s12 =	sor.u32 s23, s12;
	v56 =	vbroadcast v18, $0xA  }
0x2bc: {  	v59 =	vld [tilespmem:s12+$0xF530];
	v22 =	vadd.f32 v22, v27;
	v58 =	vbroadcast v18, $0x9;
	v10 =	vmul.f32 v10, v55  }
0x2bd: {  	v7 =	vadd.f32 v26, v7;
	v60 =	vbroadcast v18, $0x8;
	v8 =	vmul.f32 v8, v56  }
0x2be: {  	v46 =	vbroadcast v18, $0x1;
	v11 =	vadd.f32 v11, v63;
	v22 =	vmul.f32 v22, v58;
	[tilespmem:s5+$0x11960] =	vst v10  }
0x2bf: {  	v61 =	vadd.f32 v17, v30;
	v62 =	vbroadcast v18, $0x7;
	v7 =	vmul.f32 v7, v60;
	[tilespmem:s5+$0x11950] =	vst v8  }
0x2c0: {  	v31 =	vld [tilespmem:s5+$0xCD80];
	v16 =	vadd.f32 v16, v29;
	v30 =	vbroadcast v18, $0x6;
	v48 =	vmul.f32 v11, v46;
	[tilespmem:s5+$0x11940] =	vst v22  }
0x2c1: {  	v28 =	vld [tilespmem:s5+$0xCD70];
	v38 =	vadd.f32 $0.0e+00, v59;
	v8 =	vmul.f32 v14, v1;
	v14 =	vmul.f32 v61, v62;
	[tilespmem:s5+$0x11930] =	vst v7  }
0x2c2: {  	v10 =	vmul.f32 v16, v30;
	[tilespmem:s5+$0x118C0] =	vst v48  }
0x2c3: {  	v42 =	vbroadcast v38, $0x0;
	[tilespmem:s5+$0x11920] =	vst v14  }
0x2c4: {  	v13 =	vmul.f32 v13, v1;
	v44 =	vbroadcast v38, $0xB;
	[tilespmem:s5+$0x11910] =	vst v10  }
0x2c5: {  	v34 =	vbroadcast v18, $0x5;
	v52 =	vbroadcast v38, $0xA;
	v8 =	vadd.f32 v8, v31;
	[tilespmem:s5+$0x140B0] =	vst v42  }
0x2c6: {  	v35 =	vbroadcast v18, $0x4;
	v7 =	vadd.f32 v13, v28;
	v53 =	vbroadcast v38, $0x7;
	[tilespmem:s5+$0x14160] =	vst v44  }
0x2c7: {  	[tilespmem:s5+$0x14150] =	vst v52;
	v8 =	vmul.f32 v8, v34  }
0x2c8: {  	v32 =	vld [tilespmem:s5+$0xCD50];
	v7 =	vmul.f32 v7, v35;
	[tilespmem:s5+$0x14120] =	vst v53  }
0x2c9: {  	v33 =	vld [tilespmem:s5+$0xCD30];
	[tilespmem:s5+$0x11900] =	vst v8;
	v8 =	vbroadcast v38, $0x3  }
0x2ca: {  	v40 =	vmul.f32 v12, v1;
	v39 =	vld [tilespmem:s5+$0xCDF0];
	[tilespmem:s5+$0x118F0] =	vst v7;
	v7 =	vbroadcast v38, $0x2  }
0x2cb: {  	v20 =	vmul.f32 v20, v1;
	[tilespmem:s5+$0x140E0] =	vst v8;
	v8 =	vbroadcast v38, $0x1  }
0x2cc: {  	v54 =	vbroadcast v38, $0x6;
	[tilespmem:s5+$0x140D0] =	vst v7;
	v7 =	vmul.f32 v9, v1  }
0x2cd: {  	v43 =	vbroadcast v18, $0x2;
	v55 =	vbroadcast v38, $0x5;
	[tilespmem:s5+$0x140C0] =	vst v8;
	v8 =	vadd.f32 v40, v32  }
0x2ce: {  	v47 =	vbroadcast v18, $0x0;
	v56 =	vbroadcast v38, $0x4;
	[tilespmem:s5+$0x14110] =	vst v54;
	v7 =	vadd.f32 v7, v33  }
0x2cf: {  	v57 =	vld [tilespmem:s5+$0xCD60];
	v49 =	vadd.f32 v20, v39;
	v50 =	vbroadcast v18, $0xC;
	[tilespmem:s5+$0x14100] =	vst v55;
	v8 =	vmul.f32 v8, v43  }
0x2d0: {  	v15 =	vmul.f32 v15, v1;
	v51 =	vld [tilespmem:s5+$0xCE20];
	[tilespmem:s5+$0x140F0] =	vst v56;
	v7 =	vmul.f32 v7, v47  }
0x2d1: {  	v41 =	vld [tilespmem:s5+$0xCE00];
	v37 =	vbroadcast v18, $0x3;
	[tilespmem:s5+$0x118D0] =	vst v8;
	v8 =	vmul.f32 v49, v50  }
0x2d2: {  	v45 =	vld [tilespmem:s5+$0xCE10];
	v58 =	vmul.f32 v21, v1;
	[tilespmem:s5+$0x118B0] =	vst v7;
	v7 =	vbroadcast v38, $0x9  }
0x2d3: {  	v62 =	vbroadcast v18, $0xF;
	[tilespmem:s5+$0x11970] =	vst v8;
	v8 =	vbroadcast v38, $0x8  }
0x2d4: {  	v36 =	vadd.f32 v15, v57;
	v59 =	vbroadcast v38, $0xC;
	[tilespmem:s5+$0x14140] =	vst v7;
	v7 =	vmul.f32 v24, v1  }
0x2d5: {  	v11 =	vadd.f32 v58, v51;
	v61 =	vbroadcast v38, $0xD;
	[tilespmem:s5+$0x14130] =	vst v8;
	v8 =	vmul.f32 v19, v1  }
0x2d6: {  	v57 =	vbroadcast v18, $0xD;
	v14 =	vmul.f32 v36, v37;
	[tilespmem:s5+$0x14170] =	vst v59;
	v7 =	vadd.f32 v7, v41  }
0x2d7: {  	v60 =	vbroadcast v18, $0xE;
	v63 =	vmul.f32 v11, v62;
	[tilespmem:s5+$0x14180] =	vst v61;
	v8 =	vadd.f32 v8, v45  }
0x2d8: {  	[tilespmem:s5+$0x118E0] =	vst v14;
	v7 =	vmul.f32 v7, v57  }
0x2d9: {  	[tilespmem:s5+$0x119A0] =	vst v63;
	v8 =	vmul.f32 v8, v60  }
0x2da: {  	[tilespmem:s5+$0x11980] =	vst v7;
	v7 =	vbroadcast v38, $0xE  }
0x2db: {  	[tilespmem:s5+$0x11990] =	vst v8;
	v8 =	vbroadcast v38, $0xF  }
0x2dc: {  	[tilespmem:s5+$0x14190] =	vst v7  }
0x2dd: {  	s20 =	rddreg [dreg:$0x12];
	s15 =	simm.s32 $0xD;
	s23 =	simm.s32 $0x118B0;
	[tilespmem:s5+$0x141A0] =	vst v8  }
0x2de: {  	[hbm4b:s20+s24] =	stream.linear.scatter [tilespmem:s23], [sflag:$0xD], $0x2800, $0x38;
	[tilespmem:$0x1BE00] =	vst v63  }
0x2df: {  	_ =	swait.ge [sflag:s15], $0x2800  }
0x2e0: {  	[sflag:s15] =	ssyncset.done $0x0  }
0x2e1: {  	s19 =	simm.s32 $0x140B0;
	s14 =	rddreg [dreg:$0x13];
	[sflag:s15] =	ssyncadd.s32 $0xFFFFD800  }
0x2e2: {  	[hbm4b:s14+s24] =	stream.linear.scatter [tilespmem:s19], [sflag:$0xD], $0x2800, $0x38;
	[tilespmem:$0x1BE00] =	vst v63  }
0x2e3: {  	_ =	swait.ge [sflag:s15], $0x2800  }
0x2e4: {  	s20 =	sld [smem:$0x7F6];
	_ =	sdelay $0x2  }
0x2e5: {  	s23 =	rddreg [dreg:$0x14];
	s12 =	sadd.s32 $0x1, s20  }
0x2e6: {  	p2 =	sne.s32 s12, s23  }
.Ltmp17:
0x2e7: {  	_ = 	snop;
	(pc) =	sbr.rel @p2 .LBB2_1-.Ltmp17, $3  }
0x2e8: {  	_ =	sdelay $0x1  }
0x2e9: {  	[sflag:s15] =	ssyncset.done $0x0  }
0x2ea: {  	s31 =	simm.s32 $0xFFB0;
	[sflag:s15] =	ssyncadd.s32 $0xFFFFD800  }
0x2eb: {  	_ =	sfence.sel $0x180000  }
0x2ec: {  	[bflag:$0x0] =	sbarrier.arrive $0xFFFF  }
0x2ed: {  	_ =	strace $0x9000004A  }
0x2ee: {  	[bflag:$0x2] =	sbarrier.arrive $0xFFFF  }
0x2ef: {  	s0 =	rddreg [dreg:$0x5]  }
0x2f0: {  	s0 =	sadd.s32 @!p0 $0x100000, s0  }
0x2f1: {  	[sflag:s0] =	ssyncadd.tile.s32 @!p0 $0x1;
	_ =	shalt  }
.Lfunc_end2:
_tile_overlayer_lowered:
.L_overlay_start_2:
0x2f2: {  	(tag) =	ssettag $0x2  }
0x2f3: {  	s0 =	rddreg [dreg:$0x0];
	s2 =	stileid.u32  }
0x2f4: {  	s1 =	rddreg [dreg:$0x1];
	p0 =	sne.s32 s2, $0x0  }
0x2f5: {  	s3 =	rddreg [dreg:$0x2];
	[bflag:$0x3] =	sbarrier.arrive $0xFFFF;
	s2 =	simm.s32 @!p0 $0x1C0D  }
0x2f6: {  	[timem:s3], [sflag:s2] =	dma.local @!p0 [hbm:s0], s1  }
0x2f7: {  	s0 =	simm.s32 @!p0 $0xD  }
0x2f8: {  	_ =	swait.ge @!p0 [sflag:s0], s1  }
0x2f9: {  	s1 =	ssub.s32 @!p0 $0x0, s1;
	[sflag:s0] =	ssyncset.done @!p0 $0x0  }
0x2fa: {  	[sflag:s0] =	ssyncadd.s32 @!p0 s1  }
0x2fb: {  	[bflag:$0x3] =	sbarrier.arrive $0xFFFF  }
0x2fc: {  	_ =	shalt  }

</sc_bundles>
